<compile_context>
chip_gen: v7x
topology: tpu7x:2x2x1
jax: 0.10.2.dev20260603
libtpu: 0.0.44.dev20260713+nightly
codegen_flags: <defaults>
</compile_context>

<pallas_src>
import jax
import jax.numpy as jnp
from jax import lax
from jax.experimental import pallas as pl
from jax.experimental.pallas import tpu as pltpu
from jax.experimental.pallas import tpu_sc as plsc

B, S, H = 2, 4096, 2048
N_IMG, P = 4, 256
NC, NS = 2, 16
NW = NC * NS
RPW = B * S // NW
GRP = NW // (B * N_IMG)
CHUNK = 16
NCH = RPW // CHUNK
NBUF = 3


def _sc_body(in_hbm, med_hbm, starts_hbm, out_hbm, starts_v, buf, gsem, ssem):
    c = lax.axis_index("c")
    s = lax.axis_index("s")
    w = c * NS + s
    base = w * RPW
    k = w // GRP
    pltpu.sync_copy(starts_hbm, starts_v)

    v = starts_v[...]
    lane = lax.broadcasted_iota(jnp.int32, (16,), 0)
    start_k = jnp.max(jnp.where(lane == k, v, 0))
    iota16 = lane
    med_base = jnp.int32(k * P)

    def issue_gather(j, bi):
        r0 = base + jnp.int32(j * CHUNK)
        interior = (r0 >= start_k) & (r0 + CHUNK <= start_k + P)

        @pl.when(interior)
        def _():
            med_idx = med_base + (r0 - start_k) + iota16
            pltpu.async_copy(med_hbm.at[med_idx], buf.at[bi], gsem.at[bi])

        @pl.when(jnp.logical_not(interior))
        def _():
            pltpu.async_copy(in_hbm.at[pl.ds(r0, CHUNK)], buf.at[bi], gsem.at[bi])

    def drain_gather(bi):
        pltpu.make_async_copy(
            in_hbm.at[pl.ds(jnp.int32(0), CHUNK)], buf.at[bi], gsem.at[bi]
        ).wait()

    scat = [None] * NBUF
    issue_gather(0, jnp.int32(0))
    for j in range(NCH):
        b = j % NBUF
        bi = jnp.int32(b)
        if j + 1 < NCH:
            b1 = (j + 1) % NBUF
            b1i = jnp.int32(b1)
            if scat[b1] is not None:
                scat[b1].wait()
            issue_gather(j + 1, b1i)
        drain_gather(bi)
        r0 = base + jnp.int32(j * CHUNK)
        scat[b] = pltpu.async_copy(buf.at[bi], out_hbm.at[pl.ds(r0, CHUNK)], ssem.at[bi])
    end_k = start_k + P
    own_head = (start_k >= base) & (start_k < base + RPW)
    own_tail = (end_k - 1 >= base) & (end_k - 1 < base + RPW)
    head_rows = start_k + iota16
    tail_rows = end_k - CHUNK + iota16

    scat[0].wait()

    @pl.when(own_head)
    def _():
        pltpu.async_copy(
            med_hbm.at[pl.ds(med_base, CHUNK)], buf.at[jnp.int32(0)], gsem.at[jnp.int32(0)]
        )

    scat[1].wait()

    @pl.when(own_tail)
    def _():
        pltpu.async_copy(
            med_hbm.at[pl.ds(med_base + P - CHUNK, CHUNK)],
            buf.at[jnp.int32(1)],
            gsem.at[jnp.int32(1)],
        )

    scat[2].wait()

    @pl.when(own_head)
    def _():
        bi = jnp.int32(0)
        pltpu.make_async_copy(med_hbm.at[pl.ds(med_base, CHUNK)], buf.at[bi], gsem.at[bi]).wait()
        pltpu.async_copy(buf.at[bi], out_hbm.at[head_rows], ssem.at[bi])

    @pl.when(own_tail)
    def _():
        bi = jnp.int32(1)
        pltpu.make_async_copy(med_hbm.at[pl.ds(med_base, CHUNK)], buf.at[bi], gsem.at[bi]).wait()
        pltpu.async_copy(buf.at[bi], out_hbm.at[tail_rows], ssem.at[bi])

    @pl.when(own_head)
    def _():
        bi = jnp.int32(0)
        pltpu.make_async_copy(buf.at[bi], out_hbm.at[head_rows], ssem.at[bi]).wait()

    @pl.when(own_tail)
    def _():
        bi = jnp.int32(1)
        pltpu.make_async_copy(buf.at[bi], out_hbm.at[tail_rows], ssem.at[bi]).wait()


@jax.jit
def _sc_call(in2, med2, g16):
    mesh = plsc.VectorSubcoreMesh(
        core_axis_name="c", subcore_axis_name="s", num_cores=NC, num_subcores=NS
    )
    return pl.kernel(
        _sc_body,
        out_type=jax.ShapeDtypeStruct((B * S, H), jnp.float32),
        mesh=mesh,
        scratch_types=[
            pltpu.VMEM((16,), jnp.int32),
            pltpu.VMEM((NBUF, CHUNK, H), jnp.float32),
            pltpu.SemaphoreType.DMA((NBUF,)),
            pltpu.SemaphoreType.DMA((NBUF,)),
        ],
        compiler_params=pltpu.CompilerParams(needs_layout_passes=False),
    )(in2, med2, g16)


def kernel(inputs_embeds, media_features, media_start_positions):
    in2 = inputs_embeds.reshape(B * S, H)
    med2 = media_features.reshape(B * N_IMG * P, H)
    g = (
        media_start_positions.astype(jnp.int32)
        + jnp.arange(B, dtype=jnp.int32)[:, None] * S
    ).reshape(-1)
    g16 = jnp.pad(g, (0, 16 - B * N_IMG))
    out = _sc_call(in2, med2, g16)
    return out.reshape(B, S, H)

# --- scband reference (transcript-rebuilt; emitter-appended) ---
"""Pipeline reference for scband-neva-word-embedding-mixin-19164144075513 (READ-ONLY COPY).

The authoritative reference and input builder live on the scoring server;
editing this copy changes nothing except your own understanding.
"""

import jax, jax.numpy as jnp
import numpy as np
jax.config.update('jax_enable_x64', True)

B, S, H = 2, 4096, 2048
N_IMG, P = 4, 256

def setup_inputs(seed: int = 0) -> dict:
    key = jax.random.key(seed)
    k1, k2, k3 = jax.random.split(key, 3)
    inputs_embeds = jax.random.normal(k1, (B, S, H), dtype=jnp.float32)
    media_features = jax.random.normal(k2, (B, N_IMG * P, H), dtype=jnp.float32)
    # sorted random start positions, spaced into disjoint blocks so media regions never overlap
    block = S // N_IMG
    offs = jax.random.randint(k3, (B, N_IMG), 0, block - P)
    starts = jnp.sort(offs + jnp.arange(N_IMG)[None, :] * block, axis=1).astype(jnp.int64)
    return {"inputs_embeds": inputs_embeds, "media_features": media_features, "media_start_positions": starts}

def reference(inputs_embeds, media_features, media_start_positions):
    # Faithful jax translation of NevaWordEmbeddingMixin.replace_media_embeddings
    # (vision encoder + connector abstracted: media_features are the post-projector
    #  embeddings of shape [B, n_images*num_patches, H]).
    Bv, Sv, Hv = inputs_embeds.shape
    num_patches = P
    # padded_media_indices = start.unsqueeze(-1) + arange(num_patches)
    patch_idx = media_start_positions[:, :, None] + jnp.arange(num_patches, dtype=media_start_positions.dtype)
    flat_idx = patch_idx.reshape(Bv, -1)  # [B, n_img*P]
    # cat a num_patches-long zero pad so indices == sequence_length are safe (padding marker)
    updated = jnp.concatenate([inputs_embeds, jnp.zeros((Bv, num_patches, Hv), dtype=inputs_embeds.dtype)], axis=1)
    updated = updated.astype(media_features.dtype)
    # torch: updated_input_embeds.scatter_(1, padded_media_indices(repeated over h), media_features)
    b_idx = jnp.arange(Bv)[:, None]
    updated = updated.at[b_idx, flat_idx].set(media_features)
    return updated[:, :Sv]

if __name__ == "__main__":
    import jax
    _d = setup_inputs()
    print(jax.jit(kernel)(*tuple(_d.values())))

</pallas_src>

<mosaic_0001>
#map = affine_map<(d0, d1) -> (0, 0)>
#map1 = affine_map<(d0, d1) -> (0)>
module attributes {stable_mosaic.version = 14 : i64} {
  func.func @_sc_body(%arg0: i32, %arg1: i32, %arg2: memref<8192x2048xf32, #tpu.memory_space<hbm>>, %arg3: memref<2048x2048xf32, #tpu.memory_space<hbm>>, %arg4: memref<16xi32, #tpu.memory_space<hbm>>, %arg5: memref<8192x2048xf32, #tpu.memory_space<hbm>>, %arg6: memref<16xi32, #tpu.memory_space<vmem>>, %arg7: memref<3x16x2048xf32, #tpu.memory_space<vmem>>, %arg8: memref<3x!tpu.dma_semaphore, #tpu.memory_space<semaphore_mem>>, %arg9: memref<3x!tpu.dma_semaphore, #tpu.memory_space<semaphore_mem>>) attributes {dimension_semantics = [#tpu.dimension_semantics<core_parallel>, #tpu.dimension_semantics<subcore_parallel>], iteration_bounds = array<i64: 2, 16>, scalar_prefetch = 0 : i64, scratch_operands = 4 : i64, tpu.core_type = #tpu.core_type<sc_vector_subcore>, window_params = [{transform_indices = #map}, {transform_indices = #map}, {transform_indices = #map1}, {transform_indices = #map}]} {
    %mul3A = arith.constant 16 : i32
    %mul3A_0 = arith.muli %arg0, %mul3A : i32
    %add3A = arith.addi %mul3A_0, %arg1 : i32
    %mul3A_1 = arith.constant 256 : i32
    %mul3A_2 = arith.muli %add3A, %mul3A_1 : i32
    %jit3A = arith.constant 4 : i64
    %convert_element_type3A = arith.trunci %jit3A : i64 to i32
    %div3A = arith.divsi %add3A, %convert_element_type3A : i32
    %sign3A = arith.constant 0 : i32
    %sign3A_3 = arith.cmpi sgt, %add3A, %sign3A : i32
    %sign3A_4 = arith.extui %sign3A_3 : i1 to i32
    %sign3A_5 = arith.constant 0 : i32
    %sign3A_6 = arith.cmpi slt, %add3A, %sign3A_5 : i32
    %sign3A_7 = arith.extui %sign3A_6 : i1 to i32
    %sign3A_8 = arith.subi %sign3A_4, %sign3A_7 : i32
    %sign3A_9 = arith.constant 0 : i32
    %sign3A_10 = arith.cmpi sgt, %convert_element_type3A, %sign3A_9 : i32
    %sign3A_11 = arith.extui %sign3A_10 : i1 to i32
    %sign3A_12 = arith.constant 0 : i32
    %sign3A_13 = arith.cmpi slt, %convert_element_type3A, %sign3A_12 : i32
    %sign3A_14 = arith.extui %sign3A_13 : i1 to i32
    %sign3A_15 = arith.subi %sign3A_11, %sign3A_14 : i32
    %ne3A = arith.cmpi ne, %sign3A_8, %sign3A_15 : i32
    %rem3A = arith.remsi %add3A, %convert_element_type3A : i32
    %ne3A_16 = arith.constant 0 : i32
    %ne3A_17 = arith.cmpi ne, %rem3A, %ne3A_16 : i32
    %and3A = arith.andi %ne3A, %ne3A_17 : i1
    %sub3A = arith.constant 1 : i32
    %sub3A_18 = arith.subi %div3A, %sub3A : i32
    %select_n3A = arith.select %and3A, %sub3A_18, %div3A : i32
    "tpu.region"() ({
      %run_scoped3A = tpu.sem_alloc : memref<!tpu.dma_semaphore, #tpu.memory_space<semaphore_mem>>
      tpu.enqueue_dma source(%arg4 : memref<16xi32, #tpu.memory_space<hbm>>) target(%arg6 : memref<16xi32, #tpu.memory_space<vmem>>) target_semaphore(%run_scoped3A : memref<!tpu.dma_semaphore, #tpu.memory_space<semaphore_mem>>)
      tpu.wait_dma2 semaphore(%run_scoped3A : memref<!tpu.dma_semaphore, #tpu.memory_space<semaphore_mem>>) src(%arg4 : memref<16xi32, #tpu.memory_space<hbm>>) dst(%arg6 : memref<16xi32, #tpu.memory_space<vmem>>)
      tpu.yield
    }) : () -> ()
    %get3A = arith.constant 0 : index
    %get3A_19 = tpu.vector_load %arg6[%get3A] {strides = array<i32>} : memref<16xi32, #tpu.memory_space<vmem>>, vector<16xi32>,
    %iota3A = tpu.iota {dimensions = array<i32: 0>} : vector<16xi32>
    %eq3A = vector.broadcast %select_n3A : i32 to vector<16xi32>
    %eq3A_20 = arith.cmpi eq, %iota3A, %eq3A : vector<16xi32>
    %jit3A_21 = arith.constant 0 : i64
    %convert_element_type3A_22 = arith.trunci %jit3A_21 : i64 to i32
    %broadcast_in_dim3A = vector.broadcast %convert_element_type3A_22 : i32 to vector<16xi32>
    %select_n3A_23 = arith.select %eq3A_20, %get3A_19, %broadcast_in_dim3A : vector<16xi1>, vector<16xi32>
    %reduce_max3A = arith.constant true
    %reduce_max3A_24 = vector.broadcast %reduce_max3A : i1 to vector<16xi1>
    %reduce_max3A_25 = arith.constant -2147483648 : i32
    %reduce_max3A_26 = vector.broadcast %reduce_max3A_25 : i32 to vector<16xi32>
    %reduce_max3A_27 = arith.xori %select_n3A_23, %reduce_max3A_26 : vector<16xi32>
    %reduce_max3A_28 = tpu.scan <max>, %reduce_max3A_27 masked %reduce_max3A_24 : vector<16xi32>, vector<16xi1> -> vector<16xi32>
    %reduce_max3A_29 = arith.xori %reduce_max3A_28, %reduce_max3A_26 : vector<16xi32>
    %reduce_max3A_30 = vector.extract %reduce_max3A_29[15] : i32 from vector<16xi32>
    %mul3A_31 = arith.constant 256 : i32
    %mul3A_32 = arith.muli %select_n3A, %mul3A_31 : i32
    %add3A_33 = arith.constant 0 : i32
    %add3A_34 = arith.addi %mul3A_2, %add3A_33 : i32
    %ge3A = arith.cmpi sge, %add3A_34, %reduce_max3A_30 : i32
    %add3A_35 = arith.constant 16 : i32
    %add3A_36 = arith.addi %add3A_34, %add3A_35 : i32
    %add3A_37 = arith.constant 256 : i32
    %add3A_38 = arith.addi %reduce_max3A_30, %add3A_37 : i32
    %le3A = arith.cmpi sle, %add3A_36, %add3A_38 : i32
    %and3A_39 = arith.andi %ge3A, %le3A : i1
    %convert_element_type3A_40 = arith.extui %and3A_39 : i1 to i32
    %cond3A = arith.constant 0 : i32
    %cond3A_41 = arith.constant 0 : i32
    %cond3A_42 = arith.cmpi ne, %convert_element_type3A_40, %cond3A_41 : i32
    scf.if %cond3A_42 {
      %sub3A_1186 = arith.subi %add3A_34, %reduce_max3A_30 : i32
      %add3A_1187 = arith.addi %mul3A_32, %sub3A_1186 : i32
      %add3A_1188 = vector.broadcast %add3A_1187 : i32 to vector<16xi32>
      %add3A_1189 = arith.addi %add3A_1188, %iota3A : vector<16xi32>
      %dma_start3A_1190 = arith.constant 0 : i32
      %dma_start3A_1191 = arith.constant 0 : i32
      %dma_start3A_1192 = tpu.memref_slice %arg7[%cond3A, %dma_start3A_1190, %dma_start3A_1191] : memref<3x16x2048xf32, #tpu.memory_space<vmem>> -> memref<1x16x2048xf32, #tpu.memory_space<vmem>>
      %dma_start3A_1193 = tpu.memref_squeeze %dma_start3A_1192 : memref<1x16x2048xf32, #tpu.memory_space<vmem>> -> memref<16x2048xf32, #tpu.memory_space<vmem>>
      %dma_start3A_1194 = arith.constant 0 : i32
      %dma_start3A_1195 = arith.constant 0 : i32
      %dma_start3A_1196 = tpu.memref_slice %arg3[%dma_start3A_1194, %dma_start3A_1195] : memref<2048x2048xf32, #tpu.memory_space<hbm>> -> memref<2048x2048xf32, #tpu.memory_space<hbm>>
      %dma_start3A_1197 = tpu.memref_slice %arg8[%cond3A] : memref<3x!tpu.dma_semaphore, #tpu.memory_space<semaphore_mem>> -> memref<1x!tpu.dma_semaphore, #tpu.memory_space<semaphore_mem>>
      %dma_start3A_1198 = tpu.memref_squeeze %dma_start3A_1197 : memref<1x!tpu.dma_semaphore, #tpu.memory_space<semaphore_mem>> -> memref<!tpu.dma_semaphore, #tpu.memory_space<semaphore_mem>>
      tpu.enqueue_indirect_dma source(%dma_start3A_1196 : memref<2048x2048xf32, #tpu.memory_space<hbm>>) target(%dma_start3A_1193 : memref<16x2048xf32, #tpu.memory_space<vmem>>) offsets(%add3A_1189 : vector<16xi32>) semaphore(%dma_start3A_1198 : memref<!tpu.dma_semaphore, #tpu.memory_space<semaphore_mem>>)
    } else {
    }
    %not3A = arith.constant true
    %not3A_43 = arith.xori %and3A_39, %not3A : i1
    %convert_element_type3A_44 = arith.extui %not3A_43 : i1 to i32
    %cond3A_45 = arith.constant 0 : i32
    %cond3A_46 = arith.constant 0 : i32
    %cond3A_47 = arith.cmpi ne, %convert_element_type3A_44, %cond3A_46 : i32
    scf.if %cond3A_47 {
      %dma_start3A_1186 = arith.constant 0 : i32
      %dma_start3A_1187 = arith.constant 0 : i32
      %dma_start3A_1188 = tpu.memref_slice %arg7[%cond3A_45, %dma_start3A_1186, %dma_start3A_1187] : memref<3x16x2048xf32, #tpu.memory_space<vmem>> -> memref<1x16x2048xf32, #tpu.memory_space<vmem>>
      %dma_start3A_1189 = tpu.memref_squeeze %dma_start3A_1188 : memref<1x16x2048xf32, #tpu.memory_space<vmem>> -> memref<16x2048xf32, #tpu.memory_space<vmem>>
      %dma_start3A_1190 = arith.constant 0 : i32
      %dma_start3A_1191 = tpu.memref_slice %arg2[%add3A_34, %dma_start3A_1190] : memref<8192x2048xf32, #tpu.memory_space<hbm>> -> memref<16x2048xf32, #tpu.memory_space<hbm>>
      %dma_start3A_1192 = tpu.memref_slice %arg8[%cond3A_45] : memref<3x!tpu.dma_semaphore, #tpu.memory_space<semaphore_mem>> -> memref<1x!tpu.dma_semaphore, #tpu.memory_space<semaphore_mem>>
      %dma_start3A_1193 = tpu.memref_squeeze %dma_start3A_1192 : memref<1x!tpu.dma_semaphore, #tpu.memory_space<semaphore_mem>> -> memref<!tpu.dma_semaphore, #tpu.memory_space<semaphore_mem>>
      %dma_start3A_1194 = arith.constant 0 : i32
      %dma_start3A_1195 = arith.constant 0 : i32
      %dma_start3A_1196 = tpu.memref_slice %arg7[%cond3A_45, %dma_start3A_1194, %dma_start3A_1195] : memref<3x16x2048xf32, #tpu.memory_space<vmem>> -> memref<1x16x2048xf32, #tpu.memory_space<vmem>>
      %dma_start3A_1197 = tpu.memref_squeeze %dma_start3A_1196 : memref<1x16x2048xf32, #tpu.memory_space<vmem>> -> memref<16x2048xf32, #tpu.memory_space<vmem>>
      %dma_start3A_1198 = arith.constant 0 : i32
      %dma_start3A_1199 = tpu.memref_slice %arg2[%add3A_34, %dma_start3A_1198] : memref<8192x2048xf32, #tpu.memory_space<hbm>> -> memref<16x2048xf32, #tpu.memory_space<hbm>>
      tpu.enqueue_dma source(%dma_start3A_1199 : memref<16x2048xf32, #tpu.memory_space<hbm>>) target(%dma_start3A_1197 : memref<16x2048xf32, #tpu.memory_space<vmem>>) target_semaphore(%dma_start3A_1193 : memref<!tpu.dma_semaphore, #tpu.memory_space<semaphore_mem>>)
    } else {
    }
    %add3A_48 = arith.constant 16 : i32
    %add3A_49 = arith.addi %mul3A_2, %add3A_48 : i32
    %ge3A_50 = arith.cmpi sge, %add3A_49, %reduce_max3A_30 : i32
    %add3A_51 = arith.constant 16 : i32
    %add3A_52 = arith.addi %add3A_49, %add3A_51 : i32
    %add3A_53 = arith.constant 256 : i32
    %add3A_54 = arith.addi %reduce_max3A_30, %add3A_53 : i32
    %le3A_55 = arith.cmpi sle, %add3A_52, %add3A_54 : i32
    %and3A_56 = arith.andi %ge3A_50, %le3A_55 : i1
    %convert_element_type3A_57 = arith.extui %and3A_56 : i1 to i32
    %cond3A_58 = arith.constant 1 : i32
    %cond3A_59 = arith.constant 0 : i32
    %cond3A_60 = arith.cmpi ne, %convert_element_type3A_57, %cond3A_59 : i32
    scf.if %cond3A_60 {
      %sub3A_1186 = arith.subi %add3A_49, %reduce_max3A_30 : i32
      %add3A_1187 = arith.addi %mul3A_32, %sub3A_1186 : i32
      %add3A_1188 = vector.broadcast %add3A_1187 : i32 to vector<16xi32>
      %add3A_1189 = arith.addi %add3A_1188, %iota3A : vector<16xi32>
      %dma_start3A_1190 = arith.constant 0 : i32
      %dma_start3A_1191 = arith.constant 0 : i32
      %dma_start3A_1192 = tpu.memref_slice %arg7[%cond3A_58, %dma_start3A_1190, %dma_start3A_1191] : memref<3x16x2048xf32, #tpu.memory_space<vmem>> -> memref<1x16x2048xf32, #tpu.memory_space<vmem>>
      %dma_start3A_1193 = tpu.memref_squeeze %dma_start3A_1192 : memref<1x16x2048xf32, #tpu.memory_space<vmem>> -> memref<16x2048xf32, #tpu.memory_space<vmem>>
      %dma_start3A_1194 = arith.constant 0 : i32
      %dma_start3A_1195 = arith.constant 0 : i32
      %dma_start3A_1196 = tpu.memref_slice %arg3[%dma_start3A_1194, %dma_start3A_1195] : memref<2048x2048xf32, #tpu.memory_space<hbm>> -> memref<2048x2048xf32, #tpu.memory_space<hbm>>
      %dma_start3A_1197 = tpu.memref_slice %arg8[%cond3A_58] : memref<3x!tpu.dma_semaphore, #tpu.memory_space<semaphore_mem>> -> memref<1x!tpu.dma_semaphore, #tpu.memory_space<semaphore_mem>>
      %dma_start3A_1198 = tpu.memref_squeeze %dma_start3A_1197 : memref<1x!tpu.dma_semaphore, #tpu.memory_space<semaphore_mem>> -> memref<!tpu.dma_semaphore, #tpu.memory_space<semaphore_mem>>
      tpu.enqueue_indirect_dma source(%dma_start3A_1196 : memref<2048x2048xf32, #tpu.memory_space<hbm>>) target(%dma_start3A_1193 : memref<16x2048xf32, #tpu.memory_space<vmem>>) offsets(%add3A_1189 : vector<16xi32>) semaphore(%dma_start3A_1198 : memref<!tpu.dma_semaphore, #tpu.memory_space<semaphore_mem>>)
    } else {
    }
    %not3A_61 = arith.constant true
    %not3A_62 = arith.xori %and3A_56, %not3A_61 : i1
    %convert_element_type3A_63 = arith.extui %not3A_62 : i1 to i32
    %cond3A_64 = arith.constant 1 : i32
    %cond3A_65 = arith.constant 0 : i32
    %cond3A_66 = arith.cmpi ne, %convert_element_type3A_63, %cond3A_65 : i32
    scf.if %cond3A_66 {
      %dma_start3A_1186 = arith.constant 0 : i32
      %dma_start3A_1187 = arith.constant 0 : i32
      %dma_start3A_1188 = tpu.memref_slice %arg7[%cond3A_64, %dma_start3A_1186, %dma_start3A_1187] : memref<3x16x2048xf32, #tpu.memory_space<vmem>> -> memref<1x16x2048xf32, #tpu.memory_space<vmem>>
      %dma_start3A_1189 = tpu.memref_squeeze %dma_start3A_1188 : memref<1x16x2048xf32, #tpu.memory_space<vmem>> -> memref<16x2048xf32, #tpu.memory_space<vmem>>
      %dma_start3A_1190 = arith.constant 0 : i32
      %dma_start3A_1191 = tpu.memref_slice %arg2[%add3A_49, %dma_start3A_1190] : memref<8192x2048xf32, #tpu.memory_space<hbm>> -> memref<16x2048xf32, #tpu.memory_space<hbm>>
      %dma_start3A_1192 = tpu.memref_slice %arg8[%cond3A_64] : memref<3x!tpu.dma_semaphore, #tpu.memory_space<semaphore_mem>> -> memref<1x!tpu.dma_semaphore, #tpu.memory_space<semaphore_mem>>
      %dma_start3A_1193 = tpu.memref_squeeze %dma_start3A_1192 : memref<1x!tpu.dma_semaphore, #tpu.memory_space<semaphore_mem>> -> memref<!tpu.dma_semaphore, #tpu.memory_space<semaphore_mem>>
      %dma_start3A_1194 = arith.constant 0 : i32
      %dma_start3A_1195 = arith.constant 0 : i32
      %dma_start3A_1196 = tpu.memref_slice %arg7[%cond3A_64, %dma_start3A_1194, %dma_start3A_1195] : memref<3x16x2048xf32, #tpu.memory_space<vmem>> -> memref<1x16x2048xf32, #tpu.memory_space<vmem>>
      %dma_start3A_1197 = tpu.memref_squeeze %dma_start3A_1196 : memref<1x16x2048xf32, #tpu.memory_space<vmem>> -> memref<16x2048xf32, #tpu.memory_space<vmem>>
      %dma_start3A_1198 = arith.constant 0 : i32
      %dma_start3A_1199 = tpu.memref_slice %arg2[%add3A_49, %dma_start3A_1198] : memref<8192x2048xf32, #tpu.memory_space<hbm>> -> memref<16x2048xf32, #tpu.memory_space<hbm>>
      tpu.enqueue_dma source(%dma_start3A_1199 : memref<16x2048xf32, #tpu.memory_space<hbm>>) target(%dma_start3A_1197 : memref<16x2048xf32, #tpu.memory_space<vmem>>) target_semaphore(%dma_start3A_1193 : memref<!tpu.dma_semaphore, #tpu.memory_space<semaphore_mem>>)
    } else {
    }
    %dma_wait3A = arith.constant 0 : i32
    %dma_wait3A_67 = arith.constant 0 : i32
    %dma_wait3A_68 = arith.constant 0 : i32
    %dma_wait3A_69 = arith.constant 0 : i32
    %dma_wait3A_70 = arith.constant 0 : i32
    %dma_wait3A_71 = tpu.memref_slice %arg7[%dma_wait3A_67, %dma_wait3A_69, %dma_wait3A_70] : memref<3x16x2048xf32, #tpu.memory_space<vmem>> -> memref<1x16x2048xf32, #tpu.memory_space<vmem>>
    %dma_wait3A_72 = tpu.memref_squeeze %dma_wait3A_71 : memref<1x16x2048xf32, #tpu.memory_space<vmem>> -> memref<16x2048xf32, #tpu.memory_space<vmem>>
    %dma_wait3A_73 = arith.constant 0 : i32
    %dma_wait3A_74 = tpu.memref_slice %arg2[%dma_wait3A, %dma_wait3A_73] : memref<8192x2048xf32, #tpu.memory_space<hbm>> -> memref<16x2048xf32, #tpu.memory_space<hbm>>
    %dma_wait3A_75 = tpu.memref_slice %arg8[%dma_wait3A_68] : memref<3x!tpu.dma_semaphore, #tpu.memory_space<semaphore_mem>> -> memref<1x!tpu.dma_semaphore, #tpu.memory_space<semaphore_mem>>
    %dma_wait3A_76 = tpu.memref_squeeze %dma_wait3A_75 : memref<1x!tpu.dma_semaphore, #tpu.memory_space<semaphore_mem>> -> memref<!tpu.dma_semaphore, #tpu.memory_space<semaphore_mem>>
    %dma_wait3A_77 = arith.constant 0 : i32
    %dma_wait3A_78 = arith.constant 0 : i32
    %dma_wait3A_79 = tpu.memref_slice %arg7[%dma_wait3A_67, %dma_wait3A_77, %dma_wait3A_78] : memref<3x16x2048xf32, #tpu.memory_space<vmem>> -> memref<1x16x2048xf32, #tpu.memory_space<vmem>>
    %dma_wait3A_80 = tpu.memref_squeeze %dma_wait3A_79 : memref<1x16x2048xf32, #tpu.memory_space<vmem>> -> memref<16x2048xf32, #tpu.memory_space<vmem>>
    %dma_wait3A_81 = arith.constant 0 : i32
    %dma_wait3A_82 = tpu.memref_slice %arg2[%dma_wait3A, %dma_wait3A_81] : memref<8192x2048xf32, #tpu.memory_space<hbm>> -> memref<16x2048xf32, #tpu.memory_space<hbm>>
    tpu.wait_dma2 semaphore(%dma_wait3A_76 : memref<!tpu.dma_semaphore, #tpu.memory_space<semaphore_mem>>) src(%dma_wait3A_82 : memref<16x2048xf32, #tpu.memory_space<hbm>>) dst(%dma_wait3A_80 : memref<16x2048xf32, #tpu.memory_space<vmem>>)
    %add3A_83 = arith.constant 0 : i32
    %add3A_84 = arith.addi %mul3A_2, %add3A_83 : i32
    %dma_start3A = arith.constant 0 : i32
    %dma_start3A_85 = arith.constant 0 : i32
    %dma_start3A_86 = arith.constant 0 : i32
    %dma_start3A_87 = arith.constant 0 : i32
    %dma_start3A_88 = tpu.memref_slice %arg7[%dma_start3A, %dma_start3A_86, %dma_start3A_87] : memref<3x16x2048xf32, #tpu.memory_space<vmem>> -> memref<1x16x2048xf32, #tpu.memory_space<vmem>>
    %dma_start3A_89 = tpu.memref_squeeze %dma_start3A_88 : memref<1x16x2048xf32, #tpu.memory_space<vmem>> -> memref<16x2048xf32, #tpu.memory_space<vmem>>
    %dma_start3A_90 = arith.constant 0 : i32
    %dma_start3A_91 = tpu.memref_slice %arg5[%add3A_84, %dma_start3A_90] : memref<8192x2048xf32, #tpu.memory_space<hbm>> -> memref<16x2048xf32, #tpu.memory_space<hbm>>
    %dma_start3A_92 = tpu.memref_slice %arg9[%dma_start3A_85] : memref<3x!tpu.dma_semaphore, #tpu.memory_space<semaphore_mem>> -> memref<1x!tpu.dma_semaphore, #tpu.memory_space<semaphore_mem>>
    %dma_start3A_93 = tpu.memref_squeeze %dma_start3A_92 : memref<1x!tpu.dma_semaphore, #tpu.memory_space<semaphore_mem>> -> memref<!tpu.dma_semaphore, #tpu.memory_space<semaphore_mem>>
    %dma_start3A_94 = arith.constant 0 : i32
    %dma_start3A_95 = tpu.memref_slice %arg5[%add3A_84, %dma_start3A_94] : memref<8192x2048xf32, #tpu.memory_space<hbm>> -> memref<16x2048xf32, #tpu.memory_space<hbm>>
    %dma_start3A_96 = arith.constant 0 : i32
    %dma_start3A_97 = arith.constant 0 : i32
    %dma_start3A_98 = tpu.memref_slice %arg7[%dma_start3A, %dma_start3A_96, %dma_start3A_97] : memref<3x16x2048xf32, #tpu.memory_space<vmem>> -> memref<1x16x2048xf32, #tpu.memory_space<vmem>>
    %dma_start3A_99 = tpu.memref_squeeze %dma_start3A_98 : memref<1x16x2048xf32, #tpu.memory_space<vmem>> -> memref<16x2048xf32, #tpu.memory_space<vmem>>
    tpu.enqueue_dma source(%dma_start3A_99 : memref<16x2048xf32, #tpu.memory_space<vmem>>) target(%dma_start3A_95 : memref<16x2048xf32, #tpu.memory_space<hbm>>) target_semaphore(%dma_start3A_93 : memref<!tpu.dma_semaphore, #tpu.memory_space<semaphore_mem>>)
    %add3A_100 = arith.constant 32 : i32
    %add3A_101 = arith.addi %mul3A_2, %add3A_100 : i32
    %ge3A_102 = arith.cmpi sge, %add3A_101, %reduce_max3A_30 : i32
    %add3A_103 = arith.constant 16 : i32
    %add3A_104 = arith.addi %add3A_101, %add3A_103 : i32
    %add3A_105 = arith.constant 256 : i32
    %add3A_106 = arith.addi %reduce_max3A_30, %add3A_105 : i32
    %le3A_107 = arith.cmpi sle, %add3A_104, %add3A_106 : i32
    %and3A_108 = arith.andi %ge3A_102, %le3A_107 : i1
    %convert_element_type3A_109 = arith.extui %and3A_108 : i1 to i32
    %cond3A_110 = arith.constant 2 : i32
    %cond3A_111 = arith.constant 0 : i32
    %cond3A_112 = arith.cmpi ne, %convert_element_type3A_109, %cond3A_111 : i32
    scf.if %cond3A_112 {
      %sub3A_1186 = arith.subi %add3A_101, %reduce_max3A_30 : i32
      %add3A_1187 = arith.addi %mul3A_32, %sub3A_1186 : i32
      %add3A_1188 = vector.broadcast %add3A_1187 : i32 to vector<16xi32>
      %add3A_1189 = arith.addi %add3A_1188, %iota3A : vector<16xi32>
      %dma_start3A_1190 = arith.constant 0 : i32
      %dma_start3A_1191 = arith.constant 0 : i32
      %dma_start3A_1192 = tpu.memref_slice %arg7[%cond3A_110, %dma_start3A_1190, %dma_start3A_1191] : memref<3x16x2048xf32, #tpu.memory_space<vmem>> -> memref<1x16x2048xf32, #tpu.memory_space<vmem>>
      %dma_start3A_1193 = tpu.memref_squeeze %dma_start3A_1192 : memref<1x16x2048xf32, #tpu.memory_space<vmem>> -> memref<16x2048xf32, #tpu.memory_space<vmem>>
      %dma_start3A_1194 = arith.constant 0 : i32
      %dma_start3A_1195 = arith.constant 0 : i32
      %dma_start3A_1196 = tpu.memref_slice %arg3[%dma_start3A_1194, %dma_start3A_1195] : memref<2048x2048xf32, #tpu.memory_space<hbm>> -> memref<2048x2048xf32, #tpu.memory_space<hbm>>
      %dma_start3A_1197 = tpu.memref_slice %arg8[%cond3A_110] : memref<3x!tpu.dma_semaphore, #tpu.memory_space<semaphore_mem>> -> memref<1x!tpu.dma_semaphore, #tpu.memory_space<semaphore_mem>>
      %dma_start3A_1198 = tpu.memref_squeeze %dma_start3A_1197 : memref<1x!tpu.dma_semaphore, #tpu.memory_space<semaphore_mem>> -> memref<!tpu.dma_semaphore, #tpu.memory_space<semaphore_mem>>
      tpu.enqueue_indirect_dma source(%dma_start3A_1196 : memref<2048x2048xf32, #tpu.memory_space<hbm>>) target(%dma_start3A_1193 : memref<16x2048xf32, #tpu.memory_space<vmem>>) offsets(%add3A_1189 : vector<16xi32>) semaphore(%dma_start3A_1198 : memref<!tpu.dma_semaphore, #tpu.memory_space<semaphore_mem>>)
    } else {
    }
    %not3A_113 = arith.constant true
    %not3A_114 = arith.xori %and3A_108, %not3A_113 : i1
    %convert_element_type3A_115 = arith.extui %not3A_114 : i1 to i32
    %cond3A_116 = arith.constant 2 : i32
    %cond3A_117 = arith.constant 0 : i32
    %cond3A_118 = arith.cmpi ne, %convert_element_type3A_115, %cond3A_117 : i32
    scf.if %cond3A_118 {
      %dma_start3A_1186 = arith.constant 0 : i32
      %dma_start3A_1187 = arith.constant 0 : i32
      %dma_start3A_1188 = tpu.memref_slice %arg7[%cond3A_116, %dma_start3A_1186, %dma_start3A_1187] : memref<3x16x2048xf32, #tpu.memory_space<vmem>> -> memref<1x16x2048xf32, #tpu.memory_space<vmem>>
      %dma_start3A_1189 = tpu.memref_squeeze %dma_start3A_1188 : memref<1x16x2048xf32, #tpu.memory_space<vmem>> -> memref<16x2048xf32, #tpu.memory_space<vmem>>
      %dma_start3A_1190 = arith.constant 0 : i32
      %dma_start3A_1191 = tpu.memref_slice %arg2[%add3A_101, %dma_start3A_1190] : memref<8192x2048xf32, #tpu.memory_space<hbm>> -> memref<16x2048xf32, #tpu.memory_space<hbm>>
      %dma_start3A_1192 = tpu.memref_slice %arg8[%cond3A_116] : memref<3x!tpu.dma_semaphore, #tpu.memory_space<semaphore_mem>> -> memref<1x!tpu.dma_semaphore, #tpu.memory_space<semaphore_mem>>
      %dma_start3A_1193 = tpu.memref_squeeze %dma_start3A_1192 : memref<1x!tpu.dma_semaphore, #tpu.memory_space<semaphore_mem>> -> memref<!tpu.dma_semaphore, #tpu.memory_space<semaphore_mem>>
      %dma_start3A_1194 = arith.constant 0 : i32
      %dma_start3A_1195 = arith.constant 0 : i32
      %dma_start3A_1196 = tpu.memref_slice %arg7[%cond3A_116, %dma_start3A_1194, %dma_start3A_1195] : memref<3x16x2048xf32, #tpu.memory_space<vmem>> -> memref<1x16x2048xf32, #tpu.memory_space<vmem>>
      %dma_start3A_1197 = tpu.memref_squeeze %dma_start3A_1196 : memref<1x16x2048xf32, #tpu.memory_space<vmem>> -> memref<16x2048xf32, #tpu.memory_space<vmem>>
      %dma_start3A_1198 = arith.constant 0 : i32
      %dma_start3A_1199 = tpu.memref_slice %arg2[%add3A_101, %dma_start3A_1198] : memref<8192x2048xf32, #tpu.memory_space<hbm>> -> memref<16x2048xf32, #tpu.memory_space<hbm>>
      tpu.enqueue_dma source(%dma_start3A_1199 : memref<16x2048xf32, #tpu.memory_space<hbm>>) target(%dma_start3A_1197 : memref<16x2048xf32, #tpu.memory_space<vmem>>) target_semaphore(%dma_start3A_1193 : memref<!tpu.dma_semaphore, #tpu.memory_space<semaphore_mem>>)
    } else {
    }
    %dma_wait3A_119 = arith.constant 0 : i32
    %dma_wait3A_120 = arith.constant 1 : i32
    %dma_wait3A_121 = arith.constant 1 : i32
    %dma_wait3A_122 = arith.constant 0 : i32
    %dma_wait3A_123 = arith.constant 0 : i32
    %dma_wait3A_124 = tpu.memref_slice %arg7[%dma_wait3A_120, %dma_wait3A_122, %dma_wait3A_123] : memref<3x16x2048xf32, #tpu.memory_space<vmem>> -> memref<1x16x2048xf32, #tpu.memory_space<vmem>>
    %dma_wait3A_125 = tpu.memref_squeeze %dma_wait3A_124 : memref<1x16x2048xf32, #tpu.memory_space<vmem>> -> memref<16x2048xf32, #tpu.memory_space<vmem>>
    %dma_wait3A_126 = arith.constant 0 : i32
    %dma_wait3A_127 = tpu.memref_slice %arg2[%dma_wait3A_119, %dma_wait3A_126] : memref<8192x2048xf32, #tpu.memory_space<hbm>> -> memref<16x2048xf32, #tpu.memory_space<hbm>>
    %dma_wait3A_128 = tpu.memref_slice %arg8[%dma_wait3A_121] : memref<3x!tpu.dma_semaphore, #tpu.memory_space<semaphore_mem>> -> memref<1x!tpu.dma_semaphore, #tpu.memory_space<semaphore_mem>>
    %dma_wait3A_129 = tpu.memref_squeeze %dma_wait3A_128 : memref<1x!tpu.dma_semaphore, #tpu.memory_space<semaphore_mem>> -> memref<!tpu.dma_semaphore, #tpu.memory_space<semaphore_mem>>
    %dma_wait3A_130 = arith.constant 0 : i32
    %dma_wait3A_131 = arith.constant 0 : i32
    %dma_wait3A_132 = tpu.memref_slice %arg7[%dma_wait3A_120, %dma_wait3A_130, %dma_wait3A_131] : memref<3x16x2048xf32, #tpu.memory_space<vmem>> -> memref<1x16x2048xf32, #tpu.memory_space<vmem>>
    %dma_wait3A_133 = tpu.memref_squeeze %dma_wait3A_132 : memref<1x16x2048xf32, #tpu.memory_space<vmem>> -> memref<16x2048xf32, #tpu.memory_space<vmem>>
    %dma_wait3A_134 = arith.constant 0 : i32
    %dma_wait3A_135 = tpu.memref_slice %arg2[%dma_wait3A_119, %dma_wait3A_134] : memref<8192x2048xf32, #tpu.memory_space<hbm>> -> memref<16x2048xf32, #tpu.memory_space<hbm>>
    tpu.wait_dma2 semaphore(%dma_wait3A_129 : memref<!tpu.dma_semaphore, #tpu.memory_space<semaphore_mem>>) src(%dma_wait3A_135 : memref<16x2048xf32, #tpu.memory_space<hbm>>) dst(%dma_wait3A_133 : memref<16x2048xf32, #tpu.memory_space<vmem>>)
    %add3A_136 = arith.constant 16 : i32
    %add3A_137 = arith.addi %mul3A_2, %add3A_136 : i32
    %dma_start3A_138 = arith.constant 1 : i32
    %dma_start3A_139 = arith.constant 1 : i32
    %dma_start3A_140 = arith.constant 0 : i32
    %dma_start3A_141 = arith.constant 0 : i32
    %dma_start3A_142 = tpu.memref_slice %arg7[%dma_start3A_138, %dma_start3A_140, %dma_start3A_141] : memref<3x16x2048xf32, #tpu.memory_space<vmem>> -> memref<1x16x2048xf32, #tpu.memory_space<vmem>>
    %dma_start3A_143 = tpu.memref_squeeze %dma_start3A_142 : memref<1x16x2048xf32, #tpu.memory_space<vmem>> -> memref<16x2048xf32, #tpu.memory_space<vmem>>
    %dma_start3A_144 = arith.constant 0 : i32
    %dma_start3A_145 = tpu.memref_slice %arg5[%add3A_137, %dma_start3A_144] : memref<8192x2048xf32, #tpu.memory_space<hbm>> -> memref<16x2048xf32, #tpu.memory_space<hbm>>
    %dma_start3A_146 = tpu.memref_slice %arg9[%dma_start3A_139] : memref<3x!tpu.dma_semaphore, #tpu.memory_space<semaphore_mem>> -> memref<1x!tpu.dma_semaphore, #tpu.memory_space<semaphore_mem>>
    %dma_start3A_147 = tpu.memref_squeeze %dma_start3A_146 : memref<1x!tpu.dma_semaphore, #tpu.memory_space<semaphore_mem>> -> memref<!tpu.dma_semaphore, #tpu.memory_space<semaphore_mem>>
    %dma_start3A_148 = arith.constant 0 : i32
    %dma_start3A_149 = tpu.memref_slice %arg5[%add3A_137, %dma_start3A_148] : memref<8192x2048xf32, #tpu.memory_space<hbm>> -> memref<16x2048xf32, #tpu.memory_space<hbm>>
    %dma_start3A_150 = arith.constant 0 : i32
    %dma_start3A_151 = arith.constant 0 : i32
    %dma_start3A_152 = tpu.memref_slice %arg7[%dma_start3A_138, %dma_start3A_150, %dma_start3A_151] : memref<3x16x2048xf32, #tpu.memory_space<vmem>> -> memref<1x16x2048xf32, #tpu.memory_space<vmem>>
    %dma_start3A_153 = tpu.memref_squeeze %dma_start3A_152 : memref<1x16x2048xf32, #tpu.memory_space<vmem>> -> memref<16x2048xf32, #tpu.memory_space<vmem>>
    tpu.enqueue_dma source(%dma_start3A_153 : memref<16x2048xf32, #tpu.memory_space<vmem>>) target(%dma_start3A_149 : memref<16x2048xf32, #tpu.memory_space<hbm>>) target_semaphore(%dma_start3A_147 : memref<!tpu.dma_semaphore, #tpu.memory_space<semaphore_mem>>)
    %dma_wait3A_154 = arith.constant 0 : i32
    %dma_wait3A_155 = arith.constant 0 : i32
    %dma_wait3A_156 = arith.constant 0 : i32
    %dma_wait3A_157 = arith.constant 0 : i32
    %dma_wait3A_158 = tpu.memref_slice %arg7[%dma_wait3A_154, %dma_wait3A_156, %dma_wait3A_157] : memref<3x16x2048xf32, #tpu.memory_space<vmem>> -> memref<1x16x2048xf32, #tpu.memory_space<vmem>>
    %dma_wait3A_159 = tpu.memref_squeeze %dma_wait3A_158 : memref<1x16x2048xf32, #tpu.memory_space<vmem>> -> memref<16x2048xf32, #tpu.memory_space<vmem>>
    %dma_wait3A_160 = arith.constant 0 : i32
    %dma_wait3A_161 = tpu.memref_slice %arg5[%add3A_84, %dma_wait3A_160] : memref<8192x2048xf32, #tpu.memory_space<hbm>> -> memref<16x2048xf32, #tpu.memory_space<hbm>>
    %dma_wait3A_162 = tpu.memref_slice %arg9[%dma_wait3A_155] : memref<3x!tpu.dma_semaphore, #tpu.memory_space<semaphore_mem>> -> memref<1x!tpu.dma_semaphore, #tpu.memory_space<semaphore_mem>>
    %dma_wait3A_163 = tpu.memref_squeeze %dma_wait3A_162 : memref<1x!tpu.dma_semaphore, #tpu.memory_space<semaphore_mem>> -> memref<!tpu.dma_semaphore, #tpu.memory_space<semaphore_mem>>
    %dma_wait3A_164 = arith.constant 0 : i32
    %dma_wait3A_165 = tpu.memref_slice %arg5[%add3A_84, %dma_wait3A_164] : memref<8192x2048xf32, #tpu.memory_space<hbm>> -> memref<16x2048xf32, #tpu.memory_space<hbm>>
    %dma_wait3A_166 = arith.constant 0 : i32
    %dma_wait3A_167 = arith.constant 0 : i32
    %dma_wait3A_168 = tpu.memref_slice %arg7[%dma_wait3A_154, %dma_wait3A_166, %dma_wait3A_167] : memref<3x16x2048xf32, #tpu.memory_space<vmem>> -> memref<1x16x2048xf32, #tpu.memory_space<vmem>>
    %dma_wait3A_169 = tpu.memref_squeeze %dma_wait3A_168 : memref<1x16x2048xf32, #tpu.memory_space<vmem>> -> memref<16x2048xf32, #tpu.memory_space<vmem>>
    tpu.wait_dma2 semaphore(%dma_wait3A_163 : memref<!tpu.dma_semaphore, #tpu.memory_space<semaphore_mem>>) src(%dma_wait3A_169 : memref<16x2048xf32, #tpu.memory_space<vmem>>) dst(%dma_wait3A_165 : memref<16x2048xf32, #tpu.memory_space<hbm>>)
    %add3A_170 = arith.constant 48 : i32
    %add3A_171 = arith.addi %mul3A_2, %add3A_170 : i32
    %ge3A_172 = arith.cmpi sge, %add3A_171, %reduce_max3A_30 : i32
    %add3A_173 = arith.constant 16 : i32
    %add3A_174 = arith.addi %add3A_171, %add3A_173 : i32
    %add3A_175 = arith.constant 256 : i32
    %add3A_176 = arith.addi %reduce_max3A_30, %add3A_175 : i32
    %le3A_177 = arith.cmpi sle, %add3A_174, %add3A_176 : i32
    %and3A_178 = arith.andi %ge3A_172, %le3A_177 : i1
    %convert_element_type3A_179 = arith.extui %and3A_178 : i1 to i32
    %cond3A_180 = arith.constant 0 : i32
    %cond3A_181 = arith.constant 0 : i32
    %cond3A_182 = arith.cmpi ne, %convert_element_type3A_179, %cond3A_181 : i32
    scf.if %cond3A_182 {
      %sub3A_1186 = arith.subi %add3A_171, %reduce_max3A_30 : i32
      %add3A_1187 = arith.addi %mul3A_32, %sub3A_1186 : i32
      %add3A_1188 = vector.broadcast %add3A_1187 : i32 to vector<16xi32>
      %add3A_1189 = arith.addi %add3A_1188, %iota3A : vector<16xi32>
      %dma_start3A_1190 = arith.constant 0 : i32
      %dma_start3A_1191 = arith.constant 0 : i32
      %dma_start3A_1192 = tpu.memref_slice %arg7[%cond3A_180, %dma_start3A_1190, %dma_start3A_1191] : memref<3x16x2048xf32, #tpu.memory_space<vmem>> -> memref<1x16x2048xf32, #tpu.memory_space<vmem>>
      %dma_start3A_1193 = tpu.memref_squeeze %dma_start3A_1192 : memref<1x16x2048xf32, #tpu.memory_space<vmem>> -> memref<16x2048xf32, #tpu.memory_space<vmem>>
      %dma_start3A_1194 = arith.constant 0 : i32
      %dma_start3A_1195 = arith.constant 0 : i32
      %dma_start3A_1196 = tpu.memref_slice %arg3[%dma_start3A_1194, %dma_start3A_1195] : memref<2048x2048xf32, #tpu.memory_space<hbm>> -> memref<2048x2048xf32, #tpu.memory_space<hbm>>
      %dma_start3A_1197 = tpu.memref_slice %arg8[%cond3A_180] : memref<3x!tpu.dma_semaphore, #tpu.memory_space<semaphore_mem>> -> memref<1x!tpu.dma_semaphore, #tpu.memory_space<semaphore_mem>>
      %dma_start3A_1198 = tpu.memref_squeeze %dma_start3A_1197 : memref<1x!tpu.dma_semaphore, #tpu.memory_space<semaphore_mem>> -> memref<!tpu.dma_semaphore, #tpu.memory_space<semaphore_mem>>
      tpu.enqueue_indirect_dma source(%dma_start3A_1196 : memref<2048x2048xf32, #tpu.memory_space<hbm>>) target(%dma_start3A_1193 : memref<16x2048xf32, #tpu.memory_space<vmem>>) offsets(%add3A_1189 : vector<16xi32>) semaphore(%dma_start3A_1198 : memref<!tpu.dma_semaphore, #tpu.memory_space<semaphore_mem>>)
    } else {
    }
    %not3A_183 = arith.constant true
    %not3A_184 = arith.xori %and3A_178, %not3A_183 : i1
    %convert_element_type3A_185 = arith.extui %not3A_184 : i1 to i32
    %cond3A_186 = arith.constant 0 : i32
    %cond3A_187 = arith.constant 0 : i32
    %cond3A_188 = arith.cmpi ne, %convert_element_type3A_185, %cond3A_187 : i32
    scf.if %cond3A_188 {
      %dma_start3A_1186 = arith.constant 0 : i32
      %dma_start3A_1187 = arith.constant 0 : i32
      %dma_start3A_1188 = tpu.memref_slice %arg7[%cond3A_186, %dma_start3A_1186, %dma_start3A_1187] : memref<3x16x2048xf32, #tpu.memory_space<vmem>> -> memref<1x16x2048xf32, #tpu.memory_space<vmem>>
      %dma_start3A_1189 = tpu.memref_squeeze %dma_start3A_1188 : memref<1x16x2048xf32, #tpu.memory_space<vmem>> -> memref<16x2048xf32, #tpu.memory_space<vmem>>
      %dma_start3A_1190 = arith.constant 0 : i32
      %dma_start3A_1191 = tpu.memref_slice %arg2[%add3A_171, %dma_start3A_1190] : memref<8192x2048xf32, #tpu.memory_space<hbm>> -> memref<16x2048xf32, #tpu.memory_space<hbm>>
      %dma_start3A_1192 = tpu.memref_slice %arg8[%cond3A_186] : memref<3x!tpu.dma_semaphore, #tpu.memory_space<semaphore_mem>> -> memref<1x!tpu.dma_semaphore, #tpu.memory_space<semaphore_mem>>
      %dma_start3A_1193 = tpu.memref_squeeze %dma_start3A_1192 : memref<1x!tpu.dma_semaphore, #tpu.memory_space<semaphore_mem>> -> memref<!tpu.dma_semaphore, #tpu.memory_space<semaphore_mem>>
      %dma_start3A_1194 = arith.constant 0 : i32
      %dma_start3A_1195 = arith.constant 0 : i32
      %dma_start3A_1196 = tpu.memref_slice %arg7[%cond3A_186, %dma_start3A_1194, %dma_start3A_1195] : memref<3x16x2048xf32, #tpu.memory_space<vmem>> -> memref<1x16x2048xf32, #tpu.memory_space<vmem>>
      %dma_start3A_1197 = tpu.memref_squeeze %dma_start3A_1196 : memref<1x16x2048xf32, #tpu.memory_space<vmem>> -> memref<16x2048xf32, #tpu.memory_space<vmem>>
      %dma_start3A_1198 = arith.constant 0 : i32
      %dma_start3A_1199 = tpu.memref_slice %arg2[%add3A_171, %dma_start3A_1198] : memref<8192x2048xf32, #tpu.memory_space<hbm>> -> memref<16x2048xf32, #tpu.memory_space<hbm>>
      tpu.enqueue_dma source(%dma_start3A_1199 : memref<16x2048xf32, #tpu.memory_space<hbm>>) target(%dma_start3A_1197 : memref<16x2048xf32, #tpu.memory_space<vmem>>) target_semaphore(%dma_start3A_1193 : memref<!tpu.dma_semaphore, #tpu.memory_space<semaphore_mem>>)
    } else {
    }
    %dma_wait3A_189 = arith.constant 0 : i32
    %dma_wait3A_190 = arith.constant 2 : i32
    %dma_wait3A_191 = arith.constant 2 : i32
    %dma_wait3A_192 = arith.constant 0 : i32
    %dma_wait3A_193 = arith.constant 0 : i32
    %dma_wait3A_194 = tpu.memref_slice %arg7[%dma_wait3A_190, %dma_wait3A_192, %dma_wait3A_193] : memref<3x16x2048xf32, #tpu.memory_space<vmem>> -> memref<1x16x2048xf32, #tpu.memory_space<vmem>>
    %dma_wait3A_195 = tpu.memref_squeeze %dma_wait3A_194 : memref<1x16x2048xf32, #tpu.memory_space<vmem>> -> memref<16x2048xf32, #tpu.memory_space<vmem>>
    %dma_wait3A_196 = arith.constant 0 : i32
    %dma_wait3A_197 = tpu.memref_slice %arg2[%dma_wait3A_189, %dma_wait3A_196] : memref<8192x2048xf32, #tpu.memory_space<hbm>> -> memref<16x2048xf32, #tpu.memory_space<hbm>>
    %dma_wait3A_198 = tpu.memref_slice %arg8[%dma_wait3A_191] : memref<3x!tpu.dma_semaphore, #tpu.memory_space<semaphore_mem>> -> memref<1x!tpu.dma_semaphore, #tpu.memory_space<semaphore_mem>>
    %dma_wait3A_199 = tpu.memref_squeeze %dma_wait3A_198 : memref<1x!tpu.dma_semaphore, #tpu.memory_space<semaphore_mem>> -> memref<!tpu.dma_semaphore, #tpu.memory_space<semaphore_mem>>
    %dma_wait3A_200 = arith.constant 0 : i32
    %dma_wait3A_201 = arith.constant 0 : i32
    %dma_wait3A_202 = tpu.memref_slice %arg7[%dma_wait3A_190, %dma_wait3A_200, %dma_wait3A_201] : memref<3x16x2048xf32, #tpu.memory_space<vmem>> -> memref<1x16x2048xf32, #tpu.memory_space<vmem>>
    %dma_wait3A_203 = tpu.memref_squeeze %dma_wait3A_202 : memref<1x16x2048xf32, #tpu.memory_space<vmem>> -> memref<16x2048xf32, #tpu.memory_space<vmem>>
    %dma_wait3A_204 = arith.constant 0 : i32
    %dma_wait3A_205 = tpu.memref_slice %arg2[%dma_wait3A_189, %dma_wait3A_204] : memref<8192x2048xf32, #tpu.memory_space<hbm>> -> memref<16x2048xf32, #tpu.memory_space<hbm>>
    tpu.wait_dma2 semaphore(%dma_wait3A_199 : memref<!tpu.dma_semaphore, #tpu.memory_space<semaphore_mem>>) src(%dma_wait3A_205 : memref<16x2048xf32, #tpu.memory_space<hbm>>) dst(%dma_wait3A_203 : memref<16x2048xf32, #tpu.memory_space<vmem>>)
    %add3A_206 = arith.constant 32 : i32
    %add3A_207 = arith.addi %mul3A_2, %add3A_206 : i32
    %dma_start3A_208 = arith.constant 2 : i32
    %dma_start3A_209 = arith.constant 2 : i32
    %dma_start3A_210 = arith.constant 0 : i32
    %dma_start3A_211 = arith.constant 0 : i32
    %dma_start3A_212 = tpu.memref_slice %arg7[%dma_start3A_208, %dma_start3A_210, %dma_start3A_211] : memref<3x16x2048xf32, #tpu.memory_space<vmem>> -> memref<1x16x2048xf32, #tpu.memory_space<vmem>>
    %dma_start3A_213 = tpu.memref_squeeze %dma_start3A_212 : memref<1x16x2048xf32, #tpu.memory_space<vmem>> -> memref<16x2048xf32, #tpu.memory_space<vmem>>
    %dma_start3A_214 = arith.constant 0 : i32
    %dma_start3A_215 = tpu.memref_slice %arg5[%add3A_207, %dma_start3A_214] : memref<8192x2048xf32, #tpu.memory_space<hbm>> -> memref<16x2048xf32, #tpu.memory_space<hbm>>
    %dma_start3A_216 = tpu.memref_slice %arg9[%dma_start3A_209] : memref<3x!tpu.dma_semaphore, #tpu.memory_space<semaphore_mem>> -> memref<1x!tpu.dma_semaphore, #tpu.memory_space<semaphore_mem>>
    %dma_start3A_217 = tpu.memref_squeeze %dma_start3A_216 : memref<1x!tpu.dma_semaphore, #tpu.memory_space<semaphore_mem>> -> memref<!tpu.dma_semaphore, #tpu.memory_space<semaphore_mem>>
    %dma_start3A_218 = arith.constant 0 : i32
    %dma_start3A_219 = tpu.memref_slice %arg5[%add3A_207, %dma_start3A_218] : memref<8192x2048xf32, #tpu.memory_space<hbm>> -> memref<16x2048xf32, #tpu.memory_space<hbm>>
    %dma_start3A_220 = arith.constant 0 : i32
    %dma_start3A_221 = arith.constant 0 : i32
    %dma_start3A_222 = tpu.memref_slice %arg7[%dma_start3A_208, %dma_start3A_220, %dma_start3A_221] : memref<3x16x2048xf32, #tpu.memory_space<vmem>> -> memref<1x16x2048xf32, #tpu.memory_space<vmem>>
    %dma_start3A_223 = tpu.memref_squeeze %dma_start3A_222 : memref<1x16x2048xf32, #tpu.memory_space<vmem>> -> memref<16x2048xf32, #tpu.memory_space<vmem>>
    tpu.enqueue_dma source(%dma_start3A_223 : memref<16x2048xf32, #tpu.memory_space<vmem>>) target(%dma_start3A_219 : memref<16x2048xf32, #tpu.memory_space<hbm>>) target_semaphore(%dma_start3A_217 : memref<!tpu.dma_semaphore, #tpu.memory_space<semaphore_mem>>)
    %dma_wait3A_224 = arith.constant 1 : i32
    %dma_wait3A_225 = arith.constant 1 : i32
    %dma_wait3A_226 = arith.constant 0 : i32
    %dma_wait3A_227 = arith.constant 0 : i32
    %dma_wait3A_228 = tpu.memref_slice %arg7[%dma_wait3A_224, %dma_wait3A_226, %dma_wait3A_227] : memref<3x16x2048xf32, #tpu.memory_space<vmem>> -> memref<1x16x2048xf32, #tpu.memory_space<vmem>>
    %dma_wait3A_229 = tpu.memref_squeeze %dma_wait3A_228 : memref<1x16x2048xf32, #tpu.memory_space<vmem>> -> memref<16x2048xf32, #tpu.memory_space<vmem>>
    %dma_wait3A_230 = arith.constant 0 : i32
    %dma_wait3A_231 = tpu.memref_slice %arg5[%add3A_137, %dma_wait3A_230] : memref<8192x2048xf32, #tpu.memory_space<hbm>> -> memref<16x2048xf32, #tpu.memory_space<hbm>>
    %dma_wait3A_232 = tpu.memref_slice %arg9[%dma_wait3A_225] : memref<3x!tpu.dma_semaphore, #tpu.memory_space<semaphore_mem>> -> memref<1x!tpu.dma_semaphore, #tpu.memory_space<semaphore_mem>>
    %dma_wait3A_233 = tpu.memref_squeeze %dma_wait3A_232 : memref<1x!tpu.dma_semaphore, #tpu.memory_space<semaphore_mem>> -> memref<!tpu.dma_semaphore, #tpu.memory_space<semaphore_mem>>
    %dma_wait3A_234 = arith.constant 0 : i32
    %dma_wait3A_235 = tpu.memref_slice %arg5[%add3A_137, %dma_wait3A_234] : memref<8192x2048xf32, #tpu.memory_space<hbm>> -> memref<16x2048xf32, #tpu.memory_space<hbm>>
    %dma_wait3A_236 = arith.constant 0 : i32
    %dma_wait3A_237 = arith.constant 0 : i32
    %dma_wait3A_238 = tpu.memref_slice %arg7[%dma_wait3A_224, %dma_wait3A_236, %dma_wait3A_237] : memref<3x16x2048xf32, #tpu.memory_space<vmem>> -> memref<1x16x2048xf32, #tpu.memory_space<vmem>>
    %dma_wait3A_239 = tpu.memref_squeeze %dma_wait3A_238 : memref<1x16x2048xf32, #tpu.memory_space<vmem>> -> memref<16x2048xf32, #tpu.memory_space<vmem>>
    tpu.wait_dma2 semaphore(%dma_wait3A_233 : memref<!tpu.dma_semaphore, #tpu.memory_space<semaphore_mem>>) src(%dma_wait3A_239 : memref<16x2048xf32, #tpu.memory_space<vmem>>) dst(%dma_wait3A_235 : memref<16x2048xf32, #tpu.memory_space<hbm>>)
    %add3A_240 = arith.constant 64 : i32
    %add3A_241 = arith.addi %mul3A_2, %add3A_240 : i32
    %ge3A_242 = arith.cmpi sge, %add3A_241, %reduce_max3A_30 : i32
    %add3A_243 = arith.constant 16 : i32
    %add3A_244 = arith.addi %add3A_241, %add3A_243 : i32
    %add3A_245 = arith.constant 256 : i32
    %add3A_246 = arith.addi %reduce_max3A_30, %add3A_245 : i32
    %le3A_247 = arith.cmpi sle, %add3A_244, %add3A_246 : i32
    %and3A_248 = arith.andi %ge3A_242, %le3A_247 : i1
    %convert_element_type3A_249 = arith.extui %and3A_248 : i1 to i32
    %cond3A_250 = arith.constant 1 : i32
    %cond3A_251 = arith.constant 0 : i32
    %cond3A_252 = arith.cmpi ne, %convert_element_type3A_249, %cond3A_251 : i32
    scf.if %cond3A_252 {
      %sub3A_1186 = arith.subi %add3A_241, %reduce_max3A_30 : i32
      %add3A_1187 = arith.addi %mul3A_32, %sub3A_1186 : i32
      %add3A_1188 = vector.broadcast %add3A_1187 : i32 to vector<16xi32>
      %add3A_1189 = arith.addi %add3A_1188, %iota3A : vector<16xi32>
      %dma_start3A_1190 = arith.constant 0 : i32
      %dma_start3A_1191 = arith.constant 0 : i32
      %dma_start3A_1192 = tpu.memref_slice %arg7[%cond3A_250, %dma_start3A_1190, %dma_start3A_1191] : memref<3x16x2048xf32, #tpu.memory_space<vmem>> -> memref<1x16x2048xf32, #tpu.memory_space<vmem>>
      %dma_start3A_1193 = tpu.memref_squeeze %dma_start3A_1192 : memref<1x16x2048xf32, #tpu.memory_space<vmem>> -> memref<16x2048xf32, #tpu.memory_space<vmem>>
      %dma_start3A_1194 = arith.constant 0 : i32
      %dma_start3A_1195 = arith.constant 0 : i32
      %dma_start3A_1196 = tpu.memref_slice %arg3[%dma_start3A_1194, %dma_start3A_1195] : memref<2048x2048xf32, #tpu.memory_space<hbm>> -> memref<2048x2048xf32, #tpu.memory_space<hbm>>
      %dma_start3A_1197 = tpu.memref_slice %arg8[%cond3A_250] : memref<3x!tpu.dma_semaphore, #tpu.memory_space<semaphore_mem>> -> memref<1x!tpu.dma_semaphore, #tpu.memory_space<semaphore_mem>>
      %dma_start3A_1198 = tpu.memref_squeeze %dma_start3A_1197 : memref<1x!tpu.dma_semaphore, #tpu.memory_space<semaphore_mem>> -> memref<!tpu.dma_semaphore, #tpu.memory_space<semaphore_mem>>
      tpu.enqueue_indirect_dma source(%dma_start3A_1196 : memref<2048x2048xf32, #tpu.memory_space<hbm>>) target(%dma_start3A_1193 : memref<16x2048xf32, #tpu.memory_space<vmem>>) offsets(%add3A_1189 : vector<16xi32>) semaphore(%dma_start3A_1198 : memref<!tpu.dma_semaphore, #tpu.memory_space<semaphore_mem>>)
    } else {
    }
    %not3A_253 = arith.constant true
    %not3A_254 = arith.xori %and3A_248, %not3A_253 : i1
    %convert_element_type3A_255 = arith.extui %not3A_254 : i1 to i32
    %cond3A_256 = arith.constant 1 : i32
    %cond3A_257 = arith.constant 0 : i32
    %cond3A_258 = arith.cmpi ne, %convert_element_type3A_255, %cond3A_257 : i32
    scf.if %cond3A_258 {
      %dma_start3A_1186 = arith.constant 0 : i32
      %dma_start3A_1187 = arith.constant 0 : i32
      %dma_start3A_1188 = tpu.memref_slice %arg7[%cond3A_256, %dma_start3A_1186, %dma_start3A_1187] : memref<3x16x2048xf32, #tpu.memory_space<vmem>> -> memref<1x16x2048xf32, #tpu.memory_space<vmem>>
      %dma_start3A_1189 = tpu.memref_squeeze %dma_start3A_1188 : memref<1x16x2048xf32, #tpu.memory_space<vmem>> -> memref<16x2048xf32, #tpu.memory_space<vmem>>
      %dma_start3A_1190 = arith.constant 0 : i32
      %dma_start3A_1191 = tpu.memref_slice %arg2[%add3A_241, %dma_start3A_1190] : memref<8192x2048xf32, #tpu.memory_space<hbm>> -> memref<16x2048xf32, #tpu.memory_space<hbm>>
      %dma_start3A_1192 = tpu.memref_slice %arg8[%cond3A_256] : memref<3x!tpu.dma_semaphore, #tpu.memory_space<semaphore_mem>> -> memref<1x!tpu.dma_semaphore, #tpu.memory_space<semaphore_mem>>
      %dma_start3A_1193 = tpu.memref_squeeze %dma_start3A_1192 : memref<1x!tpu.dma_semaphore, #tpu.memory_space<semaphore_mem>> -> memref<!tpu.dma_semaphore, #tpu.memory_space<semaphore_mem>>
      %dma_start3A_1194 = arith.constant 0 : i32
      %dma_start3A_1195 = arith.constant 0 : i32
      %dma_start3A_1196 = tpu.memref_slice %arg7[%cond3A_256, %dma_start3A_1194, %dma_start3A_1195] : memref<3x16x2048xf32, #tpu.memory_space<vmem>> -> memref<1x16x2048xf32, #tpu.memory_space<vmem>>
      %dma_start3A_1197 = tpu.memref_squeeze %dma_start3A_1196 : memref<1x16x2048xf32, #tpu.memory_space<vmem>> -> memref<16x2048xf32, #tpu.memory_space<vmem>>
      %dma_start3A_1198 = arith.constant 0 : i32
      %dma_start3A_1199 = tpu.memref_slice %arg2[%add3A_241, %dma_start3A_1198] : memref<8192x2048xf32, #tpu.memory_space<hbm>> -> memref<16x2048xf32, #tpu.memory_space<hbm>>
      tpu.enqueue_dma source(%dma_start3A_1199 : memref<16x2048xf32, #tpu.memory_space<hbm>>) target(%dma_start3A_1197 : memref<16x2048xf32, #tpu.memory_space<vmem>>) target_semaphore(%dma_start3A_1193 : memref<!tpu.dma_semaphore, #tpu.memory_space<semaphore_mem>>)
    } else {
    }
    %dma_wait3A_259 = arith.constant 0 : i32
    %dma_wait3A_260 = arith.constant 0 : i32
    %dma_wait3A_261 = arith.constant 0 : i32
    %dma_wait3A_262 = arith.constant 0 : i32
    %dma_wait3A_263 = arith.constant 0 : i32
    %dma_wait3A_264 = tpu.memref_slice %arg7[%dma_wait3A_260, %dma_wait3A_262, %dma_wait3A_263] : memref<3x16x2048xf32, #tpu.memory_space<vmem>> -> memref<1x16x2048xf32, #tpu.memory_space<vmem>>
    %dma_wait3A_265 = tpu.memref_squeeze %dma_wait3A_264 : memref<1x16x2048xf32, #tpu.memory_space<vmem>> -> memref<16x2048xf32, #tpu.memory_space<vmem>>
    %dma_wait3A_266 = arith.constant 0 : i32
    %dma_wait3A_267 = tpu.memref_slice %arg2[%dma_wait3A_259, %dma_wait3A_266] : memref<8192x2048xf32, #tpu.memory_space<hbm>> -> memref<16x2048xf32, #tpu.memory_space<hbm>>
    %dma_wait3A_268 = tpu.memref_slice %arg8[%dma_wait3A_261] : memref<3x!tpu.dma_semaphore, #tpu.memory_space<semaphore_mem>> -> memref<1x!tpu.dma_semaphore, #tpu.memory_space<semaphore_mem>>
    %dma_wait3A_269 = tpu.memref_squeeze %dma_wait3A_268 : memref<1x!tpu.dma_semaphore, #tpu.memory_space<semaphore_mem>> -> memref<!tpu.dma_semaphore, #tpu.memory_space<semaphore_mem>>
    %dma_wait3A_270 = arith.constant 0 : i32
    %dma_wait3A_271 = arith.constant 0 : i32
    %dma_wait3A_272 = tpu.memref_slice %arg7[%dma_wait3A_260, %dma_wait3A_270, %dma_wait3A_271] : memref<3x16x2048xf32, #tpu.memory_space<vmem>> -> memref<1x16x2048xf32, #tpu.memory_space<vmem>>
    %dma_wait3A_273 = tpu.memref_squeeze %dma_wait3A_272 : memref<1x16x2048xf32, #tpu.memory_space<vmem>> -> memref<16x2048xf32, #tpu.memory_space<vmem>>
    %dma_wait3A_274 = arith.constant 0 : i32
    %dma_wait3A_275 = tpu.memref_slice %arg2[%dma_wait3A_259, %dma_wait3A_274] : memref<8192x2048xf32, #tpu.memory_space<hbm>> -> memref<16x2048xf32, #tpu.memory_space<hbm>>
    tpu.wait_dma2 semaphore(%dma_wait3A_269 : memref<!tpu.dma_semaphore, #tpu.memory_space<semaphore_mem>>) src(%dma_wait3A_275 : memref<16x2048xf32, #tpu.memory_space<hbm>>) dst(%dma_wait3A_273 : memref<16x2048xf32, #tpu.memory_space<vmem>>)
    %add3A_276 = arith.constant 48 : i32
    %add3A_277 = arith.addi %mul3A_2, %add3A_276 : i32
    %dma_start3A_278 = arith.constant 0 : i32
    %dma_start3A_279 = arith.constant 0 : i32
    %dma_start3A_280 = arith.constant 0 : i32
    %dma_start3A_281 = arith.constant 0 : i32
    %dma_start3A_282 = tpu.memref_slice %arg7[%dma_start3A_278, %dma_start3A_280, %dma_start3A_281] : memref<3x16x2048xf32, #tpu.memory_space<vmem>> -> memref<1x16x2048xf32, #tpu.memory_space<vmem>>
    %dma_start3A_283 = tpu.memref_squeeze %dma_start3A_282 : memref<1x16x2048xf32, #tpu.memory_space<vmem>> -> memref<16x2048xf32, #tpu.memory_space<vmem>>
    %dma_start3A_284 = arith.constant 0 : i32
    %dma_start3A_285 = tpu.memref_slice %arg5[%add3A_277, %dma_start3A_284] : memref<8192x2048xf32, #tpu.memory_space<hbm>> -> memref<16x2048xf32, #tpu.memory_space<hbm>>
    %dma_start3A_286 = tpu.memref_slice %arg9[%dma_start3A_279] : memref<3x!tpu.dma_semaphore, #tpu.memory_space<semaphore_mem>> -> memref<1x!tpu.dma_semaphore, #tpu.memory_space<semaphore_mem>>
    %dma_start3A_287 = tpu.memref_squeeze %dma_start3A_286 : memref<1x!tpu.dma_semaphore, #tpu.memory_space<semaphore_mem>> -> memref<!tpu.dma_semaphore, #tpu.memory_space<semaphore_mem>>
    %dma_start3A_288 = arith.constant 0 : i32
    %dma_start3A_289 = tpu.memref_slice %arg5[%add3A_277, %dma_start3A_288] : memref<8192x2048xf32, #tpu.memory_space<hbm>> -> memref<16x2048xf32, #tpu.memory_space<hbm>>
    %dma_start3A_290 = arith.constant 0 : i32
    %dma_start3A_291 = arith.constant 0 : i32
    %dma_start3A_292 = tpu.memref_slice %arg7[%dma_start3A_278, %dma_start3A_290, %dma_start3A_291] : memref<3x16x2048xf32, #tpu.memory_space<vmem>> -> memref<1x16x2048xf32, #tpu.memory_space<vmem>>
    %dma_start3A_293 = tpu.memref_squeeze %dma_start3A_292 : memref<1x16x2048xf32, #tpu.memory_space<vmem>> -> memref<16x2048xf32, #tpu.memory_space<vmem>>
    tpu.enqueue_dma source(%dma_start3A_293 : memref<16x2048xf32, #tpu.memory_space<vmem>>) target(%dma_start3A_289 : memref<16x2048xf32, #tpu.memory_space<hbm>>) target_semaphore(%dma_start3A_287 : memref<!tpu.dma_semaphore, #tpu.memory_space<semaphore_mem>>)
    %dma_wait3A_294 = arith.constant 2 : i32
    %dma_wait3A_295 = arith.constant 2 : i32
    %dma_wait3A_296 = arith.constant 0 : i32
    %dma_wait3A_297 = arith.constant 0 : i32
    %dma_wait3A_298 = tpu.memref_slice %arg7[%dma_wait3A_294, %dma_wait3A_296, %dma_wait3A_297] : memref<3x16x2048xf32, #tpu.memory_space<vmem>> -> memref<1x16x2048xf32, #tpu.memory_space<vmem>>
    %dma_wait3A_299 = tpu.memref_squeeze %dma_wait3A_298 : memref<1x16x2048xf32, #tpu.memory_space<vmem>> -> memref<16x2048xf32, #tpu.memory_space<vmem>>
    %dma_wait3A_300 = arith.constant 0 : i32
    %dma_wait3A_301 = tpu.memref_slice %arg5[%add3A_207, %dma_wait3A_300] : memref<8192x2048xf32, #tpu.memory_space<hbm>> -> memref<16x2048xf32, #tpu.memory_space<hbm>>
    %dma_wait3A_302 = tpu.memref_slice %arg9[%dma_wait3A_295] : memref<3x!tpu.dma_semaphore, #tpu.memory_space<semaphore_mem>> -> memref<1x!tpu.dma_semaphore, #tpu.memory_space<semaphore_mem>>
    %dma_wait3A_303 = tpu.memref_squeeze %dma_wait3A_302 : memref<1x!tpu.dma_semaphore, #tpu.memory_space<semaphore_mem>> -> memref<!tpu.dma_semaphore, #tpu.memory_space<semaphore_mem>>
    %dma_wait3A_304 = arith.constant 0 : i32
    %dma_wait3A_305 = tpu.memref_slice %arg5[%add3A_207, %dma_wait3A_304] : memref<8192x2048xf32, #tpu.memory_space<hbm>> -> memref<16x2048xf32, #tpu.memory_space<hbm>>
    %dma_wait3A_306 = arith.constant 0 : i32
    %dma_wait3A_307 = arith.constant 0 : i32
    %dma_wait3A_308 = tpu.memref_slice %arg7[%dma_wait3A_294, %dma_wait3A_306, %dma_wait3A_307] : memref<3x16x2048xf32, #tpu.memory_space<vmem>> -> memref<1x16x2048xf32, #tpu.memory_space<vmem>>
    %dma_wait3A_309 = tpu.memref_squeeze %dma_wait3A_308 : memref<1x16x2048xf32, #tpu.memory_space<vmem>> -> memref<16x2048xf32, #tpu.memory_space<vmem>>
    tpu.wait_dma2 semaphore(%dma_wait3A_303 : memref<!tpu.dma_semaphore, #tpu.memory_space<semaphore_mem>>) src(%dma_wait3A_309 : memref<16x2048xf32, #tpu.memory_space<vmem>>) dst(%dma_wait3A_305 : memref<16x2048xf32, #tpu.memory_space<hbm>>)
    %add3A_310 = arith.constant 80 : i32
    %add3A_311 = arith.addi %mul3A_2, %add3A_310 : i32
    %ge3A_312 = arith.cmpi sge, %add3A_311, %reduce_max3A_30 : i32
    %add3A_313 = arith.constant 16 : i32
    %add3A_314 = arith.addi %add3A_311, %add3A_313 : i32
    %add3A_315 = arith.constant 256 : i32
    %add3A_316 = arith.addi %reduce_max3A_30, %add3A_315 : i32
    %le3A_317 = arith.cmpi sle, %add3A_314, %add3A_316 : i32
    %and3A_318 = arith.andi %ge3A_312, %le3A_317 : i1
    %convert_element_type3A_319 = arith.extui %and3A_318 : i1 to i32
    %cond3A_320 = arith.constant 2 : i32
    %cond3A_321 = arith.constant 0 : i32
    %cond3A_322 = arith.cmpi ne, %convert_element_type3A_319, %cond3A_321 : i32
    scf.if %cond3A_322 {
      %sub3A_1186 = arith.subi %add3A_311, %reduce_max3A_30 : i32
      %add3A_1187 = arith.addi %mul3A_32, %sub3A_1186 : i32
      %add3A_1188 = vector.broadcast %add3A_1187 : i32 to vector<16xi32>
      %add3A_1189 = arith.addi %add3A_1188, %iota3A : vector<16xi32>
      %dma_start3A_1190 = arith.constant 0 : i32
      %dma_start3A_1191 = arith.constant 0 : i32
      %dma_start3A_1192 = tpu.memref_slice %arg7[%cond3A_320, %dma_start3A_1190, %dma_start3A_1191] : memref<3x16x2048xf32, #tpu.memory_space<vmem>> -> memref<1x16x2048xf32, #tpu.memory_space<vmem>>
      %dma_start3A_1193 = tpu.memref_squeeze %dma_start3A_1192 : memref<1x16x2048xf32, #tpu.memory_space<vmem>> -> memref<16x2048xf32, #tpu.memory_space<vmem>>
      %dma_start3A_1194 = arith.constant 0 : i32
      %dma_start3A_1195 = arith.constant 0 : i32
      %dma_start3A_1196 = tpu.memref_slice %arg3[%dma_start3A_1194, %dma_start3A_1195] : memref<2048x2048xf32, #tpu.memory_space<hbm>> -> memref<2048x2048xf32, #tpu.memory_space<hbm>>
      %dma_start3A_1197 = tpu.memref_slice %arg8[%cond3A_320] : memref<3x!tpu.dma_semaphore, #tpu.memory_space<semaphore_mem>> -> memref<1x!tpu.dma_semaphore, #tpu.memory_space<semaphore_mem>>
      %dma_start3A_1198 = tpu.memref_squeeze %dma_start3A_1197 : memref<1x!tpu.dma_semaphore, #tpu.memory_space<semaphore_mem>> -> memref<!tpu.dma_semaphore, #tpu.memory_space<semaphore_mem>>
      tpu.enqueue_indirect_dma source(%dma_start3A_1196 : memref<2048x2048xf32, #tpu.memory_space<hbm>>) target(%dma_start3A_1193 : memref<16x2048xf32, #tpu.memory_space<vmem>>) offsets(%add3A_1189 : vector<16xi32>) semaphore(%dma_start3A_1198 : memref<!tpu.dma_semaphore, #tpu.memory_space<semaphore_mem>>)
    } else {
    }
    %not3A_323 = arith.constant true
    %not3A_324 = arith.xori %and3A_318, %not3A_323 : i1
    %convert_element_type3A_325 = arith.extui %not3A_324 : i1 to i32
    %cond3A_326 = arith.constant 2 : i32
    %cond3A_327 = arith.constant 0 : i32
    %cond3A_328 = arith.cmpi ne, %convert_element_type3A_325, %cond3A_327 : i32
    scf.if %cond3A_328 {
      %dma_start3A_1186 = arith.constant 0 : i32
      %dma_start3A_1187 = arith.constant 0 : i32
      %dma_start3A_1188 = tpu.memref_slice %arg7[%cond3A_326, %dma_start3A_1186, %dma_start3A_1187] : memref<3x16x2048xf32, #tpu.memory_space<vmem>> -> memref<1x16x2048xf32, #tpu.memory_space<vmem>>
      %dma_start3A_1189 = tpu.memref_squeeze %dma_start3A_1188 : memref<1x16x2048xf32, #tpu.memory_space<vmem>> -> memref<16x2048xf32, #tpu.memory_space<vmem>>
      %dma_start3A_1190 = arith.constant 0 : i32
      %dma_start3A_1191 = tpu.memref_slice %arg2[%add3A_311, %dma_start3A_1190] : memref<8192x2048xf32, #tpu.memory_space<hbm>> -> memref<16x2048xf32, #tpu.memory_space<hbm>>
      %dma_start3A_1192 = tpu.memref_slice %arg8[%cond3A_326] : memref<3x!tpu.dma_semaphore, #tpu.memory_space<semaphore_mem>> -> memref<1x!tpu.dma_semaphore, #tpu.memory_space<semaphore_mem>>
      %dma_start3A_1193 = tpu.memref_squeeze %dma_start3A_1192 : memref<1x!tpu.dma_semaphore, #tpu.memory_space<semaphore_mem>> -> memref<!tpu.dma_semaphore, #tpu.memory_space<semaphore_mem>>
      %dma_start3A_1194 = arith.constant 0 : i32
      %dma_start3A_1195 = arith.constant 0 : i32
      %dma_start3A_1196 = tpu.memref_slice %arg7[%cond3A_326, %dma_start3A_1194, %dma_start3A_1195] : memref<3x16x2048xf32, #tpu.memory_space<vmem>> -> memref<1x16x2048xf32, #tpu.memory_space<vmem>>
      %dma_start3A_1197 = tpu.memref_squeeze %dma_start3A_1196 : memref<1x16x2048xf32, #tpu.memory_space<vmem>> -> memref<16x2048xf32, #tpu.memory_space<vmem>>
      %dma_start3A_1198 = arith.constant 0 : i32
      %dma_start3A_1199 = tpu.memref_slice %arg2[%add3A_311, %dma_start3A_1198] : memref<8192x2048xf32, #tpu.memory_space<hbm>> -> memref<16x2048xf32, #tpu.memory_space<hbm>>
      tpu.enqueue_dma source(%dma_start3A_1199 : memref<16x2048xf32, #tpu.memory_space<hbm>>) target(%dma_start3A_1197 : memref<16x2048xf32, #tpu.memory_space<vmem>>) target_semaphore(%dma_start3A_1193 : memref<!tpu.dma_semaphore, #tpu.memory_space<semaphore_mem>>)
    } else {
    }
    %dma_wait3A_329 = arith.constant 0 : i32
    %dma_wait3A_330 = arith.constant 1 : i32
    %dma_wait3A_331 = arith.constant 1 : i32
    %dma_wait3A_332 = arith.constant 0 : i32
    %dma_wait3A_333 = arith.constant 0 : i32
    %dma_wait3A_334 = tpu.memref_slice %arg7[%dma_wait3A_330, %dma_wait3A_332, %dma_wait3A_333] : memref<3x16x2048xf32, #tpu.memory_space<vmem>> -> memref<1x16x2048xf32, #tpu.memory_space<vmem>>
    %dma_wait3A_335 = tpu.memref_squeeze %dma_wait3A_334 : memref<1x16x2048xf32, #tpu.memory_space<vmem>> -> memref<16x2048xf32, #tpu.memory_space<vmem>>
    %dma_wait3A_336 = arith.constant 0 : i32
    %dma_wait3A_337 = tpu.memref_slice %arg2[%dma_wait3A_329, %dma_wait3A_336] : memref<8192x2048xf32, #tpu.memory_space<hbm>> -> memref<16x2048xf32, #tpu.memory_space<hbm>>
    %dma_wait3A_338 = tpu.memref_slice %arg8[%dma_wait3A_331] : memref<3x!tpu.dma_semaphore, #tpu.memory_space<semaphore_mem>> -> memref<1x!tpu.dma_semaphore, #tpu.memory_space<semaphore_mem>>
    %dma_wait3A_339 = tpu.memref_squeeze %dma_wait3A_338 : memref<1x!tpu.dma_semaphore, #tpu.memory_space<semaphore_mem>> -> memref<!tpu.dma_semaphore, #tpu.memory_space<semaphore_mem>>
    %dma_wait3A_340 = arith.constant 0 : i32
    %dma_wait3A_341 = arith.constant 0 : i32
    %dma_wait3A_342 = tpu.memref_slice %arg7[%dma_wait3A_330, %dma_wait3A_340, %dma_wait3A_341] : memref<3x16x2048xf32, #tpu.memory_space<vmem>> -> memref<1x16x2048xf32, #tpu.memory_space<vmem>>
    %dma_wait3A_343 = tpu.memref_squeeze %dma_wait3A_342 : memref<1x16x2048xf32, #tpu.memory_space<vmem>> -> memref<16x2048xf32, #tpu.memory_space<vmem>>
    %dma_wait3A_344 = arith.constant 0 : i32
    %dma_wait3A_345 = tpu.memref_slice %arg2[%dma_wait3A_329, %dma_wait3A_344] : memref<8192x2048xf32, #tpu.memory_space<hbm>> -> memref<16x2048xf32, #tpu.memory_space<hbm>>
    tpu.wait_dma2 semaphore(%dma_wait3A_339 : memref<!tpu.dma_semaphore, #tpu.memory_space<semaphore_mem>>) src(%dma_wait3A_345 : memref<16x2048xf32, #tpu.memory_space<hbm>>) dst(%dma_wait3A_343 : memref<16x2048xf32, #tpu.memory_space<vmem>>)
    %add3A_346 = arith.constant 64 : i32
    %add3A_347 = arith.addi %mul3A_2, %add3A_346 : i32
    %dma_start3A_348 = arith.constant 1 : i32
    %dma_start3A_349 = arith.constant 1 : i32
    %dma_start3A_350 = arith.constant 0 : i32
    %dma_start3A_351 = arith.constant 0 : i32
    %dma_start3A_352 = tpu.memref_slice %arg7[%dma_start3A_348, %dma_start3A_350, %dma_start3A_351] : memref<3x16x2048xf32, #tpu.memory_space<vmem>> -> memref<1x16x2048xf32, #tpu.memory_space<vmem>>
    %dma_start3A_353 = tpu.memref_squeeze %dma_start3A_352 : memref<1x16x2048xf32, #tpu.memory_space<vmem>> -> memref<16x2048xf32, #tpu.memory_space<vmem>>
    %dma_start3A_354 = arith.constant 0 : i32
    %dma_start3A_355 = tpu.memref_slice %arg5[%add3A_347, %dma_start3A_354] : memref<8192x2048xf32, #tpu.memory_space<hbm>> -> memref<16x2048xf32, #tpu.memory_space<hbm>>
    %dma_start3A_356 = tpu.memref_slice %arg9[%dma_start3A_349] : memref<3x!tpu.dma_semaphore, #tpu.memory_space<semaphore_mem>> -> memref<1x!tpu.dma_semaphore, #tpu.memory_space<semaphore_mem>>
    %dma_start3A_357 = tpu.memref_squeeze %dma_start3A_356 : memref<1x!tpu.dma_semaphore, #tpu.memory_space<semaphore_mem>> -> memref<!tpu.dma_semaphore, #tpu.memory_space<semaphore_mem>>
    %dma_start3A_358 = arith.constant 0 : i32
    %dma_start3A_359 = tpu.memref_slice %arg5[%add3A_347, %dma_start3A_358] : memref<8192x2048xf32, #tpu.memory_space<hbm>> -> memref<16x2048xf32, #tpu.memory_space<hbm>>
    %dma_start3A_360 = arith.constant 0 : i32
    %dma_start3A_361 = arith.constant 0 : i32
    %dma_start3A_362 = tpu.memref_slice %arg7[%dma_start3A_348, %dma_start3A_360, %dma_start3A_361] : memref<3x16x2048xf32, #tpu.memory_space<vmem>> -> memref<1x16x2048xf32, #tpu.memory_space<vmem>>
    %dma_start3A_363 = tpu.memref_squeeze %dma_start3A_362 : memref<1x16x2048xf32, #tpu.memory_space<vmem>> -> memref<16x2048xf32, #tpu.memory_space<vmem>>
    tpu.enqueue_dma source(%dma_start3A_363 : memref<16x2048xf32, #tpu.memory_space<vmem>>) target(%dma_start3A_359 : memref<16x2048xf32, #tpu.memory_space<hbm>>) target_semaphore(%dma_start3A_357 : memref<!tpu.dma_semaphore, #tpu.memory_space<semaphore_mem>>)
    %dma_wait3A_364 = arith.constant 0 : i32
    %dma_wait3A_365 = arith.constant 0 : i32
    %dma_wait3A_366 = arith.constant 0 : i32
    %dma_wait3A_367 = arith.constant 0 : i32
    %dma_wait3A_368 = tpu.memref_slice %arg7[%dma_wait3A_364, %dma_wait3A_366, %dma_wait3A_367] : memref<3x16x2048xf32, #tpu.memory_space<vmem>> -> memref<1x16x2048xf32, #tpu.memory_space<vmem>>
    %dma_wait3A_369 = tpu.memref_squeeze %dma_wait3A_368 : memref<1x16x2048xf32, #tpu.memory_space<vmem>> -> memref<16x2048xf32, #tpu.memory_space<vmem>>
    %dma_wait3A_370 = arith.constant 0 : i32
    %dma_wait3A_371 = tpu.memref_slice %arg5[%add3A_277, %dma_wait3A_370] : memref<8192x2048xf32, #tpu.memory_space<hbm>> -> memref<16x2048xf32, #tpu.memory_space<hbm>>
    %dma_wait3A_372 = tpu.memref_slice %arg9[%dma_wait3A_365] : memref<3x!tpu.dma_semaphore, #tpu.memory_space<semaphore_mem>> -> memref<1x!tpu.dma_semaphore, #tpu.memory_space<semaphore_mem>>
    %dma_wait3A_373 = tpu.memref_squeeze %dma_wait3A_372 : memref<1x!tpu.dma_semaphore, #tpu.memory_space<semaphore_mem>> -> memref<!tpu.dma_semaphore, #tpu.memory_space<semaphore_mem>>
    %dma_wait3A_374 = arith.constant 0 : i32
    %dma_wait3A_375 = tpu.memref_slice %arg5[%add3A_277, %dma_wait3A_374] : memref<8192x2048xf32, #tpu.memory_space<hbm>> -> memref<16x2048xf32, #tpu.memory_space<hbm>>
    %dma_wait3A_376 = arith.constant 0 : i32
    %dma_wait3A_377 = arith.constant 0 : i32
    %dma_wait3A_378 = tpu.memref_slice %arg7[%dma_wait3A_364, %dma_wait3A_376, %dma_wait3A_377] : memref<3x16x2048xf32, #tpu.memory_space<vmem>> -> memref<1x16x2048xf32, #tpu.memory_space<vmem>>
    %dma_wait3A_379 = tpu.memref_squeeze %dma_wait3A_378 : memref<1x16x2048xf32, #tpu.memory_space<vmem>> -> memref<16x2048xf32, #tpu.memory_space<vmem>>
    tpu.wait_dma2 semaphore(%dma_wait3A_373 : memref<!tpu.dma_semaphore, #tpu.memory_space<semaphore_mem>>) src(%dma_wait3A_379 : memref<16x2048xf32, #tpu.memory_space<vmem>>) dst(%dma_wait3A_375 : memref<16x2048xf32, #tpu.memory_space<hbm>>)
    %add3A_380 = arith.constant 96 : i32
    %add3A_381 = arith.addi %mul3A_2, %add3A_380 : i32
    %ge3A_382 = arith.cmpi sge, %add3A_381, %reduce_max3A_30 : i32
    %add3A_383 = arith.constant 16 : i32
    %add3A_384 = arith.addi %add3A_381, %add3A_383 : i32
    %add3A_385 = arith.constant 256 : i32
    %add3A_386 = arith.addi %reduce_max3A_30, %add3A_385 : i32
    %le3A_387 = arith.cmpi sle, %add3A_384, %add3A_386 : i32
    %and3A_388 = arith.andi %ge3A_382, %le3A_387 : i1
    %convert_element_type3A_389 = arith.extui %and3A_388 : i1 to i32
    %cond3A_390 = arith.constant 0 : i32
    %cond3A_391 = arith.constant 0 : i32
    %cond3A_392 = arith.cmpi ne, %convert_element_type3A_389, %cond3A_391 : i32
    scf.if %cond3A_392 {
      %sub3A_1186 = arith.subi %add3A_381, %reduce_max3A_30 : i32
      %add3A_1187 = arith.addi %mul3A_32, %sub3A_1186 : i32
      %add3A_1188 = vector.broadcast %add3A_1187 : i32 to vector<16xi32>
      %add3A_1189 = arith.addi %add3A_1188, %iota3A : vector<16xi32>
      %dma_start3A_1190 = arith.constant 0 : i32
      %dma_start3A_1191 = arith.constant 0 : i32
      %dma_start3A_1192 = tpu.memref_slice %arg7[%cond3A_390, %dma_start3A_1190, %dma_start3A_1191] : memref<3x16x2048xf32, #tpu.memory_space<vmem>> -> memref<1x16x2048xf32, #tpu.memory_space<vmem>>
      %dma_start3A_1193 = tpu.memref_squeeze %dma_start3A_1192 : memref<1x16x2048xf32, #tpu.memory_space<vmem>> -> memref<16x2048xf32, #tpu.memory_space<vmem>>
      %dma_start3A_1194 = arith.constant 0 : i32
      %dma_start3A_1195 = arith.constant 0 : i32
      %dma_start3A_1196 = tpu.memref_slice %arg3[%dma_start3A_1194, %dma_start3A_1195] : memref<2048x2048xf32, #tpu.memory_space<hbm>> -> memref<2048x2048xf32, #tpu.memory_space<hbm>>
      %dma_start3A_1197 = tpu.memref_slice %arg8[%cond3A_390] : memref<3x!tpu.dma_semaphore, #tpu.memory_space<semaphore_mem>> -> memref<1x!tpu.dma_semaphore, #tpu.memory_space<semaphore_mem>>
      %dma_start3A_1198 = tpu.memref_squeeze %dma_start3A_1197 : memref<1x!tpu.dma_semaphore, #tpu.memory_space<semaphore_mem>> -> memref<!tpu.dma_semaphore, #tpu.memory_space<semaphore_mem>>
      tpu.enqueue_indirect_dma source(%dma_start3A_1196 : memref<2048x2048xf32, #tpu.memory_space<hbm>>) target(%dma_start3A_1193 : memref<16x2048xf32, #tpu.memory_space<vmem>>) offsets(%add3A_1189 : vector<16xi32>) semaphore(%dma_start3A_1198 : memref<!tpu.dma_semaphore, #tpu.memory_space<semaphore_mem>>)
    } else {
    }
    %not3A_393 = arith.constant true
    %not3A_394 = arith.xori %and3A_388, %not3A_393 : i1
    %convert_element_type3A_395 = arith.extui %not3A_394 : i1 to i32
    %cond3A_396 = arith.constant 0 : i32
    %cond3A_397 = arith.constant 0 : i32
    %cond3A_398 = arith.cmpi ne, %convert_element_type3A_395, %cond3A_397 : i32
    scf.if %cond3A_398 {
      %dma_start3A_1186 = arith.constant 0 : i32
      %dma_start3A_1187 = arith.constant 0 : i32
      %dma_start3A_1188 = tpu.memref_slice %arg7[%cond3A_396, %dma_start3A_1186, %dma_start3A_1187] : memref<3x16x2048xf32, #tpu.memory_space<vmem>> -> memref<1x16x2048xf32, #tpu.memory_space<vmem>>
      %dma_start3A_1189 = tpu.memref_squeeze %dma_start3A_1188 : memref<1x16x2048xf32, #tpu.memory_space<vmem>> -> memref<16x2048xf32, #tpu.memory_space<vmem>>
      %dma_start3A_1190 = arith.constant 0 : i32
      %dma_start3A_1191 = tpu.memref_slice %arg2[%add3A_381, %dma_start3A_1190] : memref<8192x2048xf32, #tpu.memory_space<hbm>> -> memref<16x2048xf32, #tpu.memory_space<hbm>>
      %dma_start3A_1192 = tpu.memref_slice %arg8[%cond3A_396] : memref<3x!tpu.dma_semaphore, #tpu.memory_space<semaphore_mem>> -> memref<1x!tpu.dma_semaphore, #tpu.memory_space<semaphore_mem>>
      %dma_start3A_1193 = tpu.memref_squeeze %dma_start3A_1192 : memref<1x!tpu.dma_semaphore, #tpu.memory_space<semaphore_mem>> -> memref<!tpu.dma_semaphore, #tpu.memory_space<semaphore_mem>>
      %dma_start3A_1194 = arith.constant 0 : i32
      %dma_start3A_1195 = arith.constant 0 : i32
      %dma_start3A_1196 = tpu.memref_slice %arg7[%cond3A_396, %dma_start3A_1194, %dma_start3A_1195] : memref<3x16x2048xf32, #tpu.memory_space<vmem>> -> memref<1x16x2048xf32, #tpu.memory_space<vmem>>
      %dma_start3A_1197 = tpu.memref_squeeze %dma_start3A_1196 : memref<1x16x2048xf32, #tpu.memory_space<vmem>> -> memref<16x2048xf32, #tpu.memory_space<vmem>>
      %dma_start3A_1198 = arith.constant 0 : i32
      %dma_start3A_1199 = tpu.memref_slice %arg2[%add3A_381, %dma_start3A_1198] : memref<8192x2048xf32, #tpu.memory_space<hbm>> -> memref<16x2048xf32, #tpu.memory_space<hbm>>
      tpu.enqueue_dma source(%dma_start3A_1199 : memref<16x2048xf32, #tpu.memory_space<hbm>>) target(%dma_start3A_1197 : memref<16x2048xf32, #tpu.memory_space<vmem>>) target_semaphore(%dma_start3A_1193 : memref<!tpu.dma_semaphore, #tpu.memory_space<semaphore_mem>>)
    } else {
    }
    %dma_wait3A_399 = arith.constant 0 : i32
    %dma_wait3A_400 = arith.constant 2 : i32
    %dma_wait3A_401 = arith.constant 2 : i32
    %dma_wait3A_402 = arith.constant 0 : i32
    %dma_wait3A_403 = arith.constant 0 : i32
    %dma_wait3A_404 = tpu.memref_slice %arg7[%dma_wait3A_400, %dma_wait3A_402, %dma_wait3A_403] : memref<3x16x2048xf32, #tpu.memory_space<vmem>> -> memref<1x16x2048xf32, #tpu.memory_space<vmem>>
    %dma_wait3A_405 = tpu.memref_squeeze %dma_wait3A_404 : memref<1x16x2048xf32, #tpu.memory_space<vmem>> -> memref<16x2048xf32, #tpu.memory_space<vmem>>
    %dma_wait3A_406 = arith.constant 0 : i32
    %dma_wait3A_407 = tpu.memref_slice %arg2[%dma_wait3A_399, %dma_wait3A_406] : memref<8192x2048xf32, #tpu.memory_space<hbm>> -> memref<16x2048xf32, #tpu.memory_space<hbm>>
    %dma_wait3A_408 = tpu.memref_slice %arg8[%dma_wait3A_401] : memref<3x!tpu.dma_semaphore, #tpu.memory_space<semaphore_mem>> -> memref<1x!tpu.dma_semaphore, #tpu.memory_space<semaphore_mem>>
    %dma_wait3A_409 = tpu.memref_squeeze %dma_wait3A_408 : memref<1x!tpu.dma_semaphore, #tpu.memory_space<semaphore_mem>> -> memref<!tpu.dma_semaphore, #tpu.memory_space<semaphore_mem>>
    %dma_wait3A_410 = arith.constant 0 : i32
    %dma_wait3A_411 = arith.constant 0 : i32
    %dma_wait3A_412 = tpu.memref_slice %arg7[%dma_wait3A_400, %dma_wait3A_410, %dma_wait3A_411] : memref<3x16x2048xf32, #tpu.memory_space<vmem>> -> memref<1x16x2048xf32, #tpu.memory_space<vmem>>
    %dma_wait3A_413 = tpu.memref_squeeze %dma_wait3A_412 : memref<1x16x2048xf32, #tpu.memory_space<vmem>> -> memref<16x2048xf32, #tpu.memory_space<vmem>>
    %dma_wait3A_414 = arith.constant 0 : i32
    %dma_wait3A_415 = tpu.memref_slice %arg2[%dma_wait3A_399, %dma_wait3A_414] : memref<8192x2048xf32, #tpu.memory_space<hbm>> -> memref<16x2048xf32, #tpu.memory_space<hbm>>
    tpu.wait_dma2 semaphore(%dma_wait3A_409 : memref<!tpu.dma_semaphore, #tpu.memory_space<semaphore_mem>>) src(%dma_wait3A_415 : memref<16x2048xf32, #tpu.memory_space<hbm>>) dst(%dma_wait3A_413 : memref<16x2048xf32, #tpu.memory_space<vmem>>)
    %add3A_416 = arith.constant 80 : i32
    %add3A_417 = arith.addi %mul3A_2, %add3A_416 : i32
    %dma_start3A_418 = arith.constant 2 : i32
    %dma_start3A_419 = arith.constant 2 : i32
    %dma_start3A_420 = arith.constant 0 : i32
    %dma_start3A_421 = arith.constant 0 : i32
    %dma_start3A_422 = tpu.memref_slice %arg7[%dma_start3A_418, %dma_start3A_420, %dma_start3A_421] : memref<3x16x2048xf32, #tpu.memory_space<vmem>> -> memref<1x16x2048xf32, #tpu.memory_space<vmem>>
    %dma_start3A_423 = tpu.memref_squeeze %dma_start3A_422 : memref<1x16x2048xf32, #tpu.memory_space<vmem>> -> memref<16x2048xf32, #tpu.memory_space<vmem>>
    %dma_start3A_424 = arith.constant 0 : i32
    %dma_start3A_425 = tpu.memref_slice %arg5[%add3A_417, %dma_start3A_424] : memref<8192x2048xf32, #tpu.memory_space<hbm>> -> memref<16x2048xf32, #tpu.memory_space<hbm>>
    %dma_start3A_426 = tpu.memref_slice %arg9[%dma_start3A_419] : memref<3x!tpu.dma_semaphore, #tpu.memory_space<semaphore_mem>> -> memref<1x!tpu.dma_semaphore, #tpu.memory_space<semaphore_mem>>
    %dma_start3A_427 = tpu.memref_squeeze %dma_start3A_426 : memref<1x!tpu.dma_semaphore, #tpu.memory_space<semaphore_mem>> -> memref<!tpu.dma_semaphore, #tpu.memory_space<semaphore_mem>>
    %dma_start3A_428 = arith.constant 0 : i32
    %dma_start3A_429 = tpu.memref_slice %arg5[%add3A_417, %dma_start3A_428] : memref<8192x2048xf32, #tpu.memory_space<hbm>> -> memref<16x2048xf32, #tpu.memory_space<hbm>>
    %dma_start3A_430 = arith.constant 0 : i32
    %dma_start3A_431 = arith.constant 0 : i32
    %dma_start3A_432 = tpu.memref_slice %arg7[%dma_start3A_418, %dma_start3A_430, %dma_start3A_431] : memref<3x16x2048xf32, #tpu.memory_space<vmem>> -> memref<1x16x2048xf32, #tpu.memory_space<vmem>>
    %dma_start3A_433 = tpu.memref_squeeze %dma_start3A_432 : memref<1x16x2048xf32, #tpu.memory_space<vmem>> -> memref<16x2048xf32, #tpu.memory_space<vmem>>
    tpu.enqueue_dma source(%dma_start3A_433 : memref<16x2048xf32, #tpu.memory_space<vmem>>) target(%dma_start3A_429 : memref<16x2048xf32, #tpu.memory_space<hbm>>) target_semaphore(%dma_start3A_427 : memref<!tpu.dma_semaphore, #tpu.memory_space<semaphore_mem>>)
    %dma_wait3A_434 = arith.constant 1 : i32
    %dma_wait3A_435 = arith.constant 1 : i32
    %dma_wait3A_436 = arith.constant 0 : i32
    %dma_wait3A_437 = arith.constant 0 : i32
    %dma_wait3A_438 = tpu.memref_slice %arg7[%dma_wait3A_434, %dma_wait3A_436, %dma_wait3A_437] : memref<3x16x2048xf32, #tpu.memory_space<vmem>> -> memref<1x16x2048xf32, #tpu.memory_space<vmem>>
    %dma_wait3A_439 = tpu.memref_squeeze %dma_wait3A_438 : memref<1x16x2048xf32, #tpu.memory_space<vmem>> -> memref<16x2048xf32, #tpu.memory_space<vmem>>
    %dma_wait3A_440 = arith.constant 0 : i32
    %dma_wait3A_441 = tpu.memref_slice %arg5[%add3A_347, %dma_wait3A_440] : memref<8192x2048xf32, #tpu.memory_space<hbm>> -> memref<16x2048xf32, #tpu.memory_space<hbm>>
    %dma_wait3A_442 = tpu.memref_slice %arg9[%dma_wait3A_435] : memref<3x!tpu.dma_semaphore, #tpu.memory_space<semaphore_mem>> -> memref<1x!tpu.dma_semaphore, #tpu.memory_space<semaphore_mem>>
    %dma_wait3A_443 = tpu.memref_squeeze %dma_wait3A_442 : memref<1x!tpu.dma_semaphore, #tpu.memory_space<semaphore_mem>> -> memref<!tpu.dma_semaphore, #tpu.memory_space<semaphore_mem>>
    %dma_wait3A_444 = arith.constant 0 : i32
    %dma_wait3A_445 = tpu.memref_slice %arg5[%add3A_347, %dma_wait3A_444] : memref<8192x2048xf32, #tpu.memory_space<hbm>> -> memref<16x2048xf32, #tpu.memory_space<hbm>>
    %dma_wait3A_446 = arith.constant 0 : i32
    %dma_wait3A_447 = arith.constant 0 : i32
    %dma_wait3A_448 = tpu.memref_slice %arg7[%dma_wait3A_434, %dma_wait3A_446, %dma_wait3A_447] : memref<3x16x2048xf32, #tpu.memory_space<vmem>> -> memref<1x16x2048xf32, #tpu.memory_space<vmem>>
    %dma_wait3A_449 = tpu.memref_squeeze %dma_wait3A_448 : memref<1x16x2048xf32, #tpu.memory_space<vmem>> -> memref<16x2048xf32, #tpu.memory_space<vmem>>
    tpu.wait_dma2 semaphore(%dma_wait3A_443 : memref<!tpu.dma_semaphore, #tpu.memory_space<semaphore_mem>>) src(%dma_wait3A_449 : memref<16x2048xf32, #tpu.memory_space<vmem>>) dst(%dma_wait3A_445 : memref<16x2048xf32, #tpu.memory_space<hbm>>)
    %add3A_450 = arith.constant 112 : i32
    %add3A_451 = arith.addi %mul3A_2, %add3A_450 : i32
    %ge3A_452 = arith.cmpi sge, %add3A_451, %reduce_max3A_30 : i32
    %add3A_453 = arith.constant 16 : i32
    %add3A_454 = arith.addi %add3A_451, %add3A_453 : i32
    %add3A_455 = arith.constant 256 : i32
    %add3A_456 = arith.addi %reduce_max3A_30, %add3A_455 : i32
    %le3A_457 = arith.cmpi sle, %add3A_454, %add3A_456 : i32
    %and3A_458 = arith.andi %ge3A_452, %le3A_457 : i1
    %convert_element_type3A_459 = arith.extui %and3A_458 : i1 to i32
    %cond3A_460 = arith.constant 1 : i32
    %cond3A_461 = arith.constant 0 : i32
    %cond3A_462 = arith.cmpi ne, %convert_element_type3A_459, %cond3A_461 : i32
    scf.if %cond3A_462 {
      %sub3A_1186 = arith.subi %add3A_451, %reduce_max3A_30 : i32
      %add3A_1187 = arith.addi %mul3A_32, %sub3A_1186 : i32
      %add3A_1188 = vector.broadcast %add3A_1187 : i32 to vector<16xi32>
      %add3A_1189 = arith.addi %add3A_1188, %iota3A : vector<16xi32>
      %dma_start3A_1190 = arith.constant 0 : i32
      %dma_start3A_1191 = arith.constant 0 : i32
      %dma_start3A_1192 = tpu.memref_slice %arg7[%cond3A_460, %dma_start3A_1190, %dma_start3A_1191] : memref<3x16x2048xf32, #tpu.memory_space<vmem>> -> memref<1x16x2048xf32, #tpu.memory_space<vmem>>
      %dma_start3A_1193 = tpu.memref_squeeze %dma_start3A_1192 : memref<1x16x2048xf32, #tpu.memory_space<vmem>> -> memref<16x2048xf32, #tpu.memory_space<vmem>>
      %dma_start3A_1194 = arith.constant 0 : i32
      %dma_start3A_1195 = arith.constant 0 : i32
      %dma_start3A_1196 = tpu.memref_slice %arg3[%dma_start3A_1194, %dma_start3A_1195] : memref<2048x2048xf32, #tpu.memory_space<hbm>> -> memref<2048x2048xf32, #tpu.memory_space<hbm>>
      %dma_start3A_1197 = tpu.memref_slice %arg8[%cond3A_460] : memref<3x!tpu.dma_semaphore, #tpu.memory_space<semaphore_mem>> -> memref<1x!tpu.dma_semaphore, #tpu.memory_space<semaphore_mem>>
      %dma_start3A_1198 = tpu.memref_squeeze %dma_start3A_1197 : memref<1x!tpu.dma_semaphore, #tpu.memory_space<semaphore_mem>> -> memref<!tpu.dma_semaphore, #tpu.memory_space<semaphore_mem>>
      tpu.enqueue_indirect_dma source(%dma_start3A_1196 : memref<2048x2048xf32, #tpu.memory_space<hbm>>) target(%dma_start3A_1193 : memref<16x2048xf32, #tpu.memory_space<vmem>>) offsets(%add3A_1189 : vector<16xi32>) semaphore(%dma_start3A_1198 : memref<!tpu.dma_semaphore, #tpu.memory_space<semaphore_mem>>)
    } else {
    }
    %not3A_463 = arith.constant true
    %not3A_464 = arith.xori %and3A_458, %not3A_463 : i1
    %convert_element_type3A_465 = arith.extui %not3A_464 : i1 to i32
    %cond3A_466 = arith.constant 1 : i32
    %cond3A_467 = arith.constant 0 : i32
    %cond3A_468 = arith.cmpi ne, %convert_element_type3A_465, %cond3A_467 : i32
    scf.if %cond3A_468 {
      %dma_start3A_1186 = arith.constant 0 : i32
      %dma_start3A_1187 = arith.constant 0 : i32
      %dma_start3A_1188 = tpu.memref_slice %arg7[%cond3A_466, %dma_start3A_1186, %dma_start3A_1187] : memref<3x16x2048xf32, #tpu.memory_space<vmem>> -> memref<1x16x2048xf32, #tpu.memory_space<vmem>>
      %dma_start3A_1189 = tpu.memref_squeeze %dma_start3A_1188 : memref<1x16x2048xf32, #tpu.memory_space<vmem>> -> memref<16x2048xf32, #tpu.memory_space<vmem>>
      %dma_start3A_1190 = arith.constant 0 : i32
      %dma_start3A_1191 = tpu.memref_slice %arg2[%add3A_451, %dma_start3A_1190] : memref<8192x2048xf32, #tpu.memory_space<hbm>> -> memref<16x2048xf32, #tpu.memory_space<hbm>>
      %dma_start3A_1192 = tpu.memref_slice %arg8[%cond3A_466] : memref<3x!tpu.dma_semaphore, #tpu.memory_space<semaphore_mem>> -> memref<1x!tpu.dma_semaphore, #tpu.memory_space<semaphore_mem>>
      %dma_start3A_1193 = tpu.memref_squeeze %dma_start3A_1192 : memref<1x!tpu.dma_semaphore, #tpu.memory_space<semaphore_mem>> -> memref<!tpu.dma_semaphore, #tpu.memory_space<semaphore_mem>>
      %dma_start3A_1194 = arith.constant 0 : i32
      %dma_start3A_1195 = arith.constant 0 : i32
      %dma_start3A_1196 = tpu.memref_slice %arg7[%cond3A_466, %dma_start3A_1194, %dma_start3A_1195] : memref<3x16x2048xf32, #tpu.memory_space<vmem>> -> memref<1x16x2048xf32, #tpu.memory_space<vmem>>
      %dma_start3A_1197 = tpu.memref_squeeze %dma_start3A_1196 : memref<1x16x2048xf32, #tpu.memory_space<vmem>> -> memref<16x2048xf32, #tpu.memory_space<vmem>>
      %dma_start3A_1198 = arith.constant 0 : i32
      %dma_start3A_1199 = tpu.memref_slice %arg2[%add3A_451, %dma_start3A_1198] : memref<8192x2048xf32, #tpu.memory_space<hbm>> -> memref<16x2048xf32, #tpu.memory_space<hbm>>
      tpu.enqueue_dma source(%dma_start3A_1199 : memref<16x2048xf32, #tpu.memory_space<hbm>>) target(%dma_start3A_1197 : memref<16x2048xf32, #tpu.memory_space<vmem>>) target_semaphore(%dma_start3A_1193 : memref<!tpu.dma_semaphore, #tpu.memory_space<semaphore_mem>>)
    } else {
    }
    %dma_wait3A_469 = arith.constant 0 : i32
    %dma_wait3A_470 = arith.constant 0 : i32
    %dma_wait3A_471 = arith.constant 0 : i32
    %dma_wait3A_472 = arith.constant 0 : i32
    %dma_wait3A_473 = arith.constant 0 : i32
    %dma_wait3A_474 = tpu.memref_slice %arg7[%dma_wait3A_470, %dma_wait3A_472, %dma_wait3A_473] : memref<3x16x2048xf32, #tpu.memory_space<vmem>> -> memref<1x16x2048xf32, #tpu.memory_space<vmem>>
    %dma_wait3A_475 = tpu.memref_squeeze %dma_wait3A_474 : memref<1x16x2048xf32, #tpu.memory_space<vmem>> -> memref<16x2048xf32, #tpu.memory_space<vmem>>
    %dma_wait3A_476 = arith.constant 0 : i32
    %dma_wait3A_477 = tpu.memref_slice %arg2[%dma_wait3A_469, %dma_wait3A_476] : memref<8192x2048xf32, #tpu.memory_space<hbm>> -> memref<16x2048xf32, #tpu.memory_space<hbm>>
    %dma_wait3A_478 = tpu.memref_slice %arg8[%dma_wait3A_471] : memref<3x!tpu.dma_semaphore, #tpu.memory_space<semaphore_mem>> -> memref<1x!tpu.dma_semaphore, #tpu.memory_space<semaphore_mem>>
    %dma_wait3A_479 = tpu.memref_squeeze %dma_wait3A_478 : memref<1x!tpu.dma_semaphore, #tpu.memory_space<semaphore_mem>> -> memref<!tpu.dma_semaphore, #tpu.memory_space<semaphore_mem>>
    %dma_wait3A_480 = arith.constant 0 : i32
    %dma_wait3A_481 = arith.constant 0 : i32
    %dma_wait3A_482 = tpu.memref_slice %arg7[%dma_wait3A_470, %dma_wait3A_480, %dma_wait3A_481] : memref<3x16x2048xf32, #tpu.memory_space<vmem>> -> memref<1x16x2048xf32, #tpu.memory_space<vmem>>
    %dma_wait3A_483 = tpu.memref_squeeze %dma_wait3A_482 : memref<1x16x2048xf32, #tpu.memory_space<vmem>> -> memref<16x2048xf32, #tpu.memory_space<vmem>>
    %dma_wait3A_484 = arith.constant 0 : i32
    %dma_wait3A_485 = tpu.memref_slice %arg2[%dma_wait3A_469, %dma_wait3A_484] : memref<8192x2048xf32, #tpu.memory_space<hbm>> -> memref<16x2048xf32, #tpu.memory_space<hbm>>
    tpu.wait_dma2 semaphore(%dma_wait3A_479 : memref<!tpu.dma_semaphore, #tpu.memory_space<semaphore_mem>>) src(%dma_wait3A_485 : memref<16x2048xf32, #tpu.memory_space<hbm>>) dst(%dma_wait3A_483 : memref<16x2048xf32, #tpu.memory_space<vmem>>)
    %add3A_486 = arith.constant 96 : i32
    %add3A_487 = arith.addi %mul3A_2, %add3A_486 : i32
    %dma_start3A_488 = arith.constant 0 : i32
    %dma_start3A_489 = arith.constant 0 : i32
    %dma_start3A_490 = arith.constant 0 : i32
    %dma_start3A_491 = arith.constant 0 : i32
    %dma_start3A_492 = tpu.memref_slice %arg7[%dma_start3A_488, %dma_start3A_490, %dma_start3A_491] : memref<3x16x2048xf32, #tpu.memory_space<vmem>> -> memref<1x16x2048xf32, #tpu.memory_space<vmem>>
    %dma_start3A_493 = tpu.memref_squeeze %dma_start3A_492 : memref<1x16x2048xf32, #tpu.memory_space<vmem>> -> memref<16x2048xf32, #tpu.memory_space<vmem>>
    %dma_start3A_494 = arith.constant 0 : i32
    %dma_start3A_495 = tpu.memref_slice %arg5[%add3A_487, %dma_start3A_494] : memref<8192x2048xf32, #tpu.memory_space<hbm>> -> memref<16x2048xf32, #tpu.memory_space<hbm>>
    %dma_start3A_496 = tpu.memref_slice %arg9[%dma_start3A_489] : memref<3x!tpu.dma_semaphore, #tpu.memory_space<semaphore_mem>> -> memref<1x!tpu.dma_semaphore, #tpu.memory_space<semaphore_mem>>
    %dma_start3A_497 = tpu.memref_squeeze %dma_start3A_496 : memref<1x!tpu.dma_semaphore, #tpu.memory_space<semaphore_mem>> -> memref<!tpu.dma_semaphore, #tpu.memory_space<semaphore_mem>>
    %dma_start3A_498 = arith.constant 0 : i32
    %dma_start3A_499 = tpu.memref_slice %arg5[%add3A_487, %dma_start3A_498] : memref<8192x2048xf32, #tpu.memory_space<hbm>> -> memref<16x2048xf32, #tpu.memory_space<hbm>>
    %dma_start3A_500 = arith.constant 0 : i32
    %dma_start3A_501 = arith.constant 0 : i32
    %dma_start3A_502 = tpu.memref_slice %arg7[%dma_start3A_488, %dma_start3A_500, %dma_start3A_501] : memref<3x16x2048xf32, #tpu.memory_space<vmem>> -> memref<1x16x2048xf32, #tpu.memory_space<vmem>>
    %dma_start3A_503 = tpu.memref_squeeze %dma_start3A_502 : memref<1x16x2048xf32, #tpu.memory_space<vmem>> -> memref<16x2048xf32, #tpu.memory_space<vmem>>
    tpu.enqueue_dma source(%dma_start3A_503 : memref<16x2048xf32, #tpu.memory_space<vmem>>) target(%dma_start3A_499 : memref<16x2048xf32, #tpu.memory_space<hbm>>) target_semaphore(%dma_start3A_497 : memref<!tpu.dma_semaphore, #tpu.memory_space<semaphore_mem>>)
    %dma_wait3A_504 = arith.constant 2 : i32
    %dma_wait3A_505 = arith.constant 2 : i32
    %dma_wait3A_506 = arith.constant 0 : i32
    %dma_wait3A_507 = arith.constant 0 : i32
    %dma_wait3A_508 = tpu.memref_slice %arg7[%dma_wait3A_504, %dma_wait3A_506, %dma_wait3A_507] : memref<3x16x2048xf32, #tpu.memory_space<vmem>> -> memref<1x16x2048xf32, #tpu.memory_space<vmem>>
    %dma_wait3A_509 = tpu.memref_squeeze %dma_wait3A_508 : memref<1x16x2048xf32, #tpu.memory_space<vmem>> -> memref<16x2048xf32, #tpu.memory_space<vmem>>
    %dma_wait3A_510 = arith.constant 0 : i32
    %dma_wait3A_511 = tpu.memref_slice %arg5[%add3A_417, %dma_wait3A_510] : memref<8192x2048xf32, #tpu.memory_space<hbm>> -> memref<16x2048xf32, #tpu.memory_space<hbm>>
    %dma_wait3A_512 = tpu.memref_slice %arg9[%dma_wait3A_505] : memref<3x!tpu.dma_semaphore, #tpu.memory_space<semaphore_mem>> -> memref<1x!tpu.dma_semaphore, #tpu.memory_space<semaphore_mem>>
    %dma_wait3A_513 = tpu.memref_squeeze %dma_wait3A_512 : memref<1x!tpu.dma_semaphore, #tpu.memory_space<semaphore_mem>> -> memref<!tpu.dma_semaphore, #tpu.memory_space<semaphore_mem>>
    %dma_wait3A_514 = arith.constant 0 : i32
    %dma_wait3A_515 = tpu.memref_slice %arg5[%add3A_417, %dma_wait3A_514] : memref<8192x2048xf32, #tpu.memory_space<hbm>> -> memref<16x2048xf32, #tpu.memory_space<hbm>>
    %dma_wait3A_516 = arith.constant 0 : i32
    %dma_wait3A_517 = arith.constant 0 : i32
    %dma_wait3A_518 = tpu.memref_slice %arg7[%dma_wait3A_504, %dma_wait3A_516, %dma_wait3A_517] : memref<3x16x2048xf32, #tpu.memory_space<vmem>> -> memref<1x16x2048xf32, #tpu.memory_space<vmem>>
    %dma_wait3A_519 = tpu.memref_squeeze %dma_wait3A_518 : memref<1x16x2048xf32, #tpu.memory_space<vmem>> -> memref<16x2048xf32, #tpu.memory_space<vmem>>
    tpu.wait_dma2 semaphore(%dma_wait3A_513 : memref<!tpu.dma_semaphore, #tpu.memory_space<semaphore_mem>>) src(%dma_wait3A_519 : memref<16x2048xf32, #tpu.memory_space<vmem>>) dst(%dma_wait3A_515 : memref<16x2048xf32, #tpu.memory_space<hbm>>)
    %add3A_520 = arith.constant 128 : i32
    %add3A_521 = arith.addi %mul3A_2, %add3A_520 : i32
    %ge3A_522 = arith.cmpi sge, %add3A_521, %reduce_max3A_30 : i32
    %add3A_523 = arith.constant 16 : i32
    %add3A_524 = arith.addi %add3A_521, %add3A_523 : i32
    %add3A_525 = arith.constant 256 : i32
    %add3A_526 = arith.addi %reduce_max3A_30, %add3A_525 : i32
    %le3A_527 = arith.cmpi sle, %add3A_524, %add3A_526 : i32
    %and3A_528 = arith.andi %ge3A_522, %le3A_527 : i1
    %convert_element_type3A_529 = arith.extui %and3A_528 : i1 to i32
    %cond3A_530 = arith.constant 2 : i32
    %cond3A_531 = arith.constant 0 : i32
    %cond3A_532 = arith.cmpi ne, %convert_element_type3A_529, %cond3A_531 : i32
    scf.if %cond3A_532 {
      %sub3A_1186 = arith.subi %add3A_521, %reduce_max3A_30 : i32
      %add3A_1187 = arith.addi %mul3A_32, %sub3A_1186 : i32
      %add3A_1188 = vector.broadcast %add3A_1187 : i32 to vector<16xi32>
      %add3A_1189 = arith.addi %add3A_1188, %iota3A : vector<16xi32>
      %dma_start3A_1190 = arith.constant 0 : i32
      %dma_start3A_1191 = arith.constant 0 : i32
      %dma_start3A_1192 = tpu.memref_slice %arg7[%cond3A_530, %dma_start3A_1190, %dma_start3A_1191] : memref<3x16x2048xf32, #tpu.memory_space<vmem>> -> memref<1x16x2048xf32, #tpu.memory_space<vmem>>
      %dma_start3A_1193 = tpu.memref_squeeze %dma_start3A_1192 : memref<1x16x2048xf32, #tpu.memory_space<vmem>> -> memref<16x2048xf32, #tpu.memory_space<vmem>>
      %dma_start3A_1194 = arith.constant 0 : i32
      %dma_start3A_1195 = arith.constant 0 : i32
      %dma_start3A_1196 = tpu.memref_slice %arg3[%dma_start3A_1194, %dma_start3A_1195] : memref<2048x2048xf32, #tpu.memory_space<hbm>> -> memref<2048x2048xf32, #tpu.memory_space<hbm>>
      %dma_start3A_1197 = tpu.memref_slice %arg8[%cond3A_530] : memref<3x!tpu.dma_semaphore, #tpu.memory_space<semaphore_mem>> -> memref<1x!tpu.dma_semaphore, #tpu.memory_space<semaphore_mem>>
      %dma_start3A_1198 = tpu.memref_squeeze %dma_start3A_1197 : memref<1x!tpu.dma_semaphore, #tpu.memory_space<semaphore_mem>> -> memref<!tpu.dma_semaphore, #tpu.memory_space<semaphore_mem>>
      tpu.enqueue_indirect_dma source(%dma_start3A_1196 : memref<2048x2048xf32, #tpu.memory_space<hbm>>) target(%dma_start3A_1193 : memref<16x2048xf32, #tpu.memory_space<vmem>>) offsets(%add3A_1189 : vector<16xi32>) semaphore(%dma_start3A_1198 : memref<!tpu.dma_semaphore, #tpu.memory_space<semaphore_mem>>)
    } else {
    }
    %not3A_533 = arith.constant true
    %not3A_534 = arith.xori %and3A_528, %not3A_533 : i1
    %convert_element_type3A_535 = arith.extui %not3A_534 : i1 to i32
    %cond3A_536 = arith.constant 2 : i32
    %cond3A_537 = arith.constant 0 : i32
    %cond3A_538 = arith.cmpi ne, %convert_element_type3A_535, %cond3A_537 : i32
    scf.if %cond3A_538 {
      %dma_start3A_1186 = arith.constant 0 : i32
      %dma_start3A_1187 = arith.constant 0 : i32
      %dma_start3A_1188 = tpu.memref_slice %arg7[%cond3A_536, %dma_start3A_1186, %dma_start3A_1187] : memref<3x16x2048xf32, #tpu.memory_space<vmem>> -> memref<1x16x2048xf32, #tpu.memory_space<vmem>>
      %dma_start3A_1189 = tpu.memref_squeeze %dma_start3A_1188 : memref<1x16x2048xf32, #tpu.memory_space<vmem>> -> memref<16x2048xf32, #tpu.memory_space<vmem>>
      %dma_start3A_1190 = arith.constant 0 : i32
      %dma_start3A_1191 = tpu.memref_slice %arg2[%add3A_521, %dma_start3A_1190] : memref<8192x2048xf32, #tpu.memory_space<hbm>> -> memref<16x2048xf32, #tpu.memory_space<hbm>>
      %dma_start3A_1192 = tpu.memref_slice %arg8[%cond3A_536] : memref<3x!tpu.dma_semaphore, #tpu.memory_space<semaphore_mem>> -> memref<1x!tpu.dma_semaphore, #tpu.memory_space<semaphore_mem>>
      %dma_start3A_1193 = tpu.memref_squeeze %dma_start3A_1192 : memref<1x!tpu.dma_semaphore, #tpu.memory_space<semaphore_mem>> -> memref<!tpu.dma_semaphore, #tpu.memory_space<semaphore_mem>>
      %dma_start3A_1194 = arith.constant 0 : i32
      %dma_start3A_1195 = arith.constant 0 : i32
      %dma_start3A_1196 = tpu.memref_slice %arg7[%cond3A_536, %dma_start3A_1194, %dma_start3A_1195] : memref<3x16x2048xf32, #tpu.memory_space<vmem>> -> memref<1x16x2048xf32, #tpu.memory_space<vmem>>
      %dma_start3A_1197 = tpu.memref_squeeze %dma_start3A_1196 : memref<1x16x2048xf32, #tpu.memory_space<vmem>> -> memref<16x2048xf32, #tpu.memory_space<vmem>>
      %dma_start3A_1198 = arith.constant 0 : i32
      %dma_start3A_1199 = tpu.memref_slice %arg2[%add3A_521, %dma_start3A_1198] : memref<8192x2048xf32, #tpu.memory_space<hbm>> -> memref<16x2048xf32, #tpu.memory_space<hbm>>
      tpu.enqueue_dma source(%dma_start3A_1199 : memref<16x2048xf32, #tpu.memory_space<hbm>>) target(%dma_start3A_1197 : memref<16x2048xf32, #tpu.memory_space<vmem>>) target_semaphore(%dma_start3A_1193 : memref<!tpu.dma_semaphore, #tpu.memory_space<semaphore_mem>>)
    } else {
    }
    %dma_wait3A_539 = arith.constant 0 : i32
    %dma_wait3A_540 = arith.constant 1 : i32
    %dma_wait3A_541 = arith.constant 1 : i32
    %dma_wait3A_542 = arith.constant 0 : i32
    %dma_wait3A_543 = arith.constant 0 : i32
    %dma_wait3A_544 = tpu.memref_slice %arg7[%dma_wait3A_540, %dma_wait3A_542, %dma_wait3A_543] : memref<3x16x2048xf32, #tpu.memory_space<vmem>> -> memref<1x16x2048xf32, #tpu.memory_space<vmem>>
    %dma_wait3A_545 = tpu.memref_squeeze %dma_wait3A_544 : memref<1x16x2048xf32, #tpu.memory_space<vmem>> -> memref<16x2048xf32, #tpu.memory_space<vmem>>
    %dma_wait3A_546 = arith.constant 0 : i32
    %dma_wait3A_547 = tpu.memref_slice %arg2[%dma_wait3A_539, %dma_wait3A_546] : memref<8192x2048xf32, #tpu.memory_space<hbm>> -> memref<16x2048xf32, #tpu.memory_space<hbm>>
    %dma_wait3A_548 = tpu.memref_slice %arg8[%dma_wait3A_541] : memref<3x!tpu.dma_semaphore, #tpu.memory_space<semaphore_mem>> -> memref<1x!tpu.dma_semaphore, #tpu.memory_space<semaphore_mem>>
    %dma_wait3A_549 = tpu.memref_squeeze %dma_wait3A_548 : memref<1x!tpu.dma_semaphore, #tpu.memory_space<semaphore_mem>> -> memref<!tpu.dma_semaphore, #tpu.memory_space<semaphore_mem>>
    %dma_wait3A_550 = arith.constant 0 : i32
    %dma_wait3A_551 = arith.constant 0 : i32
    %dma_wait3A_552 = tpu.memref_slice %arg7[%dma_wait3A_540, %dma_wait3A_550, %dma_wait3A_551] : memref<3x16x2048xf32, #tpu.memory_space<vmem>> -> memref<1x16x2048xf32, #tpu.memory_space<vmem>>
    %dma_wait3A_553 = tpu.memref_squeeze %dma_wait3A_552 : memref<1x16x2048xf32, #tpu.memory_space<vmem>> -> memref<16x2048xf32, #tpu.memory_space<vmem>>
    %dma_wait3A_554 = arith.constant 0 : i32
    %dma_wait3A_555 = tpu.memref_slice %arg2[%dma_wait3A_539, %dma_wait3A_554] : memref<8192x2048xf32, #tpu.memory_space<hbm>> -> memref<16x2048xf32, #tpu.memory_space<hbm>>
    tpu.wait_dma2 semaphore(%dma_wait3A_549 : memref<!tpu.dma_semaphore, #tpu.memory_space<semaphore_mem>>) src(%dma_wait3A_555 : memref<16x2048xf32, #tpu.memory_space<hbm>>) dst(%dma_wait3A_553 : memref<16x2048xf32, #tpu.memory_space<vmem>>)
    %add3A_556 = arith.constant 112 : i32
    %add3A_557 = arith.addi %mul3A_2, %add3A_556 : i32
    %dma_start3A_558 = arith.constant 1 : i32
    %dma_start3A_559 = arith.constant 1 : i32
    %dma_start3A_560 = arith.constant 0 : i32
    %dma_start3A_561 = arith.constant 0 : i32
    %dma_start3A_562 = tpu.memref_slice %arg7[%dma_start3A_558, %dma_start3A_560, %dma_start3A_561] : memref<3x16x2048xf32, #tpu.memory_space<vmem>> -> memref<1x16x2048xf32, #tpu.memory_space<vmem>>
    %dma_start3A_563 = tpu.memref_squeeze %dma_start3A_562 : memref<1x16x2048xf32, #tpu.memory_space<vmem>> -> memref<16x2048xf32, #tpu.memory_space<vmem>>
    %dma_start3A_564 = arith.constant 0 : i32
    %dma_start3A_565 = tpu.memref_slice %arg5[%add3A_557, %dma_start3A_564] : memref<8192x2048xf32, #tpu.memory_space<hbm>> -> memref<16x2048xf32, #tpu.memory_space<hbm>>
    %dma_start3A_566 = tpu.memref_slice %arg9[%dma_start3A_559] : memref<3x!tpu.dma_semaphore, #tpu.memory_space<semaphore_mem>> -> memref<1x!tpu.dma_semaphore, #tpu.memory_space<semaphore_mem>>
    %dma_start3A_567 = tpu.memref_squeeze %dma_start3A_566 : memref<1x!tpu.dma_semaphore, #tpu.memory_space<semaphore_mem>> -> memref<!tpu.dma_semaphore, #tpu.memory_space<semaphore_mem>>
    %dma_start3A_568 = arith.constant 0 : i32
    %dma_start3A_569 = tpu.memref_slice %arg5[%add3A_557, %dma_start3A_568] : memref<8192x2048xf32, #tpu.memory_space<hbm>> -> memref<16x2048xf32, #tpu.memory_space<hbm>>
    %dma_start3A_570 = arith.constant 0 : i32
    %dma_start3A_571 = arith.constant 0 : i32
    %dma_start3A_572 = tpu.memref_slice %arg7[%dma_start3A_558, %dma_start3A_570, %dma_start3A_571] : memref<3x16x2048xf32, #tpu.memory_space<vmem>> -> memref<1x16x2048xf32, #tpu.memory_space<vmem>>
    %dma_start3A_573 = tpu.memref_squeeze %dma_start3A_572 : memref<1x16x2048xf32, #tpu.memory_space<vmem>> -> memref<16x2048xf32, #tpu.memory_space<vmem>>
    tpu.enqueue_dma source(%dma_start3A_573 : memref<16x2048xf32, #tpu.memory_space<vmem>>) target(%dma_start3A_569 : memref<16x2048xf32, #tpu.memory_space<hbm>>) target_semaphore(%dma_start3A_567 : memref<!tpu.dma_semaphore, #tpu.memory_space<semaphore_mem>>)
    %dma_wait3A_574 = arith.constant 0 : i32
    %dma_wait3A_575 = arith.constant 0 : i32
    %dma_wait3A_576 = arith.constant 0 : i32
    %dma_wait3A_577 = arith.constant 0 : i32
    %dma_wait3A_578 = tpu.memref_slice %arg7[%dma_wait3A_574, %dma_wait3A_576, %dma_wait3A_577] : memref<3x16x2048xf32, #tpu.memory_space<vmem>> -> memref<1x16x2048xf32, #tpu.memory_space<vmem>>
    %dma_wait3A_579 = tpu.memref_squeeze %dma_wait3A_578 : memref<1x16x2048xf32, #tpu.memory_space<vmem>> -> memref<16x2048xf32, #tpu.memory_space<vmem>>
    %dma_wait3A_580 = arith.constant 0 : i32
    %dma_wait3A_581 = tpu.memref_slice %arg5[%add3A_487, %dma_wait3A_580] : memref<8192x2048xf32, #tpu.memory_space<hbm>> -> memref<16x2048xf32, #tpu.memory_space<hbm>>
    %dma_wait3A_582 = tpu.memref_slice %arg9[%dma_wait3A_575] : memref<3x!tpu.dma_semaphore, #tpu.memory_space<semaphore_mem>> -> memref<1x!tpu.dma_semaphore, #tpu.memory_space<semaphore_mem>>
    %dma_wait3A_583 = tpu.memref_squeeze %dma_wait3A_582 : memref<1x!tpu.dma_semaphore, #tpu.memory_space<semaphore_mem>> -> memref<!tpu.dma_semaphore, #tpu.memory_space<semaphore_mem>>
    %dma_wait3A_584 = arith.constant 0 : i32
    %dma_wait3A_585 = tpu.memref_slice %arg5[%add3A_487, %dma_wait3A_584] : memref<8192x2048xf32, #tpu.memory_space<hbm>> -> memref<16x2048xf32, #tpu.memory_space<hbm>>
    %dma_wait3A_586 = arith.constant 0 : i32
    %dma_wait3A_587 = arith.constant 0 : i32
    %dma_wait3A_588 = tpu.memref_slice %arg7[%dma_wait3A_574, %dma_wait3A_586, %dma_wait3A_587] : memref<3x16x2048xf32, #tpu.memory_space<vmem>> -> memref<1x16x2048xf32, #tpu.memory_space<vmem>>
    %dma_wait3A_589 = tpu.memref_squeeze %dma_wait3A_588 : memref<1x16x2048xf32, #tpu.memory_space<vmem>> -> memref<16x2048xf32, #tpu.memory_space<vmem>>
    tpu.wait_dma2 semaphore(%dma_wait3A_583 : memref<!tpu.dma_semaphore, #tpu.memory_space<semaphore_mem>>) src(%dma_wait3A_589 : memref<16x2048xf32, #tpu.memory_space<vmem>>) dst(%dma_wait3A_585 : memref<16x2048xf32, #tpu.memory_space<hbm>>)
    %add3A_590 = arith.constant 144 : i32
    %add3A_591 = arith.addi %mul3A_2, %add3A_590 : i32
    %ge3A_592 = arith.cmpi sge, %add3A_591, %reduce_max3A_30 : i32
    %add3A_593 = arith.constant 16 : i32
    %add3A_594 = arith.addi %add3A_591, %add3A_593 : i32
    %add3A_595 = arith.constant 256 : i32
    %add3A_596 = arith.addi %reduce_max3A_30, %add3A_595 : i32
    %le3A_597 = arith.cmpi sle, %add3A_594, %add3A_596 : i32
    %and3A_598 = arith.andi %ge3A_592, %le3A_597 : i1
    %convert_element_type3A_599 = arith.extui %and3A_598 : i1 to i32
    %cond3A_600 = arith.constant 0 : i32
    %cond3A_601 = arith.constant 0 : i32
    %cond3A_602 = arith.cmpi ne, %convert_element_type3A_599, %cond3A_601 : i32
    scf.if %cond3A_602 {
      %sub3A_1186 = arith.subi %add3A_591, %reduce_max3A_30 : i32
      %add3A_1187 = arith.addi %mul3A_32, %sub3A_1186 : i32
      %add3A_1188 = vector.broadcast %add3A_1187 : i32 to vector<16xi32>
      %add3A_1189 = arith.addi %add3A_1188, %iota3A : vector<16xi32>
      %dma_start3A_1190 = arith.constant 0 : i32
      %dma_start3A_1191 = arith.constant 0 : i32
      %dma_start3A_1192 = tpu.memref_slice %arg7[%cond3A_600, %dma_start3A_1190, %dma_start3A_1191] : memref<3x16x2048xf32, #tpu.memory_space<vmem>> -> memref<1x16x2048xf32, #tpu.memory_space<vmem>>
      %dma_start3A_1193 = tpu.memref_squeeze %dma_start3A_1192 : memref<1x16x2048xf32, #tpu.memory_space<vmem>> -> memref<16x2048xf32, #tpu.memory_space<vmem>>
      %dma_start3A_1194 = arith.constant 0 : i32
      %dma_start3A_1195 = arith.constant 0 : i32
      %dma_start3A_1196 = tpu.memref_slice %arg3[%dma_start3A_1194, %dma_start3A_1195] : memref<2048x2048xf32, #tpu.memory_space<hbm>> -> memref<2048x2048xf32, #tpu.memory_space<hbm>>
      %dma_start3A_1197 = tpu.memref_slice %arg8[%cond3A_600] : memref<3x!tpu.dma_semaphore, #tpu.memory_space<semaphore_mem>> -> memref<1x!tpu.dma_semaphore, #tpu.memory_space<semaphore_mem>>
      %dma_start3A_1198 = tpu.memref_squeeze %dma_start3A_1197 : memref<1x!tpu.dma_semaphore, #tpu.memory_space<semaphore_mem>> -> memref<!tpu.dma_semaphore, #tpu.memory_space<semaphore_mem>>
      tpu.enqueue_indirect_dma source(%dma_start3A_1196 : memref<2048x2048xf32, #tpu.memory_space<hbm>>) target(%dma_start3A_1193 : memref<16x2048xf32, #tpu.memory_space<vmem>>) offsets(%add3A_1189 : vector<16xi32>) semaphore(%dma_start3A_1198 : memref<!tpu.dma_semaphore, #tpu.memory_space<semaphore_mem>>)
    } else {
    }
    %not3A_603 = arith.constant true
    %not3A_604 = arith.xori %and3A_598, %not3A_603 : i1
    %convert_element_type3A_605 = arith.extui %not3A_604 : i1 to i32
    %cond3A_606 = arith.constant 0 : i32
    %cond3A_607 = arith.constant 0 : i32
    %cond3A_608 = arith.cmpi ne, %convert_element_type3A_605, %cond3A_607 : i32
    scf.if %cond3A_608 {
      %dma_start3A_1186 = arith.constant 0 : i32
      %dma_start3A_1187 = arith.constant 0 : i32
      %dma_start3A_1188 = tpu.memref_slice %arg7[%cond3A_606, %dma_start3A_1186, %dma_start3A_1187] : memref<3x16x2048xf32, #tpu.memory_space<vmem>> -> memref<1x16x2048xf32, #tpu.memory_space<vmem>>
      %dma_start3A_1189 = tpu.memref_squeeze %dma_start3A_1188 : memref<1x16x2048xf32, #tpu.memory_space<vmem>> -> memref<16x2048xf32, #tpu.memory_space<vmem>>
      %dma_start3A_1190 = arith.constant 0 : i32
      %dma_start3A_1191 = tpu.memref_slice %arg2[%add3A_591, %dma_start3A_1190] : memref<8192x2048xf32, #tpu.memory_space<hbm>> -> memref<16x2048xf32, #tpu.memory_space<hbm>>
      %dma_start3A_1192 = tpu.memref_slice %arg8[%cond3A_606] : memref<3x!tpu.dma_semaphore, #tpu.memory_space<semaphore_mem>> -> memref<1x!tpu.dma_semaphore, #tpu.memory_space<semaphore_mem>>
      %dma_start3A_1193 = tpu.memref_squeeze %dma_start3A_1192 : memref<1x!tpu.dma_semaphore, #tpu.memory_space<semaphore_mem>> -> memref<!tpu.dma_semaphore, #tpu.memory_space<semaphore_mem>>
      %dma_start3A_1194 = arith.constant 0 : i32
      %dma_start3A_1195 = arith.constant 0 : i32
      %dma_start3A_1196 = tpu.memref_slice %arg7[%cond3A_606, %dma_start3A_1194, %dma_start3A_1195] : memref<3x16x2048xf32, #tpu.memory_space<vmem>> -> memref<1x16x2048xf32, #tpu.memory_space<vmem>>
      %dma_start3A_1197 = tpu.memref_squeeze %dma_start3A_1196 : memref<1x16x2048xf32, #tpu.memory_space<vmem>> -> memref<16x2048xf32, #tpu.memory_space<vmem>>
      %dma_start3A_1198 = arith.constant 0 : i32
      %dma_start3A_1199 = tpu.memref_slice %arg2[%add3A_591, %dma_start3A_1198] : memref<8192x2048xf32, #tpu.memory_space<hbm>> -> memref<16x2048xf32, #tpu.memory_space<hbm>>
      tpu.enqueue_dma source(%dma_start3A_1199 : memref<16x2048xf32, #tpu.memory_space<hbm>>) target(%dma_start3A_1197 : memref<16x2048xf32, #tpu.memory_space<vmem>>) target_semaphore(%dma_start3A_1193 : memref<!tpu.dma_semaphore, #tpu.memory_space<semaphore_mem>>)
    } else {
    }
    %dma_wait3A_609 = arith.constant 0 : i32
    %dma_wait3A_610 = arith.constant 2 : i32
    %dma_wait3A_611 = arith.constant 2 : i32
    %dma_wait3A_612 = arith.constant 0 : i32
    %dma_wait3A_613 = arith.constant 0 : i32
    %dma_wait3A_614 = tpu.memref_slice %arg7[%dma_wait3A_610, %dma_wait3A_612, %dma_wait3A_613] : memref<3x16x2048xf32, #tpu.memory_space<vmem>> -> memref<1x16x2048xf32, #tpu.memory_space<vmem>>
    %dma_wait3A_615 = tpu.memref_squeeze %dma_wait3A_614 : memref<1x16x2048xf32, #tpu.memory_space<vmem>> -> memref<16x2048xf32, #tpu.memory_space<vmem>>
    %dma_wait3A_616 = arith.constant 0 : i32
    %dma_wait3A_617 = tpu.memref_slice %arg2[%dma_wait3A_609, %dma_wait3A_616] : memref<8192x2048xf32, #tpu.memory_space<hbm>> -> memref<16x2048xf32, #tpu.memory_space<hbm>>
    %dma_wait3A_618 = tpu.memref_slice %arg8[%dma_wait3A_611] : memref<3x!tpu.dma_semaphore, #tpu.memory_space<semaphore_mem>> -> memref<1x!tpu.dma_semaphore, #tpu.memory_space<semaphore_mem>>
    %dma_wait3A_619 = tpu.memref_squeeze %dma_wait3A_618 : memref<1x!tpu.dma_semaphore, #tpu.memory_space<semaphore_mem>> -> memref<!tpu.dma_semaphore, #tpu.memory_space<semaphore_mem>>
    %dma_wait3A_620 = arith.constant 0 : i32
    %dma_wait3A_621 = arith.constant 0 : i32
    %dma_wait3A_622 = tpu.memref_slice %arg7[%dma_wait3A_610, %dma_wait3A_620, %dma_wait3A_621] : memref<3x16x2048xf32, #tpu.memory_space<vmem>> -> memref<1x16x2048xf32, #tpu.memory_space<vmem>>
    %dma_wait3A_623 = tpu.memref_squeeze %dma_wait3A_622 : memref<1x16x2048xf32, #tpu.memory_space<vmem>> -> memref<16x2048xf32, #tpu.memory_space<vmem>>
    %dma_wait3A_624 = arith.constant 0 : i32
    %dma_wait3A_625 = tpu.memref_slice %arg2[%dma_wait3A_609, %dma_wait3A_624] : memref<8192x2048xf32, #tpu.memory_space<hbm>> -> memref<16x2048xf32, #tpu.memory_space<hbm>>
    tpu.wait_dma2 semaphore(%dma_wait3A_619 : memref<!tpu.dma_semaphore, #tpu.memory_space<semaphore_mem>>) src(%dma_wait3A_625 : memref<16x2048xf32, #tpu.memory_space<hbm>>) dst(%dma_wait3A_623 : memref<16x2048xf32, #tpu.memory_space<vmem>>)
    %add3A_626 = arith.constant 128 : i32
    %add3A_627 = arith.addi %mul3A_2, %add3A_626 : i32
    %dma_start3A_628 = arith.constant 2 : i32
    %dma_start3A_629 = arith.constant 2 : i32
    %dma_start3A_630 = arith.constant 0 : i32
    %dma_start3A_631 = arith.constant 0 : i32
    %dma_start3A_632 = tpu.memref_slice %arg7[%dma_start3A_628, %dma_start3A_630, %dma_start3A_631] : memref<3x16x2048xf32, #tpu.memory_space<vmem>> -> memref<1x16x2048xf32, #tpu.memory_space<vmem>>
    %dma_start3A_633 = tpu.memref_squeeze %dma_start3A_632 : memref<1x16x2048xf32, #tpu.memory_space<vmem>> -> memref<16x2048xf32, #tpu.memory_space<vmem>>
    %dma_start3A_634 = arith.constant 0 : i32
    %dma_start3A_635 = tpu.memref_slice %arg5[%add3A_627, %dma_start3A_634] : memref<8192x2048xf32, #tpu.memory_space<hbm>> -> memref<16x2048xf32, #tpu.memory_space<hbm>>
    %dma_start3A_636 = tpu.memref_slice %arg9[%dma_start3A_629] : memref<3x!tpu.dma_semaphore, #tpu.memory_space<semaphore_mem>> -> memref<1x!tpu.dma_semaphore, #tpu.memory_space<semaphore_mem>>
    %dma_start3A_637 = tpu.memref_squeeze %dma_start3A_636 : memref<1x!tpu.dma_semaphore, #tpu.memory_space<semaphore_mem>> -> memref<!tpu.dma_semaphore, #tpu.memory_space<semaphore_mem>>
    %dma_start3A_638 = arith.constant 0 : i32
    %dma_start3A_639 = tpu.memref_slice %arg5[%add3A_627, %dma_start3A_638] : memref<8192x2048xf32, #tpu.memory_space<hbm>> -> memref<16x2048xf32, #tpu.memory_space<hbm>>
    %dma_start3A_640 = arith.constant 0 : i32
    %dma_start3A_641 = arith.constant 0 : i32
    %dma_start3A_642 = tpu.memref_slice %arg7[%dma_start3A_628, %dma_start3A_640, %dma_start3A_641] : memref<3x16x2048xf32, #tpu.memory_space<vmem>> -> memref<1x16x2048xf32, #tpu.memory_space<vmem>>
    %dma_start3A_643 = tpu.memref_squeeze %dma_start3A_642 : memref<1x16x2048xf32, #tpu.memory_space<vmem>> -> memref<16x2048xf32, #tpu.memory_space<vmem>>
    tpu.enqueue_dma source(%dma_start3A_643 : memref<16x2048xf32, #tpu.memory_space<vmem>>) target(%dma_start3A_639 : memref<16x2048xf32, #tpu.memory_space<hbm>>) target_semaphore(%dma_start3A_637 : memref<!tpu.dma_semaphore, #tpu.memory_space<semaphore_mem>>)
    %dma_wait3A_644 = arith.constant 1 : i32
    %dma_wait3A_645 = arith.constant 1 : i32
    %dma_wait3A_646 = arith.constant 0 : i32
    %dma_wait3A_647 = arith.constant 0 : i32
    %dma_wait3A_648 = tpu.memref_slice %arg7[%dma_wait3A_644, %dma_wait3A_646, %dma_wait3A_647] : memref<3x16x2048xf32, #tpu.memory_space<vmem>> -> memref<1x16x2048xf32, #tpu.memory_space<vmem>>
    %dma_wait3A_649 = tpu.memref_squeeze %dma_wait3A_648 : memref<1x16x2048xf32, #tpu.memory_space<vmem>> -> memref<16x2048xf32, #tpu.memory_space<vmem>>
    %dma_wait3A_650 = arith.constant 0 : i32
    %dma_wait3A_651 = tpu.memref_slice %arg5[%add3A_557, %dma_wait3A_650] : memref<8192x2048xf32, #tpu.memory_space<hbm>> -> memref<16x2048xf32, #tpu.memory_space<hbm>>
    %dma_wait3A_652 = tpu.memref_slice %arg9[%dma_wait3A_645] : memref<3x!tpu.dma_semaphore, #tpu.memory_space<semaphore_mem>> -> memref<1x!tpu.dma_semaphore, #tpu.memory_space<semaphore_mem>>
    %dma_wait3A_653 = tpu.memref_squeeze %dma_wait3A_652 : memref<1x!tpu.dma_semaphore, #tpu.memory_space<semaphore_mem>> -> memref<!tpu.dma_semaphore, #tpu.memory_space<semaphore_mem>>
    %dma_wait3A_654 = arith.constant 0 : i32
    %dma_wait3A_655 = tpu.memref_slice %arg5[%add3A_557, %dma_wait3A_654] : memref<8192x2048xf32, #tpu.memory_space<hbm>> -> memref<16x2048xf32, #tpu.memory_space<hbm>>
    %dma_wait3A_656 = arith.constant 0 : i32
    %dma_wait3A_657 = arith.constant 0 : i32
    %dma_wait3A_658 = tpu.memref_slice %arg7[%dma_wait3A_644, %dma_wait3A_656, %dma_wait3A_657] : memref<3x16x2048xf32, #tpu.memory_space<vmem>> -> memref<1x16x2048xf32, #tpu.memory_space<vmem>>
    %dma_wait3A_659 = tpu.memref_squeeze %dma_wait3A_658 : memref<1x16x2048xf32, #tpu.memory_space<vmem>> -> memref<16x2048xf32, #tpu.memory_space<vmem>>
    tpu.wait_dma2 semaphore(%dma_wait3A_653 : memref<!tpu.dma_semaphore, #tpu.memory_space<semaphore_mem>>) src(%dma_wait3A_659 : memref<16x2048xf32, #tpu.memory_space<vmem>>) dst(%dma_wait3A_655 : memref<16x2048xf32, #tpu.memory_space<hbm>>)
    %add3A_660 = arith.constant 160 : i32
    %add3A_661 = arith.addi %mul3A_2, %add3A_660 : i32
    %ge3A_662 = arith.cmpi sge, %add3A_661, %reduce_max3A_30 : i32
    %add3A_663 = arith.constant 16 : i32
    %add3A_664 = arith.addi %add3A_661, %add3A_663 : i32
    %add3A_665 = arith.constant 256 : i32
    %add3A_666 = arith.addi %reduce_max3A_30, %add3A_665 : i32
    %le3A_667 = arith.cmpi sle, %add3A_664, %add3A_666 : i32
    %and3A_668 = arith.andi %ge3A_662, %le3A_667 : i1
    %convert_element_type3A_669 = arith.extui %and3A_668 : i1 to i32
    %cond3A_670 = arith.constant 1 : i32
    %cond3A_671 = arith.constant 0 : i32
    %cond3A_672 = arith.cmpi ne, %convert_element_type3A_669, %cond3A_671 : i32
    scf.if %cond3A_672 {
      %sub3A_1186 = arith.subi %add3A_661, %reduce_max3A_30 : i32
      %add3A_1187 = arith.addi %mul3A_32, %sub3A_1186 : i32
      %add3A_1188 = vector.broadcast %add3A_1187 : i32 to vector<16xi32>
      %add3A_1189 = arith.addi %add3A_1188, %iota3A : vector<16xi32>
      %dma_start3A_1190 = arith.constant 0 : i32
      %dma_start3A_1191 = arith.constant 0 : i32
      %dma_start3A_1192 = tpu.memref_slice %arg7[%cond3A_670, %dma_start3A_1190, %dma_start3A_1191] : memref<3x16x2048xf32, #tpu.memory_space<vmem>> -> memref<1x16x2048xf32, #tpu.memory_space<vmem>>
      %dma_start3A_1193 = tpu.memref_squeeze %dma_start3A_1192 : memref<1x16x2048xf32, #tpu.memory_space<vmem>> -> memref<16x2048xf32, #tpu.memory_space<vmem>>
      %dma_start3A_1194 = arith.constant 0 : i32
      %dma_start3A_1195 = arith.constant 0 : i32
      %dma_start3A_1196 = tpu.memref_slice %arg3[%dma_start3A_1194, %dma_start3A_1195] : memref<2048x2048xf32, #tpu.memory_space<hbm>> -> memref<2048x2048xf32, #tpu.memory_space<hbm>>
      %dma_start3A_1197 = tpu.memref_slice %arg8[%cond3A_670] : memref<3x!tpu.dma_semaphore, #tpu.memory_space<semaphore_mem>> -> memref<1x!tpu.dma_semaphore, #tpu.memory_space<semaphore_mem>>
      %dma_start3A_1198 = tpu.memref_squeeze %dma_start3A_1197 : memref<1x!tpu.dma_semaphore, #tpu.memory_space<semaphore_mem>> -> memref<!tpu.dma_semaphore, #tpu.memory_space<semaphore_mem>>
      tpu.enqueue_indirect_dma source(%dma_start3A_1196 : memref<2048x2048xf32, #tpu.memory_space<hbm>>) target(%dma_start3A_1193 : memref<16x2048xf32, #tpu.memory_space<vmem>>) offsets(%add3A_1189 : vector<16xi32>) semaphore(%dma_start3A_1198 : memref<!tpu.dma_semaphore, #tpu.memory_space<semaphore_mem>>)
    } else {
    }
    %not3A_673 = arith.constant true
    %not3A_674 = arith.xori %and3A_668, %not3A_673 : i1
    %convert_element_type3A_675 = arith.extui %not3A_674 : i1 to i32
    %cond3A_676 = arith.constant 1 : i32
    %cond3A_677 = arith.constant 0 : i32
    %cond3A_678 = arith.cmpi ne, %convert_element_type3A_675, %cond3A_677 : i32
    scf.if %cond3A_678 {
      %dma_start3A_1186 = arith.constant 0 : i32
      %dma_start3A_1187 = arith.constant 0 : i32
      %dma_start3A_1188 = tpu.memref_slice %arg7[%cond3A_676, %dma_start3A_1186, %dma_start3A_1187] : memref<3x16x2048xf32, #tpu.memory_space<vmem>> -> memref<1x16x2048xf32, #tpu.memory_space<vmem>>
      %dma_start3A_1189 = tpu.memref_squeeze %dma_start3A_1188 : memref<1x16x2048xf32, #tpu.memory_space<vmem>> -> memref<16x2048xf32, #tpu.memory_space<vmem>>
      %dma_start3A_1190 = arith.constant 0 : i32
      %dma_start3A_1191 = tpu.memref_slice %arg2[%add3A_661, %dma_start3A_1190] : memref<8192x2048xf32, #tpu.memory_space<hbm>> -> memref<16x2048xf32, #tpu.memory_space<hbm>>
      %dma_start3A_1192 = tpu.memref_slice %arg8[%cond3A_676] : memref<3x!tpu.dma_semaphore, #tpu.memory_space<semaphore_mem>> -> memref<1x!tpu.dma_semaphore, #tpu.memory_space<semaphore_mem>>
      %dma_start3A_1193 = tpu.memref_squeeze %dma_start3A_1192 : memref<1x!tpu.dma_semaphore, #tpu.memory_space<semaphore_mem>> -> memref<!tpu.dma_semaphore, #tpu.memory_space<semaphore_mem>>
      %dma_start3A_1194 = arith.constant 0 : i32
      %dma_start3A_1195 = arith.constant 0 : i32
      %dma_start3A_1196 = tpu.memref_slice %arg7[%cond3A_676, %dma_start3A_1194, %dma_start3A_1195] : memref<3x16x2048xf32, #tpu.memory_space<vmem>> -> memref<1x16x2048xf32, #tpu.memory_space<vmem>>
      %dma_start3A_1197 = tpu.memref_squeeze %dma_start3A_1196 : memref<1x16x2048xf32, #tpu.memory_space<vmem>> -> memref<16x2048xf32, #tpu.memory_space<vmem>>
      %dma_start3A_1198 = arith.constant 0 : i32
      %dma_start3A_1199 = tpu.memref_slice %arg2[%add3A_661, %dma_start3A_1198] : memref<8192x2048xf32, #tpu.memory_space<hbm>> -> memref<16x2048xf32, #tpu.memory_space<hbm>>
      tpu.enqueue_dma source(%dma_start3A_1199 : memref<16x2048xf32, #tpu.memory_space<hbm>>) target(%dma_start3A_1197 : memref<16x2048xf32, #tpu.memory_space<vmem>>) target_semaphore(%dma_start3A_1193 : memref<!tpu.dma_semaphore, #tpu.memory_space<semaphore_mem>>)
    } else {
    }
    %dma_wait3A_679 = arith.constant 0 : i32
    %dma_wait3A_680 = arith.constant 0 : i32
    %dma_wait3A_681 = arith.constant 0 : i32
    %dma_wait3A_682 = arith.constant 0 : i32
    %dma_wait3A_683 = arith.constant 0 : i32
    %dma_wait3A_684 = tpu.memref_slice %arg7[%dma_wait3A_680, %dma_wait3A_682, %dma_wait3A_683] : memref<3x16x2048xf32, #tpu.memory_space<vmem>> -> memref<1x16x2048xf32, #tpu.memory_space<vmem>>
    %dma_wait3A_685 = tpu.memref_squeeze %dma_wait3A_684 : memref<1x16x2048xf32, #tpu.memory_space<vmem>> -> memref<16x2048xf32, #tpu.memory_space<vmem>>
    %dma_wait3A_686 = arith.constant 0 : i32
    %dma_wait3A_687 = tpu.memref_slice %arg2[%dma_wait3A_679, %dma_wait3A_686] : memref<8192x2048xf32, #tpu.memory_space<hbm>> -> memref<16x2048xf32, #tpu.memory_space<hbm>>
    %dma_wait3A_688 = tpu.memref_slice %arg8[%dma_wait3A_681] : memref<3x!tpu.dma_semaphore, #tpu.memory_space<semaphore_mem>> -> memref<1x!tpu.dma_semaphore, #tpu.memory_space<semaphore_mem>>
    %dma_wait3A_689 = tpu.memref_squeeze %dma_wait3A_688 : memref<1x!tpu.dma_semaphore, #tpu.memory_space<semaphore_mem>> -> memref<!tpu.dma_semaphore, #tpu.memory_space<semaphore_mem>>
    %dma_wait3A_690 = arith.constant 0 : i32
    %dma_wait3A_691 = arith.constant 0 : i32
    %dma_wait3A_692 = tpu.memref_slice %arg7[%dma_wait3A_680, %dma_wait3A_690, %dma_wait3A_691] : memref<3x16x2048xf32, #tpu.memory_space<vmem>> -> memref<1x16x2048xf32, #tpu.memory_space<vmem>>
    %dma_wait3A_693 = tpu.memref_squeeze %dma_wait3A_692 : memref<1x16x2048xf32, #tpu.memory_space<vmem>> -> memref<16x2048xf32, #tpu.memory_space<vmem>>
    %dma_wait3A_694 = arith.constant 0 : i32
    %dma_wait3A_695 = tpu.memref_slice %arg2[%dma_wait3A_679, %dma_wait3A_694] : memref<8192x2048xf32, #tpu.memory_space<hbm>> -> memref<16x2048xf32, #tpu.memory_space<hbm>>
    tpu.wait_dma2 semaphore(%dma_wait3A_689 : memref<!tpu.dma_semaphore, #tpu.memory_space<semaphore_mem>>) src(%dma_wait3A_695 : memref<16x2048xf32, #tpu.memory_space<hbm>>) dst(%dma_wait3A_693 : memref<16x2048xf32, #tpu.memory_space<vmem>>)
    %add3A_696 = arith.constant 144 : i32
    %add3A_697 = arith.addi %mul3A_2, %add3A_696 : i32
    %dma_start3A_698 = arith.constant 0 : i32
    %dma_start3A_699 = arith.constant 0 : i32
    %dma_start3A_700 = arith.constant 0 : i32
    %dma_start3A_701 = arith.constant 0 : i32
    %dma_start3A_702 = tpu.memref_slice %arg7[%dma_start3A_698, %dma_start3A_700, %dma_start3A_701] : memref<3x16x2048xf32, #tpu.memory_space<vmem>> -> memref<1x16x2048xf32, #tpu.memory_space<vmem>>
    %dma_start3A_703 = tpu.memref_squeeze %dma_start3A_702 : memref<1x16x2048xf32, #tpu.memory_space<vmem>> -> memref<16x2048xf32, #tpu.memory_space<vmem>>
    %dma_start3A_704 = arith.constant 0 : i32
    %dma_start3A_705 = tpu.memref_slice %arg5[%add3A_697, %dma_start3A_704] : memref<8192x2048xf32, #tpu.memory_space<hbm>> -> memref<16x2048xf32, #tpu.memory_space<hbm>>
    %dma_start3A_706 = tpu.memref_slice %arg9[%dma_start3A_699] : memref<3x!tpu.dma_semaphore, #tpu.memory_space<semaphore_mem>> -> memref<1x!tpu.dma_semaphore, #tpu.memory_space<semaphore_mem>>
    %dma_start3A_707 = tpu.memref_squeeze %dma_start3A_706 : memref<1x!tpu.dma_semaphore, #tpu.memory_space<semaphore_mem>> -> memref<!tpu.dma_semaphore, #tpu.memory_space<semaphore_mem>>
    %dma_start3A_708 = arith.constant 0 : i32
    %dma_start3A_709 = tpu.memref_slice %arg5[%add3A_697, %dma_start3A_708] : memref<8192x2048xf32, #tpu.memory_space<hbm>> -> memref<16x2048xf32, #tpu.memory_space<hbm>>
    %dma_start3A_710 = arith.constant 0 : i32
    %dma_start3A_711 = arith.constant 0 : i32
    %dma_start3A_712 = tpu.memref_slice %arg7[%dma_start3A_698, %dma_start3A_710, %dma_start3A_711] : memref<3x16x2048xf32, #tpu.memory_space<vmem>> -> memref<1x16x2048xf32, #tpu.memory_space<vmem>>
    %dma_start3A_713 = tpu.memref_squeeze %dma_start3A_712 : memref<1x16x2048xf32, #tpu.memory_space<vmem>> -> memref<16x2048xf32, #tpu.memory_space<vmem>>
    tpu.enqueue_dma source(%dma_start3A_713 : memref<16x2048xf32, #tpu.memory_space<vmem>>) target(%dma_start3A_709 : memref<16x2048xf32, #tpu.memory_space<hbm>>) target_semaphore(%dma_start3A_707 : memref<!tpu.dma_semaphore, #tpu.memory_space<semaphore_mem>>)
    %dma_wait3A_714 = arith.constant 2 : i32
    %dma_wait3A_715 = arith.constant 2 : i32
    %dma_wait3A_716 = arith.constant 0 : i32
    %dma_wait3A_717 = arith.constant 0 : i32
    %dma_wait3A_718 = tpu.memref_slice %arg7[%dma_wait3A_714, %dma_wait3A_716, %dma_wait3A_717] : memref<3x16x2048xf32, #tpu.memory_space<vmem>> -> memref<1x16x2048xf32, #tpu.memory_space<vmem>>
    %dma_wait3A_719 = tpu.memref_squeeze %dma_wait3A_718 : memref<1x16x2048xf32, #tpu.memory_space<vmem>> -> memref<16x2048xf32, #tpu.memory_space<vmem>>
    %dma_wait3A_720 = arith.constant 0 : i32
    %dma_wait3A_721 = tpu.memref_slice %arg5[%add3A_627, %dma_wait3A_720] : memref<8192x2048xf32, #tpu.memory_space<hbm>> -> memref<16x2048xf32, #tpu.memory_space<hbm>>
    %dma_wait3A_722 = tpu.memref_slice %arg9[%dma_wait3A_715] : memref<3x!tpu.dma_semaphore, #tpu.memory_space<semaphore_mem>> -> memref<1x!tpu.dma_semaphore, #tpu.memory_space<semaphore_mem>>
    %dma_wait3A_723 = tpu.memref_squeeze %dma_wait3A_722 : memref<1x!tpu.dma_semaphore, #tpu.memory_space<semaphore_mem>> -> memref<!tpu.dma_semaphore, #tpu.memory_space<semaphore_mem>>
    %dma_wait3A_724 = arith.constant 0 : i32
    %dma_wait3A_725 = tpu.memref_slice %arg5[%add3A_627, %dma_wait3A_724] : memref<8192x2048xf32, #tpu.memory_space<hbm>> -> memref<16x2048xf32, #tpu.memory_space<hbm>>
    %dma_wait3A_726 = arith.constant 0 : i32
    %dma_wait3A_727 = arith.constant 0 : i32
    %dma_wait3A_728 = tpu.memref_slice %arg7[%dma_wait3A_714, %dma_wait3A_726, %dma_wait3A_727] : memref<3x16x2048xf32, #tpu.memory_space<vmem>> -> memref<1x16x2048xf32, #tpu.memory_space<vmem>>
    %dma_wait3A_729 = tpu.memref_squeeze %dma_wait3A_728 : memref<1x16x2048xf32, #tpu.memory_space<vmem>> -> memref<16x2048xf32, #tpu.memory_space<vmem>>
    tpu.wait_dma2 semaphore(%dma_wait3A_723 : memref<!tpu.dma_semaphore, #tpu.memory_space<semaphore_mem>>) src(%dma_wait3A_729 : memref<16x2048xf32, #tpu.memory_space<vmem>>) dst(%dma_wait3A_725 : memref<16x2048xf32, #tpu.memory_space<hbm>>)
    %add3A_730 = arith.constant 176 : i32
    %add3A_731 = arith.addi %mul3A_2, %add3A_730 : i32
    %ge3A_732 = arith.cmpi sge, %add3A_731, %reduce_max3A_30 : i32
    %add3A_733 = arith.constant 16 : i32
    %add3A_734 = arith.addi %add3A_731, %add3A_733 : i32
    %add3A_735 = arith.constant 256 : i32
    %add3A_736 = arith.addi %reduce_max3A_30, %add3A_735 : i32
    %le3A_737 = arith.cmpi sle, %add3A_734, %add3A_736 : i32
    %and3A_738 = arith.andi %ge3A_732, %le3A_737 : i1
    %convert_element_type3A_739 = arith.extui %and3A_738 : i1 to i32
    %cond3A_740 = arith.constant 2 : i32
    %cond3A_741 = arith.constant 0 : i32
    %cond3A_742 = arith.cmpi ne, %convert_element_type3A_739, %cond3A_741 : i32
    scf.if %cond3A_742 {
      %sub3A_1186 = arith.subi %add3A_731, %reduce_max3A_30 : i32
      %add3A_1187 = arith.addi %mul3A_32, %sub3A_1186 : i32
      %add3A_1188 = vector.broadcast %add3A_1187 : i32 to vector<16xi32>
      %add3A_1189 = arith.addi %add3A_1188, %iota3A : vector<16xi32>
      %dma_start3A_1190 = arith.constant 0 : i32
      %dma_start3A_1191 = arith.constant 0 : i32
      %dma_start3A_1192 = tpu.memref_slice %arg7[%cond3A_740, %dma_start3A_1190, %dma_start3A_1191] : memref<3x16x2048xf32, #tpu.memory_space<vmem>> -> memref<1x16x2048xf32, #tpu.memory_space<vmem>>
      %dma_start3A_1193 = tpu.memref_squeeze %dma_start3A_1192 : memref<1x16x2048xf32, #tpu.memory_space<vmem>> -> memref<16x2048xf32, #tpu.memory_space<vmem>>
      %dma_start3A_1194 = arith.constant 0 : i32
      %dma_start3A_1195 = arith.constant 0 : i32
      %dma_start3A_1196 = tpu.memref_slice %arg3[%dma_start3A_1194, %dma_start3A_1195] : memref<2048x2048xf32, #tpu.memory_space<hbm>> -> memref<2048x2048xf32, #tpu.memory_space<hbm>>
      %dma_start3A_1197 = tpu.memref_slice %arg8[%cond3A_740] : memref<3x!tpu.dma_semaphore, #tpu.memory_space<semaphore_mem>> -> memref<1x!tpu.dma_semaphore, #tpu.memory_space<semaphore_mem>>
      %dma_start3A_1198 = tpu.memref_squeeze %dma_start3A_1197 : memref<1x!tpu.dma_semaphore, #tpu.memory_space<semaphore_mem>> -> memref<!tpu.dma_semaphore, #tpu.memory_space<semaphore_mem>>
      tpu.enqueue_indirect_dma source(%dma_start3A_1196 : memref<2048x2048xf32, #tpu.memory_space<hbm>>) target(%dma_start3A_1193 : memref<16x2048xf32, #tpu.memory_space<vmem>>) offsets(%add3A_1189 : vector<16xi32>) semaphore(%dma_start3A_1198 : memref<!tpu.dma_semaphore, #tpu.memory_space<semaphore_mem>>)
    } else {
    }
    %not3A_743 = arith.constant true
    %not3A_744 = arith.xori %and3A_738, %not3A_743 : i1
    %convert_element_type3A_745 = arith.extui %not3A_744 : i1 to i32
    %cond3A_746 = arith.constant 2 : i32
    %cond3A_747 = arith.constant 0 : i32
    %cond3A_748 = arith.cmpi ne, %convert_element_type3A_745, %cond3A_747 : i32
    scf.if %cond3A_748 {
      %dma_start3A_1186 = arith.constant 0 : i32
      %dma_start3A_1187 = arith.constant 0 : i32
      %dma_start3A_1188 = tpu.memref_slice %arg7[%cond3A_746, %dma_start3A_1186, %dma_start3A_1187] : memref<3x16x2048xf32, #tpu.memory_space<vmem>> -> memref<1x16x2048xf32, #tpu.memory_space<vmem>>
      %dma_start3A_1189 = tpu.memref_squeeze %dma_start3A_1188 : memref<1x16x2048xf32, #tpu.memory_space<vmem>> -> memref<16x2048xf32, #tpu.memory_space<vmem>>
      %dma_start3A_1190 = arith.constant 0 : i32
      %dma_start3A_1191 = tpu.memref_slice %arg2[%add3A_731, %dma_start3A_1190] : memref<8192x2048xf32, #tpu.memory_space<hbm>> -> memref<16x2048xf32, #tpu.memory_space<hbm>>
      %dma_start3A_1192 = tpu.memref_slice %arg8[%cond3A_746] : memref<3x!tpu.dma_semaphore, #tpu.memory_space<semaphore_mem>> -> memref<1x!tpu.dma_semaphore, #tpu.memory_space<semaphore_mem>>
      %dma_start3A_1193 = tpu.memref_squeeze %dma_start3A_1192 : memref<1x!tpu.dma_semaphore, #tpu.memory_space<semaphore_mem>> -> memref<!tpu.dma_semaphore, #tpu.memory_space<semaphore_mem>>
      %dma_start3A_1194 = arith.constant 0 : i32
      %dma_start3A_1195 = arith.constant 0 : i32
      %dma_start3A_1196 = tpu.memref_slice %arg7[%cond3A_746, %dma_start3A_1194, %dma_start3A_1195] : memref<3x16x2048xf32, #tpu.memory_space<vmem>> -> memref<1x16x2048xf32, #tpu.memory_space<vmem>>
      %dma_start3A_1197 = tpu.memref_squeeze %dma_start3A_1196 : memref<1x16x2048xf32, #tpu.memory_space<vmem>> -> memref<16x2048xf32, #tpu.memory_space<vmem>>
      %dma_start3A_1198 = arith.constant 0 : i32
      %dma_start3A_1199 = tpu.memref_slice %arg2[%add3A_731, %dma_start3A_1198] : memref<8192x2048xf32, #tpu.memory_space<hbm>> -> memref<16x2048xf32, #tpu.memory_space<hbm>>
      tpu.enqueue_dma source(%dma_start3A_1199 : memref<16x2048xf32, #tpu.memory_space<hbm>>) target(%dma_start3A_1197 : memref<16x2048xf32, #tpu.memory_space<vmem>>) target_semaphore(%dma_start3A_1193 : memref<!tpu.dma_semaphore, #tpu.memory_space<semaphore_mem>>)
    } else {
    }
    %dma_wait3A_749 = arith.constant 0 : i32
    %dma_wait3A_750 = arith.constant 1 : i32
    %dma_wait3A_751 = arith.constant 1 : i32
    %dma_wait3A_752 = arith.constant 0 : i32
    %dma_wait3A_753 = arith.constant 0 : i32
    %dma_wait3A_754 = tpu.memref_slice %arg7[%dma_wait3A_750, %dma_wait3A_752, %dma_wait3A_753] : memref<3x16x2048xf32, #tpu.memory_space<vmem>> -> memref<1x16x2048xf32, #tpu.memory_space<vmem>>
    %dma_wait3A_755 = tpu.memref_squeeze %dma_wait3A_754 : memref<1x16x2048xf32, #tpu.memory_space<vmem>> -> memref<16x2048xf32, #tpu.memory_space<vmem>>
    %dma_wait3A_756 = arith.constant 0 : i32
    %dma_wait3A_757 = tpu.memref_slice %arg2[%dma_wait3A_749, %dma_wait3A_756] : memref<8192x2048xf32, #tpu.memory_space<hbm>> -> memref<16x2048xf32, #tpu.memory_space<hbm>>
    %dma_wait3A_758 = tpu.memref_slice %arg8[%dma_wait3A_751] : memref<3x!tpu.dma_semaphore, #tpu.memory_space<semaphore_mem>> -> memref<1x!tpu.dma_semaphore, #tpu.memory_space<semaphore_mem>>
    %dma_wait3A_759 = tpu.memref_squeeze %dma_wait3A_758 : memref<1x!tpu.dma_semaphore, #tpu.memory_space<semaphore_mem>> -> memref<!tpu.dma_semaphore, #tpu.memory_space<semaphore_mem>>
    %dma_wait3A_760 = arith.constant 0 : i32
    %dma_wait3A_761 = arith.constant 0 : i32
    %dma_wait3A_762 = tpu.memref_slice %arg7[%dma_wait3A_750, %dma_wait3A_760, %dma_wait3A_761] : memref<3x16x2048xf32, #tpu.memory_space<vmem>> -> memref<1x16x2048xf32, #tpu.memory_space<vmem>>
    %dma_wait3A_763 = tpu.memref_squeeze %dma_wait3A_762 : memref<1x16x2048xf32, #tpu.memory_space<vmem>> -> memref<16x2048xf32, #tpu.memory_space<vmem>>
    %dma_wait3A_764 = arith.constant 0 : i32
    %dma_wait3A_765 = tpu.memref_slice %arg2[%dma_wait3A_749, %dma_wait3A_764] : memref<8192x2048xf32, #tpu.memory_space<hbm>> -> memref<16x2048xf32, #tpu.memory_space<hbm>>
    tpu.wait_dma2 semaphore(%dma_wait3A_759 : memref<!tpu.dma_semaphore, #tpu.memory_space<semaphore_mem>>) src(%dma_wait3A_765 : memref<16x2048xf32, #tpu.memory_space<hbm>>) dst(%dma_wait3A_763 : memref<16x2048xf32, #tpu.memory_space<vmem>>)
    %add3A_766 = arith.constant 160 : i32
    %add3A_767 = arith.addi %mul3A_2, %add3A_766 : i32
    %dma_start3A_768 = arith.constant 1 : i32
    %dma_start3A_769 = arith.constant 1 : i32
    %dma_start3A_770 = arith.constant 0 : i32
    %dma_start3A_771 = arith.constant 0 : i32
    %dma_start3A_772 = tpu.memref_slice %arg7[%dma_start3A_768, %dma_start3A_770, %dma_start3A_771] : memref<3x16x2048xf32, #tpu.memory_space<vmem>> -> memref<1x16x2048xf32, #tpu.memory_space<vmem>>
    %dma_start3A_773 = tpu.memref_squeeze %dma_start3A_772 : memref<1x16x2048xf32, #tpu.memory_space<vmem>> -> memref<16x2048xf32, #tpu.memory_space<vmem>>
    %dma_start3A_774 = arith.constant 0 : i32
    %dma_start3A_775 = tpu.memref_slice %arg5[%add3A_767, %dma_start3A_774] : memref<8192x2048xf32, #tpu.memory_space<hbm>> -> memref<16x2048xf32, #tpu.memory_space<hbm>>
    %dma_start3A_776 = tpu.memref_slice %arg9[%dma_start3A_769] : memref<3x!tpu.dma_semaphore, #tpu.memory_space<semaphore_mem>> -> memref<1x!tpu.dma_semaphore, #tpu.memory_space<semaphore_mem>>
    %dma_start3A_777 = tpu.memref_squeeze %dma_start3A_776 : memref<1x!tpu.dma_semaphore, #tpu.memory_space<semaphore_mem>> -> memref<!tpu.dma_semaphore, #tpu.memory_space<semaphore_mem>>
    %dma_start3A_778 = arith.constant 0 : i32
    %dma_start3A_779 = tpu.memref_slice %arg5[%add3A_767, %dma_start3A_778] : memref<8192x2048xf32, #tpu.memory_space<hbm>> -> memref<16x2048xf32, #tpu.memory_space<hbm>>
    %dma_start3A_780 = arith.constant 0 : i32
    %dma_start3A_781 = arith.constant 0 : i32
    %dma_start3A_782 = tpu.memref_slice %arg7[%dma_start3A_768, %dma_start3A_780, %dma_start3A_781] : memref<3x16x2048xf32, #tpu.memory_space<vmem>> -> memref<1x16x2048xf32, #tpu.memory_space<vmem>>
    %dma_start3A_783 = tpu.memref_squeeze %dma_start3A_782 : memref<1x16x2048xf32, #tpu.memory_space<vmem>> -> memref<16x2048xf32, #tpu.memory_space<vmem>>
    tpu.enqueue_dma source(%dma_start3A_783 : memref<16x2048xf32, #tpu.memory_space<vmem>>) target(%dma_start3A_779 : memref<16x2048xf32, #tpu.memory_space<hbm>>) target_semaphore(%dma_start3A_777 : memref<!tpu.dma_semaphore, #tpu.memory_space<semaphore_mem>>)
    %dma_wait3A_784 = arith.constant 0 : i32
    %dma_wait3A_785 = arith.constant 0 : i32
    %dma_wait3A_786 = arith.constant 0 : i32
    %dma_wait3A_787 = arith.constant 0 : i32
    %dma_wait3A_788 = tpu.memref_slice %arg7[%dma_wait3A_784, %dma_wait3A_786, %dma_wait3A_787] : memref<3x16x2048xf32, #tpu.memory_space<vmem>> -> memref<1x16x2048xf32, #tpu.memory_space<vmem>>
    %dma_wait3A_789 = tpu.memref_squeeze %dma_wait3A_788 : memref<1x16x2048xf32, #tpu.memory_space<vmem>> -> memref<16x2048xf32, #tpu.memory_space<vmem>>
    %dma_wait3A_790 = arith.constant 0 : i32
    %dma_wait3A_791 = tpu.memref_slice %arg5[%add3A_697, %dma_wait3A_790] : memref<8192x2048xf32, #tpu.memory_space<hbm>> -> memref<16x2048xf32, #tpu.memory_space<hbm>>
    %dma_wait3A_792 = tpu.memref_slice %arg9[%dma_wait3A_785] : memref<3x!tpu.dma_semaphore, #tpu.memory_space<semaphore_mem>> -> memref<1x!tpu.dma_semaphore, #tpu.memory_space<semaphore_mem>>
    %dma_wait3A_793 = tpu.memref_squeeze %dma_wait3A_792 : memref<1x!tpu.dma_semaphore, #tpu.memory_space<semaphore_mem>> -> memref<!tpu.dma_semaphore, #tpu.memory_space<semaphore_mem>>
    %dma_wait3A_794 = arith.constant 0 : i32
    %dma_wait3A_795 = tpu.memref_slice %arg5[%add3A_697, %dma_wait3A_794] : memref<8192x2048xf32, #tpu.memory_space<hbm>> -> memref<16x2048xf32, #tpu.memory_space<hbm>>
    %dma_wait3A_796 = arith.constant 0 : i32
    %dma_wait3A_797 = arith.constant 0 : i32
    %dma_wait3A_798 = tpu.memref_slice %arg7[%dma_wait3A_784, %dma_wait3A_796, %dma_wait3A_797] : memref<3x16x2048xf32, #tpu.memory_space<vmem>> -> memref<1x16x2048xf32, #tpu.memory_space<vmem>>
    %dma_wait3A_799 = tpu.memref_squeeze %dma_wait3A_798 : memref<1x16x2048xf32, #tpu.memory_space<vmem>> -> memref<16x2048xf32, #tpu.memory_space<vmem>>
    tpu.wait_dma2 semaphore(%dma_wait3A_793 : memref<!tpu.dma_semaphore, #tpu.memory_space<semaphore_mem>>) src(%dma_wait3A_799 : memref<16x2048xf32, #tpu.memory_space<vmem>>) dst(%dma_wait3A_795 : memref<16x2048xf32, #tpu.memory_space<hbm>>)
    %add3A_800 = arith.constant 192 : i32
    %add3A_801 = arith.addi %mul3A_2, %add3A_800 : i32
    %ge3A_802 = arith.cmpi sge, %add3A_801, %reduce_max3A_30 : i32
    %add3A_803 = arith.constant 16 : i32
    %add3A_804 = arith.addi %add3A_801, %add3A_803 : i32
    %add3A_805 = arith.constant 256 : i32
    %add3A_806 = arith.addi %reduce_max3A_30, %add3A_805 : i32
    %le3A_807 = arith.cmpi sle, %add3A_804, %add3A_806 : i32
    %and3A_808 = arith.andi %ge3A_802, %le3A_807 : i1
    %convert_element_type3A_809 = arith.extui %and3A_808 : i1 to i32
    %cond3A_810 = arith.constant 0 : i32
    %cond3A_811 = arith.constant 0 : i32
    %cond3A_812 = arith.cmpi ne, %convert_element_type3A_809, %cond3A_811 : i32
    scf.if %cond3A_812 {
      %sub3A_1186 = arith.subi %add3A_801, %reduce_max3A_30 : i32
      %add3A_1187 = arith.addi %mul3A_32, %sub3A_1186 : i32
      %add3A_1188 = vector.broadcast %add3A_1187 : i32 to vector<16xi32>
      %add3A_1189 = arith.addi %add3A_1188, %iota3A : vector<16xi32>
      %dma_start3A_1190 = arith.constant 0 : i32
      %dma_start3A_1191 = arith.constant 0 : i32
      %dma_start3A_1192 = tpu.memref_slice %arg7[%cond3A_810, %dma_start3A_1190, %dma_start3A_1191] : memref<3x16x2048xf32, #tpu.memory_space<vmem>> -> memref<1x16x2048xf32, #tpu.memory_space<vmem>>
      %dma_start3A_1193 = tpu.memref_squeeze %dma_start3A_1192 : memref<1x16x2048xf32, #tpu.memory_space<vmem>> -> memref<16x2048xf32, #tpu.memory_space<vmem>>
      %dma_start3A_1194 = arith.constant 0 : i32
      %dma_start3A_1195 = arith.constant 0 : i32
      %dma_start3A_1196 = tpu.memref_slice %arg3[%dma_start3A_1194, %dma_start3A_1195] : memref<2048x2048xf32, #tpu.memory_space<hbm>> -> memref<2048x2048xf32, #tpu.memory_space<hbm>>
      %dma_start3A_1197 = tpu.memref_slice %arg8[%cond3A_810] : memref<3x!tpu.dma_semaphore, #tpu.memory_space<semaphore_mem>> -> memref<1x!tpu.dma_semaphore, #tpu.memory_space<semaphore_mem>>
      %dma_start3A_1198 = tpu.memref_squeeze %dma_start3A_1197 : memref<1x!tpu.dma_semaphore, #tpu.memory_space<semaphore_mem>> -> memref<!tpu.dma_semaphore, #tpu.memory_space<semaphore_mem>>
      tpu.enqueue_indirect_dma source(%dma_start3A_1196 : memref<2048x2048xf32, #tpu.memory_space<hbm>>) target(%dma_start3A_1193 : memref<16x2048xf32, #tpu.memory_space<vmem>>) offsets(%add3A_1189 : vector<16xi32>) semaphore(%dma_start3A_1198 : memref<!tpu.dma_semaphore, #tpu.memory_space<semaphore_mem>>)
    } else {
    }
    %not3A_813 = arith.constant true
    %not3A_814 = arith.xori %and3A_808, %not3A_813 : i1
    %convert_element_type3A_815 = arith.extui %not3A_814 : i1 to i32
    %cond3A_816 = arith.constant 0 : i32
    %cond3A_817 = arith.constant 0 : i32
    %cond3A_818 = arith.cmpi ne, %convert_element_type3A_815, %cond3A_817 : i32
    scf.if %cond3A_818 {
      %dma_start3A_1186 = arith.constant 0 : i32
      %dma_start3A_1187 = arith.constant 0 : i32
      %dma_start3A_1188 = tpu.memref_slice %arg7[%cond3A_816, %dma_start3A_1186, %dma_start3A_1187] : memref<3x16x2048xf32, #tpu.memory_space<vmem>> -> memref<1x16x2048xf32, #tpu.memory_space<vmem>>
      %dma_start3A_1189 = tpu.memref_squeeze %dma_start3A_1188 : memref<1x16x2048xf32, #tpu.memory_space<vmem>> -> memref<16x2048xf32, #tpu.memory_space<vmem>>
      %dma_start3A_1190 = arith.constant 0 : i32
      %dma_start3A_1191 = tpu.memref_slice %arg2[%add3A_801, %dma_start3A_1190] : memref<8192x2048xf32, #tpu.memory_space<hbm>> -> memref<16x2048xf32, #tpu.memory_space<hbm>>
      %dma_start3A_1192 = tpu.memref_slice %arg8[%cond3A_816] : memref<3x!tpu.dma_semaphore, #tpu.memory_space<semaphore_mem>> -> memref<1x!tpu.dma_semaphore, #tpu.memory_space<semaphore_mem>>
      %dma_start3A_1193 = tpu.memref_squeeze %dma_start3A_1192 : memref<1x!tpu.dma_semaphore, #tpu.memory_space<semaphore_mem>> -> memref<!tpu.dma_semaphore, #tpu.memory_space<semaphore_mem>>
      %dma_start3A_1194 = arith.constant 0 : i32
      %dma_start3A_1195 = arith.constant 0 : i32
      %dma_start3A_1196 = tpu.memref_slice %arg7[%cond3A_816, %dma_start3A_1194, %dma_start3A_1195] : memref<3x16x2048xf32, #tpu.memory_space<vmem>> -> memref<1x16x2048xf32, #tpu.memory_space<vmem>>
      %dma_start3A_1197 = tpu.memref_squeeze %dma_start3A_1196 : memref<1x16x2048xf32, #tpu.memory_space<vmem>> -> memref<16x2048xf32, #tpu.memory_space<vmem>>
      %dma_start3A_1198 = arith.constant 0 : i32
      %dma_start3A_1199 = tpu.memref_slice %arg2[%add3A_801, %dma_start3A_1198] : memref<8192x2048xf32, #tpu.memory_space<hbm>> -> memref<16x2048xf32, #tpu.memory_space<hbm>>
      tpu.enqueue_dma source(%dma_start3A_1199 : memref<16x2048xf32, #tpu.memory_space<hbm>>) target(%dma_start3A_1197 : memref<16x2048xf32, #tpu.memory_space<vmem>>) target_semaphore(%dma_start3A_1193 : memref<!tpu.dma_semaphore, #tpu.memory_space<semaphore_mem>>)
    } else {
    }
    %dma_wait3A_819 = arith.constant 0 : i32
    %dma_wait3A_820 = arith.constant 2 : i32
    %dma_wait3A_821 = arith.constant 2 : i32
    %dma_wait3A_822 = arith.constant 0 : i32
    %dma_wait3A_823 = arith.constant 0 : i32
    %dma_wait3A_824 = tpu.memref_slice %arg7[%dma_wait3A_820, %dma_wait3A_822, %dma_wait3A_823] : memref<3x16x2048xf32, #tpu.memory_space<vmem>> -> memref<1x16x2048xf32, #tpu.memory_space<vmem>>
    %dma_wait3A_825 = tpu.memref_squeeze %dma_wait3A_824 : memref<1x16x2048xf32, #tpu.memory_space<vmem>> -> memref<16x2048xf32, #tpu.memory_space<vmem>>
    %dma_wait3A_826 = arith.constant 0 : i32
    %dma_wait3A_827 = tpu.memref_slice %arg2[%dma_wait3A_819, %dma_wait3A_826] : memref<8192x2048xf32, #tpu.memory_space<hbm>> -> memref<16x2048xf32, #tpu.memory_space<hbm>>
    %dma_wait3A_828 = tpu.memref_slice %arg8[%dma_wait3A_821] : memref<3x!tpu.dma_semaphore, #tpu.memory_space<semaphore_mem>> -> memref<1x!tpu.dma_semaphore, #tpu.memory_space<semaphore_mem>>
    %dma_wait3A_829 = tpu.memref_squeeze %dma_wait3A_828 : memref<1x!tpu.dma_semaphore, #tpu.memory_space<semaphore_mem>> -> memref<!tpu.dma_semaphore, #tpu.memory_space<semaphore_mem>>
    %dma_wait3A_830 = arith.constant 0 : i32
    %dma_wait3A_831 = arith.constant 0 : i32
    %dma_wait3A_832 = tpu.memref_slice %arg7[%dma_wait3A_820, %dma_wait3A_830, %dma_wait3A_831] : memref<3x16x2048xf32, #tpu.memory_space<vmem>> -> memref<1x16x2048xf32, #tpu.memory_space<vmem>>
    %dma_wait3A_833 = tpu.memref_squeeze %dma_wait3A_832 : memref<1x16x2048xf32, #tpu.memory_space<vmem>> -> memref<16x2048xf32, #tpu.memory_space<vmem>>
    %dma_wait3A_834 = arith.constant 0 : i32
    %dma_wait3A_835 = tpu.memref_slice %arg2[%dma_wait3A_819, %dma_wait3A_834] : memref<8192x2048xf32, #tpu.memory_space<hbm>> -> memref<16x2048xf32, #tpu.memory_space<hbm>>
    tpu.wait_dma2 semaphore(%dma_wait3A_829 : memref<!tpu.dma_semaphore, #tpu.memory_space<semaphore_mem>>) src(%dma_wait3A_835 : memref<16x2048xf32, #tpu.memory_space<hbm>>) dst(%dma_wait3A_833 : memref<16x2048xf32, #tpu.memory_space<vmem>>)
    %add3A_836 = arith.constant 176 : i32
    %add3A_837 = arith.addi %mul3A_2, %add3A_836 : i32
    %dma_start3A_838 = arith.constant 2 : i32
    %dma_start3A_839 = arith.constant 2 : i32
    %dma_start3A_840 = arith.constant 0 : i32
    %dma_start3A_841 = arith.constant 0 : i32
    %dma_start3A_842 = tpu.memref_slice %arg7[%dma_start3A_838, %dma_start3A_840, %dma_start3A_841] : memref<3x16x2048xf32, #tpu.memory_space<vmem>> -> memref<1x16x2048xf32, #tpu.memory_space<vmem>>
    %dma_start3A_843 = tpu.memref_squeeze %dma_start3A_842 : memref<1x16x2048xf32, #tpu.memory_space<vmem>> -> memref<16x2048xf32, #tpu.memory_space<vmem>>
    %dma_start3A_844 = arith.constant 0 : i32
    %dma_start3A_845 = tpu.memref_slice %arg5[%add3A_837, %dma_start3A_844] : memref<8192x2048xf32, #tpu.memory_space<hbm>> -> memref<16x2048xf32, #tpu.memory_space<hbm>>
    %dma_start3A_846 = tpu.memref_slice %arg9[%dma_start3A_839] : memref<3x!tpu.dma_semaphore, #tpu.memory_space<semaphore_mem>> -> memref<1x!tpu.dma_semaphore, #tpu.memory_space<semaphore_mem>>
    %dma_start3A_847 = tpu.memref_squeeze %dma_start3A_846 : memref<1x!tpu.dma_semaphore, #tpu.memory_space<semaphore_mem>> -> memref<!tpu.dma_semaphore, #tpu.memory_space<semaphore_mem>>
    %dma_start3A_848 = arith.constant 0 : i32
    %dma_start3A_849 = tpu.memref_slice %arg5[%add3A_837, %dma_start3A_848] : memref<8192x2048xf32, #tpu.memory_space<hbm>> -> memref<16x2048xf32, #tpu.memory_space<hbm>>
    %dma_start3A_850 = arith.constant 0 : i32
    %dma_start3A_851 = arith.constant 0 : i32
    %dma_start3A_852 = tpu.memref_slice %arg7[%dma_start3A_838, %dma_start3A_850, %dma_start3A_851] : memref<3x16x2048xf32, #tpu.memory_space<vmem>> -> memref<1x16x2048xf32, #tpu.memory_space<vmem>>
    %dma_start3A_853 = tpu.memref_squeeze %dma_start3A_852 : memref<1x16x2048xf32, #tpu.memory_space<vmem>> -> memref<16x2048xf32, #tpu.memory_space<vmem>>
    tpu.enqueue_dma source(%dma_start3A_853 : memref<16x2048xf32, #tpu.memory_space<vmem>>) target(%dma_start3A_849 : memref<16x2048xf32, #tpu.memory_space<hbm>>) target_semaphore(%dma_start3A_847 : memref<!tpu.dma_semaphore, #tpu.memory_space<semaphore_mem>>)
    %dma_wait3A_854 = arith.constant 1 : i32
    %dma_wait3A_855 = arith.constant 1 : i32
    %dma_wait3A_856 = arith.constant 0 : i32
    %dma_wait3A_857 = arith.constant 0 : i32
    %dma_wait3A_858 = tpu.memref_slice %arg7[%dma_wait3A_854, %dma_wait3A_856, %dma_wait3A_857] : memref<3x16x2048xf32, #tpu.memory_space<vmem>> -> memref<1x16x2048xf32, #tpu.memory_space<vmem>>
    %dma_wait3A_859 = tpu.memref_squeeze %dma_wait3A_858 : memref<1x16x2048xf32, #tpu.memory_space<vmem>> -> memref<16x2048xf32, #tpu.memory_space<vmem>>
    %dma_wait3A_860 = arith.constant 0 : i32
    %dma_wait3A_861 = tpu.memref_slice %arg5[%add3A_767, %dma_wait3A_860] : memref<8192x2048xf32, #tpu.memory_space<hbm>> -> memref<16x2048xf32, #tpu.memory_space<hbm>>
    %dma_wait3A_862 = tpu.memref_slice %arg9[%dma_wait3A_855] : memref<3x!tpu.dma_semaphore, #tpu.memory_space<semaphore_mem>> -> memref<1x!tpu.dma_semaphore, #tpu.memory_space<semaphore_mem>>
    %dma_wait3A_863 = tpu.memref_squeeze %dma_wait3A_862 : memref<1x!tpu.dma_semaphore, #tpu.memory_space<semaphore_mem>> -> memref<!tpu.dma_semaphore, #tpu.memory_space<semaphore_mem>>
    %dma_wait3A_864 = arith.constant 0 : i32
    %dma_wait3A_865 = tpu.memref_slice %arg5[%add3A_767, %dma_wait3A_864] : memref<8192x2048xf32, #tpu.memory_space<hbm>> -> memref<16x2048xf32, #tpu.memory_space<hbm>>
    %dma_wait3A_866 = arith.constant 0 : i32
    %dma_wait3A_867 = arith.constant 0 : i32
    %dma_wait3A_868 = tpu.memref_slice %arg7[%dma_wait3A_854, %dma_wait3A_866, %dma_wait3A_867] : memref<3x16x2048xf32, #tpu.memory_space<vmem>> -> memref<1x16x2048xf32, #tpu.memory_space<vmem>>
    %dma_wait3A_869 = tpu.memref_squeeze %dma_wait3A_868 : memref<1x16x2048xf32, #tpu.memory_space<vmem>> -> memref<16x2048xf32, #tpu.memory_space<vmem>>
    tpu.wait_dma2 semaphore(%dma_wait3A_863 : memref<!tpu.dma_semaphore, #tpu.memory_space<semaphore_mem>>) src(%dma_wait3A_869 : memref<16x2048xf32, #tpu.memory_space<vmem>>) dst(%dma_wait3A_865 : memref<16x2048xf32, #tpu.memory_space<hbm>>)
    %add3A_870 = arith.constant 208 : i32
    %add3A_871 = arith.addi %mul3A_2, %add3A_870 : i32
    %ge3A_872 = arith.cmpi sge, %add3A_871, %reduce_max3A_30 : i32
    %add3A_873 = arith.constant 16 : i32
    %add3A_874 = arith.addi %add3A_871, %add3A_873 : i32
    %add3A_875 = arith.constant 256 : i32
    %add3A_876 = arith.addi %reduce_max3A_30, %add3A_875 : i32
    %le3A_877 = arith.cmpi sle, %add3A_874, %add3A_876 : i32
    %and3A_878 = arith.andi %ge3A_872, %le3A_877 : i1
    %convert_element_type3A_879 = arith.extui %and3A_878 : i1 to i32
    %cond3A_880 = arith.constant 1 : i32
    %cond3A_881 = arith.constant 0 : i32
    %cond3A_882 = arith.cmpi ne, %convert_element_type3A_879, %cond3A_881 : i32
    scf.if %cond3A_882 {
      %sub3A_1186 = arith.subi %add3A_871, %reduce_max3A_30 : i32
      %add3A_1187 = arith.addi %mul3A_32, %sub3A_1186 : i32
      %add3A_1188 = vector.broadcast %add3A_1187 : i32 to vector<16xi32>
      %add3A_1189 = arith.addi %add3A_1188, %iota3A : vector<16xi32>
      %dma_start3A_1190 = arith.constant 0 : i32
      %dma_start3A_1191 = arith.constant 0 : i32
      %dma_start3A_1192 = tpu.memref_slice %arg7[%cond3A_880, %dma_start3A_1190, %dma_start3A_1191] : memref<3x16x2048xf32, #tpu.memory_space<vmem>> -> memref<1x16x2048xf32, #tpu.memory_space<vmem>>
      %dma_start3A_1193 = tpu.memref_squeeze %dma_start3A_1192 : memref<1x16x2048xf32, #tpu.memory_space<vmem>> -> memref<16x2048xf32, #tpu.memory_space<vmem>>
      %dma_start3A_1194 = arith.constant 0 : i32
      %dma_start3A_1195 = arith.constant 0 : i32
      %dma_start3A_1196 = tpu.memref_slice %arg3[%dma_start3A_1194, %dma_start3A_1195] : memref<2048x2048xf32, #tpu.memory_space<hbm>> -> memref<2048x2048xf32, #tpu.memory_space<hbm>>
      %dma_start3A_1197 = tpu.memref_slice %arg8[%cond3A_880] : memref<3x!tpu.dma_semaphore, #tpu.memory_space<semaphore_mem>> -> memref<1x!tpu.dma_semaphore, #tpu.memory_space<semaphore_mem>>
      %dma_start3A_1198 = tpu.memref_squeeze %dma_start3A_1197 : memref<1x!tpu.dma_semaphore, #tpu.memory_space<semaphore_mem>> -> memref<!tpu.dma_semaphore, #tpu.memory_space<semaphore_mem>>
      tpu.enqueue_indirect_dma source(%dma_start3A_1196 : memref<2048x2048xf32, #tpu.memory_space<hbm>>) target(%dma_start3A_1193 : memref<16x2048xf32, #tpu.memory_space<vmem>>) offsets(%add3A_1189 : vector<16xi32>) semaphore(%dma_start3A_1198 : memref<!tpu.dma_semaphore, #tpu.memory_space<semaphore_mem>>)
    } else {
    }
    %not3A_883 = arith.constant true
    %not3A_884 = arith.xori %and3A_878, %not3A_883 : i1
    %convert_element_type3A_885 = arith.extui %not3A_884 : i1 to i32
    %cond3A_886 = arith.constant 1 : i32
    %cond3A_887 = arith.constant 0 : i32
    %cond3A_888 = arith.cmpi ne, %convert_element_type3A_885, %cond3A_887 : i32
    scf.if %cond3A_888 {
      %dma_start3A_1186 = arith.constant 0 : i32
      %dma_start3A_1187 = arith.constant 0 : i32
      %dma_start3A_1188 = tpu.memref_slice %arg7[%cond3A_886, %dma_start3A_1186, %dma_start3A_1187] : memref<3x16x2048xf32, #tpu.memory_space<vmem>> -> memref<1x16x2048xf32, #tpu.memory_space<vmem>>
      %dma_start3A_1189 = tpu.memref_squeeze %dma_start3A_1188 : memref<1x16x2048xf32, #tpu.memory_space<vmem>> -> memref<16x2048xf32, #tpu.memory_space<vmem>>
      %dma_start3A_1190 = arith.constant 0 : i32
      %dma_start3A_1191 = tpu.memref_slice %arg2[%add3A_871, %dma_start3A_1190] : memref<8192x2048xf32, #tpu.memory_space<hbm>> -> memref<16x2048xf32, #tpu.memory_space<hbm>>
      %dma_start3A_1192 = tpu.memref_slice %arg8[%cond3A_886] : memref<3x!tpu.dma_semaphore, #tpu.memory_space<semaphore_mem>> -> memref<1x!tpu.dma_semaphore, #tpu.memory_space<semaphore_mem>>
      %dma_start3A_1193 = tpu.memref_squeeze %dma_start3A_1192 : memref<1x!tpu.dma_semaphore, #tpu.memory_space<semaphore_mem>> -> memref<!tpu.dma_semaphore, #tpu.memory_space<semaphore_mem>>
      %dma_start3A_1194 = arith.constant 0 : i32
      %dma_start3A_1195 = arith.constant 0 : i32
      %dma_start3A_1196 = tpu.memref_slice %arg7[%cond3A_886, %dma_start3A_1194, %dma_start3A_1195] : memref<3x16x2048xf32, #tpu.memory_space<vmem>> -> memref<1x16x2048xf32, #tpu.memory_space<vmem>>
      %dma_start3A_1197 = tpu.memref_squeeze %dma_start3A_1196 : memref<1x16x2048xf32, #tpu.memory_space<vmem>> -> memref<16x2048xf32, #tpu.memory_space<vmem>>
      %dma_start3A_1198 = arith.constant 0 : i32
      %dma_start3A_1199 = tpu.memref_slice %arg2[%add3A_871, %dma_start3A_1198] : memref<8192x2048xf32, #tpu.memory_space<hbm>> -> memref<16x2048xf32, #tpu.memory_space<hbm>>
      tpu.enqueue_dma source(%dma_start3A_1199 : memref<16x2048xf32, #tpu.memory_space<hbm>>) target(%dma_start3A_1197 : memref<16x2048xf32, #tpu.memory_space<vmem>>) target_semaphore(%dma_start3A_1193 : memref<!tpu.dma_semaphore, #tpu.memory_space<semaphore_mem>>)
    } else {
    }
    %dma_wait3A_889 = arith.constant 0 : i32
    %dma_wait3A_890 = arith.constant 0 : i32
    %dma_wait3A_891 = arith.constant 0 : i32
    %dma_wait3A_892 = arith.constant 0 : i32
    %dma_wait3A_893 = arith.constant 0 : i32
    %dma_wait3A_894 = tpu.memref_slice %arg7[%dma_wait3A_890, %dma_wait3A_892, %dma_wait3A_893] : memref<3x16x2048xf32, #tpu.memory_space<vmem>> -> memref<1x16x2048xf32, #tpu.memory_space<vmem>>
    %dma_wait3A_895 = tpu.memref_squeeze %dma_wait3A_894 : memref<1x16x2048xf32, #tpu.memory_space<vmem>> -> memref<16x2048xf32, #tpu.memory_space<vmem>>
    %dma_wait3A_896 = arith.constant 0 : i32
    %dma_wait3A_897 = tpu.memref_slice %arg2[%dma_wait3A_889, %dma_wait3A_896] : memref<8192x2048xf32, #tpu.memory_space<hbm>> -> memref<16x2048xf32, #tpu.memory_space<hbm>>
    %dma_wait3A_898 = tpu.memref_slice %arg8[%dma_wait3A_891] : memref<3x!tpu.dma_semaphore, #tpu.memory_space<semaphore_mem>> -> memref<1x!tpu.dma_semaphore, #tpu.memory_space<semaphore_mem>>
    %dma_wait3A_899 = tpu.memref_squeeze %dma_wait3A_898 : memref<1x!tpu.dma_semaphore, #tpu.memory_space<semaphore_mem>> -> memref<!tpu.dma_semaphore, #tpu.memory_space<semaphore_mem>>
    %dma_wait3A_900 = arith.constant 0 : i32
    %dma_wait3A_901 = arith.constant 0 : i32
    %dma_wait3A_902 = tpu.memref_slice %arg7[%dma_wait3A_890, %dma_wait3A_900, %dma_wait3A_901] : memref<3x16x2048xf32, #tpu.memory_space<vmem>> -> memref<1x16x2048xf32, #tpu.memory_space<vmem>>
    %dma_wait3A_903 = tpu.memref_squeeze %dma_wait3A_902 : memref<1x16x2048xf32, #tpu.memory_space<vmem>> -> memref<16x2048xf32, #tpu.memory_space<vmem>>
    %dma_wait3A_904 = arith.constant 0 : i32
    %dma_wait3A_905 = tpu.memref_slice %arg2[%dma_wait3A_889, %dma_wait3A_904] : memref<8192x2048xf32, #tpu.memory_space<hbm>> -> memref<16x2048xf32, #tpu.memory_space<hbm>>
    tpu.wait_dma2 semaphore(%dma_wait3A_899 : memref<!tpu.dma_semaphore, #tpu.memory_space<semaphore_mem>>) src(%dma_wait3A_905 : memref<16x2048xf32, #tpu.memory_space<hbm>>) dst(%dma_wait3A_903 : memref<16x2048xf32, #tpu.memory_space<vmem>>)
    %add3A_906 = arith.constant 192 : i32
    %add3A_907 = arith.addi %mul3A_2, %add3A_906 : i32
    %dma_start3A_908 = arith.constant 0 : i32
    %dma_start3A_909 = arith.constant 0 : i32
    %dma_start3A_910 = arith.constant 0 : i32
    %dma_start3A_911 = arith.constant 0 : i32
    %dma_start3A_912 = tpu.memref_slice %arg7[%dma_start3A_908, %dma_start3A_910, %dma_start3A_911] : memref<3x16x2048xf32, #tpu.memory_space<vmem>> -> memref<1x16x2048xf32, #tpu.memory_space<vmem>>
    %dma_start3A_913 = tpu.memref_squeeze %dma_start3A_912 : memref<1x16x2048xf32, #tpu.memory_space<vmem>> -> memref<16x2048xf32, #tpu.memory_space<vmem>>
    %dma_start3A_914 = arith.constant 0 : i32
    %dma_start3A_915 = tpu.memref_slice %arg5[%add3A_907, %dma_start3A_914] : memref<8192x2048xf32, #tpu.memory_space<hbm>> -> memref<16x2048xf32, #tpu.memory_space<hbm>>
    %dma_start3A_916 = tpu.memref_slice %arg9[%dma_start3A_909] : memref<3x!tpu.dma_semaphore, #tpu.memory_space<semaphore_mem>> -> memref<1x!tpu.dma_semaphore, #tpu.memory_space<semaphore_mem>>
    %dma_start3A_917 = tpu.memref_squeeze %dma_start3A_916 : memref<1x!tpu.dma_semaphore, #tpu.memory_space<semaphore_mem>> -> memref<!tpu.dma_semaphore, #tpu.memory_space<semaphore_mem>>
    %dma_start3A_918 = arith.constant 0 : i32
    %dma_start3A_919 = tpu.memref_slice %arg5[%add3A_907, %dma_start3A_918] : memref<8192x2048xf32, #tpu.memory_space<hbm>> -> memref<16x2048xf32, #tpu.memory_space<hbm>>
    %dma_start3A_920 = arith.constant 0 : i32
    %dma_start3A_921 = arith.constant 0 : i32
    %dma_start3A_922 = tpu.memref_slice %arg7[%dma_start3A_908, %dma_start3A_920, %dma_start3A_921] : memref<3x16x2048xf32, #tpu.memory_space<vmem>> -> memref<1x16x2048xf32, #tpu.memory_space<vmem>>
    %dma_start3A_923 = tpu.memref_squeeze %dma_start3A_922 : memref<1x16x2048xf32, #tpu.memory_space<vmem>> -> memref<16x2048xf32, #tpu.memory_space<vmem>>
    tpu.enqueue_dma source(%dma_start3A_923 : memref<16x2048xf32, #tpu.memory_space<vmem>>) target(%dma_start3A_919 : memref<16x2048xf32, #tpu.memory_space<hbm>>) target_semaphore(%dma_start3A_917 : memref<!tpu.dma_semaphore, #tpu.memory_space<semaphore_mem>>)
    %dma_wait3A_924 = arith.constant 2 : i32
    %dma_wait3A_925 = arith.constant 2 : i32
    %dma_wait3A_926 = arith.constant 0 : i32
    %dma_wait3A_927 = arith.constant 0 : i32
    %dma_wait3A_928 = tpu.memref_slice %arg7[%dma_wait3A_924, %dma_wait3A_926, %dma_wait3A_927] : memref<3x16x2048xf32, #tpu.memory_space<vmem>> -> memref<1x16x2048xf32, #tpu.memory_space<vmem>>
    %dma_wait3A_929 = tpu.memref_squeeze %dma_wait3A_928 : memref<1x16x2048xf32, #tpu.memory_space<vmem>> -> memref<16x2048xf32, #tpu.memory_space<vmem>>
    %dma_wait3A_930 = arith.constant 0 : i32
    %dma_wait3A_931 = tpu.memref_slice %arg5[%add3A_837, %dma_wait3A_930] : memref<8192x2048xf32, #tpu.memory_space<hbm>> -> memref<16x2048xf32, #tpu.memory_space<hbm>>
    %dma_wait3A_932 = tpu.memref_slice %arg9[%dma_wait3A_925] : memref<3x!tpu.dma_semaphore, #tpu.memory_space<semaphore_mem>> -> memref<1x!tpu.dma_semaphore, #tpu.memory_space<semaphore_mem>>
    %dma_wait3A_933 = tpu.memref_squeeze %dma_wait3A_932 : memref<1x!tpu.dma_semaphore, #tpu.memory_space<semaphore_mem>> -> memref<!tpu.dma_semaphore, #tpu.memory_space<semaphore_mem>>
    %dma_wait3A_934 = arith.constant 0 : i32
    %dma_wait3A_935 = tpu.memref_slice %arg5[%add3A_837, %dma_wait3A_934] : memref<8192x2048xf32, #tpu.memory_space<hbm>> -> memref<16x2048xf32, #tpu.memory_space<hbm>>
    %dma_wait3A_936 = arith.constant 0 : i32
    %dma_wait3A_937 = arith.constant 0 : i32
    %dma_wait3A_938 = tpu.memref_slice %arg7[%dma_wait3A_924, %dma_wait3A_936, %dma_wait3A_937] : memref<3x16x2048xf32, #tpu.memory_space<vmem>> -> memref<1x16x2048xf32, #tpu.memory_space<vmem>>
    %dma_wait3A_939 = tpu.memref_squeeze %dma_wait3A_938 : memref<1x16x2048xf32, #tpu.memory_space<vmem>> -> memref<16x2048xf32, #tpu.memory_space<vmem>>
    tpu.wait_dma2 semaphore(%dma_wait3A_933 : memref<!tpu.dma_semaphore, #tpu.memory_space<semaphore_mem>>) src(%dma_wait3A_939 : memref<16x2048xf32, #tpu.memory_space<vmem>>) dst(%dma_wait3A_935 : memref<16x2048xf32, #tpu.memory_space<hbm>>)
    %add3A_940 = arith.constant 224 : i32
    %add3A_941 = arith.addi %mul3A_2, %add3A_940 : i32
    %ge3A_942 = arith.cmpi sge, %add3A_941, %reduce_max3A_30 : i32
    %add3A_943 = arith.constant 16 : i32
    %add3A_944 = arith.addi %add3A_941, %add3A_943 : i32
    %add3A_945 = arith.constant 256 : i32
    %add3A_946 = arith.addi %reduce_max3A_30, %add3A_945 : i32
    %le3A_947 = arith.cmpi sle, %add3A_944, %add3A_946 : i32
    %and3A_948 = arith.andi %ge3A_942, %le3A_947 : i1
    %convert_element_type3A_949 = arith.extui %and3A_948 : i1 to i32
    %cond3A_950 = arith.constant 2 : i32
    %cond3A_951 = arith.constant 0 : i32
    %cond3A_952 = arith.cmpi ne, %convert_element_type3A_949, %cond3A_951 : i32
    scf.if %cond3A_952 {
      %sub3A_1186 = arith.subi %add3A_941, %reduce_max3A_30 : i32
      %add3A_1187 = arith.addi %mul3A_32, %sub3A_1186 : i32
      %add3A_1188 = vector.broadcast %add3A_1187 : i32 to vector<16xi32>
      %add3A_1189 = arith.addi %add3A_1188, %iota3A : vector<16xi32>
      %dma_start3A_1190 = arith.constant 0 : i32
      %dma_start3A_1191 = arith.constant 0 : i32
      %dma_start3A_1192 = tpu.memref_slice %arg7[%cond3A_950, %dma_start3A_1190, %dma_start3A_1191] : memref<3x16x2048xf32, #tpu.memory_space<vmem>> -> memref<1x16x2048xf32, #tpu.memory_space<vmem>>
      %dma_start3A_1193 = tpu.memref_squeeze %dma_start3A_1192 : memref<1x16x2048xf32, #tpu.memory_space<vmem>> -> memref<16x2048xf32, #tpu.memory_space<vmem>>
      %dma_start3A_1194 = arith.constant 0 : i32
      %dma_start3A_1195 = arith.constant 0 : i32
      %dma_start3A_1196 = tpu.memref_slice %arg3[%dma_start3A_1194, %dma_start3A_1195] : memref<2048x2048xf32, #tpu.memory_space<hbm>> -> memref<2048x2048xf32, #tpu.memory_space<hbm>>
      %dma_start3A_1197 = tpu.memref_slice %arg8[%cond3A_950] : memref<3x!tpu.dma_semaphore, #tpu.memory_space<semaphore_mem>> -> memref<1x!tpu.dma_semaphore, #tpu.memory_space<semaphore_mem>>
      %dma_start3A_1198 = tpu.memref_squeeze %dma_start3A_1197 : memref<1x!tpu.dma_semaphore, #tpu.memory_space<semaphore_mem>> -> memref<!tpu.dma_semaphore, #tpu.memory_space<semaphore_mem>>
      tpu.enqueue_indirect_dma source(%dma_start3A_1196 : memref<2048x2048xf32, #tpu.memory_space<hbm>>) target(%dma_start3A_1193 : memref<16x2048xf32, #tpu.memory_space<vmem>>) offsets(%add3A_1189 : vector<16xi32>) semaphore(%dma_start3A_1198 : memref<!tpu.dma_semaphore, #tpu.memory_space<semaphore_mem>>)
    } else {
    }
    %not3A_953 = arith.constant true
    %not3A_954 = arith.xori %and3A_948, %not3A_953 : i1
    %convert_element_type3A_955 = arith.extui %not3A_954 : i1 to i32
    %cond3A_956 = arith.constant 2 : i32
    %cond3A_957 = arith.constant 0 : i32
    %cond3A_958 = arith.cmpi ne, %convert_element_type3A_955, %cond3A_957 : i32
    scf.if %cond3A_958 {
      %dma_start3A_1186 = arith.constant 0 : i32
      %dma_start3A_1187 = arith.constant 0 : i32
      %dma_start3A_1188 = tpu.memref_slice %arg7[%cond3A_956, %dma_start3A_1186, %dma_start3A_1187] : memref<3x16x2048xf32, #tpu.memory_space<vmem>> -> memref<1x16x2048xf32, #tpu.memory_space<vmem>>
      %dma_start3A_1189 = tpu.memref_squeeze %dma_start3A_1188 : memref<1x16x2048xf32, #tpu.memory_space<vmem>> -> memref<16x2048xf32, #tpu.memory_space<vmem>>
      %dma_start3A_1190 = arith.constant 0 : i32
      %dma_start3A_1191 = tpu.memref_slice %arg2[%add3A_941, %dma_start3A_1190] : memref<8192x2048xf32, #tpu.memory_space<hbm>> -> memref<16x2048xf32, #tpu.memory_space<hbm>>
      %dma_start3A_1192 = tpu.memref_slice %arg8[%cond3A_956] : memref<3x!tpu.dma_semaphore, #tpu.memory_space<semaphore_mem>> -> memref<1x!tpu.dma_semaphore, #tpu.memory_space<semaphore_mem>>
      %dma_start3A_1193 = tpu.memref_squeeze %dma_start3A_1192 : memref<1x!tpu.dma_semaphore, #tpu.memory_space<semaphore_mem>> -> memref<!tpu.dma_semaphore, #tpu.memory_space<semaphore_mem>>
      %dma_start3A_1194 = arith.constant 0 : i32
      %dma_start3A_1195 = arith.constant 0 : i32
      %dma_start3A_1196 = tpu.memref_slice %arg7[%cond3A_956, %dma_start3A_1194, %dma_start3A_1195] : memref<3x16x2048xf32, #tpu.memory_space<vmem>> -> memref<1x16x2048xf32, #tpu.memory_space<vmem>>
      %dma_start3A_1197 = tpu.memref_squeeze %dma_start3A_1196 : memref<1x16x2048xf32, #tpu.memory_space<vmem>> -> memref<16x2048xf32, #tpu.memory_space<vmem>>
      %dma_start3A_1198 = arith.constant 0 : i32
      %dma_start3A_1199 = tpu.memref_slice %arg2[%add3A_941, %dma_start3A_1198] : memref<8192x2048xf32, #tpu.memory_space<hbm>> -> memref<16x2048xf32, #tpu.memory_space<hbm>>
      tpu.enqueue_dma source(%dma_start3A_1199 : memref<16x2048xf32, #tpu.memory_space<hbm>>) target(%dma_start3A_1197 : memref<16x2048xf32, #tpu.memory_space<vmem>>) target_semaphore(%dma_start3A_1193 : memref<!tpu.dma_semaphore, #tpu.memory_space<semaphore_mem>>)
    } else {
    }
    %dma_wait3A_959 = arith.constant 0 : i32
    %dma_wait3A_960 = arith.constant 1 : i32
    %dma_wait3A_961 = arith.constant 1 : i32
    %dma_wait3A_962 = arith.constant 0 : i32
    %dma_wait3A_963 = arith.constant 0 : i32
    %dma_wait3A_964 = tpu.memref_slice %arg7[%dma_wait3A_960, %dma_wait3A_962, %dma_wait3A_963] : memref<3x16x2048xf32, #tpu.memory_space<vmem>> -> memref<1x16x2048xf32, #tpu.memory_space<vmem>>
    %dma_wait3A_965 = tpu.memref_squeeze %dma_wait3A_964 : memref<1x16x2048xf32, #tpu.memory_space<vmem>> -> memref<16x2048xf32, #tpu.memory_space<vmem>>
    %dma_wait3A_966 = arith.constant 0 : i32
    %dma_wait3A_967 = tpu.memref_slice %arg2[%dma_wait3A_959, %dma_wait3A_966] : memref<8192x2048xf32, #tpu.memory_space<hbm>> -> memref<16x2048xf32, #tpu.memory_space<hbm>>
    %dma_wait3A_968 = tpu.memref_slice %arg8[%dma_wait3A_961] : memref<3x!tpu.dma_semaphore, #tpu.memory_space<semaphore_mem>> -> memref<1x!tpu.dma_semaphore, #tpu.memory_space<semaphore_mem>>
    %dma_wait3A_969 = tpu.memref_squeeze %dma_wait3A_968 : memref<1x!tpu.dma_semaphore, #tpu.memory_space<semaphore_mem>> -> memref<!tpu.dma_semaphore, #tpu.memory_space<semaphore_mem>>
    %dma_wait3A_970 = arith.constant 0 : i32
    %dma_wait3A_971 = arith.constant 0 : i32
    %dma_wait3A_972 = tpu.memref_slice %arg7[%dma_wait3A_960, %dma_wait3A_970, %dma_wait3A_971] : memref<3x16x2048xf32, #tpu.memory_space<vmem>> -> memref<1x16x2048xf32, #tpu.memory_space<vmem>>
    %dma_wait3A_973 = tpu.memref_squeeze %dma_wait3A_972 : memref<1x16x2048xf32, #tpu.memory_space<vmem>> -> memref<16x2048xf32, #tpu.memory_space<vmem>>
    %dma_wait3A_974 = arith.constant 0 : i32
    %dma_wait3A_975 = tpu.memref_slice %arg2[%dma_wait3A_959, %dma_wait3A_974] : memref<8192x2048xf32, #tpu.memory_space<hbm>> -> memref<16x2048xf32, #tpu.memory_space<hbm>>
    tpu.wait_dma2 semaphore(%dma_wait3A_969 : memref<!tpu.dma_semaphore, #tpu.memory_space<semaphore_mem>>) src(%dma_wait3A_975 : memref<16x2048xf32, #tpu.memory_space<hbm>>) dst(%dma_wait3A_973 : memref<16x2048xf32, #tpu.memory_space<vmem>>)
    %add3A_976 = arith.constant 208 : i32
    %add3A_977 = arith.addi %mul3A_2, %add3A_976 : i32
    %dma_start3A_978 = arith.constant 1 : i32
    %dma_start3A_979 = arith.constant 1 : i32
    %dma_start3A_980 = arith.constant 0 : i32
    %dma_start3A_981 = arith.constant 0 : i32
    %dma_start3A_982 = tpu.memref_slice %arg7[%dma_start3A_978, %dma_start3A_980, %dma_start3A_981] : memref<3x16x2048xf32, #tpu.memory_space<vmem>> -> memref<1x16x2048xf32, #tpu.memory_space<vmem>>
    %dma_start3A_983 = tpu.memref_squeeze %dma_start3A_982 : memref<1x16x2048xf32, #tpu.memory_space<vmem>> -> memref<16x2048xf32, #tpu.memory_space<vmem>>
    %dma_start3A_984 = arith.constant 0 : i32
    %dma_start3A_985 = tpu.memref_slice %arg5[%add3A_977, %dma_start3A_984] : memref<8192x2048xf32, #tpu.memory_space<hbm>> -> memref<16x2048xf32, #tpu.memory_space<hbm>>
    %dma_start3A_986 = tpu.memref_slice %arg9[%dma_start3A_979] : memref<3x!tpu.dma_semaphore, #tpu.memory_space<semaphore_mem>> -> memref<1x!tpu.dma_semaphore, #tpu.memory_space<semaphore_mem>>
    %dma_start3A_987 = tpu.memref_squeeze %dma_start3A_986 : memref<1x!tpu.dma_semaphore, #tpu.memory_space<semaphore_mem>> -> memref<!tpu.dma_semaphore, #tpu.memory_space<semaphore_mem>>
    %dma_start3A_988 = arith.constant 0 : i32
    %dma_start3A_989 = tpu.memref_slice %arg5[%add3A_977, %dma_start3A_988] : memref<8192x2048xf32, #tpu.memory_space<hbm>> -> memref<16x2048xf32, #tpu.memory_space<hbm>>
    %dma_start3A_990 = arith.constant 0 : i32
    %dma_start3A_991 = arith.constant 0 : i32
    %dma_start3A_992 = tpu.memref_slice %arg7[%dma_start3A_978, %dma_start3A_990, %dma_start3A_991] : memref<3x16x2048xf32, #tpu.memory_space<vmem>> -> memref<1x16x2048xf32, #tpu.memory_space<vmem>>
    %dma_start3A_993 = tpu.memref_squeeze %dma_start3A_992 : memref<1x16x2048xf32, #tpu.memory_space<vmem>> -> memref<16x2048xf32, #tpu.memory_space<vmem>>
    tpu.enqueue_dma source(%dma_start3A_993 : memref<16x2048xf32, #tpu.memory_space<vmem>>) target(%dma_start3A_989 : memref<16x2048xf32, #tpu.memory_space<hbm>>) target_semaphore(%dma_start3A_987 : memref<!tpu.dma_semaphore, #tpu.memory_space<semaphore_mem>>)
    %dma_wait3A_994 = arith.constant 0 : i32
    %dma_wait3A_995 = arith.constant 0 : i32
    %dma_wait3A_996 = arith.constant 0 : i32
    %dma_wait3A_997 = arith.constant 0 : i32
    %dma_wait3A_998 = tpu.memref_slice %arg7[%dma_wait3A_994, %dma_wait3A_996, %dma_wait3A_997] : memref<3x16x2048xf32, #tpu.memory_space<vmem>> -> memref<1x16x2048xf32, #tpu.memory_space<vmem>>
    %dma_wait3A_999 = tpu.memref_squeeze %dma_wait3A_998 : memref<1x16x2048xf32, #tpu.memory_space<vmem>> -> memref<16x2048xf32, #tpu.memory_space<vmem>>
    %dma_wait3A_1000 = arith.constant 0 : i32
    %dma_wait3A_1001 = tpu.memref_slice %arg5[%add3A_907, %dma_wait3A_1000] : memref<8192x2048xf32, #tpu.memory_space<hbm>> -> memref<16x2048xf32, #tpu.memory_space<hbm>>
    %dma_wait3A_1002 = tpu.memref_slice %arg9[%dma_wait3A_995] : memref<3x!tpu.dma_semaphore, #tpu.memory_space<semaphore_mem>> -> memref<1x!tpu.dma_semaphore, #tpu.memory_space<semaphore_mem>>
    %dma_wait3A_1003 = tpu.memref_squeeze %dma_wait3A_1002 : memref<1x!tpu.dma_semaphore, #tpu.memory_space<semaphore_mem>> -> memref<!tpu.dma_semaphore, #tpu.memory_space<semaphore_mem>>
    %dma_wait3A_1004 = arith.constant 0 : i32
    %dma_wait3A_1005 = tpu.memref_slice %arg5[%add3A_907, %dma_wait3A_1004] : memref<8192x2048xf32, #tpu.memory_space<hbm>> -> memref<16x2048xf32, #tpu.memory_space<hbm>>
    %dma_wait3A_1006 = arith.constant 0 : i32
    %dma_wait3A_1007 = arith.constant 0 : i32
    %dma_wait3A_1008 = tpu.memref_slice %arg7[%dma_wait3A_994, %dma_wait3A_1006, %dma_wait3A_1007] : memref<3x16x2048xf32, #tpu.memory_space<vmem>> -> memref<1x16x2048xf32, #tpu.memory_space<vmem>>
    %dma_wait3A_1009 = tpu.memref_squeeze %dma_wait3A_1008 : memref<1x16x2048xf32, #tpu.memory_space<vmem>> -> memref<16x2048xf32, #tpu.memory_space<vmem>>
    tpu.wait_dma2 semaphore(%dma_wait3A_1003 : memref<!tpu.dma_semaphore, #tpu.memory_space<semaphore_mem>>) src(%dma_wait3A_1009 : memref<16x2048xf32, #tpu.memory_space<vmem>>) dst(%dma_wait3A_1005 : memref<16x2048xf32, #tpu.memory_space<hbm>>)
    %add3A_1010 = arith.constant 240 : i32
    %add3A_1011 = arith.addi %mul3A_2, %add3A_1010 : i32
    %ge3A_1012 = arith.cmpi sge, %add3A_1011, %reduce_max3A_30 : i32
    %add3A_1013 = arith.constant 16 : i32
    %add3A_1014 = arith.addi %add3A_1011, %add3A_1013 : i32
    %add3A_1015 = arith.constant 256 : i32
    %add3A_1016 = arith.addi %reduce_max3A_30, %add3A_1015 : i32
    %le3A_1017 = arith.cmpi sle, %add3A_1014, %add3A_1016 : i32
    %and3A_1018 = arith.andi %ge3A_1012, %le3A_1017 : i1
    %convert_element_type3A_1019 = arith.extui %and3A_1018 : i1 to i32
    %cond3A_1020 = arith.constant 0 : i32
    %cond3A_1021 = arith.constant 0 : i32
    %cond3A_1022 = arith.cmpi ne, %convert_element_type3A_1019, %cond3A_1021 : i32
    scf.if %cond3A_1022 {
      %sub3A_1186 = arith.subi %add3A_1011, %reduce_max3A_30 : i32
      %add3A_1187 = arith.addi %mul3A_32, %sub3A_1186 : i32
      %add3A_1188 = vector.broadcast %add3A_1187 : i32 to vector<16xi32>
      %add3A_1189 = arith.addi %add3A_1188, %iota3A : vector<16xi32>
      %dma_start3A_1190 = arith.constant 0 : i32
      %dma_start3A_1191 = arith.constant 0 : i32
      %dma_start3A_1192 = tpu.memref_slice %arg7[%cond3A_1020, %dma_start3A_1190, %dma_start3A_1191] : memref<3x16x2048xf32, #tpu.memory_space<vmem>> -> memref<1x16x2048xf32, #tpu.memory_space<vmem>>
      %dma_start3A_1193 = tpu.memref_squeeze %dma_start3A_1192 : memref<1x16x2048xf32, #tpu.memory_space<vmem>> -> memref<16x2048xf32, #tpu.memory_space<vmem>>
      %dma_start3A_1194 = arith.constant 0 : i32
      %dma_start3A_1195 = arith.constant 0 : i32
      %dma_start3A_1196 = tpu.memref_slice %arg3[%dma_start3A_1194, %dma_start3A_1195] : memref<2048x2048xf32, #tpu.memory_space<hbm>> -> memref<2048x2048xf32, #tpu.memory_space<hbm>>
      %dma_start3A_1197 = tpu.memref_slice %arg8[%cond3A_1020] : memref<3x!tpu.dma_semaphore, #tpu.memory_space<semaphore_mem>> -> memref<1x!tpu.dma_semaphore, #tpu.memory_space<semaphore_mem>>
      %dma_start3A_1198 = tpu.memref_squeeze %dma_start3A_1197 : memref<1x!tpu.dma_semaphore, #tpu.memory_space<semaphore_mem>> -> memref<!tpu.dma_semaphore, #tpu.memory_space<semaphore_mem>>
      tpu.enqueue_indirect_dma source(%dma_start3A_1196 : memref<2048x2048xf32, #tpu.memory_space<hbm>>) target(%dma_start3A_1193 : memref<16x2048xf32, #tpu.memory_space<vmem>>) offsets(%add3A_1189 : vector<16xi32>) semaphore(%dma_start3A_1198 : memref<!tpu.dma_semaphore, #tpu.memory_space<semaphore_mem>>)
    } else {
    }
    %not3A_1023 = arith.constant true
    %not3A_1024 = arith.xori %and3A_1018, %not3A_1023 : i1
    %convert_element_type3A_1025 = arith.extui %not3A_1024 : i1 to i32
    %cond3A_1026 = arith.constant 0 : i32
    %cond3A_1027 = arith.constant 0 : i32
    %cond3A_1028 = arith.cmpi ne, %convert_element_type3A_1025, %cond3A_1027 : i32
    scf.if %cond3A_1028 {
      %dma_start3A_1186 = arith.constant 0 : i32
      %dma_start3A_1187 = arith.constant 0 : i32
      %dma_start3A_1188 = tpu.memref_slice %arg7[%cond3A_1026, %dma_start3A_1186, %dma_start3A_1187] : memref<3x16x2048xf32, #tpu.memory_space<vmem>> -> memref<1x16x2048xf32, #tpu.memory_space<vmem>>
      %dma_start3A_1189 = tpu.memref_squeeze %dma_start3A_1188 : memref<1x16x2048xf32, #tpu.memory_space<vmem>> -> memref<16x2048xf32, #tpu.memory_space<vmem>>
      %dma_start3A_1190 = arith.constant 0 : i32
      %dma_start3A_1191 = tpu.memref_slice %arg2[%add3A_1011, %dma_start3A_1190] : memref<8192x2048xf32, #tpu.memory_space<hbm>> -> memref<16x2048xf32, #tpu.memory_space<hbm>>
      %dma_start3A_1192 = tpu.memref_slice %arg8[%cond3A_1026] : memref<3x!tpu.dma_semaphore, #tpu.memory_space<semaphore_mem>> -> memref<1x!tpu.dma_semaphore, #tpu.memory_space<semaphore_mem>>
      %dma_start3A_1193 = tpu.memref_squeeze %dma_start3A_1192 : memref<1x!tpu.dma_semaphore, #tpu.memory_space<semaphore_mem>> -> memref<!tpu.dma_semaphore, #tpu.memory_space<semaphore_mem>>
      %dma_start3A_1194 = arith.constant 0 : i32
      %dma_start3A_1195 = arith.constant 0 : i32
      %dma_start3A_1196 = tpu.memref_slice %arg7[%cond3A_1026, %dma_start3A_1194, %dma_start3A_1195] : memref<3x16x2048xf32, #tpu.memory_space<vmem>> -> memref<1x16x2048xf32, #tpu.memory_space<vmem>>
      %dma_start3A_1197 = tpu.memref_squeeze %dma_start3A_1196 : memref<1x16x2048xf32, #tpu.memory_space<vmem>> -> memref<16x2048xf32, #tpu.memory_space<vmem>>
      %dma_start3A_1198 = arith.constant 0 : i32
      %dma_start3A_1199 = tpu.memref_slice %arg2[%add3A_1011, %dma_start3A_1198] : memref<8192x2048xf32, #tpu.memory_space<hbm>> -> memref<16x2048xf32, #tpu.memory_space<hbm>>
      tpu.enqueue_dma source(%dma_start3A_1199 : memref<16x2048xf32, #tpu.memory_space<hbm>>) target(%dma_start3A_1197 : memref<16x2048xf32, #tpu.memory_space<vmem>>) target_semaphore(%dma_start3A_1193 : memref<!tpu.dma_semaphore, #tpu.memory_space<semaphore_mem>>)
    } else {
    }
    %dma_wait3A_1029 = arith.constant 0 : i32
    %dma_wait3A_1030 = arith.constant 2 : i32
    %dma_wait3A_1031 = arith.constant 2 : i32
    %dma_wait3A_1032 = arith.constant 0 : i32
    %dma_wait3A_1033 = arith.constant 0 : i32
    %dma_wait3A_1034 = tpu.memref_slice %arg7[%dma_wait3A_1030, %dma_wait3A_1032, %dma_wait3A_1033] : memref<3x16x2048xf32, #tpu.memory_space<vmem>> -> memref<1x16x2048xf32, #tpu.memory_space<vmem>>
    %dma_wait3A_1035 = tpu.memref_squeeze %dma_wait3A_1034 : memref<1x16x2048xf32, #tpu.memory_space<vmem>> -> memref<16x2048xf32, #tpu.memory_space<vmem>>
    %dma_wait3A_1036 = arith.constant 0 : i32
    %dma_wait3A_1037 = tpu.memref_slice %arg2[%dma_wait3A_1029, %dma_wait3A_1036] : memref<8192x2048xf32, #tpu.memory_space<hbm>> -> memref<16x2048xf32, #tpu.memory_space<hbm>>
    %dma_wait3A_1038 = tpu.memref_slice %arg8[%dma_wait3A_1031] : memref<3x!tpu.dma_semaphore, #tpu.memory_space<semaphore_mem>> -> memref<1x!tpu.dma_semaphore, #tpu.memory_space<semaphore_mem>>
    %dma_wait3A_1039 = tpu.memref_squeeze %dma_wait3A_1038 : memref<1x!tpu.dma_semaphore, #tpu.memory_space<semaphore_mem>> -> memref<!tpu.dma_semaphore, #tpu.memory_space<semaphore_mem>>
    %dma_wait3A_1040 = arith.constant 0 : i32
    %dma_wait3A_1041 = arith.constant 0 : i32
    %dma_wait3A_1042 = tpu.memref_slice %arg7[%dma_wait3A_1030, %dma_wait3A_1040, %dma_wait3A_1041] : memref<3x16x2048xf32, #tpu.memory_space<vmem>> -> memref<1x16x2048xf32, #tpu.memory_space<vmem>>
    %dma_wait3A_1043 = tpu.memref_squeeze %dma_wait3A_1042 : memref<1x16x2048xf32, #tpu.memory_space<vmem>> -> memref<16x2048xf32, #tpu.memory_space<vmem>>
    %dma_wait3A_1044 = arith.constant 0 : i32
    %dma_wait3A_1045 = tpu.memref_slice %arg2[%dma_wait3A_1029, %dma_wait3A_1044] : memref<8192x2048xf32, #tpu.memory_space<hbm>> -> memref<16x2048xf32, #tpu.memory_space<hbm>>
    tpu.wait_dma2 semaphore(%dma_wait3A_1039 : memref<!tpu.dma_semaphore, #tpu.memory_space<semaphore_mem>>) src(%dma_wait3A_1045 : memref<16x2048xf32, #tpu.memory_space<hbm>>) dst(%dma_wait3A_1043 : memref<16x2048xf32, #tpu.memory_space<vmem>>)
    %add3A_1046 = arith.constant 224 : i32
    %add3A_1047 = arith.addi %mul3A_2, %add3A_1046 : i32
    %dma_start3A_1048 = arith.constant 2 : i32
    %dma_start3A_1049 = arith.constant 2 : i32
    %dma_start3A_1050 = arith.constant 0 : i32
    %dma_start3A_1051 = arith.constant 0 : i32
    %dma_start3A_1052 = tpu.memref_slice %arg7[%dma_start3A_1048, %dma_start3A_1050, %dma_start3A_1051] : memref<3x16x2048xf32, #tpu.memory_space<vmem>> -> memref<1x16x2048xf32, #tpu.memory_space<vmem>>
    %dma_start3A_1053 = tpu.memref_squeeze %dma_start3A_1052 : memref<1x16x2048xf32, #tpu.memory_space<vmem>> -> memref<16x2048xf32, #tpu.memory_space<vmem>>
    %dma_start3A_1054 = arith.constant 0 : i32
    %dma_start3A_1055 = tpu.memref_slice %arg5[%add3A_1047, %dma_start3A_1054] : memref<8192x2048xf32, #tpu.memory_space<hbm>> -> memref<16x2048xf32, #tpu.memory_space<hbm>>
    %dma_start3A_1056 = tpu.memref_slice %arg9[%dma_start3A_1049] : memref<3x!tpu.dma_semaphore, #tpu.memory_space<semaphore_mem>> -> memref<1x!tpu.dma_semaphore, #tpu.memory_space<semaphore_mem>>
    %dma_start3A_1057 = tpu.memref_squeeze %dma_start3A_1056 : memref<1x!tpu.dma_semaphore, #tpu.memory_space<semaphore_mem>> -> memref<!tpu.dma_semaphore, #tpu.memory_space<semaphore_mem>>
    %dma_start3A_1058 = arith.constant 0 : i32
    %dma_start3A_1059 = tpu.memref_slice %arg5[%add3A_1047, %dma_start3A_1058] : memref<8192x2048xf32, #tpu.memory_space<hbm>> -> memref<16x2048xf32, #tpu.memory_space<hbm>>
    %dma_start3A_1060 = arith.constant 0 : i32
    %dma_start3A_1061 = arith.constant 0 : i32
    %dma_start3A_1062 = tpu.memref_slice %arg7[%dma_start3A_1048, %dma_start3A_1060, %dma_start3A_1061] : memref<3x16x2048xf32, #tpu.memory_space<vmem>> -> memref<1x16x2048xf32, #tpu.memory_space<vmem>>
    %dma_start3A_1063 = tpu.memref_squeeze %dma_start3A_1062 : memref<1x16x2048xf32, #tpu.memory_space<vmem>> -> memref<16x2048xf32, #tpu.memory_space<vmem>>
    tpu.enqueue_dma source(%dma_start3A_1063 : memref<16x2048xf32, #tpu.memory_space<vmem>>) target(%dma_start3A_1059 : memref<16x2048xf32, #tpu.memory_space<hbm>>) target_semaphore(%dma_start3A_1057 : memref<!tpu.dma_semaphore, #tpu.memory_space<semaphore_mem>>)
    %dma_wait3A_1064 = arith.constant 0 : i32
    %dma_wait3A_1065 = arith.constant 0 : i32
    %dma_wait3A_1066 = arith.constant 0 : i32
    %dma_wait3A_1067 = arith.constant 0 : i32
    %dma_wait3A_1068 = arith.constant 0 : i32
    %dma_wait3A_1069 = tpu.memref_slice %arg7[%dma_wait3A_1065, %dma_wait3A_1067, %dma_wait3A_1068] : memref<3x16x2048xf32, #tpu.memory_space<vmem>> -> memref<1x16x2048xf32, #tpu.memory_space<vmem>>
    %dma_wait3A_1070 = tpu.memref_squeeze %dma_wait3A_1069 : memref<1x16x2048xf32, #tpu.memory_space<vmem>> -> memref<16x2048xf32, #tpu.memory_space<vmem>>
    %dma_wait3A_1071 = arith.constant 0 : i32
    %dma_wait3A_1072 = tpu.memref_slice %arg2[%dma_wait3A_1064, %dma_wait3A_1071] : memref<8192x2048xf32, #tpu.memory_space<hbm>> -> memref<16x2048xf32, #tpu.memory_space<hbm>>
    %dma_wait3A_1073 = tpu.memref_slice %arg8[%dma_wait3A_1066] : memref<3x!tpu.dma_semaphore, #tpu.memory_space<semaphore_mem>> -> memref<1x!tpu.dma_semaphore, #tpu.memory_space<semaphore_mem>>
    %dma_wait3A_1074 = tpu.memref_squeeze %dma_wait3A_1073 : memref<1x!tpu.dma_semaphore, #tpu.memory_space<semaphore_mem>> -> memref<!tpu.dma_semaphore, #tpu.memory_space<semaphore_mem>>
    %dma_wait3A_1075 = arith.constant 0 : i32
    %dma_wait3A_1076 = arith.constant 0 : i32
    %dma_wait3A_1077 = tpu.memref_slice %arg7[%dma_wait3A_1065, %dma_wait3A_1075, %dma_wait3A_1076] : memref<3x16x2048xf32, #tpu.memory_space<vmem>> -> memref<1x16x2048xf32, #tpu.memory_space<vmem>>
    %dma_wait3A_1078 = tpu.memref_squeeze %dma_wait3A_1077 : memref<1x16x2048xf32, #tpu.memory_space<vmem>> -> memref<16x2048xf32, #tpu.memory_space<vmem>>
    %dma_wait3A_1079 = arith.constant 0 : i32
    %dma_wait3A_1080 = tpu.memref_slice %arg2[%dma_wait3A_1064, %dma_wait3A_1079] : memref<8192x2048xf32, #tpu.memory_space<hbm>> -> memref<16x2048xf32, #tpu.memory_space<hbm>>
    tpu.wait_dma2 semaphore(%dma_wait3A_1074 : memref<!tpu.dma_semaphore, #tpu.memory_space<semaphore_mem>>) src(%dma_wait3A_1080 : memref<16x2048xf32, #tpu.memory_space<hbm>>) dst(%dma_wait3A_1078 : memref<16x2048xf32, #tpu.memory_space<vmem>>)
    %add3A_1081 = arith.constant 240 : i32
    %add3A_1082 = arith.addi %mul3A_2, %add3A_1081 : i32
    %dma_start3A_1083 = arith.constant 0 : i32
    %dma_start3A_1084 = arith.constant 0 : i32
    %dma_start3A_1085 = arith.constant 0 : i32
    %dma_start3A_1086 = arith.constant 0 : i32
    %dma_start3A_1087 = tpu.memref_slice %arg7[%dma_start3A_1083, %dma_start3A_1085, %dma_start3A_1086] : memref<3x16x2048xf32, #tpu.memory_space<vmem>> -> memref<1x16x2048xf32, #tpu.memory_space<vmem>>
    %dma_start3A_1088 = tpu.memref_squeeze %dma_start3A_1087 : memref<1x16x2048xf32, #tpu.memory_space<vmem>> -> memref<16x2048xf32, #tpu.memory_space<vmem>>
    %dma_start3A_1089 = arith.constant 0 : i32
    %dma_start3A_1090 = tpu.memref_slice %arg5[%add3A_1082, %dma_start3A_1089] : memref<8192x2048xf32, #tpu.memory_space<hbm>> -> memref<16x2048xf32, #tpu.memory_space<hbm>>
    %dma_start3A_1091 = tpu.memref_slice %arg9[%dma_start3A_1084] : memref<3x!tpu.dma_semaphore, #tpu.memory_space<semaphore_mem>> -> memref<1x!tpu.dma_semaphore, #tpu.memory_space<semaphore_mem>>
    %dma_start3A_1092 = tpu.memref_squeeze %dma_start3A_1091 : memref<1x!tpu.dma_semaphore, #tpu.memory_space<semaphore_mem>> -> memref<!tpu.dma_semaphore, #tpu.memory_space<semaphore_mem>>
    %dma_start3A_1093 = arith.constant 0 : i32
    %dma_start3A_1094 = tpu.memref_slice %arg5[%add3A_1082, %dma_start3A_1093] : memref<8192x2048xf32, #tpu.memory_space<hbm>> -> memref<16x2048xf32, #tpu.memory_space<hbm>>
    %dma_start3A_1095 = arith.constant 0 : i32
    %dma_start3A_1096 = arith.constant 0 : i32
    %dma_start3A_1097 = tpu.memref_slice %arg7[%dma_start3A_1083, %dma_start3A_1095, %dma_start3A_1096] : memref<3x16x2048xf32, #tpu.memory_space<vmem>> -> memref<1x16x2048xf32, #tpu.memory_space<vmem>>
    %dma_start3A_1098 = tpu.memref_squeeze %dma_start3A_1097 : memref<1x16x2048xf32, #tpu.memory_space<vmem>> -> memref<16x2048xf32, #tpu.memory_space<vmem>>
    tpu.enqueue_dma source(%dma_start3A_1098 : memref<16x2048xf32, #tpu.memory_space<vmem>>) target(%dma_start3A_1094 : memref<16x2048xf32, #tpu.memory_space<hbm>>) target_semaphore(%dma_start3A_1092 : memref<!tpu.dma_semaphore, #tpu.memory_space<semaphore_mem>>)
    %add3A_1099 = arith.constant 256 : i32
    %add3A_1100 = arith.addi %reduce_max3A_30, %add3A_1099 : i32
    %ge3A_1101 = arith.cmpi sge, %reduce_max3A_30, %mul3A_2 : i32
    %add3A_1102 = arith.constant 256 : i32
    %add3A_1103 = arith.addi %mul3A_2, %add3A_1102 : i32
    %lt3A = arith.cmpi slt, %reduce_max3A_30, %add3A_1103 : i32
    %and3A_1104 = arith.andi %ge3A_1101, %lt3A : i1
    %sub3A_1105 = arith.constant 1 : i32
    %sub3A_1106 = arith.subi %add3A_1100, %sub3A_1105 : i32
    %ge3A_1107 = arith.cmpi sge, %sub3A_1106, %mul3A_2 : i32
    %sub3A_1108 = arith.constant 1 : i32
    %sub3A_1109 = arith.subi %add3A_1100, %sub3A_1108 : i32
    %add3A_1110 = arith.constant 256 : i32
    %add3A_1111 = arith.addi %mul3A_2, %add3A_1110 : i32
    %lt3A_1112 = arith.cmpi slt, %sub3A_1109, %add3A_1111 : i32
    %and3A_1113 = arith.andi %ge3A_1107, %lt3A_1112 : i1
    %add3A_1114 = vector.broadcast %reduce_max3A_30 : i32 to vector<16xi32>
    %add3A_1115 = arith.addi %add3A_1114, %iota3A : vector<16xi32>
    %sub3A_1116 = arith.constant 16 : i32
    %sub3A_1117 = arith.subi %add3A_1100, %sub3A_1116 : i32
    %add3A_1118 = vector.broadcast %sub3A_1117 : i32 to vector<16xi32>
    %add3A_1119 = arith.addi %add3A_1118, %iota3A : vector<16xi32>
    %dma_wait3A_1120 = arith.constant 0 : i32
    %dma_wait3A_1121 = arith.constant 0 : i32
    %dma_wait3A_1122 = arith.constant 0 : i32
    %dma_wait3A_1123 = arith.constant 0 : i32
    %dma_wait3A_1124 = tpu.memref_slice %arg7[%dma_wait3A_1120, %dma_wait3A_1122, %dma_wait3A_1123] : memref<3x16x2048xf32, #tpu.memory_space<vmem>> -> memref<1x16x2048xf32, #tpu.memory_space<vmem>>
    %dma_wait3A_1125 = tpu.memref_squeeze %dma_wait3A_1124 : memref<1x16x2048xf32, #tpu.memory_space<vmem>> -> memref<16x2048xf32, #tpu.memory_space<vmem>>
    %dma_wait3A_1126 = arith.constant 0 : i32
    %dma_wait3A_1127 = tpu.memref_slice %arg5[%add3A_1082, %dma_wait3A_1126] : memref<8192x2048xf32, #tpu.memory_space<hbm>> -> memref<16x2048xf32, #tpu.memory_space<hbm>>
    %dma_wait3A_1128 = tpu.memref_slice %arg9[%dma_wait3A_1121] : memref<3x!tpu.dma_semaphore, #tpu.memory_space<semaphore_mem>> -> memref<1x!tpu.dma_semaphore, #tpu.memory_space<semaphore_mem>>
    %dma_wait3A_1129 = tpu.memref_squeeze %dma_wait3A_1128 : memref<1x!tpu.dma_semaphore, #tpu.memory_space<semaphore_mem>> -> memref<!tpu.dma_semaphore, #tpu.memory_space<semaphore_mem>>
    %dma_wait3A_1130 = arith.constant 0 : i32
    %dma_wait3A_1131 = tpu.memref_slice %arg5[%add3A_1082, %dma_wait3A_1130] : memref<8192x2048xf32, #tpu.memory_space<hbm>> -> memref<16x2048xf32, #tpu.memory_space<hbm>>
    %dma_wait3A_1132 = arith.constant 0 : i32
    %dma_wait3A_1133 = arith.constant 0 : i32
    %dma_wait3A_1134 = tpu.memref_slice %arg7[%dma_wait3A_1120, %dma_wait3A_1132, %dma_wait3A_1133] : memref<3x16x2048xf32, #tpu.memory_space<vmem>> -> memref<1x16x2048xf32, #tpu.memory_space<vmem>>
    %dma_wait3A_1135 = tpu.memref_squeeze %dma_wait3A_1134 : memref<1x16x2048xf32, #tpu.memory_space<vmem>> -> memref<16x2048xf32, #tpu.memory_space<vmem>>
    tpu.wait_dma2 semaphore(%dma_wait3A_1129 : memref<!tpu.dma_semaphore, #tpu.memory_space<semaphore_mem>>) src(%dma_wait3A_1135 : memref<16x2048xf32, #tpu.memory_space<vmem>>) dst(%dma_wait3A_1131 : memref<16x2048xf32, #tpu.memory_space<hbm>>)
    %convert_element_type3A_1136 = arith.extui %and3A_1104 : i1 to i32
    %cond3A_1137 = arith.constant 0 : i32
    %cond3A_1138 = arith.cmpi ne, %convert_element_type3A_1136, %cond3A_1137 : i32
    scf.if %cond3A_1138 {
      %dma_start3A_1186 = arith.constant 0 : i32
      %dma_start3A_1187 = arith.constant 0 : i32
      %dma_start3A_1188 = arith.constant 0 : i32
      %dma_start3A_1189 = arith.constant 0 : i32
      %dma_start3A_1190 = tpu.memref_slice %arg7[%dma_start3A_1186, %dma_start3A_1188, %dma_start3A_1189] : memref<3x16x2048xf32, #tpu.memory_space<vmem>> -> memref<1x16x2048xf32, #tpu.memory_space<vmem>>
      %dma_start3A_1191 = tpu.memref_squeeze %dma_start3A_1190 : memref<1x16x2048xf32, #tpu.memory_space<vmem>> -> memref<16x2048xf32, #tpu.memory_space<vmem>>
      %dma_start3A_1192 = arith.constant 0 : i32
      %dma_start3A_1193 = tpu.memref_slice %arg3[%mul3A_32, %dma_start3A_1192] : memref<2048x2048xf32, #tpu.memory_space<hbm>> -> memref<16x2048xf32, #tpu.memory_space<hbm>>
      %dma_start3A_1194 = tpu.memref_slice %arg8[%dma_start3A_1187] : memref<3x!tpu.dma_semaphore, #tpu.memory_space<semaphore_mem>> -> memref<1x!tpu.dma_semaphore, #tpu.memory_space<semaphore_mem>>
      %dma_start3A_1195 = tpu.memref_squeeze %dma_start3A_1194 : memref<1x!tpu.dma_semaphore, #tpu.memory_space<semaphore_mem>> -> memref<!tpu.dma_semaphore, #tpu.memory_space<semaphore_mem>>
      %dma_start3A_1196 = arith.constant 0 : i32
      %dma_start3A_1197 = arith.constant 0 : i32
      %dma_start3A_1198 = tpu.memref_slice %arg7[%dma_start3A_1186, %dma_start3A_1196, %dma_start3A_1197] : memref<3x16x2048xf32, #tpu.memory_space<vmem>> -> memref<1x16x2048xf32, #tpu.memory_space<vmem>>
      %dma_start3A_1199 = tpu.memref_squeeze %dma_start3A_1198 : memref<1x16x2048xf32, #tpu.memory_space<vmem>> -> memref<16x2048xf32, #tpu.memory_space<vmem>>
      %dma_start3A_1200 = arith.constant 0 : i32
      %dma_start3A_1201 = tpu.memref_slice %arg3[%mul3A_32, %dma_start3A_1200] : memref<2048x2048xf32, #tpu.memory_space<hbm>> -> memref<16x2048xf32, #tpu.memory_space<hbm>>
      tpu.enqueue_dma source(%dma_start3A_1201 : memref<16x2048xf32, #tpu.memory_space<hbm>>) target(%dma_start3A_1199 : memref<16x2048xf32, #tpu.memory_space<vmem>>) target_semaphore(%dma_start3A_1195 : memref<!tpu.dma_semaphore, #tpu.memory_space<semaphore_mem>>)
    } else {
    }
    %dma_wait3A_1139 = arith.constant 1 : i32
    %dma_wait3A_1140 = arith.constant 1 : i32
    %dma_wait3A_1141 = arith.constant 0 : i32
    %dma_wait3A_1142 = arith.constant 0 : i32
    %dma_wait3A_1143 = tpu.memref_slice %arg7[%dma_wait3A_1139, %dma_wait3A_1141, %dma_wait3A_1142] : memref<3x16x2048xf32, #tpu.memory_space<vmem>> -> memref<1x16x2048xf32, #tpu.memory_space<vmem>>
    %dma_wait3A_1144 = tpu.memref_squeeze %dma_wait3A_1143 : memref<1x16x2048xf32, #tpu.memory_space<vmem>> -> memref<16x2048xf32, #tpu.memory_space<vmem>>
    %dma_wait3A_1145 = arith.constant 0 : i32
    %dma_wait3A_1146 = tpu.memref_slice %arg5[%add3A_977, %dma_wait3A_1145] : memref<8192x2048xf32, #tpu.memory_space<hbm>> -> memref<16x2048xf32, #tpu.memory_space<hbm>>
    %dma_wait3A_1147 = tpu.memref_slice %arg9[%dma_wait3A_1140] : memref<3x!tpu.dma_semaphore, #tpu.memory_space<semaphore_mem>> -> memref<1x!tpu.dma_semaphore, #tpu.memory_space<semaphore_mem>>
    %dma_wait3A_1148 = tpu.memref_squeeze %dma_wait3A_1147 : memref<1x!tpu.dma_semaphore, #tpu.memory_space<semaphore_mem>> -> memref<!tpu.dma_semaphore, #tpu.memory_space<semaphore_mem>>
    %dma_wait3A_1149 = arith.constant 0 : i32
    %dma_wait3A_1150 = tpu.memref_slice %arg5[%add3A_977, %dma_wait3A_1149] : memref<8192x2048xf32, #tpu.memory_space<hbm>> -> memref<16x2048xf32, #tpu.memory_space<hbm>>
    %dma_wait3A_1151 = arith.constant 0 : i32
    %dma_wait3A_1152 = arith.constant 0 : i32
    %dma_wait3A_1153 = tpu.memref_slice %arg7[%dma_wait3A_1139, %dma_wait3A_1151, %dma_wait3A_1152] : memref<3x16x2048xf32, #tpu.memory_space<vmem>> -> memref<1x16x2048xf32, #tpu.memory_space<vmem>>
    %dma_wait3A_1154 = tpu.memref_squeeze %dma_wait3A_1153 : memref<1x16x2048xf32, #tpu.memory_space<vmem>> -> memref<16x2048xf32, #tpu.memory_space<vmem>>
    tpu.wait_dma2 semaphore(%dma_wait3A_1148 : memref<!tpu.dma_semaphore, #tpu.memory_space<semaphore_mem>>) src(%dma_wait3A_1154 : memref<16x2048xf32, #tpu.memory_space<vmem>>) dst(%dma_wait3A_1150 : memref<16x2048xf32, #tpu.memory_space<hbm>>)
    %convert_element_type3A_1155 = arith.extui %and3A_1113 : i1 to i32
    %cond3A_1156 = arith.constant 0 : i32
    %cond3A_1157 = arith.cmpi ne, %convert_element_type3A_1155, %cond3A_1156 : i32
    scf.if %cond3A_1157 {
      %add3A_1186 = arith.constant 256 : i32
      %add3A_1187 = arith.addi %mul3A_32, %add3A_1186 : i32
      %sub3A_1188 = arith.constant 16 : i32
      %sub3A_1189 = arith.subi %add3A_1187, %sub3A_1188 : i32
      %dma_start3A_1190 = arith.constant 1 : i32
      %dma_start3A_1191 = arith.constant 1 : i32
      %dma_start3A_1192 = arith.constant 0 : i32
      %dma_start3A_1193 = arith.constant 0 : i32
      %dma_start3A_1194 = tpu.memref_slice %arg7[%dma_start3A_1190, %dma_start3A_1192, %dma_start3A_1193] : memref<3x16x2048xf32, #tpu.memory_space<vmem>> -> memref<1x16x2048xf32, #tpu.memory_space<vmem>>
      %dma_start3A_1195 = tpu.memref_squeeze %dma_start3A_1194 : memref<1x16x2048xf32, #tpu.memory_space<vmem>> -> memref<16x2048xf32, #tpu.memory_space<vmem>>
      %dma_start3A_1196 = arith.constant 0 : i32
      %dma_start3A_1197 = tpu.memref_slice %arg3[%sub3A_1189, %dma_start3A_1196] : memref<2048x2048xf32, #tpu.memory_space<hbm>> -> memref<16x2048xf32, #tpu.memory_space<hbm>>
      %dma_start3A_1198 = tpu.memref_slice %arg8[%dma_start3A_1191] : memref<3x!tpu.dma_semaphore, #tpu.memory_space<semaphore_mem>> -> memref<1x!tpu.dma_semaphore, #tpu.memory_space<semaphore_mem>>
      %dma_start3A_1199 = tpu.memref_squeeze %dma_start3A_1198 : memref<1x!tpu.dma_semaphore, #tpu.memory_space<semaphore_mem>> -> memref<!tpu.dma_semaphore, #tpu.memory_space<semaphore_mem>>
      %dma_start3A_1200 = arith.constant 0 : i32
      %dma_start3A_1201 = arith.constant 0 : i32
      %dma_start3A_1202 = tpu.memref_slice %arg7[%dma_start3A_1190, %dma_start3A_1200, %dma_start3A_1201] : memref<3x16x2048xf32, #tpu.memory_space<vmem>> -> memref<1x16x2048xf32, #tpu.memory_space<vmem>>
      %dma_start3A_1203 = tpu.memref_squeeze %dma_start3A_1202 : memref<1x16x2048xf32, #tpu.memory_space<vmem>> -> memref<16x2048xf32, #tpu.memory_space<vmem>>
      %dma_start3A_1204 = arith.constant 0 : i32
      %dma_start3A_1205 = tpu.memref_slice %arg3[%sub3A_1189, %dma_start3A_1204] : memref<2048x2048xf32, #tpu.memory_space<hbm>> -> memref<16x2048xf32, #tpu.memory_space<hbm>>
      tpu.enqueue_dma source(%dma_start3A_1205 : memref<16x2048xf32, #tpu.memory_space<hbm>>) target(%dma_start3A_1203 : memref<16x2048xf32, #tpu.memory_space<vmem>>) target_semaphore(%dma_start3A_1199 : memref<!tpu.dma_semaphore, #tpu.memory_space<semaphore_mem>>)
    } else {
    }
    %dma_wait3A_1158 = arith.constant 2 : i32
    %dma_wait3A_1159 = arith.constant 2 : i32
    %dma_wait3A_1160 = arith.constant 0 : i32
    %dma_wait3A_1161 = arith.constant 0 : i32
    %dma_wait3A_1162 = tpu.memref_slice %arg7[%dma_wait3A_1158, %dma_wait3A_1160, %dma_wait3A_1161] : memref<3x16x2048xf32, #tpu.memory_space<vmem>> -> memref<1x16x2048xf32, #tpu.memory_space<vmem>>
    %dma_wait3A_1163 = tpu.memref_squeeze %dma_wait3A_1162 : memref<1x16x2048xf32, #tpu.memory_space<vmem>> -> memref<16x2048xf32, #tpu.memory_space<vmem>>
    %dma_wait3A_1164 = arith.constant 0 : i32
    %dma_wait3A_1165 = tpu.memref_slice %arg5[%add3A_1047, %dma_wait3A_1164] : memref<8192x2048xf32, #tpu.memory_space<hbm>> -> memref<16x2048xf32, #tpu.memory_space<hbm>>
    %dma_wait3A_1166 = tpu.memref_slice %arg9[%dma_wait3A_1159] : memref<3x!tpu.dma_semaphore, #tpu.memory_space<semaphore_mem>> -> memref<1x!tpu.dma_semaphore, #tpu.memory_space<semaphore_mem>>
    %dma_wait3A_1167 = tpu.memref_squeeze %dma_wait3A_1166 : memref<1x!tpu.dma_semaphore, #tpu.memory_space<semaphore_mem>> -> memref<!tpu.dma_semaphore, #tpu.memory_space<semaphore_mem>>
    %dma_wait3A_1168 = arith.constant 0 : i32
    %dma_wait3A_1169 = tpu.memref_slice %arg5[%add3A_1047, %dma_wait3A_1168] : memref<8192x2048xf32, #tpu.memory_space<hbm>> -> memref<16x2048xf32, #tpu.memory_space<hbm>>
    %dma_wait3A_1170 = arith.constant 0 : i32
    %dma_wait3A_1171 = arith.constant 0 : i32
    %dma_wait3A_1172 = tpu.memref_slice %arg7[%dma_wait3A_1158, %dma_wait3A_1170, %dma_wait3A_1171] : memref<3x16x2048xf32, #tpu.memory_space<vmem>> -> memref<1x16x2048xf32, #tpu.memory_space<vmem>>
    %dma_wait3A_1173 = tpu.memref_squeeze %dma_wait3A_1172 : memref<1x16x2048xf32, #tpu.memory_space<vmem>> -> memref<16x2048xf32, #tpu.memory_space<vmem>>
    tpu.wait_dma2 semaphore(%dma_wait3A_1167 : memref<!tpu.dma_semaphore, #tpu.memory_space<semaphore_mem>>) src(%dma_wait3A_1173 : memref<16x2048xf32, #tpu.memory_space<vmem>>) dst(%dma_wait3A_1169 : memref<16x2048xf32, #tpu.memory_space<hbm>>)
    %convert_element_type3A_1174 = arith.extui %and3A_1104 : i1 to i32
    %cond3A_1175 = arith.constant 0 : i32
    %cond3A_1176 = arith.cmpi ne, %convert_element_type3A_1174, %cond3A_1175 : i32
    scf.if %cond3A_1176 {
      %dma_wait3A_1186 = arith.constant 0 : i32
      %dma_wait3A_1187 = arith.constant 0 : i32
      %dma_wait3A_1188 = arith.constant 0 : i32
      %dma_wait3A_1189 = arith.constant 0 : i32
      %dma_wait3A_1190 = tpu.memref_slice %arg7[%dma_wait3A_1186, %dma_wait3A_1188, %dma_wait3A_1189] : memref<3x16x2048xf32, #tpu.memory_space<vmem>> -> memref<1x16x2048xf32, #tpu.memory_space<vmem>>
      %dma_wait3A_1191 = tpu.memref_squeeze %dma_wait3A_1190 : memref<1x16x2048xf32, #tpu.memory_space<vmem>> -> memref<16x2048xf32, #tpu.memory_space<vmem>>
      %dma_wait3A_1192 = arith.constant 0 : i32
      %dma_wait3A_1193 = tpu.memref_slice %arg3[%mul3A_32, %dma_wait3A_1192] : memref<2048x2048xf32, #tpu.memory_space<hbm>> -> memref<16x2048xf32, #tpu.memory_space<hbm>>
      %dma_wait3A_1194 = tpu.memref_slice %arg8[%dma_wait3A_1187] : memref<3x!tpu.dma_semaphore, #tpu.memory_space<semaphore_mem>> -> memref<1x!tpu.dma_semaphore, #tpu.memory_space<semaphore_mem>>
      %dma_wait3A_1195 = tpu.memref_squeeze %dma_wait3A_1194 : memref<1x!tpu.dma_semaphore, #tpu.memory_space<semaphore_mem>> -> memref<!tpu.dma_semaphore, #tpu.memory_space<semaphore_mem>>
      %dma_wait3A_1196 = arith.constant 0 : i32
      %dma_wait3A_1197 = arith.constant 0 : i32
      %dma_wait3A_1198 = tpu.memref_slice %arg7[%dma_wait3A_1186, %dma_wait3A_1196, %dma_wait3A_1197] : memref<3x16x2048xf32, #tpu.memory_space<vmem>> -> memref<1x16x2048xf32, #tpu.memory_space<vmem>>
      %dma_wait3A_1199 = tpu.memref_squeeze %dma_wait3A_1198 : memref<1x16x2048xf32, #tpu.memory_space<vmem>> -> memref<16x2048xf32, #tpu.memory_space<vmem>>
      %dma_wait3A_1200 = arith.constant 0 : i32
      %dma_wait3A_1201 = tpu.memref_slice %arg3[%mul3A_32, %dma_wait3A_1200] : memref<2048x2048xf32, #tpu.memory_space<hbm>> -> memref<16x2048xf32, #tpu.memory_space<hbm>>
      tpu.wait_dma2 semaphore(%dma_wait3A_1195 : memref<!tpu.dma_semaphore, #tpu.memory_space<semaphore_mem>>) src(%dma_wait3A_1201 : memref<16x2048xf32, #tpu.memory_space<hbm>>) dst(%dma_wait3A_1199 : memref<16x2048xf32, #tpu.memory_space<vmem>>)
      %dma_start3A_1202 = arith.constant 0 : i32
      %dma_start3A_1203 = arith.constant 0 : i32
      %dma_start3A_1204 = arith.constant 0 : i32
      %dma_start3A_1205 = arith.constant 0 : i32
      %dma_start3A_1206 = tpu.memref_slice %arg7[%dma_start3A_1202, %dma_start3A_1204, %dma_start3A_1205] : memref<3x16x2048xf32, #tpu.memory_space<vmem>> -> memref<1x16x2048xf32, #tpu.memory_space<vmem>>
      %dma_start3A_1207 = tpu.memref_squeeze %dma_start3A_1206 : memref<1x16x2048xf32, #tpu.memory_space<vmem>> -> memref<16x2048xf32, #tpu.memory_space<vmem>>
      %dma_start3A_1208 = arith.constant 0 : i32
      %dma_start3A_1209 = arith.constant 0 : i32
      %dma_start3A_1210 = tpu.memref_slice %arg5[%dma_start3A_1208, %dma_start3A_1209] : memref<8192x2048xf32, #tpu.memory_space<hbm>> -> memref<8192x2048xf32, #tpu.memory_space<hbm>>
      %dma_start3A_1211 = tpu.memref_slice %arg9[%dma_start3A_1203] : memref<3x!tpu.dma_semaphore, #tpu.memory_space<semaphore_mem>> -> memref<1x!tpu.dma_semaphore, #tpu.memory_space<semaphore_mem>>
      %dma_start3A_1212 = tpu.memref_squeeze %dma_start3A_1211 : memref<1x!tpu.dma_semaphore, #tpu.memory_space<semaphore_mem>> -> memref<!tpu.dma_semaphore, #tpu.memory_space<semaphore_mem>>
      tpu.enqueue_indirect_dma source(%dma_start3A_1207 : memref<16x2048xf32, #tpu.memory_space<vmem>>) target(%dma_start3A_1210 : memref<8192x2048xf32, #tpu.memory_space<hbm>>) offsets(%add3A_1115 : vector<16xi32>) semaphore(%dma_start3A_1212 : memref<!tpu.dma_semaphore, #tpu.memory_space<semaphore_mem>>)
    } else {
    }
    %convert_element_type3A_1177 = arith.extui %and3A_1113 : i1 to i32
    %cond3A_1178 = arith.constant 0 : i32
    %cond3A_1179 = arith.cmpi ne, %convert_element_type3A_1177, %cond3A_1178 : i32
    scf.if %cond3A_1179 {
      %dma_wait3A_1186 = arith.constant 1 : i32
      %dma_wait3A_1187 = arith.constant 1 : i32
      %dma_wait3A_1188 = arith.constant 0 : i32
      %dma_wait3A_1189 = arith.constant 0 : i32
      %dma_wait3A_1190 = tpu.memref_slice %arg7[%dma_wait3A_1186, %dma_wait3A_1188, %dma_wait3A_1189] : memref<3x16x2048xf32, #tpu.memory_space<vmem>> -> memref<1x16x2048xf32, #tpu.memory_space<vmem>>
      %dma_wait3A_1191 = tpu.memref_squeeze %dma_wait3A_1190 : memref<1x16x2048xf32, #tpu.memory_space<vmem>> -> memref<16x2048xf32, #tpu.memory_space<vmem>>
      %dma_wait3A_1192 = arith.constant 0 : i32
      %dma_wait3A_1193 = tpu.memref_slice %arg3[%mul3A_32, %dma_wait3A_1192] : memref<2048x2048xf32, #tpu.memory_space<hbm>> -> memref<16x2048xf32, #tpu.memory_space<hbm>>
      %dma_wait3A_1194 = tpu.memref_slice %arg8[%dma_wait3A_1187] : memref<3x!tpu.dma_semaphore, #tpu.memory_space<semaphore_mem>> -> memref<1x!tpu.dma_semaphore, #tpu.memory_space<semaphore_mem>>
      %dma_wait3A_1195 = tpu.memref_squeeze %dma_wait3A_1194 : memref<1x!tpu.dma_semaphore, #tpu.memory_space<semaphore_mem>> -> memref<!tpu.dma_semaphore, #tpu.memory_space<semaphore_mem>>
      %dma_wait3A_1196 = arith.constant 0 : i32
      %dma_wait3A_1197 = arith.constant 0 : i32
      %dma_wait3A_1198 = tpu.memref_slice %arg7[%dma_wait3A_1186, %dma_wait3A_1196, %dma_wait3A_1197] : memref<3x16x2048xf32, #tpu.memory_space<vmem>> -> memref<1x16x2048xf32, #tpu.memory_space<vmem>>
      %dma_wait3A_1199 = tpu.memref_squeeze %dma_wait3A_1198 : memref<1x16x2048xf32, #tpu.memory_space<vmem>> -> memref<16x2048xf32, #tpu.memory_space<vmem>>
      %dma_wait3A_1200 = arith.constant 0 : i32
      %dma_wait3A_1201 = tpu.memref_slice %arg3[%mul3A_32, %dma_wait3A_1200] : memref<2048x2048xf32, #tpu.memory_space<hbm>> -> memref<16x2048xf32, #tpu.memory_space<hbm>>
      tpu.wait_dma2 semaphore(%dma_wait3A_1195 : memref<!tpu.dma_semaphore, #tpu.memory_space<semaphore_mem>>) src(%dma_wait3A_1201 : memref<16x2048xf32, #tpu.memory_space<hbm>>) dst(%dma_wait3A_1199 : memref<16x2048xf32, #tpu.memory_space<vmem>>)
      %dma_start3A_1202 = arith.constant 1 : i32
      %dma_start3A_1203 = arith.constant 1 : i32
      %dma_start3A_1204 = arith.constant 0 : i32
      %dma_start3A_1205 = arith.constant 0 : i32
      %dma_start3A_1206 = tpu.memref_slice %arg7[%dma_start3A_1202, %dma_start3A_1204, %dma_start3A_1205] : memref<3x16x2048xf32, #tpu.memory_space<vmem>> -> memref<1x16x2048xf32, #tpu.memory_space<vmem>>
      %dma_start3A_1207 = tpu.memref_squeeze %dma_start3A_1206 : memref<1x16x2048xf32, #tpu.memory_space<vmem>> -> memref<16x2048xf32, #tpu.memory_space<vmem>>
      %dma_start3A_1208 = arith.constant 0 : i32
      %dma_start3A_1209 = arith.constant 0 : i32
      %dma_start3A_1210 = tpu.memref_slice %arg5[%dma_start3A_1208, %dma_start3A_1209] : memref<8192x2048xf32, #tpu.memory_space<hbm>> -> memref<8192x2048xf32, #tpu.memory_space<hbm>>
      %dma_start3A_1211 = tpu.memref_slice %arg9[%dma_start3A_1203] : memref<3x!tpu.dma_semaphore, #tpu.memory_space<semaphore_mem>> -> memref<1x!tpu.dma_semaphore, #tpu.memory_space<semaphore_mem>>
      %dma_start3A_1212 = tpu.memref_squeeze %dma_start3A_1211 : memref<1x!tpu.dma_semaphore, #tpu.memory_space<semaphore_mem>> -> memref<!tpu.dma_semaphore, #tpu.memory_space<semaphore_mem>>
      tpu.enqueue_indirect_dma source(%dma_start3A_1207 : memref<16x2048xf32, #tpu.memory_space<vmem>>) target(%dma_start3A_1210 : memref<8192x2048xf32, #tpu.memory_space<hbm>>) offsets(%add3A_1119 : vector<16xi32>) semaphore(%dma_start3A_1212 : memref<!tpu.dma_semaphore, #tpu.memory_space<semaphore_mem>>)
    } else {
    }
    %convert_element_type3A_1180 = arith.extui %and3A_1104 : i1 to i32
    %cond3A_1181 = arith.constant 0 : i32
    %cond3A_1182 = arith.cmpi ne, %convert_element_type3A_1180, %cond3A_1181 : i32
    scf.if %cond3A_1182 {
      %dma_wait3A_1186 = arith.constant 0 : i32
      %dma_wait3A_1187 = arith.constant 0 : i32
      %dma_wait3A_1188 = arith.constant 0 : i32
      %dma_wait3A_1189 = arith.constant 0 : i32
      %dma_wait3A_1190 = tpu.memref_slice %arg7[%dma_wait3A_1186, %dma_wait3A_1188, %dma_wait3A_1189] : memref<3x16x2048xf32, #tpu.memory_space<vmem>> -> memref<1x16x2048xf32, #tpu.memory_space<vmem>>
      %dma_wait3A_1191 = tpu.memref_squeeze %dma_wait3A_1190 : memref<1x16x2048xf32, #tpu.memory_space<vmem>> -> memref<16x2048xf32, #tpu.memory_space<vmem>>
      %dma_wait3A_1192 = arith.constant 0 : i32
      %dma_wait3A_1193 = arith.constant 0 : i32
      %dma_wait3A_1194 = tpu.memref_slice %arg5[%dma_wait3A_1192, %dma_wait3A_1193] : memref<8192x2048xf32, #tpu.memory_space<hbm>> -> memref<8192x2048xf32, #tpu.memory_space<hbm>>
      %dma_wait3A_1195 = tpu.memref_slice %arg9[%dma_wait3A_1187] : memref<3x!tpu.dma_semaphore, #tpu.memory_space<semaphore_mem>> -> memref<1x!tpu.dma_semaphore, #tpu.memory_space<semaphore_mem>>
      %dma_wait3A_1196 = tpu.memref_squeeze %dma_wait3A_1195 : memref<1x!tpu.dma_semaphore, #tpu.memory_space<semaphore_mem>> -> memref<!tpu.dma_semaphore, #tpu.memory_space<semaphore_mem>>
      tpu.wait_indirect_dma semaphore(%dma_wait3A_1196 : memref<!tpu.dma_semaphore, #tpu.memory_space<semaphore_mem>>) src(%dma_wait3A_1191 : memref<16x2048xf32, #tpu.memory_space<vmem>>) dst(%dma_wait3A_1194 : memref<8192x2048xf32, #tpu.memory_space<hbm>>)
    } else {
    }
    %convert_element_type3A_1183 = arith.extui %and3A_1113 : i1 to i32
    %cond3A_1184 = arith.constant 0 : i32
    %cond3A_1185 = arith.cmpi ne, %convert_element_type3A_1183, %cond3A_1184 : i32
    scf.if %cond3A_1185 {
      %dma_wait3A_1186 = arith.constant 1 : i32
      %dma_wait3A_1187 = arith.constant 1 : i32
      %dma_wait3A_1188 = arith.constant 0 : i32
      %dma_wait3A_1189 = arith.constant 0 : i32
      %dma_wait3A_1190 = tpu.memref_slice %arg7[%dma_wait3A_1186, %dma_wait3A_1188, %dma_wait3A_1189] : memref<3x16x2048xf32, #tpu.memory_space<vmem>> -> memref<1x16x2048xf32, #tpu.memory_space<vmem>>
      %dma_wait3A_1191 = tpu.memref_squeeze %dma_wait3A_1190 : memref<1x16x2048xf32, #tpu.memory_space<vmem>> -> memref<16x2048xf32, #tpu.memory_space<vmem>>
      %dma_wait3A_1192 = arith.constant 0 : i32
      %dma_wait3A_1193 = arith.constant 0 : i32
      %dma_wait3A_1194 = tpu.memref_slice %arg5[%dma_wait3A_1192, %dma_wait3A_1193] : memref<8192x2048xf32, #tpu.memory_space<hbm>> -> memref<8192x2048xf32, #tpu.memory_space<hbm>>
      %dma_wait3A_1195 = tpu.memref_slice %arg9[%dma_wait3A_1187] : memref<3x!tpu.dma_semaphore, #tpu.memory_space<semaphore_mem>> -> memref<1x!tpu.dma_semaphore, #tpu.memory_space<semaphore_mem>>
      %dma_wait3A_1196 = tpu.memref_squeeze %dma_wait3A_1195 : memref<1x!tpu.dma_semaphore, #tpu.memory_space<semaphore_mem>> -> memref<!tpu.dma_semaphore, #tpu.memory_space<semaphore_mem>>
      tpu.wait_indirect_dma semaphore(%dma_wait3A_1196 : memref<!tpu.dma_semaphore, #tpu.memory_space<semaphore_mem>>) src(%dma_wait3A_1191 : memref<16x2048xf32, #tpu.memory_space<vmem>>) dst(%dma_wait3A_1194 : memref<8192x2048xf32, #tpu.memory_space<hbm>>)
    } else {
    }
    return
  }
}

</mosaic_0001>

<sc_bundles>
// kernel: _sc_call.3.cloned.1.call-start
scs
__scs_entry_jumppad:
0x0: {  	(pc) =	sbr.rel $0x88, $3  }
0x1: {  	(tag) =	ssettag $0x0;
	lr =	simm.s32 $0x1  }
0x2: {  	[smem:$0x3F9E] =	sst lr;
	_ =	strace $0xD0000000  }
0x3: {  	_ = 	snop  }
0x4: {  	_ = 	snop  }
0x5: {  	_ = 	snop  }
0x6: {  	_ = 	snop  }
0x7: {  	_ = 	snop  }
__scs_overlays_trampoline_lowered:
0x8: {  	[smem:$0x3FAD] =	sst s0  }
0x9: {  	[smem:$0x3FAE] =	sst s1  }
0xa: {  	[smem:$0x3FAF] =	sst s2  }
0xb: {  	[smem:$0x3FB0] =	sst s3  }
0xc: {  	[smem:$0x3FB1] =	sst s4  }
0xd: {  	[smem:$0x3FB2] =	sst s5  }
0xe: {  	[smem:$0x3FB3] =	sst s6  }
0xf: {  	[smem:$0x3FB4] =	sst s7  }
0x10: {  	[smem:$0x3FB5] =	sst s8  }
0x11: {  	[smem:$0x3FB6] =	sst s9;
	s0 =	simm.s32 @!p0 $0x0  }
0x12: {  	s1 =	sld [smem:$0x3F9C];
	s0 =	simm.s32 @p0 $0x1  }
0x13: {  	[smem:$0x3FB7] =	sst s0;
	s0 =	simm.s32 @!p1 $0x0  }
0x14: {  	s2 =	sld [smem:$0x3F9B];
	s0 =	simm.s32 @p1 $0x1  }
0x15: {  	[smem:$0x3FB8] =	sst s0;
	s0 =	simm.s32 @!p2 $0x0  }
0x16: {  	s3 =	sld [smem:$0x3FDB];
	s0 =	simm.s32 @p2 $0x1  }
0x17: {  	s4 =	simm.s32 $0x1BF5;
	[smem:$0x3FBA] =	sst s0  }
0x18: {  	s0 =	sld [smem:$0x3F9D];
	_ =	swait.ge [sflag:s4], $0x0  }
0x19: {  	s7 =	sld [smem:$0x3F9E]  }
0x1a: {  	s8 =	sadd.s32 $0xFFFFE003, lr  }
0x1b: {  	s9 =	sadd.s32 $0xFFFFFEF7, lr;
	s5 =	simm.s32 $0xFFFFFFFF;
	p2 =	slt.u32 s8, $0xFFFFF086  }
0x1c: {  	p1 =	slt.u32 s9, $0xF7A;
	s5 =	simm.s32 @!p2 $0x0  }
0x1d: {  	s5 =	simm.s32 @p1 $0x1;
	p0 =	seq.s32 s7, s2  }
0x1e: {  	s7 =	smul.u32 @!p0 $0xF7A, s2;
	p2 =	seq.s32 @!p0 s5, $0x0  }
0x1f: {  	s9 =	smul.u32 $0xF7A, s1;
	s8 =	simm.s32 @!p0 $0x1BF5;
	p2 =	por !p2, p0  }
0x20: {  	[sflag:s8] =	ssyncset.s32 @!p0 $0xFFFFF086;
	s6 =	sadd.s32 @!p0 s3, s7;
	s7 =	simm.s32 @!p0 $0x108  }
0x21: {  	s3 =	sadd.s32 s3, s9;
	s6 =	sadd.s32 @!p0 $0x88, s6;
	s7 =	simm.s32 @p2 $0x1082  }
0x22: {  	[simem:s7], [sflag:s8] =	dma.local @!p0 [hbm:s6], $0xF7A  }
0x23: {  	s9 =	sor.u32 $0xD0000000, s2;
	s6 =	simm.s32 $0x108;
	_ =	swait.ge @!p0 [sflag:s8], $0x0  }
0x24: {  	s3 =	sadd.s32 $0x88, s3;
	s6 =	simm.s32 @!p1 $0x1082;
	[sflag:s4] =	ssyncset.s32 $0xFFFFF086  }
0x25: {  	[simem:s6], [sflag:s4] =	dma.local [hbm:s3], $0xF7A  }
0x26: {  	[smem:$0x3F9E] =	sst s1;
	(tag) =	ssettag s2;
	_ =	strace s9  }
0x27: {  	s1 =	sld [smem:$0x3FAE]  }
0x28: {  	s2 =	sld [smem:$0x3FAF]  }
0x29: {  	s4 =	sld [smem:$0x3FB1]  }
0x2a: {  	p0 =	seq.s32 s5, $0x0;
	s5 =	sld [smem:$0x3FB2]  }
0x2b: {  	s6 =	sld [smem:$0x3FB3]  }
0x2c: {  	s7 =	sld [smem:$0x3FB4]  }
0x2d: {  	s3 =	simm.s32 $0x108;
	s8 =	sld [smem:$0x3FB5]  }
0x2e: {  	s3 =	simm.s32 @!p0 $0x1082;
	s9 =	sld [smem:$0x3FB6]  }
0x2f: {  	lr =	sadd.s32 s0, s3;
	s0 =	sld [smem:$0x3FAD]  }
0x30: {  	s3 =	sld [smem:$0x3FB0]  }
0x31: {  	[smem:$0x3FB9] =	sst s10  }
0x32: {  	s10 =	sld [smem:$0x3FB7];
	_ =	sdelay $0x3  }
0x33: {  	p0 =	seq.s32 s10, $0x1;
	s10 =	sld [smem:$0x3FB9];
	_ =	sdelay $0x3  }
0x34: {  	[smem:$0x3FB9] =	sst s10  }
0x35: {  	s10 =	sld [smem:$0x3FB8];
	_ =	sdelay $0x3  }
0x36: {  	p1 =	seq.s32 s10, $0x1;
	s10 =	sld [smem:$0x3FB9];
	_ =	sdelay $0x3  }
0x37: {  	[smem:$0x3FB9] =	sst s10  }
0x38: {  	s10 =	sld [smem:$0x3FBA]  }
0x39: {  	_ = 	snop;
	(pc) =	sbr.ind lr, $3  }
0x3a: {  	_ = 	snop  }
0x3b: {  	_ = 	snop  }
0x3c: {  	p2 =	seq.s32 s10, $0x1;
	s10 =	sld [smem:$0x3FB9]  }
0x3d: {  	_ =	shalt  }
0x3e: {  	_ =	shalt  }
0x3f: {  	_ =	shalt  }
0x40: {  	_ =	shalt  }
0x41: {  	_ =	shalt  }
0x42: {  	_ =	shalt  }
0x43: {  	_ =	shalt  }
0x44: {  	_ =	shalt  }
0x45: {  	_ =	shalt  }
0x46: {  	_ =	shalt  }
0x47: {  	_ =	shalt  }
0x48: {  	_ =	shalt  }
0x49: {  	_ =	shalt  }
0x4a: {  	_ =	shalt  }
0x4b: {  	_ =	shalt  }
0x4c: {  	_ =	shalt  }
0x4d: {  	_ =	shalt  }
0x4e: {  	_ =	shalt  }
0x4f: {  	_ =	shalt  }
0x50: {  	_ =	shalt  }
0x51: {  	_ =	shalt  }
0x52: {  	_ =	shalt  }
0x53: {  	_ =	shalt  }
0x54: {  	_ =	shalt  }
0x55: {  	_ =	shalt  }
0x56: {  	_ =	shalt  }
0x57: {  	_ =	shalt  }
0x58: {  	_ =	shalt  }
0x59: {  	_ =	shalt  }
0x5a: {  	_ =	shalt  }
0x5b: {  	_ =	shalt  }
0x5c: {  	_ =	shalt  }
0x5d: {  	_ =	shalt  }
0x5e: {  	_ =	shalt  }
0x5f: {  	_ =	shalt  }
0x60: {  	_ =	shalt  }
0x61: {  	_ =	shalt  }
0x62: {  	_ =	shalt  }
0x63: {  	_ =	shalt  }
0x64: {  	_ =	shalt  }
0x65: {  	_ =	shalt  }
0x66: {  	_ =	shalt  }
0x67: {  	_ =	shalt  }
0x68: {  	_ =	shalt  }
0x69: {  	_ =	shalt  }
0x6a: {  	_ =	shalt  }
0x6b: {  	_ =	shalt  }
0x6c: {  	_ =	shalt  }
0x6d: {  	_ =	shalt  }
0x6e: {  	_ =	shalt  }
0x6f: {  	_ =	shalt  }
0x70: {  	_ =	shalt  }
0x71: {  	_ =	shalt  }
0x72: {  	_ =	shalt  }
0x73: {  	_ =	shalt  }
0x74: {  	_ =	shalt  }
0x75: {  	_ =	shalt  }
0x76: {  	_ =	shalt  }
0x77: {  	_ =	shalt  }
0x78: {  	_ =	shalt  }
0x79: {  	_ =	shalt  }
0x7a: {  	_ =	shalt  }
0x7b: {  	_ =	shalt  }
0x7c: {  	_ =	shalt  }
0x7d: {  	_ =	shalt  }
0x7e: {  	_ =	shalt  }
0x7f: {  	_ =	shalt  }
0x80: {  	_ =	shalt  }
0x81: {  	_ =	shalt  }
0x82: {  	_ =	shalt  }
0x83: {  	_ =	shalt  }
0x84: {  	_ =	shalt  }
0x85: {  	_ =	shalt  }
0x86: {  	_ =	shalt  }
0x87: {  	_ =	shalt  }
.Lfunc_end0:
.L_simem_size_0:
called_computation_lowered:
.L_overlay_start_0:
0x88: {  	s2 =	sld [smem:$0x3FD9]  }
0x89: {  	s3 =	sld [smem:$0x3FFE];
	_ =	sdelay $0x1  }
0x8a: {  	s1 =	srdreg.scid  }
0x8b: {  	s0 =	sand.u32 $0x1, s1  }
0x8c: {  	s18 =	sshll.u32 s0, $0xA;
	s2 =	sadd.s32 s3, s2  }
0x8d: {  	s2 =	sadd.s32 s2, s18  }
0x8e: {  	[smem:$0x3FC5] =	sst s2  }
0x8f: {  	_ = 	snop  }
0x90: {  	s2 =	sld [smem:$0x3FC9]  }
0x91: {  	s19 =	sld [smem:$0x3FC8]  }
0x92: {  	s4 =	sld [smem:$0x3FC7]  }
0x93: {  	s5 =	sld [smem:$0x3FD0];
	(tm) =	ssettm $0x1  }
0x94: {  	s6 =	sld [smem:$0x3FFB];
	_ =	sdelay $0x3  }
0x95: {  	_ =	strace s6  }
0x96: {  	s6 =	sld [smem:$0x3FFC];
	_ =	sdelay $0x3  }
0x97: {  	_ =	strace s6  }
0x98: {  	s6 =	sld [smem:$0x3FFD];
	_ =	sdelay $0x3  }
0x99: {  	_ =	strace s6  }
0x9a: {  	_ =	strace $0x8FFFFFFF  }
0x9b: {  	s20 =	sld [smem:$0x3FDB];
	_ =	sdelay $0x1  }
0x9c: {  	s7 =	simm.s32 $_scs_section_size  }
0x9d: {  	s8 =	simm.s32 $_size__tile_overlayer_lowered;
	s9 =	simm.s32 $_tile_overlayer_lowered  }
0x9e: {  	s23 =	simm.s32 $0x1BFF;
	s22 =	sshll.u32 s9, $0x1;
	s6 =	sadd.s32 s7, s20  }
0x9f: {  	s10 =	simm.s32 $0x0;
	s21 =	sshll.u32 s8, $0x1;
	s8 =	sadd.s32 s22, s6  }
0xa0: {  	[timem:s10], [sflag:s23] =	dma.local [hbm:s8], s21  }
0xa1: {  	_ =	swait.ge [sflag:s23], s21  }
0xa2: {  	s7 =	ssub.s32 $0x0, s21;
	[sflag:s23] =	ssyncset.done $0x0  }
0xa3: {  	[sflag:s23] =	ssyncadd.s32 s7;
	_ =	sdelay $0x1  }
0xa4: {  	s24 =	simm.s32 $0x1B8B  }
0xa5: {  	_ =	swait.ge [sflag:s24], $0x1  }
0xa6: {  	[sflag:s24] =	ssyncset.done $0x0  }
0xa7: {  	s25 =	simm.s32 $0x1B8E;
	[sflag:s24] =	ssyncadd.s32 $0xFFFFFFFF  }
0xa8: {  	s26 =	simm.s32 $execute0_lowered;
	[smem:$0x3FD2] =	sst s25  }
0xa9: {  	s7 =	sshll.u32 s26, $0x1;
	_ =	strace $0x80000046;
	[dreg:$0x1] =	wrdreg $0xFFFFFFFF  }
0xaa: {  	s28 =	simm.s32 $_size_execute0_lowered;
	s6 =	sadd.s32 s6, s7;
	[dreg:$0x0] =	wrdreg $0x0  }
0xab: {  	s7 =	sshll.u32 s28, $0x1;
	[dreg:$0x2] =	wrdreg s6  }
0xac: {  	[dreg:$0x3] =	wrdreg s7  }
0xad: {  	[dreg:$0x4] =	wrdreg $0xC0  }
0xae: {  	_ =	task [dreg:s10], $0x5FFFF  }
0xaf: {  	[dreg:$0x1] =	wrdreg $0xFFFFFFFF  }
0xb0: {  	[dreg:$0x0] =	wrdreg $0x60  }
0xb1: {  	[dreg:$0x2] =	wrdreg s2  }
0xb2: {  	[dreg:$0x3] =	wrdreg s19  }
0xb3: {  	[dreg:$0x4] =	wrdreg s4  }
0xb4: {  	[dreg:$0x5] =	wrdreg s5  }
0xb5: {  	[dreg:$0x6] =	wrdreg $0x9  }
0xb6: {  	_ =	task.clear_ibuf [dreg:s10], $0x7FFFF;
	_ =	strace $0x90000046  }
0xb7: {  	s29 =	simm.s32 $0x9;
	_ =	strace $0x80000048  }
0xb8: {  	_ =	swait.ge [sflag:s29], $0x1  }
0xb9: {  	[sflag:s29] =	ssyncadd.s32 $0xFFFFFFFF  }
0xba: {  	_ =	strace $0x90000048  }
0xbb: {  	_ =	sfence  }
0xbc: {  	s30 =	sld [smem:$0x0];
	_ =	sdelay $0x2  }
0xbd: {  	s31 =	sshll.u32 s1, $0xD;
	s1 =	sshrl.u32 s1, $0x2  }
0xbe: {  	s3 =	sand.u32 $0x4000, s31;
	s1 =	sadd.s32 s1, s30  }
0xbf: {  	s0 =	sor.u32 s3, s0;
	s1 =	sshll.u32 s1, $0x11  }
0xc0: {  	s0 =	sor.u32 s1, s0  }
0xc1: {  	s0 =	sadd.s32 $0x8F2B, s0  }
0xc2: {  	[sflag:s0] =	ssyncadd.remote.s32 $0x1  }
0xc3: {  	_ =	sfence.sel $0xFFFF  }
0xc4: {  	[dreg:$0x0] =	wrdreg $0xFFFFFFFF;
	(pc) =	sbr.abs _section_cstart, $3  }
0xc5: {  	[dreg:$0x1] =	wrdreg $0xFFFFFFFF  }
0xc6: {  	_ =	task.clear_ibuf [dreg:s10], $0x2FFFF;
	_ =	strace $0x9FFFFFFF  }
0xc7: {  	(tm) =	ssettm $0x7FFFFFFF  }
tec
execute0_lowered:
.L_overlay_start_1:
0x0: {  	(tag) =	ssettag $0x1  }
0x1: {  	s0 =	srdreg.scid  }
0x2: {  	s0 =	sand.u32 $0x1, s0  }
0x3: {  	s3 =	rddreg [dreg:$0x0];
	s7 =	stileid.u32;
	s2 =	sshll.u32 s0, $0x4  }
0x4: {  	s1 =	rddreg [dreg:$0x1];
	s4 =	sor.u32 s7, s2  }
0x5: {  	s6 =	rddreg [dreg:$0x3];
	s5 =	simm.s32 $0x0;
	p0 =	seq.s32 s4, $0x0  }
0x6: {  	s20 =	sshll.u32 s4, $0x8;
	s17 =	sshrl.u32 s4, $0x2;
	s4 =	sshll.u32 s4, $0x10  }
0x7: {  	[smem:$0x7FF] =	sst s5;
	s18 =	sadd.s32 s3, s4  }
0x8: {  	_ =	strace $0x80000047;
	s4 =	sadd.s32 s6, s4;
	[dreg:$0x6] =	wrdreg s18  }
0x9: {  	s9 =	sor.u32 $0x20, s20;
	[dreg:$0xa] =	wrdreg s4  }
0xa: {  	s10 =	sor.u32 $0x30, s20;
	[dreg:$0x7] =	wrdreg s9  }
0xb: {  	s21 =	sor.u32 $0x10, s20;
	s11 =	sor.u32 $0x40, s20;
	[dreg:$0x9] =	wrdreg s10  }
0xc: {  	s19 =	sshll.u32 s21, $0x8;
	[dreg:$0xd] =	wrdreg s11  }
0xd: {  	s22 =	sshll.u32 s9, $0x8;
	[dreg:$0x5] =	wrdreg s21;
	s8 =	sadd.s32 s3, s19  }
0xe: {  	s15 =	sand.u32 $0x3, s7;
	s23 =	sadd.s32 s3, s22;
	[dreg:$0x8] =	wrdreg s8  }
0xf: {  	s24 =	sshll.u32 s10, $0x8;
	s7 =	sadd.s32 s6, s19;
	[dreg:$0xb] =	wrdreg s23  }
0x10: {  	s25 =	sadd.s32 s3, s24;
	[dreg:$0xc] =	wrdreg s7  }
0x11: {  	s30 =	sshll.u32 s11, $0x8;
	s26 =	sadd.s32 s6, s22;
	[dreg:$0xe] =	wrdreg s25  }
0x12: {  	s12 =	sadd.s32 s3, s30;
	[dreg:$0xf] =	wrdreg s26  }
0x13: {  	s0 =	ssub.s32 $0x2, s0;
	s4 =	sadd.s32 s6, s24;
	[dreg:$0x11] =	wrdreg s12  }
0x14: {  	p1 =	sne.s32 s15, $0x0;
	[dreg:$0x12] =	wrdreg s4;
	s7 =	sadd.s32 s6, s30  }
0x15: {  	s16 =	sshrl.u32 s0, $0x1;
	s8 =	sor.u32 $0x50, s20;
	[dreg:$0x13] =	wrdreg s7  }
0x16: {  	s12 =	sor.u32 $0x60, s20;
	s13 =	sshll.u32 s8, $0x8;
	[dreg:$0x10] =	wrdreg s8  }
0x17: {  	s2 =	ssub.s32 s0, s16;
	[dreg:$0x14] =	wrdreg s12;
	s14 =	sadd.s32 s3, s13  }
0x18: {  	s15 =	sshll.u32 s12, $0x8;
	s4 =	sadd.s32 s6, s13;
	[dreg:$0x15] =	wrdreg s14  }
0x19: {  	s0 =	simm.s32 $0x1;
	s16 =	sadd.s32 s3, s15;
	[dreg:$0x16] =	wrdreg s4  }
0x1a: {  	p0 =	por !p1, !p0;
	s13 =	sor.u32 $0x70, s20;
	[dreg:$0x18] =	wrdreg s16  }
0x1b: {  	p0 =	por !p0, !p0;
	s4 =	sadd.s32 s6, s15;
	[dreg:$0x17] =	wrdreg s13  }
0x1c: {  	s0 =	simm.s32 @!p0 $0x0;
	s14 =	sor.u32 $0x80, s20;
	[dreg:$0x1a] =	wrdreg s4  }
0x1d: {  	s0 =	ssub.s32 s17, s0;
	s15 =	sor.u32 $0x90, s20;
	[dreg:$0x19] =	wrdreg s14  }
0x1e: {  	s17 =	sshll.u32 s13, $0x8;
	s16 =	sor.u32 $0xA0, s20;
	[dreg:$0x1d] =	wrdreg s15  }
0x1f: {  	s18 =	sadd.s32 s3, s17;
	[smem:$0x7E6] =	sst s16  }
0x20: {  	s7 =	sadd.s32 s6, s17;
	[dreg:$0x1b] =	wrdreg s18  }
0x21: {  	s19 =	sshll.u32 s14, $0x8;
	s17 =	sor.u32 $0xB0, s20;
	[dreg:$0x1c] =	wrdreg s7  }
0x22: {  	s22 =	sadd.s32 s3, s19;
	[smem:$0x7E8] =	sst s17  }
0x23: {  	s23 =	sshll.u32 s15, $0x8;
	s4 =	sadd.s32 s6, s19;
	[dreg:$0x1e] =	wrdreg s22  }
0x24: {  	s25 =	sshll.u32 s16, $0x8;
	s24 =	sadd.s32 s3, s23;
	[dreg:$0x1f] =	wrdreg s4  }
0x25: {  	s26 =	sadd.s32 s3, s25;
	[smem:$0x7D0] =	sst s24  }
0x26: {  	s7 =	sadd.s32 s6, s25;
	[smem:$0x7D2] =	sst s26  }
0x27: {  	s18 =	sor.u32 $0xC0, s20;
	[smem:$0x7D3] =	sst s7  }
0x28: {  	s30 =	sshll.u32 s17, $0x8;
	s4 =	sadd.s32 s6, s23;
	[smem:$0x7EA] =	sst s18  }
0x29: {  	s19 =	sadd.s32 s3, s30;
	[smem:$0x7D1] =	sst s4  }
0x2a: {  	s22 =	sshll.u32 s18, $0x8;
	[smem:$0x7D4] =	sst s19;
	s4 =	sadd.s32 s6, s30  }
0x2b: {  	s23 =	sadd.s32 s3, s22;
	[smem:$0x7D5] =	sst s4  }
0x2c: {  	s19 =	sor.u32 $0xD0, s20;
	[smem:$0x7D6] =	sst s23  }
0x2d: {  	s4 =	sadd.s32 s6, s22;
	[smem:$0x7EC] =	sst s19  }
0x2e: {  	s22 =	sor.u32 $0xE0, s20;
	[smem:$0x7D7] =	sst s4  }
0x2f: {  	s24 =	sshll.u32 s19, $0x8;
	s23 =	sor.u32 $0xF0, s20;
	[smem:$0x7EE] =	sst s22  }
0x30: {  	s4 =	sadd.s32 s6, s24;
	[smem:$0x7F0] =	sst s23  }
0x31: {  	s25 =	sadd.s32 s3, s24;
	[smem:$0x7D9] =	sst s4;
	s4 =	sshll.u32 s22, $0x8  }
0x32: {  	s7 =	sshll.u32 s23, $0x8;
	[smem:$0x7D8] =	sst s25;
	s24 =	sadd.s32 s3, s4  }
0x33: {  	s3 =	sadd.s32 s3, s7;
	[smem:$0x7DA] =	sst s24  }
0x34: {  	s4 =	sadd.s32 s6, s4;
	[smem:$0x7DB] =	sst s3;
	s3 =	sshll.u32 s0, $0x8  }
0x35: {  	[smem:$0x7F2] =	sst s4;
	s26 =	sadd.s32 s20, s3  }
0x36: {  	s30 =	sadd.s32 s21, s3;
	[smem:$0x7DC] =	sst s26  }
0x37: {  	s9 =	sadd.s32 s9, s3;
	[smem:$0x7DD] =	sst s30  }
0x38: {  	s10 =	sadd.s32 s10, s3;
	[smem:$0x7DE] =	sst s9  }
0x39: {  	s11 =	sadd.s32 s11, s3;
	[smem:$0x7DF] =	sst s10  }
0x3a: {  	s8 =	sadd.s32 s8, s3;
	[smem:$0x7E0] =	sst s11  }
0x3b: {  	s12 =	sadd.s32 s12, s3;
	[smem:$0x7E1] =	sst s8  }
0x3c: {  	s13 =	sadd.s32 s13, s3;
	[smem:$0x7E2] =	sst s12  }
0x3d: {  	s29 =	simm.s32 $0x1;
	s14 =	sadd.s32 s14, s3;
	[smem:$0x7E3] =	sst s13  }
0x3e: {  	s28 =	simm.s32 $0x3;
	s15 =	sadd.s32 s15, s3;
	[smem:$0x7E4] =	sst s14  }
0x3f: {  	s31 =	sadd.s32 $0x100, s1;
	s16 =	sadd.s32 s16, s3;
	[smem:$0x7E5] =	sst s15  }
0x40: {  	s4 =	sadd.s32 $0x600, s1;
	s17 =	sadd.s32 s17, s3;
	[smem:$0x7E7] =	sst s16  }
0x41: {  	s24 =	sadd.s32 s18, s3;
	s25 =	sadd.s32 s19, s3;
	[smem:$0x7E9] =	sst s17  }
0x42: {  	s19 =	sadd.s32 $0x300, s1;
	s18 =	sadd.s32 $0x300, s6;
	[smem:$0x7EB] =	sst s24  }
0x43: {  	[smem:$0x7ED] =	sst s25;
	s26 =	sshll.u32 s0, $0x10;
	s30 =	sadd.s32 s22, s3  }
0x44: {  	s3 =	sadd.s32 s23, s3;
	s11 =	sadd.s32 s6, s7;
	[smem:$0x7F9] =	sst s18  }
0x45: {  	s24 =	smax.u32 s2, $0x1;
	s8 =	sadd.s32 $0x200, s1;
	[smem:$0x7EF] =	sst s30  }
0x46: {  	s13 =	sadd.s32 $0x500, s1;
	s14 =	sadd.s32 $0x700, s1;
	[smem:$0x7F1] =	sst s3  }
0x47: {  	s12 =	sadd.s32 $0x100, s20;
	s16 =	sadd.s32 $0x100, s6;
	[smem:$0x7F3] =	sst s11  }
0x48: {  	s17 =	sadd.s32 $0x200, s6;
	s22 =	sadd.s32 $0x400, s6;
	[smem:$0x7F4] =	sst s12  }
0x49: {  	s23 =	sadd.s32 $0x500, s6;
	s25 =	sadd.s32 $0x600, s6;
	[smem:$0x7F7] =	sst s16  }
0x4a: {  	s7 =	simm.s32 $0x880;
	s9 =	simm.s32 $0x1080;
	[smem:$0x7F8] =	sst s17  }
0x4b: {  	v1 =	vmov s0;
	s18 =	simm.s32 $0x2880;
	s0 =	simm.s32 $0x5;
	[smem:$0x7FA] =	sst s22  }
0x4c: {  	s10 =	sand.u32 $0x1FFF0000, s26;
	s26 =	sadd.s32 $0x400, s1;
	[smem:$0x7FB] =	sst s23  }
.Ltmp0:
0x4d: {  	[smem:$0x7FC] =	sst s25;
	s30 =	sadd.s32 $0x700, s6;
	(pc) =	sbr.rel .LBB2_1-.Ltmp0, $4  }
0x4e: {  	s22 =	simm.s32 $0x80;
	s11 =	simm.s32 $0x1880;
	s23 =	simm.s32 $0x3080  }
0x4f: {  	v0 =	vlaneseq.u32;
	s12 =	simm.s32 $0x2;
	s3 =	sadd.s32 s1, s10;
	[smem:$0x7FD] =	sst s30  }
0x50: {  	vm1 =	vmmov $0xffff;
	v2 =	vshrl.u32 v0, $0x3;
	v3 =	vor.u32 $0x8, v0;
	s25 =	simm.s32 $0x4;
	[smem:$0x7F5] =	sst s3;
	s15 =	sadd.s32 $0xF000, s3  }
0x51: {  	v2 =	vmul.u32 $0x8, v2;
	vm0 =	veq.s32 v1, v0;
	v1 =	vand.u32 $0x7, v0;
	s10 =	simm.s32 $0x6;
	[smem:$0x7F6] =	sst s15;
	s15 =	simm.s32 $0x2080  }
.LBB2_48:
0x52: {  	s3 =	sld [smem:$0x7DB];
	_ =	sdelay $0x2  }
0x53: {  	[tilespmem:s22], [sflag:$0x1] =	stream.linear.gather [hbm4b:s3+s5], $0x8000, $0x38;
	[tilespmem:$0x18080] =	vst v63  }
.LBB2_49:
0x54: {  	_ =	swait.ge [sflag:s28], $0x8000  }
0x55: {  	s3 =	sld [smem:$0x7F2]  }
0x56: {  	[sflag:s28] =	ssyncset.done $0x0  }
0x57: {  	s2 =	simm.s32 $0x10080;
	[sflag:s28] =	ssyncadd.s32 $0xFFFF8000  }
0x58: {  	[hbm4b:s3+s5] =	stream.linear.scatter [tilespmem:s2], [sflag:$0x6], $0x8000, $0x38;
	[tilespmem:$0x18080] =	vst v63  }
0x59: {  	_ =	swait.ge [sflag:s29], $0x8000  }
0x5a: {  	s21 =	sld [smem:$0x7F3]  }
0x5b: {  	[sflag:s29] =	ssyncset.done $0x0;
	s6 =	sld [smem:$0x7F4]  }
0x5c: {  	[sflag:s29] =	ssyncadd.s32 $0xFFFF8000  }
0x5d: {  	[hbm4b:s21+s5] =	stream.linear.scatter [tilespmem:s22], [sflag:$0x4], $0x8000, $0x38;
	[tilespmem:$0x18080] =	vst v63  }
0x5e: {  	p0 =	sge.s32 s30, s20;
	p1 =	slt.s32 s30, s6;
	_ =	swait.ge [sflag:s25], $0x8000  }
0x5f: {  	s23 =	sadd.s32 $0x800000FF, s16;
	p0 =	por !p0, !p1;
	s3 =	sld [smem:$0x7F5]  }
0x60: {  	p2 =	slt.s32 s23, s6;
	p0 =	por !p0, !p0;
	[sflag:s25] =	ssyncset.done $0x0  }
0x61: {  	[sflag:s25] =	ssyncadd.s32 $0xFFFF8000;
	s17 =	simm.s32 @p0 $0x0;
	s6 =	simm.s32 @p0 $0x80  }
0x62: {  	[tilespmem:s6], [sflag:$0x1] =	stream.linear.gather @p0 [hbm4b:s3+s17], $0x8000, $0x38;
	[tilespmem:$0x18080] =	vst v63  }
0x63: {  	p6 =	sge.s32 s23, s20;
	_ =	swait.ge [sflag:s0], $0x8000  }
0x64: {  	v4 =	vadd.s32 s30, v0;
	p1 =	por !p6, !p2;
	s21 =	sld [smem:$0x7F6]  }
0x65: {  	p1 =	por !p1, !p1;
	v5 =	vshll.u32 @p0 v4, $0x4;
	[sflag:s0] =	ssyncset.done $0x0  }
0x66: {  	v4 =	vand.u32 @p0 $0x7, v4;
	v6 =	vlaneseq.u32 @p0;
	s30 =	simm.s32 @p1 $0x8080;
	v5 =	vand.u32 @p0 $0xFFFFFF80, v5;
	s3 =	simm.s32 @p1 $0x0;
	[sflag:s0] =	ssyncadd.s32 $0xFFFF8000  }
0x67: {  	v7 =	vshrl.u32 @p0 v6, $0x3;
	v4 =	vor.u32 @p0 v4, v5;
	v5 =	vand.u32 @p0 $0x7, v6;
	[tilespmem:s30], [sflag:$0x2] =	stream.linear.gather @p1 [hbm4b:s21+s3], $0x8000, $0x38;
	[tilespmem:$0x18080] =	vst v63  }
0x68: {  	v7 =	vmul.u32 @p0 $0x8, v7;
	v5 =	vperm.xlane @p0 v4, v5;
	_ =	swait.ge [sflag:s10], $0x8000  }
0x69: {  	[sflag:s10] =	ssyncset.done $0x0  }
0x6a: {  	v5 =	vadd.s32 @p0 v7, v5;
	s21 =	smov.u32 s20;
	s20 =	simm.s32 @p0 $0x1;
	[sflag:s10] =	ssyncadd.s32 $0xFFFF8000  }
0x6b: {  	_ =	swait.ge @p0 [sflag:s20], $0x8000  }
0x6c: {  	[sflag:s20] =	ssyncset.done @p0 $0x0  }
0x6d: {  	s7 =	sld [smem:$0x7F7];
	[sflag:s20] =	ssyncadd.s32 @p0 $0xFFFF8000  }
0x6e: {  	vm2 =	vmmov @p0 $0xffff;
	s20 =	rddreg [dreg:$0x3]  }
0x6f: {  	[hbm4b:s20+s17] =	stream.indirect_vreg.scatter @p0 [tilespmem:s6], [sflag:$0x4], $0x80, v5, vm2, $0xb8;
	[tilespmem:$0x18080] =	vst v63  }
0x70: {  	s9 =	sld [smem:$0x7F8];
	s6 =	simm.s32 @p0 $0x880  }
0x71: {  	[hbm4b:s7+s17] =	stream.indirect_vreg.scatter @p0 [tilespmem:s6], [sflag:$0x4], $0x80, v5, vm2, $0xb8;
	[tilespmem:$0x18080] =	vst v63  }
0x72: {  	s11 =	sld [smem:$0x7F9];
	s6 =	simm.s32 @p0 $0x1080  }
0x73: {  	[hbm4b:s9+s17] =	stream.indirect_vreg.scatter @p0 [tilespmem:s6], [sflag:$0x4], $0x80, v5, vm2, $0xb8;
	[tilespmem:$0x18080] =	vst v63  }
0x74: {  	s15 =	sld [smem:$0x7FA];
	s6 =	simm.s32 @p0 $0x1880  }
0x75: {  	[hbm4b:s11+s17] =	stream.indirect_vreg.scatter @p0 [tilespmem:s6], [sflag:$0x4], $0x80, v5, vm2, $0xb8;
	[tilespmem:$0x18080] =	vst v63  }
0x76: {  	s18 =	sld [smem:$0x7FB];
	s6 =	simm.s32 @p0 $0x2080  }
0x77: {  	v6 =	vor.u32 @p0 $0x8, v6;
	[hbm4b:s15+s17] =	stream.indirect_vreg.scatter @p0 [tilespmem:s6], [sflag:$0x4], $0x80, v5, vm2, $0xb8;
	[tilespmem:$0x18080] =	vst v63  }
0x78: {  	v4 =	vperm.xlane @p0 v4, v6;
	s23 =	sld [smem:$0x7FC];
	s6 =	simm.s32 @p0 $0x2880  }
0x79: {  	[hbm4b:s18+s17] =	stream.indirect_vreg.scatter @p0 [tilespmem:s6], [sflag:$0x4], $0x80, v5, vm2, $0xb8;
	[tilespmem:$0x18080] =	vst v63  }
0x7a: {  	v4 =	vadd.s32 @p0 v7, v4;
	s2 =	sld [smem:$0x7FD];
	s6 =	simm.s32 @p0 $0x3080  }
0x7b: {  	[hbm4b:s23+s17] =	stream.indirect_vreg.scatter @p0 [tilespmem:s6], [sflag:$0x4], $0x80, v5, vm2, $0xb8;
	[tilespmem:$0x18080] =	vst v63  }
0x7c: {  	s6 =	simm.s32 @p0 $0x3880  }
0x7d: {  	[hbm4b:s2+s17] =	stream.indirect_vreg.scatter @p0 [tilespmem:s6], [sflag:$0x4], $0x80, v5, vm2, $0xb8;
	[tilespmem:$0x18080] =	vst v63  }
0x7e: {  	s6 =	simm.s32 @p0 $0x4080  }
0x7f: {  	[hbm4b:s20+s17] =	stream.indirect_vreg.scatter @p0 [tilespmem:s6], [sflag:$0x4], $0x80, v4, vm2, $0xb8;
	[tilespmem:$0x18080] =	vst v63  }
0x80: {  	s6 =	simm.s32 @p0 $0x4880  }
0x81: {  	[hbm4b:s7+s17] =	stream.indirect_vreg.scatter @p0 [tilespmem:s6], [sflag:$0x4], $0x80, v4, vm2, $0xb8;
	[tilespmem:$0x18080] =	vst v63  }
0x82: {  	s6 =	simm.s32 @p0 $0x5080  }
0x83: {  	[hbm4b:s9+s17] =	stream.indirect_vreg.scatter @p0 [tilespmem:s6], [sflag:$0x4], $0x80, v4, vm2, $0xb8;
	[tilespmem:$0x18080] =	vst v63  }
0x84: {  	s6 =	simm.s32 @p0 $0x5880  }
0x85: {  	[hbm4b:s11+s17] =	stream.indirect_vreg.scatter @p0 [tilespmem:s6], [sflag:$0x4], $0x80, v4, vm2, $0xb8;
	[tilespmem:$0x18080] =	vst v63  }
0x86: {  	s6 =	sadd.s32 $0x800000F0, s16;
	s16 =	simm.s32 @p0 $0x6080  }
0x87: {  	v5 =	vadd.s32 s6, v0;
	[hbm4b:s15+s17] =	stream.indirect_vreg.scatter @p0 [tilespmem:s16], [sflag:$0x4], $0x80, v4, vm2, $0xb8;
	[tilespmem:$0x18080] =	vst v63  }
0x88: {  	s6 =	simm.s32 @p0 $0x6880;
	v6 =	vshll.u32 @p1 v5, $0x4  }
0x89: {  	v7 =	vlaneseq.u32 @p1;
	v5 =	vand.u32 @p1 $0x7, v5;
	v6 =	vand.u32 @p1 $0xFFFFFF80, v6;
	[hbm4b:s18+s17] =	stream.indirect_vreg.scatter @p0 [tilespmem:s6], [sflag:$0x4], $0x80, v4, vm2, $0xb8;
	[tilespmem:$0x18080] =	vst v63  }
0x8a: {  	v8 =	vshrl.u32 @p1 v7, $0x3;
	s6 =	simm.s32 @p0 $0x7080;
	v5 =	vor.u32 @p1 v5, v6;
	v6 =	vand.u32 @p1 $0x7, v7  }
0x8b: {  	v8 =	vmul.u32 @p1 $0x8, v8;
	v6 =	vperm.xlane @p1 v5, v6;
	[hbm4b:s23+s17] =	stream.indirect_vreg.scatter @p0 [tilespmem:s6], [sflag:$0x4], $0x80, v4, vm2, $0xb8;
	[tilespmem:$0x18080] =	vst v63  }
0x8c: {  	s6 =	simm.s32 @p0 $0x7880  }
0x8d: {  	[hbm4b:s2+s17] =	stream.indirect_vreg.scatter @p0 [tilespmem:s6], [sflag:$0x4], $0x80, v4, vm2, $0xb8;
	v4 =	vadd.s32 @p1 v8, v6;
	[tilespmem:$0x18080] =	vst v63  }
0x8e: {  	s6 =	simm.s32 @p1 $0x2  }
0x8f: {  	_ =	swait.ge @p1 [sflag:s6], $0x8000  }
0x90: {  	[sflag:s6] =	ssyncset.done @p1 $0x0  }
0x91: {  	vm2 =	vmmov @p1 $0xffff;
	[sflag:s6] =	ssyncadd.s32 @p1 $0xFFFF8000  }
0x92: {  	[hbm4b:s20+s3] =	stream.indirect_vreg.scatter @p1 [tilespmem:s30], [sflag:$0x5], $0x80, v4, vm2, $0xb8;
	[tilespmem:$0x18080] =	vst v63  }
0x93: {  	s6 =	simm.s32 @p1 $0x8880  }
0x94: {  	[hbm4b:s7+s3] =	stream.indirect_vreg.scatter @p1 [tilespmem:s6], [sflag:$0x5], $0x80, v4, vm2, $0xb8;
	[tilespmem:$0x18080] =	vst v63  }
0x95: {  	s6 =	simm.s32 @p1 $0x9080  }
0x96: {  	[hbm4b:s9+s3] =	stream.indirect_vreg.scatter @p1 [tilespmem:s6], [sflag:$0x5], $0x80, v4, vm2, $0xb8;
	[tilespmem:$0x18080] =	vst v63  }
0x97: {  	s6 =	simm.s32 @p1 $0x9880  }
0x98: {  	[hbm4b:s11+s3] =	stream.indirect_vreg.scatter @p1 [tilespmem:s6], [sflag:$0x5], $0x80, v4, vm2, $0xb8;
	[tilespmem:$0x18080] =	vst v63  }
0x99: {  	s6 =	simm.s32 @p1 $0xA080  }
0x9a: {  	v6 =	vor.u32 @p1 $0x8, v7;
	[hbm4b:s15+s3] =	stream.indirect_vreg.scatter @p1 [tilespmem:s6], [sflag:$0x5], $0x80, v4, vm2, $0xb8;
	[tilespmem:$0x18080] =	vst v63  }
0x9b: {  	v5 =	vperm.xlane @p1 v5, v6;
	s6 =	simm.s32 @p1 $0xA880  }
0x9c: {  	[hbm4b:s18+s3] =	stream.indirect_vreg.scatter @p1 [tilespmem:s6], [sflag:$0x5], $0x80, v4, vm2, $0xb8;
	[tilespmem:$0x18080] =	vst v63  }
0x9d: {  	v5 =	vadd.s32 @p1 v8, v5;
	s6 =	simm.s32 @p1 $0xB080  }
0x9e: {  	[hbm4b:s23+s3] =	stream.indirect_vreg.scatter @p1 [tilespmem:s6], [sflag:$0x5], $0x80, v4, vm2, $0xb8;
	[tilespmem:$0x18080] =	vst v63  }
0x9f: {  	s6 =	simm.s32 @p1 $0xB880  }
0xa0: {  	[hbm4b:s2+s3] =	stream.indirect_vreg.scatter @p1 [tilespmem:s6], [sflag:$0x5], $0x80, v4, vm2, $0xb8;
	[tilespmem:$0x18080] =	vst v63  }
0xa1: {  	s6 =	simm.s32 @p1 $0xC080  }
0xa2: {  	[hbm4b:s20+s3] =	stream.indirect_vreg.scatter @p1 [tilespmem:s6], [sflag:$0x5], $0x80, v5, vm2, $0xb8;
	[tilespmem:$0x18080] =	vst v63  }
0xa3: {  	s6 =	simm.s32 @p1 $0xC880  }
0xa4: {  	[hbm4b:s7+s3] =	stream.indirect_vreg.scatter @p1 [tilespmem:s6], [sflag:$0x5], $0x80, v5, vm2, $0xb8;
	[tilespmem:$0x18080] =	vst v63  }
0xa5: {  	s6 =	simm.s32 @p1 $0xD080  }
0xa6: {  	[hbm4b:s9+s3] =	stream.indirect_vreg.scatter @p1 [tilespmem:s6], [sflag:$0x5], $0x80, v5, vm2, $0xb8;
	[tilespmem:$0x18080] =	vst v63  }
0xa7: {  	s6 =	simm.s32 @p1 $0xD880  }
0xa8: {  	[hbm4b:s11+s3] =	stream.indirect_vreg.scatter @p1 [tilespmem:s6], [sflag:$0x5], $0x80, v5, vm2, $0xb8;
	[tilespmem:$0x18080] =	vst v63  }
0xa9: {  	s6 =	simm.s32 @p1 $0xE080  }
0xaa: {  	[hbm4b:s15+s3] =	stream.indirect_vreg.scatter @p1 [tilespmem:s6], [sflag:$0x5], $0x80, v5, vm2, $0xb8;
	[tilespmem:$0x18080] =	vst v63  }
0xab: {  	s6 =	simm.s32 @p1 $0xE880  }
0xac: {  	[hbm4b:s18+s3] =	stream.indirect_vreg.scatter @p1 [tilespmem:s6], [sflag:$0x5], $0x80, v5, vm2, $0xb8;
	[tilespmem:$0x18080] =	vst v63  }
0xad: {  	s6 =	simm.s32 @p1 $0xF080  }
0xae: {  	[hbm4b:s23+s3] =	stream.indirect_vreg.scatter @p1 [tilespmem:s6], [sflag:$0x5], $0x80, v5, vm2, $0xb8;
	[tilespmem:$0x18080] =	vst v63  }
0xaf: {  	s6 =	simm.s32 @p1 $0xF880  }
0xb0: {  	[hbm4b:s2+s3] =	stream.indirect_vreg.scatter @p1 [tilespmem:s6], [sflag:$0x5], $0x80, v5, vm2, $0xb8;
	[tilespmem:$0x18080] =	vst v63  }
0xb1: {  	s3 =	simm.s32 @p0 $0x4  }
0xb2: {  	_ =	swait.ge @p0 [sflag:s3], $0x8000  }
0xb3: {  	s24 =	sadd.s32 $0xFFFFFFFF, s24;
	[sflag:s3] =	ssyncset.done @p0 $0x0  }
0xb4: {  	[sflag:s3] =	ssyncadd.s32 @p0 $0xFFFF8000;
	p0 =	sne.s32 s24, $0x0  }
.Ltmp1:
0xb5: {  	_ = 	snop;
	(pc) =	sbr.rel @!p0 .LBB2_50-.Ltmp1, $4  }
0xb6: {  	s20 =	smov.u32 s21;
	s7 =	simm.s32 $0x880;
	s3 =	simm.s32 @p1 $0x5  }
0xb7: {  	s9 =	simm.s32 $0x1080;
	s11 =	simm.s32 $0x1880;
	_ =	swait.ge @p1 [sflag:s3], $0x8000  }
0xb8: {  	s15 =	simm.s32 $0x2080;
	s18 =	simm.s32 $0x2880;
	[sflag:s3] =	ssyncset.done @p1 $0x0  }
0xb9: {  	s23 =	simm.s32 $0x3080;
	s21 =	rddreg [dreg:$0x5];
	[sflag:s3] =	ssyncadd.s32 @p1 $0xFFFF8000  }
.LBB2_1:
0xba: {  	s3 =	rddreg [dreg:$0x2];
	s2 =	simm.s32 $0x7  }
0xbb: {  	[tilespmem:s5], [sflag:$0x7] =	stream.linear.gather [hbm4b:s3+s5], $0x80, $0x38;
	[tilespmem:$0x18080] =	vst v63  }
0xbc: {  	_ =	swait.ge [sflag:s2], $0x80  }
0xbd: {  	[sflag:s2] =	ssyncset.done $0x0  }
0xbe: {  	[sflag:s2] =	ssyncadd.s32 $0xFFFFFF80  }
0xbf: {  	v4 =	vld [tilespmem:$0x0];
	_ =	sdelay $0x4  }
0xc0: {  	v4 =	vxor.u32 $0x80000000, v4  }
0xc1: {  	v4 =	vnsel vm0, $0x80000000, v4  }
0xc2: {  	(xrf0) =	vmax.scan.msk.u32 $0xffff, v4;
	_ =	sdelay $0x5  }
0xc3: {  	v4, _, _ =	vpop (xrf0)  }
0xc4: {  	(v2sf) =	vpush v4, $0xF;
	_ =	sdelay $0xe  }
0xc5: {  	s16 =	spop (v2sf)  }
0xc6: {  	s30 =	sxor.u32 $0x80000000, s16  }
0xc7: {  	s3 =	sadd.s32 $0x80000100, s16;
	p0 =	slt.s32 s20, s30  }
0xc8: {  	p1 =	sgt.s32 @!p0 s21, s3  }
0xc9: {  	p0 =	por p0, p1  }
.Ltmp2:
0xca: {  	_ = 	snop;
	(pc) =	sbr.rel @p0 .LBB2_3-.Ltmp2, $1  }
0xcb: {  	_ =	sdelay $0x3  }
0xcc: {  	s6 =	sld [smem:$0x7DC];
	_ =	sdelay $0x2  }
0xcd: {  	s17 =	ssub.s32 s6, s30  }
0xce: {  	v4 =	vadd.s32 s17, v0  }
0xcf: {  	v5 =	vshll.u32 v4, $0x4  }
0xd0: {  	v4 =	vand.u32 $0x7, v4;
	v5 =	vand.u32 $0xFFFFFF80, v5  }
0xd1: {  	v4 =	vor.u32 v4, v5  }
0xd2: {  	v5 =	vperm.xlane v4, v1;
	_ =	sdelay $0x1  }
0xd3: {  	v5 =	vadd.s32 v2, v5;
	_ =	sdelay $0x4  }
0xd4: {  	[tilespmem:s22], [sflag:$0x1] =	stream.indirect_vreg.gather [hbm4b:s1+s5], $0x80, v5, vm1, $0xb8;
	[tilespmem:$0x18080] =	vst v63  }
0xd5: {  	_ = 	snop  }
0xd6: {  	[tilespmem:s7], [sflag:$0x1] =	stream.indirect_vreg.gather [hbm4b:s31+s5], $0x80, v5, vm1, $0xb8;
	[tilespmem:$0x18080] =	vst v63  }
0xd7: {  	_ = 	snop  }
0xd8: {  	[tilespmem:s9], [sflag:$0x1] =	stream.indirect_vreg.gather [hbm4b:s8+s5], $0x80, v5, vm1, $0xb8;
	[tilespmem:$0x18080] =	vst v63  }
0xd9: {  	_ = 	snop  }
0xda: {  	[tilespmem:s11], [sflag:$0x1] =	stream.indirect_vreg.gather [hbm4b:s19+s5], $0x80, v5, vm1, $0xb8;
	[tilespmem:$0x18080] =	vst v63  }
0xdb: {  	_ = 	snop  }
0xdc: {  	[tilespmem:s15], [sflag:$0x1] =	stream.indirect_vreg.gather [hbm4b:s26+s5], $0x80, v5, vm1, $0xb8;
	[tilespmem:$0x18080] =	vst v63  }
0xdd: {  	v4 =	vperm.xlane v4, v3  }
0xde: {  	[tilespmem:s18], [sflag:$0x1] =	stream.indirect_vreg.gather [hbm4b:s13+s5], $0x80, v5, vm1, $0xb8;
	[tilespmem:$0x18080] =	vst v63  }
0xdf: {  	v4 =	vadd.s32 v2, v4  }
0xe0: {  	[tilespmem:s23], [sflag:$0x1] =	stream.indirect_vreg.gather [hbm4b:s4+s5], $0x80, v5, vm1, $0xb8;
	[tilespmem:$0x18080] =	vst v63  }
0xe1: {  	s2 =	simm.s32 $0x3880  }
0xe2: {  	[tilespmem:s2], [sflag:$0x1] =	stream.indirect_vreg.gather [hbm4b:s14+s5], $0x80, v5, vm1, $0xb8;
	[tilespmem:$0x18080] =	vst v63  }
0xe3: {  	s17 =	simm.s32 $0x4080  }
0xe4: {  	[tilespmem:s17], [sflag:$0x1] =	stream.indirect_vreg.gather [hbm4b:s1+s5], $0x80, v4, vm1, $0xb8;
	[tilespmem:$0x18080] =	vst v63  }
0xe5: {  	s17 =	simm.s32 $0x4880  }
0xe6: {  	[tilespmem:s17], [sflag:$0x1] =	stream.indirect_vreg.gather [hbm4b:s31+s5], $0x80, v4, vm1, $0xb8;
	[tilespmem:$0x18080] =	vst v63  }
0xe7: {  	s17 =	simm.s32 $0x5080  }
0xe8: {  	[tilespmem:s17], [sflag:$0x1] =	stream.indirect_vreg.gather [hbm4b:s8+s5], $0x80, v4, vm1, $0xb8;
	[tilespmem:$0x18080] =	vst v63  }
0xe9: {  	s17 =	simm.s32 $0x5880  }
0xea: {  	[tilespmem:s17], [sflag:$0x1] =	stream.indirect_vreg.gather [hbm4b:s19+s5], $0x80, v4, vm1, $0xb8;
	[tilespmem:$0x18080] =	vst v63  }
0xeb: {  	s17 =	simm.s32 $0x6080  }
0xec: {  	[tilespmem:s17], [sflag:$0x1] =	stream.indirect_vreg.gather [hbm4b:s26+s5], $0x80, v4, vm1, $0xb8;
	[tilespmem:$0x18080] =	vst v63  }
0xed: {  	s17 =	simm.s32 $0x6880  }
0xee: {  	[tilespmem:s17], [sflag:$0x1] =	stream.indirect_vreg.gather [hbm4b:s13+s5], $0x80, v4, vm1, $0xb8;
	[tilespmem:$0x18080] =	vst v63  }
.Ltmp3:
0xef: {  	_ = 	snop;
	(pc) =	sbr.rel .LBB2_4-.Ltmp3, $4  }
0xf0: {  	s17 =	simm.s32 $0x7080  }
0xf1: {  	[tilespmem:s17], [sflag:$0x1] =	stream.indirect_vreg.gather [hbm4b:s4+s5], $0x80, v4, vm1, $0xb8;
	[tilespmem:$0x18080] =	vst v63  }
0xf2: {  	s17 =	simm.s32 $0x7880  }
0xf3: {  	[tilespmem:s17], [sflag:$0x1] =	stream.indirect_vreg.gather [hbm4b:s14+s5], $0x80, v4, vm1, $0xb8;
	[tilespmem:$0x18080] =	vst v63  }
.LBB2_3:
0xf4: {  	s6 =	rddreg [dreg:$0x6];
	s2 =	simm.s32 $0x3880  }
0xf5: {  	[tilespmem:s22], [sflag:$0x1] =	stream.linear.gather [hbm4b:s6+s5], $0x8000, $0x38;
	[tilespmem:$0x18080] =	vst v63  }
.LBB2_4:
0xf6: {  	p0 =	slt.s32 s21, s30;
	s6 =	rddreg [dreg:$0x7]  }
0xf7: {  	p1 =	sgt.s32 @!p0 s6, s3  }
0xf8: {  	p0 =	por p0, p1  }
.Ltmp4:
0xf9: {  	_ = 	snop;
	(pc) =	sbr.rel @p0 .LBB2_6-.Ltmp4, $1  }
0xfa: {  	_ =	sdelay $0x3  }
0xfb: {  	s6 =	sld [smem:$0x7DD];
	_ =	sdelay $0x2  }
0xfc: {  	s17 =	ssub.s32 s6, s30  }
0xfd: {  	v4 =	vadd.s32 s17, v0  }
0xfe: {  	v5 =	vshll.u32 v4, $0x4  }
0xff: {  	v4 =	vand.u32 $0x7, v4;
	v5 =	vand.u32 $0xFFFFFF80, v5  }
0x100: {  	v4 =	vor.u32 v4, v5  }
0x101: {  	v5 =	vperm.xlane v4, v1;
	_ =	sdelay $0x1  }
0x102: {  	v5 =	vadd.s32 v2, v5;
	_ =	sdelay $0x3  }
0x103: {  	s17 =	simm.s32 $0x8080  }
0x104: {  	[tilespmem:s17], [sflag:$0x2] =	stream.indirect_vreg.gather [hbm4b:s1+s5], $0x80, v5, vm1, $0xb8;
	[tilespmem:$0x18080] =	vst v63  }
0x105: {  	s21 =	simm.s32 $0x8880  }
0x106: {  	[tilespmem:s21], [sflag:$0x2] =	stream.indirect_vreg.gather [hbm4b:s31+s5], $0x80, v5, vm1, $0xb8;
	[tilespmem:$0x18080] =	vst v63  }
0x107: {  	s17 =	simm.s32 $0x9080  }
0x108: {  	[tilespmem:s17], [sflag:$0x2] =	stream.indirect_vreg.gather [hbm4b:s8+s5], $0x80, v5, vm1, $0xb8;
	[tilespmem:$0x18080] =	vst v63  }
0x109: {  	s21 =	simm.s32 $0x9880  }
0x10a: {  	[tilespmem:s21], [sflag:$0x2] =	stream.indirect_vreg.gather [hbm4b:s19+s5], $0x80, v5, vm1, $0xb8;
	[tilespmem:$0x18080] =	vst v63  }
0x10b: {  	s17 =	simm.s32 $0xA080  }
0x10c: {  	[tilespmem:s17], [sflag:$0x2] =	stream.indirect_vreg.gather [hbm4b:s26+s5], $0x80, v5, vm1, $0xb8;
	[tilespmem:$0x18080] =	vst v63  }
0x10d: {  	v4 =	vperm.xlane v4, v3;
	s21 =	simm.s32 $0xA880  }
0x10e: {  	[tilespmem:s21], [sflag:$0x2] =	stream.indirect_vreg.gather [hbm4b:s13+s5], $0x80, v5, vm1, $0xb8;
	[tilespmem:$0x18080] =	vst v63  }
0x10f: {  	v4 =	vadd.s32 v2, v4;
	s17 =	simm.s32 $0xB080  }
0x110: {  	[tilespmem:s17], [sflag:$0x2] =	stream.indirect_vreg.gather [hbm4b:s4+s5], $0x80, v5, vm1, $0xb8;
	[tilespmem:$0x18080] =	vst v63  }
0x111: {  	s21 =	simm.s32 $0xB880  }
0x112: {  	[tilespmem:s21], [sflag:$0x2] =	stream.indirect_vreg.gather [hbm4b:s14+s5], $0x80, v5, vm1, $0xb8;
	[tilespmem:$0x18080] =	vst v63  }
0x113: {  	s17 =	simm.s32 $0xC080  }
0x114: {  	[tilespmem:s17], [sflag:$0x2] =	stream.indirect_vreg.gather [hbm4b:s1+s5], $0x80, v4, vm1, $0xb8;
	[tilespmem:$0x18080] =	vst v63  }
0x115: {  	s21 =	simm.s32 $0xC880  }
0x116: {  	[tilespmem:s21], [sflag:$0x2] =	stream.indirect_vreg.gather [hbm4b:s31+s5], $0x80, v4, vm1, $0xb8;
	[tilespmem:$0x18080] =	vst v63  }
0x117: {  	s17 =	simm.s32 $0xD080  }
0x118: {  	[tilespmem:s17], [sflag:$0x2] =	stream.indirect_vreg.gather [hbm4b:s8+s5], $0x80, v4, vm1, $0xb8;
	[tilespmem:$0x18080] =	vst v63  }
0x119: {  	s21 =	simm.s32 $0xD880  }
0x11a: {  	[tilespmem:s21], [sflag:$0x2] =	stream.indirect_vreg.gather [hbm4b:s19+s5], $0x80, v4, vm1, $0xb8;
	[tilespmem:$0x18080] =	vst v63  }
0x11b: {  	s17 =	simm.s32 $0xE080  }
0x11c: {  	[tilespmem:s17], [sflag:$0x2] =	stream.indirect_vreg.gather [hbm4b:s26+s5], $0x80, v4, vm1, $0xb8;
	[tilespmem:$0x18080] =	vst v63  }
0x11d: {  	s21 =	simm.s32 $0xE880  }
0x11e: {  	[tilespmem:s21], [sflag:$0x2] =	stream.indirect_vreg.gather [hbm4b:s13+s5], $0x80, v4, vm1, $0xb8;
	[tilespmem:$0x18080] =	vst v63  }
.Ltmp5:
0x11f: {  	s17 =	simm.s32 $0xF080;
	(pc) =	sbr.rel .LBB2_7-.Ltmp5, $4  }
0x120: {  	[tilespmem:s17], [sflag:$0x2] =	stream.indirect_vreg.gather [hbm4b:s4+s5], $0x80, v4, vm1, $0xb8;
	[tilespmem:$0x18080] =	vst v63  }
0x121: {  	s21 =	simm.s32 $0xF880  }
0x122: {  	[tilespmem:s21], [sflag:$0x2] =	stream.indirect_vreg.gather [hbm4b:s14+s5], $0x80, v4, vm1, $0xb8;
	[tilespmem:$0x18080] =	vst v63  }
0x123: {  	s21 =	simm.s32 $0x4080  }
.LBB2_6:
0x124: {  	s6 =	rddreg [dreg:$0x8];
	s17 =	simm.s32 $0x8080;
	s21 =	simm.s32 $0x4080  }
0x125: {  	[tilespmem:s17], [sflag:$0x2] =	stream.linear.gather [hbm4b:s6+s5], $0x8000, $0x38;
	[tilespmem:$0x18080] =	vst v63  }
.LBB2_7:
0x126: {  	_ =	swait.ge [sflag:s29], $0x8000  }
0x127: {  	[sflag:s29] =	ssyncset.done $0x0;
	s6 =	rddreg [dreg:$0xa]  }
0x128: {  	s17 =	rddreg [dreg:$0x7];
	[sflag:s29] =	ssyncadd.s32 $0xFFFF8000  }
0x129: {  	[hbm4b:s6+s5] =	stream.linear.scatter [tilespmem:s22], [sflag:$0x4], $0x8000, $0x38;
	[tilespmem:$0x18080] =	vst v63  }
0x12a: {  	p0 =	slt.s32 s17, s30;
	s6 =	rddreg [dreg:$0x9]  }
0x12b: {  	p1 =	sgt.s32 @!p0 s6, s3  }
0x12c: {  	p0 =	por p0, p1  }
.Ltmp6:
0x12d: {  	_ = 	snop;
	(pc) =	sbr.rel @p0 .LBB2_9-.Ltmp6, $1  }
0x12e: {  	_ =	sdelay $0x3  }
0x12f: {  	s6 =	sld [smem:$0x7DE];
	_ =	sdelay $0x2  }
0x130: {  	s17 =	ssub.s32 s6, s30  }
0x131: {  	v4 =	vadd.s32 s17, v0  }
0x132: {  	v5 =	vshll.u32 v4, $0x4  }
0x133: {  	v4 =	vand.u32 $0x7, v4;
	v5 =	vand.u32 $0xFFFFFF80, v5  }
0x134: {  	v4 =	vor.u32 v4, v5  }
0x135: {  	v5 =	vperm.xlane v4, v1;
	_ =	sdelay $0x1  }
0x136: {  	v5 =	vadd.s32 v2, v5;
	_ =	sdelay $0x3  }
0x137: {  	s17 =	simm.s32 $0x10080  }
0x138: {  	[tilespmem:s17], [sflag:$0x3] =	stream.indirect_vreg.gather [hbm4b:s1+s5], $0x80, v5, vm1, $0xb8;
	[tilespmem:$0x18080] =	vst v63  }
0x139: {  	s17 =	simm.s32 $0x10880  }
0x13a: {  	[tilespmem:s17], [sflag:$0x3] =	stream.indirect_vreg.gather [hbm4b:s31+s5], $0x80, v5, vm1, $0xb8;
	[tilespmem:$0x18080] =	vst v63  }
0x13b: {  	s17 =	simm.s32 $0x11080  }
0x13c: {  	[tilespmem:s17], [sflag:$0x3] =	stream.indirect_vreg.gather [hbm4b:s8+s5], $0x80, v5, vm1, $0xb8;
	[tilespmem:$0x18080] =	vst v63  }
0x13d: {  	s17 =	simm.s32 $0x11880  }
0x13e: {  	[tilespmem:s17], [sflag:$0x3] =	stream.indirect_vreg.gather [hbm4b:s19+s5], $0x80, v5, vm1, $0xb8;
	[tilespmem:$0x18080] =	vst v63  }
0x13f: {  	s17 =	simm.s32 $0x12080  }
0x140: {  	[tilespmem:s17], [sflag:$0x3] =	stream.indirect_vreg.gather [hbm4b:s26+s5], $0x80, v5, vm1, $0xb8;
	[tilespmem:$0x18080] =	vst v63  }
0x141: {  	v4 =	vperm.xlane v4, v3;
	s17 =	simm.s32 $0x12880  }
0x142: {  	[tilespmem:s17], [sflag:$0x3] =	stream.indirect_vreg.gather [hbm4b:s13+s5], $0x80, v5, vm1, $0xb8;
	[tilespmem:$0x18080] =	vst v63  }
0x143: {  	v4 =	vadd.s32 v2, v4;
	s17 =	simm.s32 $0x13080  }
0x144: {  	[tilespmem:s17], [sflag:$0x3] =	stream.indirect_vreg.gather [hbm4b:s4+s5], $0x80, v5, vm1, $0xb8;
	[tilespmem:$0x18080] =	vst v63  }
0x145: {  	s17 =	simm.s32 $0x13880  }
0x146: {  	[tilespmem:s17], [sflag:$0x3] =	stream.indirect_vreg.gather [hbm4b:s14+s5], $0x80, v5, vm1, $0xb8;
	[tilespmem:$0x18080] =	vst v63  }
0x147: {  	s17 =	simm.s32 $0x14080  }
0x148: {  	[tilespmem:s17], [sflag:$0x3] =	stream.indirect_vreg.gather [hbm4b:s1+s5], $0x80, v4, vm1, $0xb8;
	[tilespmem:$0x18080] =	vst v63  }
0x149: {  	s17 =	simm.s32 $0x14880  }
0x14a: {  	[tilespmem:s17], [sflag:$0x3] =	stream.indirect_vreg.gather [hbm4b:s31+s5], $0x80, v4, vm1, $0xb8;
	[tilespmem:$0x18080] =	vst v63  }
0x14b: {  	s17 =	simm.s32 $0x15080  }
0x14c: {  	[tilespmem:s17], [sflag:$0x3] =	stream.indirect_vreg.gather [hbm4b:s8+s5], $0x80, v4, vm1, $0xb8;
	[tilespmem:$0x18080] =	vst v63  }
0x14d: {  	s17 =	simm.s32 $0x15880  }
0x14e: {  	[tilespmem:s17], [sflag:$0x3] =	stream.indirect_vreg.gather [hbm4b:s19+s5], $0x80, v4, vm1, $0xb8;
	[tilespmem:$0x18080] =	vst v63  }
0x14f: {  	s17 =	simm.s32 $0x16080  }
0x150: {  	[tilespmem:s17], [sflag:$0x3] =	stream.indirect_vreg.gather [hbm4b:s26+s5], $0x80, v4, vm1, $0xb8;
	[tilespmem:$0x18080] =	vst v63  }
0x151: {  	s17 =	simm.s32 $0x16880  }
0x152: {  	[tilespmem:s17], [sflag:$0x3] =	stream.indirect_vreg.gather [hbm4b:s13+s5], $0x80, v4, vm1, $0xb8;
	[tilespmem:$0x18080] =	vst v63  }
.Ltmp7:
0x153: {  	_ = 	snop;
	(pc) =	sbr.rel .LBB2_10-.Ltmp7, $4  }
0x154: {  	s17 =	simm.s32 $0x17080  }
0x155: {  	[tilespmem:s17], [sflag:$0x3] =	stream.indirect_vreg.gather [hbm4b:s4+s5], $0x80, v4, vm1, $0xb8;
	[tilespmem:$0x18080] =	vst v63  }
0x156: {  	s17 =	simm.s32 $0x17880  }
0x157: {  	[tilespmem:s17], [sflag:$0x3] =	stream.indirect_vreg.gather [hbm4b:s14+s5], $0x80, v4, vm1, $0xb8;
	[tilespmem:$0x18080] =	vst v63  }
.LBB2_9:
0x158: {  	s6 =	rddreg [dreg:$0xb];
	s17 =	simm.s32 $0x10080  }
0x159: {  	[tilespmem:s17], [sflag:$0x3] =	stream.linear.gather [hbm4b:s6+s5], $0x8000, $0x38;
	[tilespmem:$0x18080] =	vst v63  }
.LBB2_10:
0x15a: {  	_ =	swait.ge [sflag:s12], $0x8000  }
0x15b: {  	[sflag:s12] =	ssyncset.done $0x0  }
0x15c: {  	s17 =	simm.s32 $0x8080;
	s6 =	rddreg [dreg:$0xc];
	[sflag:s12] =	ssyncadd.s32 $0xFFFF8000  }
0x15d: {  	[hbm4b:s6+s5] =	stream.linear.scatter [tilespmem:s17], [sflag:$0x5], $0x8000, $0x38;
	[tilespmem:$0x18080] =	vst v63  }
0x15e: {  	s17 =	rddreg [dreg:$0x9];
	_ =	swait.ge [sflag:s25], $0x8000  }
0x15f: {  	p0 =	slt.s32 s17, s30;
	s6 =	rddreg [dreg:$0xd]  }
0x160: {  	p1 =	sgt.s32 @!p0 s6, s3  }
0x161: {  	p0 =	por p0, p1  }
.Ltmp8:
0x162: {  	_ = 	snop;
	(pc) =	sbr.rel @p0 .LBB2_12-.Ltmp8, $3  }
0x163: {  	_ =	sdelay $0x1  }
0x164: {  	[sflag:s25] =	ssyncset.done $0x0  }
0x165: {  	[sflag:s25] =	ssyncadd.s32 $0xFFFF8000  }
0x166: {  	s6 =	sld [smem:$0x7DF];
	_ =	sdelay $0x2  }
0x167: {  	s17 =	ssub.s32 s6, s30  }
0x168: {  	v4 =	vadd.s32 s17, v0  }
0x169: {  	v5 =	vshll.u32 v4, $0x4  }
0x16a: {  	v4 =	vand.u32 $0x7, v4;
	v5 =	vand.u32 $0xFFFFFF80, v5  }
0x16b: {  	v4 =	vor.u32 v4, v5  }
0x16c: {  	v5 =	vperm.xlane v4, v1;
	_ =	sdelay $0x1  }
0x16d: {  	v5 =	vadd.s32 v2, v5;
	_ =	sdelay $0x4  }
0x16e: {  	[tilespmem:s22], [sflag:$0x1] =	stream.indirect_vreg.gather [hbm4b:s1+s5], $0x80, v5, vm1, $0xb8;
	[tilespmem:$0x18080] =	vst v63  }
0x16f: {  	_ = 	snop  }
0x170: {  	[tilespmem:s7], [sflag:$0x1] =	stream.indirect_vreg.gather [hbm4b:s31+s5], $0x80, v5, vm1, $0xb8;
	[tilespmem:$0x18080] =	vst v63  }
0x171: {  	_ = 	snop  }
0x172: {  	[tilespmem:s9], [sflag:$0x1] =	stream.indirect_vreg.gather [hbm4b:s8+s5], $0x80, v5, vm1, $0xb8;
	[tilespmem:$0x18080] =	vst v63  }
0x173: {  	_ = 	snop  }
0x174: {  	[tilespmem:s11], [sflag:$0x1] =	stream.indirect_vreg.gather [hbm4b:s19+s5], $0x80, v5, vm1, $0xb8;
	[tilespmem:$0x18080] =	vst v63  }
0x175: {  	_ = 	snop  }
0x176: {  	[tilespmem:s15], [sflag:$0x1] =	stream.indirect_vreg.gather [hbm4b:s26+s5], $0x80, v5, vm1, $0xb8;
	[tilespmem:$0x18080] =	vst v63  }
0x177: {  	v4 =	vperm.xlane v4, v3  }
0x178: {  	[tilespmem:s18], [sflag:$0x1] =	stream.indirect_vreg.gather [hbm4b:s13+s5], $0x80, v5, vm1, $0xb8;
	[tilespmem:$0x18080] =	vst v63  }
0x179: {  	v4 =	vadd.s32 v2, v4  }
0x17a: {  	[tilespmem:s23], [sflag:$0x1] =	stream.indirect_vreg.gather [hbm4b:s4+s5], $0x80, v5, vm1, $0xb8;
	[tilespmem:$0x18080] =	vst v63  }
0x17b: {  	_ = 	snop  }
0x17c: {  	[tilespmem:s2], [sflag:$0x1] =	stream.indirect_vreg.gather [hbm4b:s14+s5], $0x80, v5, vm1, $0xb8;
	[tilespmem:$0x18080] =	vst v63  }
0x17d: {  	_ = 	snop  }
0x17e: {  	[tilespmem:s21], [sflag:$0x1] =	stream.indirect_vreg.gather [hbm4b:s1+s5], $0x80, v4, vm1, $0xb8;
	[tilespmem:$0x18080] =	vst v63  }
0x17f: {  	s17 =	simm.s32 $0x4880  }
0x180: {  	[tilespmem:s17], [sflag:$0x1] =	stream.indirect_vreg.gather [hbm4b:s31+s5], $0x80, v4, vm1, $0xb8;
	[tilespmem:$0x18080] =	vst v63  }
0x181: {  	s17 =	simm.s32 $0x5080  }
0x182: {  	[tilespmem:s17], [sflag:$0x1] =	stream.indirect_vreg.gather [hbm4b:s8+s5], $0x80, v4, vm1, $0xb8;
	[tilespmem:$0x18080] =	vst v63  }
0x183: {  	s17 =	simm.s32 $0x5880  }
0x184: {  	[tilespmem:s17], [sflag:$0x1] =	stream.indirect_vreg.gather [hbm4b:s19+s5], $0x80, v4, vm1, $0xb8;
	[tilespmem:$0x18080] =	vst v63  }
0x185: {  	s17 =	simm.s32 $0x6080  }
0x186: {  	[tilespmem:s17], [sflag:$0x1] =	stream.indirect_vreg.gather [hbm4b:s26+s5], $0x80, v4, vm1, $0xb8;
	[tilespmem:$0x18080] =	vst v63  }
0x187: {  	s17 =	simm.s32 $0x6880  }
0x188: {  	[tilespmem:s17], [sflag:$0x1] =	stream.indirect_vreg.gather [hbm4b:s13+s5], $0x80, v4, vm1, $0xb8;
	[tilespmem:$0x18080] =	vst v63  }
.Ltmp9:
0x189: {  	_ = 	snop;
	(pc) =	sbr.rel .LBB2_13-.Ltmp9, $4  }
0x18a: {  	s17 =	simm.s32 $0x7080  }
0x18b: {  	[tilespmem:s17], [sflag:$0x1] =	stream.indirect_vreg.gather [hbm4b:s4+s5], $0x80, v4, vm1, $0xb8;
	[tilespmem:$0x18080] =	vst v63  }
0x18c: {  	s17 =	simm.s32 $0x7880  }
0x18d: {  	[tilespmem:s17], [sflag:$0x1] =	stream.indirect_vreg.gather [hbm4b:s14+s5], $0x80, v4, vm1, $0xb8;
	[tilespmem:$0x18080] =	vst v63  }
.LBB2_12:
0x18e: {  	s6 =	rddreg [dreg:$0xe]  }
0x18f: {  	[tilespmem:s22], [sflag:$0x1] =	stream.linear.gather [hbm4b:s6+s5], $0x8000, $0x38;
	[tilespmem:$0x18080] =	vst v63  }
.LBB2_13:
0x190: {  	_ =	swait.ge [sflag:s28], $0x8000  }
0x191: {  	[sflag:s28] =	ssyncset.done $0x0  }
0x192: {  	s17 =	simm.s32 $0x10080;
	s6 =	rddreg [dreg:$0xf];
	[sflag:s28] =	ssyncadd.s32 $0xFFFF8000  }
0x193: {  	[hbm4b:s6+s5] =	stream.linear.scatter [tilespmem:s17], [sflag:$0x6], $0x8000, $0x38;
	[tilespmem:$0x18080] =	vst v63  }
0x194: {  	s17 =	rddreg [dreg:$0xd];
	_ =	swait.ge [sflag:s0], $0x8000  }
0x195: {  	p0 =	slt.s32 s17, s30;
	s6 =	rddreg [dreg:$0x10]  }
0x196: {  	p1 =	sgt.s32 @!p0 s6, s3  }
0x197: {  	p0 =	por p0, p1  }
.Ltmp10:
0x198: {  	_ = 	snop;
	(pc) =	sbr.rel @p0 .LBB2_15-.Ltmp10, $3  }
0x199: {  	_ =	sdelay $0x1  }
0x19a: {  	[sflag:s0] =	ssyncset.done $0x0  }
0x19b: {  	[sflag:s0] =	ssyncadd.s32 $0xFFFF8000  }
0x19c: {  	s6 =	sld [smem:$0x7E0];
	_ =	sdelay $0x2  }
0x19d: {  	s17 =	ssub.s32 s6, s30  }
0x19e: {  	v4 =	vadd.s32 s17, v0  }
0x19f: {  	v5 =	vshll.u32 v4, $0x4  }
0x1a0: {  	v4 =	vand.u32 $0x7, v4;
	v5 =	vand.u32 $0xFFFFFF80, v5  }
0x1a1: {  	v4 =	vor.u32 v4, v5  }
0x1a2: {  	v5 =	vperm.xlane v4, v1;
	_ =	sdelay $0x1  }
0x1a3: {  	v5 =	vadd.s32 v2, v5;
	_ =	sdelay $0x3  }
0x1a4: {  	s17 =	simm.s32 $0x8080  }
0x1a5: {  	[tilespmem:s17], [sflag:$0x2] =	stream.indirect_vreg.gather [hbm4b:s1+s5], $0x80, v5, vm1, $0xb8;
	[tilespmem:$0x18080] =	vst v63  }
0x1a6: {  	s17 =	simm.s32 $0x8880  }
0x1a7: {  	[tilespmem:s17], [sflag:$0x2] =	stream.indirect_vreg.gather [hbm4b:s31+s5], $0x80, v5, vm1, $0xb8;
	[tilespmem:$0x18080] =	vst v63  }
0x1a8: {  	s17 =	simm.s32 $0x9080  }
0x1a9: {  	[tilespmem:s17], [sflag:$0x2] =	stream.indirect_vreg.gather [hbm4b:s8+s5], $0x80, v5, vm1, $0xb8;
	[tilespmem:$0x18080] =	vst v63  }
0x1aa: {  	s17 =	simm.s32 $0x9880  }
0x1ab: {  	[tilespmem:s17], [sflag:$0x2] =	stream.indirect_vreg.gather [hbm4b:s19+s5], $0x80, v5, vm1, $0xb8;
	[tilespmem:$0x18080] =	vst v63  }
0x1ac: {  	s17 =	simm.s32 $0xA080  }
0x1ad: {  	[tilespmem:s17], [sflag:$0x2] =	stream.indirect_vreg.gather [hbm4b:s26+s5], $0x80, v5, vm1, $0xb8;
	[tilespmem:$0x18080] =	vst v63  }
0x1ae: {  	v4 =	vperm.xlane v4, v3;
	s17 =	simm.s32 $0xA880  }
0x1af: {  	[tilespmem:s17], [sflag:$0x2] =	stream.indirect_vreg.gather [hbm4b:s13+s5], $0x80, v5, vm1, $0xb8;
	[tilespmem:$0x18080] =	vst v63  }
0x1b0: {  	v4 =	vadd.s32 v2, v4;
	s17 =	simm.s32 $0xB080  }
0x1b1: {  	[tilespmem:s17], [sflag:$0x2] =	stream.indirect_vreg.gather [hbm4b:s4+s5], $0x80, v5, vm1, $0xb8;
	[tilespmem:$0x18080] =	vst v63  }
0x1b2: {  	s17 =	simm.s32 $0xB880  }
0x1b3: {  	[tilespmem:s17], [sflag:$0x2] =	stream.indirect_vreg.gather [hbm4b:s14+s5], $0x80, v5, vm1, $0xb8;
	[tilespmem:$0x18080] =	vst v63  }
0x1b4: {  	s17 =	simm.s32 $0xC080  }
0x1b5: {  	[tilespmem:s17], [sflag:$0x2] =	stream.indirect_vreg.gather [hbm4b:s1+s5], $0x80, v4, vm1, $0xb8;
	[tilespmem:$0x18080] =	vst v63  }
0x1b6: {  	s17 =	simm.s32 $0xC880  }
0x1b7: {  	[tilespmem:s17], [sflag:$0x2] =	stream.indirect_vreg.gather [hbm4b:s31+s5], $0x80, v4, vm1, $0xb8;
	[tilespmem:$0x18080] =	vst v63  }
0x1b8: {  	s17 =	simm.s32 $0xD080  }
0x1b9: {  	[tilespmem:s17], [sflag:$0x2] =	stream.indirect_vreg.gather [hbm4b:s8+s5], $0x80, v4, vm1, $0xb8;
	[tilespmem:$0x18080] =	vst v63  }
0x1ba: {  	s17 =	simm.s32 $0xD880  }
0x1bb: {  	[tilespmem:s17], [sflag:$0x2] =	stream.indirect_vreg.gather [hbm4b:s19+s5], $0x80, v4, vm1, $0xb8;
	[tilespmem:$0x18080] =	vst v63  }
0x1bc: {  	s17 =	simm.s32 $0xE080  }
0x1bd: {  	[tilespmem:s17], [sflag:$0x2] =	stream.indirect_vreg.gather [hbm4b:s26+s5], $0x80, v4, vm1, $0xb8;
	[tilespmem:$0x18080] =	vst v63  }
0x1be: {  	s17 =	simm.s32 $0xE880  }
0x1bf: {  	[tilespmem:s17], [sflag:$0x2] =	stream.indirect_vreg.gather [hbm4b:s13+s5], $0x80, v4, vm1, $0xb8;
	[tilespmem:$0x18080] =	vst v63  }
.Ltmp11:
0x1c0: {  	_ = 	snop;
	(pc) =	sbr.rel .LBB2_16-.Ltmp11, $4  }
0x1c1: {  	s17 =	simm.s32 $0xF080  }
0x1c2: {  	[tilespmem:s17], [sflag:$0x2] =	stream.indirect_vreg.gather [hbm4b:s4+s5], $0x80, v4, vm1, $0xb8;
	[tilespmem:$0x18080] =	vst v63  }
0x1c3: {  	s17 =	simm.s32 $0xF880  }
0x1c4: {  	[tilespmem:s17], [sflag:$0x2] =	stream.indirect_vreg.gather [hbm4b:s14+s5], $0x80, v4, vm1, $0xb8;
	[tilespmem:$0x18080] =	vst v63  }
.LBB2_15:
0x1c5: {  	s6 =	rddreg [dreg:$0x11];
	s17 =	simm.s32 $0x8080  }
0x1c6: {  	[tilespmem:s17], [sflag:$0x2] =	stream.linear.gather [hbm4b:s6+s5], $0x8000, $0x38;
	[tilespmem:$0x18080] =	vst v63  }
.LBB2_16:
0x1c7: {  	_ =	swait.ge [sflag:s29], $0x8000  }
0x1c8: {  	[sflag:s29] =	ssyncset.done $0x0  }
0x1c9: {  	s6 =	rddreg [dreg:$0x12];
	[sflag:s29] =	ssyncadd.s32 $0xFFFF8000  }
0x1ca: {  	[hbm4b:s6+s5] =	stream.linear.scatter [tilespmem:s22], [sflag:$0x4], $0x8000, $0x38;
	[tilespmem:$0x18080] =	vst v63  }
0x1cb: {  	s17 =	rddreg [dreg:$0x10];
	_ =	swait.ge [sflag:s10], $0x8000  }
0x1cc: {  	p0 =	slt.s32 s17, s30;
	s6 =	rddreg [dreg:$0x14]  }
0x1cd: {  	p1 =	sgt.s32 @!p0 s6, s3  }
0x1ce: {  	p0 =	por p0, p1  }
.Ltmp12:
0x1cf: {  	_ = 	snop;
	(pc) =	sbr.rel @p0 .LBB2_18-.Ltmp12, $3  }
0x1d0: {  	_ =	sdelay $0x1  }
0x1d1: {  	[sflag:s10] =	ssyncset.done $0x0  }
0x1d2: {  	[sflag:s10] =	ssyncadd.s32 $0xFFFF8000  }
0x1d3: {  	s6 =	sld [smem:$0x7E1];
	_ =	sdelay $0x2  }
0x1d4: {  	s17 =	ssub.s32 s6, s30  }
0x1d5: {  	v4 =	vadd.s32 s17, v0  }
0x1d6: {  	v5 =	vshll.u32 v4, $0x4  }
0x1d7: {  	v4 =	vand.u32 $0x7, v4;
	v5 =	vand.u32 $0xFFFFFF80, v5  }
0x1d8: {  	v4 =	vor.u32 v4, v5  }
0x1d9: {  	v5 =	vperm.xlane v4, v1;
	_ =	sdelay $0x1  }
0x1da: {  	v5 =	vadd.s32 v2, v5;
	_ =	sdelay $0x3  }
0x1db: {  	s17 =	simm.s32 $0x10080  }
0x1dc: {  	[tilespmem:s17], [sflag:$0x3] =	stream.indirect_vreg.gather [hbm4b:s1+s5], $0x80, v5, vm1, $0xb8;
	[tilespmem:$0x18080] =	vst v63  }
0x1dd: {  	s17 =	simm.s32 $0x10880  }
0x1de: {  	[tilespmem:s17], [sflag:$0x3] =	stream.indirect_vreg.gather [hbm4b:s31+s5], $0x80, v5, vm1, $0xb8;
	[tilespmem:$0x18080] =	vst v63  }
0x1df: {  	s17 =	simm.s32 $0x11080  }
0x1e0: {  	[tilespmem:s17], [sflag:$0x3] =	stream.indirect_vreg.gather [hbm4b:s8+s5], $0x80, v5, vm1, $0xb8;
	[tilespmem:$0x18080] =	vst v63  }
0x1e1: {  	s17 =	simm.s32 $0x11880  }
0x1e2: {  	[tilespmem:s17], [sflag:$0x3] =	stream.indirect_vreg.gather [hbm4b:s19+s5], $0x80, v5, vm1, $0xb8;
	[tilespmem:$0x18080] =	vst v63  }
0x1e3: {  	s17 =	simm.s32 $0x12080  }
0x1e4: {  	[tilespmem:s17], [sflag:$0x3] =	stream.indirect_vreg.gather [hbm4b:s26+s5], $0x80, v5, vm1, $0xb8;
	[tilespmem:$0x18080] =	vst v63  }
0x1e5: {  	v4 =	vperm.xlane v4, v3;
	s17 =	simm.s32 $0x12880  }
0x1e6: {  	[tilespmem:s17], [sflag:$0x3] =	stream.indirect_vreg.gather [hbm4b:s13+s5], $0x80, v5, vm1, $0xb8;
	[tilespmem:$0x18080] =	vst v63  }
0x1e7: {  	v4 =	vadd.s32 v2, v4;
	s17 =	simm.s32 $0x13080  }
0x1e8: {  	[tilespmem:s17], [sflag:$0x3] =	stream.indirect_vreg.gather [hbm4b:s4+s5], $0x80, v5, vm1, $0xb8;
	[tilespmem:$0x18080] =	vst v63  }
0x1e9: {  	s17 =	simm.s32 $0x13880  }
0x1ea: {  	[tilespmem:s17], [sflag:$0x3] =	stream.indirect_vreg.gather [hbm4b:s14+s5], $0x80, v5, vm1, $0xb8;
	[tilespmem:$0x18080] =	vst v63  }
0x1eb: {  	s17 =	simm.s32 $0x14080  }
0x1ec: {  	[tilespmem:s17], [sflag:$0x3] =	stream.indirect_vreg.gather [hbm4b:s1+s5], $0x80, v4, vm1, $0xb8;
	[tilespmem:$0x18080] =	vst v63  }
0x1ed: {  	s17 =	simm.s32 $0x14880  }
0x1ee: {  	[tilespmem:s17], [sflag:$0x3] =	stream.indirect_vreg.gather [hbm4b:s31+s5], $0x80, v4, vm1, $0xb8;
	[tilespmem:$0x18080] =	vst v63  }
0x1ef: {  	s17 =	simm.s32 $0x15080  }
0x1f0: {  	[tilespmem:s17], [sflag:$0x3] =	stream.indirect_vreg.gather [hbm4b:s8+s5], $0x80, v4, vm1, $0xb8;
	[tilespmem:$0x18080] =	vst v63  }
0x1f1: {  	s17 =	simm.s32 $0x15880  }
0x1f2: {  	[tilespmem:s17], [sflag:$0x3] =	stream.indirect_vreg.gather [hbm4b:s19+s5], $0x80, v4, vm1, $0xb8;
	[tilespmem:$0x18080] =	vst v63  }
0x1f3: {  	s17 =	simm.s32 $0x16080  }
0x1f4: {  	[tilespmem:s17], [sflag:$0x3] =	stream.indirect_vreg.gather [hbm4b:s26+s5], $0x80, v4, vm1, $0xb8;
	[tilespmem:$0x18080] =	vst v63  }
0x1f5: {  	s17 =	simm.s32 $0x16880  }
0x1f6: {  	[tilespmem:s17], [sflag:$0x3] =	stream.indirect_vreg.gather [hbm4b:s13+s5], $0x80, v4, vm1, $0xb8;
	[tilespmem:$0x18080] =	vst v63  }
.Ltmp13:
0x1f7: {  	_ = 	snop;
	(pc) =	sbr.rel .LBB2_19-.Ltmp13, $4  }
0x1f8: {  	s17 =	simm.s32 $0x17080  }
0x1f9: {  	[tilespmem:s17], [sflag:$0x3] =	stream.indirect_vreg.gather [hbm4b:s4+s5], $0x80, v4, vm1, $0xb8;
	[tilespmem:$0x18080] =	vst v63  }
0x1fa: {  	s17 =	simm.s32 $0x17880  }
0x1fb: {  	[tilespmem:s17], [sflag:$0x3] =	stream.indirect_vreg.gather [hbm4b:s14+s5], $0x80, v4, vm1, $0xb8;
	[tilespmem:$0x18080] =	vst v63  }
.LBB2_18:
0x1fc: {  	s6 =	rddreg [dreg:$0x15];
	s17 =	simm.s32 $0x10080  }
0x1fd: {  	[tilespmem:s17], [sflag:$0x3] =	stream.linear.gather [hbm4b:s6+s5], $0x8000, $0x38;
	[tilespmem:$0x18080] =	vst v63  }
.LBB2_19:
0x1fe: {  	_ =	swait.ge [sflag:s12], $0x8000  }
0x1ff: {  	[sflag:s12] =	ssyncset.done $0x0  }
0x200: {  	s17 =	simm.s32 $0x8080;
	s6 =	rddreg [dreg:$0x13];
	[sflag:s12] =	ssyncadd.s32 $0xFFFF8000  }
0x201: {  	[hbm4b:s6+s5] =	stream.linear.scatter [tilespmem:s17], [sflag:$0x5], $0x8000, $0x38;
	[tilespmem:$0x18080] =	vst v63  }
0x202: {  	s17 =	rddreg [dreg:$0x14];
	_ =	swait.ge [sflag:s25], $0x8000  }
0x203: {  	p0 =	slt.s32 s17, s30;
	s6 =	rddreg [dreg:$0x17]  }
0x204: {  	p1 =	sgt.s32 @!p0 s6, s3  }
0x205: {  	p0 =	por p0, p1  }
.Ltmp14:
0x206: {  	_ = 	snop;
	(pc) =	sbr.rel @p0 .LBB2_21-.Ltmp14, $3  }
0x207: {  	_ =	sdelay $0x1  }
0x208: {  	[sflag:s25] =	ssyncset.done $0x0  }
0x209: {  	[sflag:s25] =	ssyncadd.s32 $0xFFFF8000  }
0x20a: {  	s6 =	sld [smem:$0x7E2];
	_ =	sdelay $0x2  }
0x20b: {  	s17 =	ssub.s32 s6, s30  }
0x20c: {  	v4 =	vadd.s32 s17, v0  }
0x20d: {  	v5 =	vshll.u32 v4, $0x4  }
0x20e: {  	v4 =	vand.u32 $0x7, v4;
	v5 =	vand.u32 $0xFFFFFF80, v5  }
0x20f: {  	v4 =	vor.u32 v4, v5  }
0x210: {  	v5 =	vperm.xlane v4, v1;
	_ =	sdelay $0x1  }
0x211: {  	v5 =	vadd.s32 v2, v5;
	_ =	sdelay $0x4  }
0x212: {  	[tilespmem:s22], [sflag:$0x1] =	stream.indirect_vreg.gather [hbm4b:s1+s5], $0x80, v5, vm1, $0xb8;
	[tilespmem:$0x18080] =	vst v63  }
0x213: {  	_ = 	snop  }
0x214: {  	[tilespmem:s7], [sflag:$0x1] =	stream.indirect_vreg.gather [hbm4b:s31+s5], $0x80, v5, vm1, $0xb8;
	[tilespmem:$0x18080] =	vst v63  }
0x215: {  	_ = 	snop  }
0x216: {  	[tilespmem:s9], [sflag:$0x1] =	stream.indirect_vreg.gather [hbm4b:s8+s5], $0x80, v5, vm1, $0xb8;
	[tilespmem:$0x18080] =	vst v63  }
0x217: {  	_ = 	snop  }
0x218: {  	[tilespmem:s11], [sflag:$0x1] =	stream.indirect_vreg.gather [hbm4b:s19+s5], $0x80, v5, vm1, $0xb8;
	[tilespmem:$0x18080] =	vst v63  }
0x219: {  	_ = 	snop  }
0x21a: {  	[tilespmem:s15], [sflag:$0x1] =	stream.indirect_vreg.gather [hbm4b:s26+s5], $0x80, v5, vm1, $0xb8;
	[tilespmem:$0x18080] =	vst v63  }
0x21b: {  	v4 =	vperm.xlane v4, v3  }
0x21c: {  	[tilespmem:s18], [sflag:$0x1] =	stream.indirect_vreg.gather [hbm4b:s13+s5], $0x80, v5, vm1, $0xb8;
	[tilespmem:$0x18080] =	vst v63  }
0x21d: {  	v4 =	vadd.s32 v2, v4  }
0x21e: {  	[tilespmem:s23], [sflag:$0x1] =	stream.indirect_vreg.gather [hbm4b:s4+s5], $0x80, v5, vm1, $0xb8;
	[tilespmem:$0x18080] =	vst v63  }
0x21f: {  	_ = 	snop  }
0x220: {  	[tilespmem:s2], [sflag:$0x1] =	stream.indirect_vreg.gather [hbm4b:s14+s5], $0x80, v5, vm1, $0xb8;
	[tilespmem:$0x18080] =	vst v63  }
0x221: {  	_ = 	snop  }
0x222: {  	[tilespmem:s21], [sflag:$0x1] =	stream.indirect_vreg.gather [hbm4b:s1+s5], $0x80, v4, vm1, $0xb8;
	[tilespmem:$0x18080] =	vst v63  }
0x223: {  	s17 =	simm.s32 $0x4880  }
0x224: {  	[tilespmem:s17], [sflag:$0x1] =	stream.indirect_vreg.gather [hbm4b:s31+s5], $0x80, v4, vm1, $0xb8;
	[tilespmem:$0x18080] =	vst v63  }
0x225: {  	s17 =	simm.s32 $0x5080  }
0x226: {  	[tilespmem:s17], [sflag:$0x1] =	stream.indirect_vreg.gather [hbm4b:s8+s5], $0x80, v4, vm1, $0xb8;
	[tilespmem:$0x18080] =	vst v63  }
0x227: {  	s17 =	simm.s32 $0x5880  }
0x228: {  	[tilespmem:s17], [sflag:$0x1] =	stream.indirect_vreg.gather [hbm4b:s19+s5], $0x80, v4, vm1, $0xb8;
	[tilespmem:$0x18080] =	vst v63  }
0x229: {  	s17 =	simm.s32 $0x6080  }
0x22a: {  	[tilespmem:s17], [sflag:$0x1] =	stream.indirect_vreg.gather [hbm4b:s26+s5], $0x80, v4, vm1, $0xb8;
	[tilespmem:$0x18080] =	vst v63  }
0x22b: {  	s17 =	simm.s32 $0x6880  }
0x22c: {  	[tilespmem:s17], [sflag:$0x1] =	stream.indirect_vreg.gather [hbm4b:s13+s5], $0x80, v4, vm1, $0xb8;
	[tilespmem:$0x18080] =	vst v63  }
.Ltmp15:
0x22d: {  	_ = 	snop;
	(pc) =	sbr.rel .LBB2_22-.Ltmp15, $4  }
0x22e: {  	s17 =	simm.s32 $0x7080  }
0x22f: {  	[tilespmem:s17], [sflag:$0x1] =	stream.indirect_vreg.gather [hbm4b:s4+s5], $0x80, v4, vm1, $0xb8;
	[tilespmem:$0x18080] =	vst v63  }
0x230: {  	s17 =	simm.s32 $0x7880  }
0x231: {  	[tilespmem:s17], [sflag:$0x1] =	stream.indirect_vreg.gather [hbm4b:s14+s5], $0x80, v4, vm1, $0xb8;
	[tilespmem:$0x18080] =	vst v63  }
.LBB2_21:
0x232: {  	s6 =	rddreg [dreg:$0x18]  }
0x233: {  	[tilespmem:s22], [sflag:$0x1] =	stream.linear.gather [hbm4b:s6+s5], $0x8000, $0x38;
	[tilespmem:$0x18080] =	vst v63  }
.LBB2_22:
0x234: {  	_ =	swait.ge [sflag:s28], $0x8000  }
0x235: {  	[sflag:s28] =	ssyncset.done $0x0  }
0x236: {  	s17 =	simm.s32 $0x10080;
	s6 =	rddreg [dreg:$0x16];
	[sflag:s28] =	ssyncadd.s32 $0xFFFF8000  }
0x237: {  	[hbm4b:s6+s5] =	stream.linear.scatter [tilespmem:s17], [sflag:$0x6], $0x8000, $0x38;
	[tilespmem:$0x18080] =	vst v63  }
0x238: {  	s17 =	rddreg [dreg:$0x17];
	_ =	swait.ge [sflag:s0], $0x8000  }
0x239: {  	p0 =	slt.s32 s17, s30;
	s6 =	rddreg [dreg:$0x19]  }
0x23a: {  	p1 =	sgt.s32 @!p0 s6, s3  }
0x23b: {  	p0 =	por p0, p1  }
.Ltmp16:
0x23c: {  	_ = 	snop;
	(pc) =	sbr.rel @p0 .LBB2_24-.Ltmp16, $3  }
0x23d: {  	_ =	sdelay $0x1  }
0x23e: {  	[sflag:s0] =	ssyncset.done $0x0  }
0x23f: {  	[sflag:s0] =	ssyncadd.s32 $0xFFFF8000  }
0x240: {  	s6 =	sld [smem:$0x7E3];
	_ =	sdelay $0x2  }
0x241: {  	s17 =	ssub.s32 s6, s30  }
0x242: {  	v4 =	vadd.s32 s17, v0  }
0x243: {  	v5 =	vshll.u32 v4, $0x4  }
0x244: {  	v4 =	vand.u32 $0x7, v4;
	v5 =	vand.u32 $0xFFFFFF80, v5  }
0x245: {  	v4 =	vor.u32 v4, v5  }
0x246: {  	v5 =	vperm.xlane v4, v1;
	_ =	sdelay $0x1  }
0x247: {  	v5 =	vadd.s32 v2, v5;
	_ =	sdelay $0x3  }
0x248: {  	s17 =	simm.s32 $0x8080  }
0x249: {  	[tilespmem:s17], [sflag:$0x2] =	stream.indirect_vreg.gather [hbm4b:s1+s5], $0x80, v5, vm1, $0xb8;
	[tilespmem:$0x18080] =	vst v63  }
0x24a: {  	s17 =	simm.s32 $0x8880  }
0x24b: {  	[tilespmem:s17], [sflag:$0x2] =	stream.indirect_vreg.gather [hbm4b:s31+s5], $0x80, v5, vm1, $0xb8;
	[tilespmem:$0x18080] =	vst v63  }
0x24c: {  	s17 =	simm.s32 $0x9080  }
0x24d: {  	[tilespmem:s17], [sflag:$0x2] =	stream.indirect_vreg.gather [hbm4b:s8+s5], $0x80, v5, vm1, $0xb8;
	[tilespmem:$0x18080] =	vst v63  }
0x24e: {  	s17 =	simm.s32 $0x9880  }
0x24f: {  	[tilespmem:s17], [sflag:$0x2] =	stream.indirect_vreg.gather [hbm4b:s19+s5], $0x80, v5, vm1, $0xb8;
	[tilespmem:$0x18080] =	vst v63  }
0x250: {  	s17 =	simm.s32 $0xA080  }
0x251: {  	[tilespmem:s17], [sflag:$0x2] =	stream.indirect_vreg.gather [hbm4b:s26+s5], $0x80, v5, vm1, $0xb8;
	[tilespmem:$0x18080] =	vst v63  }
0x252: {  	v4 =	vperm.xlane v4, v3;
	s17 =	simm.s32 $0xA880  }
0x253: {  	[tilespmem:s17], [sflag:$0x2] =	stream.indirect_vreg.gather [hbm4b:s13+s5], $0x80, v5, vm1, $0xb8;
	[tilespmem:$0x18080] =	vst v63  }
0x254: {  	v4 =	vadd.s32 v2, v4;
	s17 =	simm.s32 $0xB080  }
0x255: {  	[tilespmem:s17], [sflag:$0x2] =	stream.indirect_vreg.gather [hbm4b:s4+s5], $0x80, v5, vm1, $0xb8;
	[tilespmem:$0x18080] =	vst v63  }
0x256: {  	s17 =	simm.s32 $0xB880  }
0x257: {  	[tilespmem:s17], [sflag:$0x2] =	stream.indirect_vreg.gather [hbm4b:s14+s5], $0x80, v5, vm1, $0xb8;
	[tilespmem:$0x18080] =	vst v63  }
0x258: {  	s17 =	simm.s32 $0xC080  }
0x259: {  	[tilespmem:s17], [sflag:$0x2] =	stream.indirect_vreg.gather [hbm4b:s1+s5], $0x80, v4, vm1, $0xb8;
	[tilespmem:$0x18080] =	vst v63  }
0x25a: {  	s17 =	simm.s32 $0xC880  }
0x25b: {  	[tilespmem:s17], [sflag:$0x2] =	stream.indirect_vreg.gather [hbm4b:s31+s5], $0x80, v4, vm1, $0xb8;
	[tilespmem:$0x18080] =	vst v63  }
0x25c: {  	s17 =	simm.s32 $0xD080  }
0x25d: {  	[tilespmem:s17], [sflag:$0x2] =	stream.indirect_vreg.gather [hbm4b:s8+s5], $0x80, v4, vm1, $0xb8;
	[tilespmem:$0x18080] =	vst v63  }
0x25e: {  	s17 =	simm.s32 $0xD880  }
0x25f: {  	[tilespmem:s17], [sflag:$0x2] =	stream.indirect_vreg.gather [hbm4b:s19+s5], $0x80, v4, vm1, $0xb8;
	[tilespmem:$0x18080] =	vst v63  }
0x260: {  	s17 =	simm.s32 $0xE080  }
0x261: {  	[tilespmem:s17], [sflag:$0x2] =	stream.indirect_vreg.gather [hbm4b:s26+s5], $0x80, v4, vm1, $0xb8;
	[tilespmem:$0x18080] =	vst v63  }
0x262: {  	s17 =	simm.s32 $0xE880  }
0x263: {  	[tilespmem:s17], [sflag:$0x2] =	stream.indirect_vreg.gather [hbm4b:s13+s5], $0x80, v4, vm1, $0xb8;
	[tilespmem:$0x18080] =	vst v63  }
.Ltmp17:
0x264: {  	_ = 	snop;
	(pc) =	sbr.rel .LBB2_25-.Ltmp17, $4  }
0x265: {  	s17 =	simm.s32 $0xF080  }
0x266: {  	[tilespmem:s17], [sflag:$0x2] =	stream.indirect_vreg.gather [hbm4b:s4+s5], $0x80, v4, vm1, $0xb8;
	[tilespmem:$0x18080] =	vst v63  }
0x267: {  	s17 =	simm.s32 $0xF880  }
0x268: {  	[tilespmem:s17], [sflag:$0x2] =	stream.indirect_vreg.gather [hbm4b:s14+s5], $0x80, v4, vm1, $0xb8;
	[tilespmem:$0x18080] =	vst v63  }
.LBB2_24:
0x269: {  	s6 =	rddreg [dreg:$0x1b];
	s17 =	simm.s32 $0x8080  }
0x26a: {  	[tilespmem:s17], [sflag:$0x2] =	stream.linear.gather [hbm4b:s6+s5], $0x8000, $0x38;
	[tilespmem:$0x18080] =	vst v63  }
.LBB2_25:
0x26b: {  	_ =	swait.ge [sflag:s29], $0x8000  }
0x26c: {  	[sflag:s29] =	ssyncset.done $0x0  }
0x26d: {  	s6 =	rddreg [dreg:$0x1a];
	[sflag:s29] =	ssyncadd.s32 $0xFFFF8000  }
0x26e: {  	[hbm4b:s6+s5] =	stream.linear.scatter [tilespmem:s22], [sflag:$0x4], $0x8000, $0x38;
	[tilespmem:$0x18080] =	vst v63  }
0x26f: {  	s17 =	rddreg [dreg:$0x19];
	_ =	swait.ge [sflag:s10], $0x8000  }
0x270: {  	p0 =	slt.s32 s17, s30;
	s6 =	rddreg [dreg:$0x1d]  }
0x271: {  	p1 =	sgt.s32 @!p0 s6, s3  }
0x272: {  	p0 =	por p0, p1  }
.Ltmp18:
0x273: {  	_ = 	snop;
	(pc) =	sbr.rel @p0 .LBB2_27-.Ltmp18, $3  }
0x274: {  	_ =	sdelay $0x1  }
0x275: {  	[sflag:s10] =	ssyncset.done $0x0  }
0x276: {  	[sflag:s10] =	ssyncadd.s32 $0xFFFF8000  }
0x277: {  	s6 =	sld [smem:$0x7E4];
	_ =	sdelay $0x2  }
0x278: {  	s17 =	ssub.s32 s6, s30  }
0x279: {  	v4 =	vadd.s32 s17, v0  }
0x27a: {  	v5 =	vshll.u32 v4, $0x4  }
0x27b: {  	v4 =	vand.u32 $0x7, v4;
	v5 =	vand.u32 $0xFFFFFF80, v5  }
0x27c: {  	v4 =	vor.u32 v4, v5  }
0x27d: {  	v5 =	vperm.xlane v4, v1;
	_ =	sdelay $0x1  }
0x27e: {  	v5 =	vadd.s32 v2, v5;
	_ =	sdelay $0x3  }
0x27f: {  	s17 =	simm.s32 $0x10080  }
0x280: {  	[tilespmem:s17], [sflag:$0x3] =	stream.indirect_vreg.gather [hbm4b:s1+s5], $0x80, v5, vm1, $0xb8;
	[tilespmem:$0x18080] =	vst v63  }
0x281: {  	s17 =	simm.s32 $0x10880  }
0x282: {  	[tilespmem:s17], [sflag:$0x3] =	stream.indirect_vreg.gather [hbm4b:s31+s5], $0x80, v5, vm1, $0xb8;
	[tilespmem:$0x18080] =	vst v63  }
0x283: {  	s17 =	simm.s32 $0x11080  }
0x284: {  	[tilespmem:s17], [sflag:$0x3] =	stream.indirect_vreg.gather [hbm4b:s8+s5], $0x80, v5, vm1, $0xb8;
	[tilespmem:$0x18080] =	vst v63  }
0x285: {  	s17 =	simm.s32 $0x11880  }
0x286: {  	[tilespmem:s17], [sflag:$0x3] =	stream.indirect_vreg.gather [hbm4b:s19+s5], $0x80, v5, vm1, $0xb8;
	[tilespmem:$0x18080] =	vst v63  }
0x287: {  	s17 =	simm.s32 $0x12080  }
0x288: {  	[tilespmem:s17], [sflag:$0x3] =	stream.indirect_vreg.gather [hbm4b:s26+s5], $0x80, v5, vm1, $0xb8;
	[tilespmem:$0x18080] =	vst v63  }
0x289: {  	v4 =	vperm.xlane v4, v3;
	s17 =	simm.s32 $0x12880  }
0x28a: {  	[tilespmem:s17], [sflag:$0x3] =	stream.indirect_vreg.gather [hbm4b:s13+s5], $0x80, v5, vm1, $0xb8;
	[tilespmem:$0x18080] =	vst v63  }
0x28b: {  	v4 =	vadd.s32 v2, v4;
	s17 =	simm.s32 $0x13080  }
0x28c: {  	[tilespmem:s17], [sflag:$0x3] =	stream.indirect_vreg.gather [hbm4b:s4+s5], $0x80, v5, vm1, $0xb8;
	[tilespmem:$0x18080] =	vst v63  }
0x28d: {  	s17 =	simm.s32 $0x13880  }
0x28e: {  	[tilespmem:s17], [sflag:$0x3] =	stream.indirect_vreg.gather [hbm4b:s14+s5], $0x80, v5, vm1, $0xb8;
	[tilespmem:$0x18080] =	vst v63  }
0x28f: {  	s17 =	simm.s32 $0x14080  }
0x290: {  	[tilespmem:s17], [sflag:$0x3] =	stream.indirect_vreg.gather [hbm4b:s1+s5], $0x80, v4, vm1, $0xb8;
	[tilespmem:$0x18080] =	vst v63  }
0x291: {  	s17 =	simm.s32 $0x14880  }
0x292: {  	[tilespmem:s17], [sflag:$0x3] =	stream.indirect_vreg.gather [hbm4b:s31+s5], $0x80, v4, vm1, $0xb8;
	[tilespmem:$0x18080] =	vst v63  }
0x293: {  	s17 =	simm.s32 $0x15080  }
0x294: {  	[tilespmem:s17], [sflag:$0x3] =	stream.indirect_vreg.gather [hbm4b:s8+s5], $0x80, v4, vm1, $0xb8;
	[tilespmem:$0x18080] =	vst v63  }
0x295: {  	s17 =	simm.s32 $0x15880  }
0x296: {  	[tilespmem:s17], [sflag:$0x3] =	stream.indirect_vreg.gather [hbm4b:s19+s5], $0x80, v4, vm1, $0xb8;
	[tilespmem:$0x18080] =	vst v63  }
0x297: {  	s17 =	simm.s32 $0x16080  }
0x298: {  	[tilespmem:s17], [sflag:$0x3] =	stream.indirect_vreg.gather [hbm4b:s26+s5], $0x80, v4, vm1, $0xb8;
	[tilespmem:$0x18080] =	vst v63  }
0x299: {  	s17 =	simm.s32 $0x16880  }
0x29a: {  	[tilespmem:s17], [sflag:$0x3] =	stream.indirect_vreg.gather [hbm4b:s13+s5], $0x80, v4, vm1, $0xb8;
	[tilespmem:$0x18080] =	vst v63  }
.Ltmp19:
0x29b: {  	_ = 	snop;
	(pc) =	sbr.rel .LBB2_28-.Ltmp19, $4  }
0x29c: {  	s17 =	simm.s32 $0x17080  }
0x29d: {  	[tilespmem:s17], [sflag:$0x3] =	stream.indirect_vreg.gather [hbm4b:s4+s5], $0x80, v4, vm1, $0xb8;
	[tilespmem:$0x18080] =	vst v63  }
0x29e: {  	s17 =	simm.s32 $0x17880  }
0x29f: {  	[tilespmem:s17], [sflag:$0x3] =	stream.indirect_vreg.gather [hbm4b:s14+s5], $0x80, v4, vm1, $0xb8;
	[tilespmem:$0x18080] =	vst v63  }
.LBB2_27:
0x2a0: {  	s6 =	rddreg [dreg:$0x1e];
	s17 =	simm.s32 $0x10080  }
0x2a1: {  	[tilespmem:s17], [sflag:$0x3] =	stream.linear.gather [hbm4b:s6+s5], $0x8000, $0x38;
	[tilespmem:$0x18080] =	vst v63  }
.LBB2_28:
0x2a2: {  	_ =	swait.ge [sflag:s12], $0x8000  }
0x2a3: {  	[sflag:s12] =	ssyncset.done $0x0  }
0x2a4: {  	s17 =	simm.s32 $0x8080;
	s6 =	rddreg [dreg:$0x1c];
	[sflag:s12] =	ssyncadd.s32 $0xFFFF8000  }
0x2a5: {  	[hbm4b:s6+s5] =	stream.linear.scatter [tilespmem:s17], [sflag:$0x5], $0x8000, $0x38;
	[tilespmem:$0x18080] =	vst v63  }
0x2a6: {  	s17 =	rddreg [dreg:$0x1d];
	_ =	swait.ge [sflag:s25], $0x8000  }
0x2a7: {  	s6 =	sld [smem:$0x7E6];
	_ =	sdelay $0x1  }
0x2a8: {  	p0 =	slt.s32 s17, s30  }
0x2a9: {  	p1 =	sgt.s32 @!p0 s6, s3  }
0x2aa: {  	p0 =	por p0, p1  }
.Ltmp20:
0x2ab: {  	_ = 	snop;
	(pc) =	sbr.rel @p0 .LBB2_30-.Ltmp20, $3  }
0x2ac: {  	_ =	sdelay $0x1  }
0x2ad: {  	[sflag:s25] =	ssyncset.done $0x0  }
0x2ae: {  	[sflag:s25] =	ssyncadd.s32 $0xFFFF8000  }
0x2af: {  	s6 =	sld [smem:$0x7E5];
	_ =	sdelay $0x2  }
0x2b0: {  	s17 =	ssub.s32 s6, s30  }
0x2b1: {  	v4 =	vadd.s32 s17, v0  }
0x2b2: {  	v5 =	vshll.u32 v4, $0x4  }
0x2b3: {  	v4 =	vand.u32 $0x7, v4;
	v5 =	vand.u32 $0xFFFFFF80, v5  }
0x2b4: {  	v4 =	vor.u32 v4, v5  }
0x2b5: {  	v5 =	vperm.xlane v4, v1;
	_ =	sdelay $0x1  }
0x2b6: {  	v5 =	vadd.s32 v2, v5;
	_ =	sdelay $0x4  }
0x2b7: {  	[tilespmem:s22], [sflag:$0x1] =	stream.indirect_vreg.gather [hbm4b:s1+s5], $0x80, v5, vm1, $0xb8;
	[tilespmem:$0x18080] =	vst v63  }
0x2b8: {  	_ = 	snop  }
0x2b9: {  	[tilespmem:s7], [sflag:$0x1] =	stream.indirect_vreg.gather [hbm4b:s31+s5], $0x80, v5, vm1, $0xb8;
	[tilespmem:$0x18080] =	vst v63  }
0x2ba: {  	_ = 	snop  }
0x2bb: {  	[tilespmem:s9], [sflag:$0x1] =	stream.indirect_vreg.gather [hbm4b:s8+s5], $0x80, v5, vm1, $0xb8;
	[tilespmem:$0x18080] =	vst v63  }
0x2bc: {  	_ = 	snop  }
0x2bd: {  	[tilespmem:s11], [sflag:$0x1] =	stream.indirect_vreg.gather [hbm4b:s19+s5], $0x80, v5, vm1, $0xb8;
	[tilespmem:$0x18080] =	vst v63  }
0x2be: {  	_ = 	snop  }
0x2bf: {  	[tilespmem:s15], [sflag:$0x1] =	stream.indirect_vreg.gather [hbm4b:s26+s5], $0x80, v5, vm1, $0xb8;
	[tilespmem:$0x18080] =	vst v63  }
0x2c0: {  	v4 =	vperm.xlane v4, v3  }
0x2c1: {  	[tilespmem:s18], [sflag:$0x1] =	stream.indirect_vreg.gather [hbm4b:s13+s5], $0x80, v5, vm1, $0xb8;
	[tilespmem:$0x18080] =	vst v63  }
0x2c2: {  	v4 =	vadd.s32 v2, v4  }
0x2c3: {  	[tilespmem:s23], [sflag:$0x1] =	stream.indirect_vreg.gather [hbm4b:s4+s5], $0x80, v5, vm1, $0xb8;
	[tilespmem:$0x18080] =	vst v63  }
0x2c4: {  	_ = 	snop  }
0x2c5: {  	[tilespmem:s2], [sflag:$0x1] =	stream.indirect_vreg.gather [hbm4b:s14+s5], $0x80, v5, vm1, $0xb8;
	[tilespmem:$0x18080] =	vst v63  }
0x2c6: {  	_ = 	snop  }
0x2c7: {  	[tilespmem:s21], [sflag:$0x1] =	stream.indirect_vreg.gather [hbm4b:s1+s5], $0x80, v4, vm1, $0xb8;
	[tilespmem:$0x18080] =	vst v63  }
0x2c8: {  	s17 =	simm.s32 $0x4880  }
0x2c9: {  	[tilespmem:s17], [sflag:$0x1] =	stream.indirect_vreg.gather [hbm4b:s31+s5], $0x80, v4, vm1, $0xb8;
	[tilespmem:$0x18080] =	vst v63  }
0x2ca: {  	s17 =	simm.s32 $0x5080  }
0x2cb: {  	[tilespmem:s17], [sflag:$0x1] =	stream.indirect_vreg.gather [hbm4b:s8+s5], $0x80, v4, vm1, $0xb8;
	[tilespmem:$0x18080] =	vst v63  }
0x2cc: {  	s17 =	simm.s32 $0x5880  }
0x2cd: {  	[tilespmem:s17], [sflag:$0x1] =	stream.indirect_vreg.gather [hbm4b:s19+s5], $0x80, v4, vm1, $0xb8;
	[tilespmem:$0x18080] =	vst v63  }
0x2ce: {  	s17 =	simm.s32 $0x6080  }
0x2cf: {  	[tilespmem:s17], [sflag:$0x1] =	stream.indirect_vreg.gather [hbm4b:s26+s5], $0x80, v4, vm1, $0xb8;
	[tilespmem:$0x18080] =	vst v63  }
0x2d0: {  	s17 =	simm.s32 $0x6880  }
0x2d1: {  	[tilespmem:s17], [sflag:$0x1] =	stream.indirect_vreg.gather [hbm4b:s13+s5], $0x80, v4, vm1, $0xb8;
	[tilespmem:$0x18080] =	vst v63  }
.Ltmp21:
0x2d2: {  	_ = 	snop;
	(pc) =	sbr.rel .LBB2_31-.Ltmp21, $4  }
0x2d3: {  	s17 =	simm.s32 $0x7080  }
0x2d4: {  	[tilespmem:s17], [sflag:$0x1] =	stream.indirect_vreg.gather [hbm4b:s4+s5], $0x80, v4, vm1, $0xb8;
	[tilespmem:$0x18080] =	vst v63  }
0x2d5: {  	s17 =	simm.s32 $0x7880  }
0x2d6: {  	[tilespmem:s17], [sflag:$0x1] =	stream.indirect_vreg.gather [hbm4b:s14+s5], $0x80, v4, vm1, $0xb8;
	[tilespmem:$0x18080] =	vst v63  }
.LBB2_30:
0x2d7: {  	s6 =	sld [smem:$0x7D0];
	_ =	sdelay $0x2  }
0x2d8: {  	[tilespmem:s22], [sflag:$0x1] =	stream.linear.gather [hbm4b:s6+s5], $0x8000, $0x38;
	[tilespmem:$0x18080] =	vst v63  }
.LBB2_31:
0x2d9: {  	_ =	swait.ge [sflag:s28], $0x8000  }
0x2da: {  	[sflag:s28] =	ssyncset.done $0x0  }
0x2db: {  	s17 =	simm.s32 $0x10080;
	s6 =	rddreg [dreg:$0x1f];
	[sflag:s28] =	ssyncadd.s32 $0xFFFF8000  }
0x2dc: {  	[hbm4b:s6+s5] =	stream.linear.scatter [tilespmem:s17], [sflag:$0x6], $0x8000, $0x38;
	[tilespmem:$0x18080] =	vst v63  }
0x2dd: {  	s17 =	sld [smem:$0x7E6];
	_ =	swait.ge [sflag:s0], $0x8000  }
0x2de: {  	s6 =	sld [smem:$0x7E8];
	_ =	sdelay $0x1  }
0x2df: {  	p0 =	slt.s32 s17, s30  }
0x2e0: {  	p1 =	sgt.s32 @!p0 s6, s3  }
0x2e1: {  	p0 =	por p0, p1  }
.Ltmp22:
0x2e2: {  	_ = 	snop;
	(pc) =	sbr.rel @p0 .LBB2_33-.Ltmp22, $3  }
0x2e3: {  	_ =	sdelay $0x1  }
0x2e4: {  	[sflag:s0] =	ssyncset.done $0x0  }
0x2e5: {  	[sflag:s0] =	ssyncadd.s32 $0xFFFF8000  }
0x2e6: {  	s6 =	sld [smem:$0x7E7];
	_ =	sdelay $0x2  }
0x2e7: {  	s17 =	ssub.s32 s6, s30  }
0x2e8: {  	v4 =	vadd.s32 s17, v0  }
0x2e9: {  	v5 =	vshll.u32 v4, $0x4  }
0x2ea: {  	v4 =	vand.u32 $0x7, v4;
	v5 =	vand.u32 $0xFFFFFF80, v5  }
0x2eb: {  	v4 =	vor.u32 v4, v5  }
0x2ec: {  	v5 =	vperm.xlane v4, v1;
	_ =	sdelay $0x1  }
0x2ed: {  	v5 =	vadd.s32 v2, v5;
	_ =	sdelay $0x3  }
0x2ee: {  	s17 =	simm.s32 $0x8080  }
0x2ef: {  	[tilespmem:s17], [sflag:$0x2] =	stream.indirect_vreg.gather [hbm4b:s1+s5], $0x80, v5, vm1, $0xb8;
	[tilespmem:$0x18080] =	vst v63  }
0x2f0: {  	s17 =	simm.s32 $0x8880  }
0x2f1: {  	[tilespmem:s17], [sflag:$0x2] =	stream.indirect_vreg.gather [hbm4b:s31+s5], $0x80, v5, vm1, $0xb8;
	[tilespmem:$0x18080] =	vst v63  }
0x2f2: {  	s17 =	simm.s32 $0x9080  }
0x2f3: {  	[tilespmem:s17], [sflag:$0x2] =	stream.indirect_vreg.gather [hbm4b:s8+s5], $0x80, v5, vm1, $0xb8;
	[tilespmem:$0x18080] =	vst v63  }
0x2f4: {  	s17 =	simm.s32 $0x9880  }
0x2f5: {  	[tilespmem:s17], [sflag:$0x2] =	stream.indirect_vreg.gather [hbm4b:s19+s5], $0x80, v5, vm1, $0xb8;
	[tilespmem:$0x18080] =	vst v63  }
0x2f6: {  	s17 =	simm.s32 $0xA080  }
0x2f7: {  	[tilespmem:s17], [sflag:$0x2] =	stream.indirect_vreg.gather [hbm4b:s26+s5], $0x80, v5, vm1, $0xb8;
	[tilespmem:$0x18080] =	vst v63  }
0x2f8: {  	v4 =	vperm.xlane v4, v3;
	s17 =	simm.s32 $0xA880  }
0x2f9: {  	[tilespmem:s17], [sflag:$0x2] =	stream.indirect_vreg.gather [hbm4b:s13+s5], $0x80, v5, vm1, $0xb8;
	[tilespmem:$0x18080] =	vst v63  }
0x2fa: {  	v4 =	vadd.s32 v2, v4;
	s17 =	simm.s32 $0xB080  }
0x2fb: {  	[tilespmem:s17], [sflag:$0x2] =	stream.indirect_vreg.gather [hbm4b:s4+s5], $0x80, v5, vm1, $0xb8;
	[tilespmem:$0x18080] =	vst v63  }
0x2fc: {  	s17 =	simm.s32 $0xB880  }
0x2fd: {  	[tilespmem:s17], [sflag:$0x2] =	stream.indirect_vreg.gather [hbm4b:s14+s5], $0x80, v5, vm1, $0xb8;
	[tilespmem:$0x18080] =	vst v63  }
0x2fe: {  	s17 =	simm.s32 $0xC080  }
0x2ff: {  	[tilespmem:s17], [sflag:$0x2] =	stream.indirect_vreg.gather [hbm4b:s1+s5], $0x80, v4, vm1, $0xb8;
	[tilespmem:$0x18080] =	vst v63  }
0x300: {  	s17 =	simm.s32 $0xC880  }
0x301: {  	[tilespmem:s17], [sflag:$0x2] =	stream.indirect_vreg.gather [hbm4b:s31+s5], $0x80, v4, vm1, $0xb8;
	[tilespmem:$0x18080] =	vst v63  }
0x302: {  	s17 =	simm.s32 $0xD080  }
0x303: {  	[tilespmem:s17], [sflag:$0x2] =	stream.indirect_vreg.gather [hbm4b:s8+s5], $0x80, v4, vm1, $0xb8;
	[tilespmem:$0x18080] =	vst v63  }
0x304: {  	s17 =	simm.s32 $0xD880  }
0x305: {  	[tilespmem:s17], [sflag:$0x2] =	stream.indirect_vreg.gather [hbm4b:s19+s5], $0x80, v4, vm1, $0xb8;
	[tilespmem:$0x18080] =	vst v63  }
0x306: {  	s17 =	simm.s32 $0xE080  }
0x307: {  	[tilespmem:s17], [sflag:$0x2] =	stream.indirect_vreg.gather [hbm4b:s26+s5], $0x80, v4, vm1, $0xb8;
	[tilespmem:$0x18080] =	vst v63  }
0x308: {  	s17 =	simm.s32 $0xE880  }
0x309: {  	[tilespmem:s17], [sflag:$0x2] =	stream.indirect_vreg.gather [hbm4b:s13+s5], $0x80, v4, vm1, $0xb8;
	[tilespmem:$0x18080] =	vst v63  }
.Ltmp23:
0x30a: {  	_ = 	snop;
	(pc) =	sbr.rel .LBB2_34-.Ltmp23, $4  }
0x30b: {  	s17 =	simm.s32 $0xF080  }
0x30c: {  	[tilespmem:s17], [sflag:$0x2] =	stream.indirect_vreg.gather [hbm4b:s4+s5], $0x80, v4, vm1, $0xb8;
	[tilespmem:$0x18080] =	vst v63  }
0x30d: {  	s17 =	simm.s32 $0xF880  }
0x30e: {  	[tilespmem:s17], [sflag:$0x2] =	stream.indirect_vreg.gather [hbm4b:s14+s5], $0x80, v4, vm1, $0xb8;
	[tilespmem:$0x18080] =	vst v63  }
.LBB2_33:
0x30f: {  	s6 =	sld [smem:$0x7D2];
	_ =	sdelay $0x1  }
0x310: {  	s17 =	simm.s32 $0x8080  }
0x311: {  	[tilespmem:s17], [sflag:$0x2] =	stream.linear.gather [hbm4b:s6+s5], $0x8000, $0x38;
	[tilespmem:$0x18080] =	vst v63  }
.LBB2_34:
0x312: {  	_ =	swait.ge [sflag:s29], $0x8000  }
0x313: {  	s6 =	sld [smem:$0x7D1]  }
0x314: {  	[sflag:s29] =	ssyncset.done $0x0  }
0x315: {  	[sflag:s29] =	ssyncadd.s32 $0xFFFF8000  }
0x316: {  	[hbm4b:s6+s5] =	stream.linear.scatter [tilespmem:s22], [sflag:$0x4], $0x8000, $0x38;
	[tilespmem:$0x18080] =	vst v63  }
0x317: {  	s17 =	sld [smem:$0x7E8];
	_ =	swait.ge [sflag:s10], $0x8000  }
0x318: {  	s6 =	sld [smem:$0x7EA];
	_ =	sdelay $0x1  }
0x319: {  	p0 =	slt.s32 s17, s30  }
0x31a: {  	p1 =	sgt.s32 @!p0 s6, s3  }
0x31b: {  	p0 =	por p0, p1  }
.Ltmp24:
0x31c: {  	_ = 	snop;
	(pc) =	sbr.rel @p0 .LBB2_36-.Ltmp24, $3  }
0x31d: {  	_ =	sdelay $0x1  }
0x31e: {  	[sflag:s10] =	ssyncset.done $0x0  }
0x31f: {  	[sflag:s10] =	ssyncadd.s32 $0xFFFF8000  }
0x320: {  	s6 =	sld [smem:$0x7E9];
	_ =	sdelay $0x2  }
0x321: {  	s17 =	ssub.s32 s6, s30  }
0x322: {  	v4 =	vadd.s32 s17, v0  }
0x323: {  	v5 =	vshll.u32 v4, $0x4  }
0x324: {  	v4 =	vand.u32 $0x7, v4;
	v5 =	vand.u32 $0xFFFFFF80, v5  }
0x325: {  	v4 =	vor.u32 v4, v5  }
0x326: {  	v5 =	vperm.xlane v4, v1;
	_ =	sdelay $0x1  }
0x327: {  	v5 =	vadd.s32 v2, v5;
	_ =	sdelay $0x3  }
0x328: {  	s17 =	simm.s32 $0x10080  }
0x329: {  	[tilespmem:s17], [sflag:$0x3] =	stream.indirect_vreg.gather [hbm4b:s1+s5], $0x80, v5, vm1, $0xb8;
	[tilespmem:$0x18080] =	vst v63  }
0x32a: {  	s17 =	simm.s32 $0x10880  }
0x32b: {  	[tilespmem:s17], [sflag:$0x3] =	stream.indirect_vreg.gather [hbm4b:s31+s5], $0x80, v5, vm1, $0xb8;
	[tilespmem:$0x18080] =	vst v63  }
0x32c: {  	s17 =	simm.s32 $0x11080  }
0x32d: {  	[tilespmem:s17], [sflag:$0x3] =	stream.indirect_vreg.gather [hbm4b:s8+s5], $0x80, v5, vm1, $0xb8;
	[tilespmem:$0x18080] =	vst v63  }
0x32e: {  	s17 =	simm.s32 $0x11880  }
0x32f: {  	[tilespmem:s17], [sflag:$0x3] =	stream.indirect_vreg.gather [hbm4b:s19+s5], $0x80, v5, vm1, $0xb8;
	[tilespmem:$0x18080] =	vst v63  }
0x330: {  	s17 =	simm.s32 $0x12080  }
0x331: {  	[tilespmem:s17], [sflag:$0x3] =	stream.indirect_vreg.gather [hbm4b:s26+s5], $0x80, v5, vm1, $0xb8;
	[tilespmem:$0x18080] =	vst v63  }
0x332: {  	v4 =	vperm.xlane v4, v3;
	s17 =	simm.s32 $0x12880  }
0x333: {  	[tilespmem:s17], [sflag:$0x3] =	stream.indirect_vreg.gather [hbm4b:s13+s5], $0x80, v5, vm1, $0xb8;
	[tilespmem:$0x18080] =	vst v63  }
0x334: {  	v4 =	vadd.s32 v2, v4;
	s17 =	simm.s32 $0x13080  }
0x335: {  	[tilespmem:s17], [sflag:$0x3] =	stream.indirect_vreg.gather [hbm4b:s4+s5], $0x80, v5, vm1, $0xb8;
	[tilespmem:$0x18080] =	vst v63  }
0x336: {  	s17 =	simm.s32 $0x13880  }
0x337: {  	[tilespmem:s17], [sflag:$0x3] =	stream.indirect_vreg.gather [hbm4b:s14+s5], $0x80, v5, vm1, $0xb8;
	[tilespmem:$0x18080] =	vst v63  }
0x338: {  	s17 =	simm.s32 $0x14080  }
0x339: {  	[tilespmem:s17], [sflag:$0x3] =	stream.indirect_vreg.gather [hbm4b:s1+s5], $0x80, v4, vm1, $0xb8;
	[tilespmem:$0x18080] =	vst v63  }
0x33a: {  	s17 =	simm.s32 $0x14880  }
0x33b: {  	[tilespmem:s17], [sflag:$0x3] =	stream.indirect_vreg.gather [hbm4b:s31+s5], $0x80, v4, vm1, $0xb8;
	[tilespmem:$0x18080] =	vst v63  }
0x33c: {  	s17 =	simm.s32 $0x15080  }
0x33d: {  	[tilespmem:s17], [sflag:$0x3] =	stream.indirect_vreg.gather [hbm4b:s8+s5], $0x80, v4, vm1, $0xb8;
	[tilespmem:$0x18080] =	vst v63  }
0x33e: {  	s17 =	simm.s32 $0x15880  }
0x33f: {  	[tilespmem:s17], [sflag:$0x3] =	stream.indirect_vreg.gather [hbm4b:s19+s5], $0x80, v4, vm1, $0xb8;
	[tilespmem:$0x18080] =	vst v63  }
0x340: {  	s17 =	simm.s32 $0x16080  }
0x341: {  	[tilespmem:s17], [sflag:$0x3] =	stream.indirect_vreg.gather [hbm4b:s26+s5], $0x80, v4, vm1, $0xb8;
	[tilespmem:$0x18080] =	vst v63  }
0x342: {  	s17 =	simm.s32 $0x16880  }
0x343: {  	[tilespmem:s17], [sflag:$0x3] =	stream.indirect_vreg.gather [hbm4b:s13+s5], $0x80, v4, vm1, $0xb8;
	[tilespmem:$0x18080] =	vst v63  }
.Ltmp25:
0x344: {  	_ = 	snop;
	(pc) =	sbr.rel .LBB2_37-.Ltmp25, $4  }
0x345: {  	s17 =	simm.s32 $0x17080  }
0x346: {  	[tilespmem:s17], [sflag:$0x3] =	stream.indirect_vreg.gather [hbm4b:s4+s5], $0x80, v4, vm1, $0xb8;
	[tilespmem:$0x18080] =	vst v63  }
0x347: {  	s17 =	simm.s32 $0x17880  }
0x348: {  	[tilespmem:s17], [sflag:$0x3] =	stream.indirect_vreg.gather [hbm4b:s14+s5], $0x80, v4, vm1, $0xb8;
	[tilespmem:$0x18080] =	vst v63  }
.LBB2_36:
0x349: {  	s6 =	sld [smem:$0x7D4];
	_ =	sdelay $0x1  }
0x34a: {  	s17 =	simm.s32 $0x10080  }
0x34b: {  	[tilespmem:s17], [sflag:$0x3] =	stream.linear.gather [hbm4b:s6+s5], $0x8000, $0x38;
	[tilespmem:$0x18080] =	vst v63  }
.LBB2_37:
0x34c: {  	_ =	swait.ge [sflag:s12], $0x8000  }
0x34d: {  	s6 =	sld [smem:$0x7D3]  }
0x34e: {  	[sflag:s12] =	ssyncset.done $0x0  }
0x34f: {  	s17 =	simm.s32 $0x8080;
	[sflag:s12] =	ssyncadd.s32 $0xFFFF8000  }
0x350: {  	[hbm4b:s6+s5] =	stream.linear.scatter [tilespmem:s17], [sflag:$0x5], $0x8000, $0x38;
	[tilespmem:$0x18080] =	vst v63  }
0x351: {  	s17 =	sld [smem:$0x7EA];
	_ =	swait.ge [sflag:s25], $0x8000  }
0x352: {  	s6 =	sld [smem:$0x7EC];
	_ =	sdelay $0x1  }
0x353: {  	p0 =	slt.s32 s17, s30  }
0x354: {  	p1 =	sgt.s32 @!p0 s6, s3  }
0x355: {  	p0 =	por p0, p1  }
.Ltmp26:
0x356: {  	_ = 	snop;
	(pc) =	sbr.rel @p0 .LBB2_39-.Ltmp26, $3  }
0x357: {  	_ =	sdelay $0x1  }
0x358: {  	[sflag:s25] =	ssyncset.done $0x0  }
0x359: {  	[sflag:s25] =	ssyncadd.s32 $0xFFFF8000  }
0x35a: {  	s6 =	sld [smem:$0x7EB];
	_ =	sdelay $0x2  }
0x35b: {  	s17 =	ssub.s32 s6, s30  }
0x35c: {  	v4 =	vadd.s32 s17, v0  }
0x35d: {  	v5 =	vshll.u32 v4, $0x4  }
0x35e: {  	v4 =	vand.u32 $0x7, v4;
	v5 =	vand.u32 $0xFFFFFF80, v5  }
0x35f: {  	v4 =	vor.u32 v4, v5  }
0x360: {  	v5 =	vperm.xlane v4, v1;
	_ =	sdelay $0x1  }
0x361: {  	v5 =	vadd.s32 v2, v5;
	_ =	sdelay $0x4  }
0x362: {  	[tilespmem:s22], [sflag:$0x1] =	stream.indirect_vreg.gather [hbm4b:s1+s5], $0x80, v5, vm1, $0xb8;
	[tilespmem:$0x18080] =	vst v63  }
0x363: {  	_ = 	snop  }
0x364: {  	[tilespmem:s7], [sflag:$0x1] =	stream.indirect_vreg.gather [hbm4b:s31+s5], $0x80, v5, vm1, $0xb8;
	[tilespmem:$0x18080] =	vst v63  }
0x365: {  	_ = 	snop  }
0x366: {  	[tilespmem:s9], [sflag:$0x1] =	stream.indirect_vreg.gather [hbm4b:s8+s5], $0x80, v5, vm1, $0xb8;
	[tilespmem:$0x18080] =	vst v63  }
0x367: {  	_ = 	snop  }
0x368: {  	[tilespmem:s11], [sflag:$0x1] =	stream.indirect_vreg.gather [hbm4b:s19+s5], $0x80, v5, vm1, $0xb8;
	[tilespmem:$0x18080] =	vst v63  }
0x369: {  	_ = 	snop  }
0x36a: {  	[tilespmem:s15], [sflag:$0x1] =	stream.indirect_vreg.gather [hbm4b:s26+s5], $0x80, v5, vm1, $0xb8;
	[tilespmem:$0x18080] =	vst v63  }
0x36b: {  	v4 =	vperm.xlane v4, v3  }
0x36c: {  	[tilespmem:s18], [sflag:$0x1] =	stream.indirect_vreg.gather [hbm4b:s13+s5], $0x80, v5, vm1, $0xb8;
	[tilespmem:$0x18080] =	vst v63  }
0x36d: {  	v4 =	vadd.s32 v2, v4  }
0x36e: {  	[tilespmem:s23], [sflag:$0x1] =	stream.indirect_vreg.gather [hbm4b:s4+s5], $0x80, v5, vm1, $0xb8;
	[tilespmem:$0x18080] =	vst v63  }
0x36f: {  	_ = 	snop  }
0x370: {  	[tilespmem:s2], [sflag:$0x1] =	stream.indirect_vreg.gather [hbm4b:s14+s5], $0x80, v5, vm1, $0xb8;
	[tilespmem:$0x18080] =	vst v63  }
0x371: {  	_ = 	snop  }
0x372: {  	[tilespmem:s21], [sflag:$0x1] =	stream.indirect_vreg.gather [hbm4b:s1+s5], $0x80, v4, vm1, $0xb8;
	[tilespmem:$0x18080] =	vst v63  }
0x373: {  	s17 =	simm.s32 $0x4880  }
0x374: {  	[tilespmem:s17], [sflag:$0x1] =	stream.indirect_vreg.gather [hbm4b:s31+s5], $0x80, v4, vm1, $0xb8;
	[tilespmem:$0x18080] =	vst v63  }
0x375: {  	s17 =	simm.s32 $0x5080  }
0x376: {  	[tilespmem:s17], [sflag:$0x1] =	stream.indirect_vreg.gather [hbm4b:s8+s5], $0x80, v4, vm1, $0xb8;
	[tilespmem:$0x18080] =	vst v63  }
0x377: {  	s17 =	simm.s32 $0x5880  }
0x378: {  	[tilespmem:s17], [sflag:$0x1] =	stream.indirect_vreg.gather [hbm4b:s19+s5], $0x80, v4, vm1, $0xb8;
	[tilespmem:$0x18080] =	vst v63  }
0x379: {  	s17 =	simm.s32 $0x6080  }
0x37a: {  	[tilespmem:s17], [sflag:$0x1] =	stream.indirect_vreg.gather [hbm4b:s26+s5], $0x80, v4, vm1, $0xb8;
	[tilespmem:$0x18080] =	vst v63  }
0x37b: {  	s17 =	simm.s32 $0x6880  }
0x37c: {  	[tilespmem:s17], [sflag:$0x1] =	stream.indirect_vreg.gather [hbm4b:s13+s5], $0x80, v4, vm1, $0xb8;
	[tilespmem:$0x18080] =	vst v63  }
.Ltmp27:
0x37d: {  	_ = 	snop;
	(pc) =	sbr.rel .LBB2_40-.Ltmp27, $4  }
0x37e: {  	s17 =	simm.s32 $0x7080  }
0x37f: {  	[tilespmem:s17], [sflag:$0x1] =	stream.indirect_vreg.gather [hbm4b:s4+s5], $0x80, v4, vm1, $0xb8;
	[tilespmem:$0x18080] =	vst v63  }
0x380: {  	s17 =	simm.s32 $0x7880  }
0x381: {  	[tilespmem:s17], [sflag:$0x1] =	stream.indirect_vreg.gather [hbm4b:s14+s5], $0x80, v4, vm1, $0xb8;
	[tilespmem:$0x18080] =	vst v63  }
.LBB2_39:
0x382: {  	s6 =	sld [smem:$0x7D6];
	_ =	sdelay $0x2  }
0x383: {  	[tilespmem:s22], [sflag:$0x1] =	stream.linear.gather [hbm4b:s6+s5], $0x8000, $0x38;
	[tilespmem:$0x18080] =	vst v63  }
.LBB2_40:
0x384: {  	_ =	swait.ge [sflag:s28], $0x8000  }
0x385: {  	s6 =	sld [smem:$0x7D5]  }
0x386: {  	[sflag:s28] =	ssyncset.done $0x0  }
0x387: {  	s17 =	simm.s32 $0x10080;
	[sflag:s28] =	ssyncadd.s32 $0xFFFF8000  }
0x388: {  	[hbm4b:s6+s5] =	stream.linear.scatter [tilespmem:s17], [sflag:$0x6], $0x8000, $0x38;
	[tilespmem:$0x18080] =	vst v63  }
0x389: {  	s17 =	sld [smem:$0x7EC];
	_ =	swait.ge [sflag:s0], $0x8000  }
0x38a: {  	s6 =	sld [smem:$0x7EE];
	_ =	sdelay $0x1  }
0x38b: {  	p0 =	slt.s32 s17, s30  }
0x38c: {  	p1 =	sgt.s32 @!p0 s6, s3  }
0x38d: {  	p0 =	por p0, p1  }
.Ltmp28:
0x38e: {  	_ = 	snop;
	(pc) =	sbr.rel @p0 .LBB2_42-.Ltmp28, $3  }
0x38f: {  	_ =	sdelay $0x1  }
0x390: {  	[sflag:s0] =	ssyncset.done $0x0  }
0x391: {  	[sflag:s0] =	ssyncadd.s32 $0xFFFF8000  }
0x392: {  	s6 =	sld [smem:$0x7ED];
	_ =	sdelay $0x2  }
0x393: {  	s17 =	ssub.s32 s6, s30  }
0x394: {  	v4 =	vadd.s32 s17, v0  }
0x395: {  	v5 =	vshll.u32 v4, $0x4  }
0x396: {  	v4 =	vand.u32 $0x7, v4;
	v5 =	vand.u32 $0xFFFFFF80, v5  }
0x397: {  	v4 =	vor.u32 v4, v5  }
0x398: {  	v5 =	vperm.xlane v4, v1;
	_ =	sdelay $0x1  }
0x399: {  	v5 =	vadd.s32 v2, v5;
	_ =	sdelay $0x3  }
0x39a: {  	s17 =	simm.s32 $0x8080  }
0x39b: {  	[tilespmem:s17], [sflag:$0x2] =	stream.indirect_vreg.gather [hbm4b:s1+s5], $0x80, v5, vm1, $0xb8;
	[tilespmem:$0x18080] =	vst v63  }
0x39c: {  	s17 =	simm.s32 $0x8880  }
0x39d: {  	[tilespmem:s17], [sflag:$0x2] =	stream.indirect_vreg.gather [hbm4b:s31+s5], $0x80, v5, vm1, $0xb8;
	[tilespmem:$0x18080] =	vst v63  }
0x39e: {  	s17 =	simm.s32 $0x9080  }
0x39f: {  	[tilespmem:s17], [sflag:$0x2] =	stream.indirect_vreg.gather [hbm4b:s8+s5], $0x80, v5, vm1, $0xb8;
	[tilespmem:$0x18080] =	vst v63  }
0x3a0: {  	s17 =	simm.s32 $0x9880  }
0x3a1: {  	[tilespmem:s17], [sflag:$0x2] =	stream.indirect_vreg.gather [hbm4b:s19+s5], $0x80, v5, vm1, $0xb8;
	[tilespmem:$0x18080] =	vst v63  }
0x3a2: {  	s17 =	simm.s32 $0xA080  }
0x3a3: {  	[tilespmem:s17], [sflag:$0x2] =	stream.indirect_vreg.gather [hbm4b:s26+s5], $0x80, v5, vm1, $0xb8;
	[tilespmem:$0x18080] =	vst v63  }
0x3a4: {  	v4 =	vperm.xlane v4, v3;
	s17 =	simm.s32 $0xA880  }
0x3a5: {  	[tilespmem:s17], [sflag:$0x2] =	stream.indirect_vreg.gather [hbm4b:s13+s5], $0x80, v5, vm1, $0xb8;
	[tilespmem:$0x18080] =	vst v63  }
0x3a6: {  	v4 =	vadd.s32 v2, v4;
	s17 =	simm.s32 $0xB080  }
0x3a7: {  	[tilespmem:s17], [sflag:$0x2] =	stream.indirect_vreg.gather [hbm4b:s4+s5], $0x80, v5, vm1, $0xb8;
	[tilespmem:$0x18080] =	vst v63  }
0x3a8: {  	s17 =	simm.s32 $0xB880  }
0x3a9: {  	[tilespmem:s17], [sflag:$0x2] =	stream.indirect_vreg.gather [hbm4b:s14+s5], $0x80, v5, vm1, $0xb8;
	[tilespmem:$0x18080] =	vst v63  }
0x3aa: {  	s17 =	simm.s32 $0xC080  }
0x3ab: {  	[tilespmem:s17], [sflag:$0x2] =	stream.indirect_vreg.gather [hbm4b:s1+s5], $0x80, v4, vm1, $0xb8;
	[tilespmem:$0x18080] =	vst v63  }
0x3ac: {  	s17 =	simm.s32 $0xC880  }
0x3ad: {  	[tilespmem:s17], [sflag:$0x2] =	stream.indirect_vreg.gather [hbm4b:s31+s5], $0x80, v4, vm1, $0xb8;
	[tilespmem:$0x18080] =	vst v63  }
0x3ae: {  	s17 =	simm.s32 $0xD080  }
0x3af: {  	[tilespmem:s17], [sflag:$0x2] =	stream.indirect_vreg.gather [hbm4b:s8+s5], $0x80, v4, vm1, $0xb8;
	[tilespmem:$0x18080] =	vst v63  }
0x3b0: {  	s17 =	simm.s32 $0xD880  }
0x3b1: {  	[tilespmem:s17], [sflag:$0x2] =	stream.indirect_vreg.gather [hbm4b:s19+s5], $0x80, v4, vm1, $0xb8;
	[tilespmem:$0x18080] =	vst v63  }
0x3b2: {  	s17 =	simm.s32 $0xE080  }
0x3b3: {  	[tilespmem:s17], [sflag:$0x2] =	stream.indirect_vreg.gather [hbm4b:s26+s5], $0x80, v4, vm1, $0xb8;
	[tilespmem:$0x18080] =	vst v63  }
0x3b4: {  	s17 =	simm.s32 $0xE880  }
0x3b5: {  	[tilespmem:s17], [sflag:$0x2] =	stream.indirect_vreg.gather [hbm4b:s13+s5], $0x80, v4, vm1, $0xb8;
	[tilespmem:$0x18080] =	vst v63  }
.Ltmp29:
0x3b6: {  	_ = 	snop;
	(pc) =	sbr.rel .LBB2_43-.Ltmp29, $4  }
0x3b7: {  	s17 =	simm.s32 $0xF080  }
0x3b8: {  	[tilespmem:s17], [sflag:$0x2] =	stream.indirect_vreg.gather [hbm4b:s4+s5], $0x80, v4, vm1, $0xb8;
	[tilespmem:$0x18080] =	vst v63  }
0x3b9: {  	s17 =	simm.s32 $0xF880  }
0x3ba: {  	[tilespmem:s17], [sflag:$0x2] =	stream.indirect_vreg.gather [hbm4b:s14+s5], $0x80, v4, vm1, $0xb8;
	[tilespmem:$0x18080] =	vst v63  }
.LBB2_42:
0x3bb: {  	s6 =	sld [smem:$0x7D8];
	_ =	sdelay $0x1  }
0x3bc: {  	s17 =	simm.s32 $0x8080  }
0x3bd: {  	[tilespmem:s17], [sflag:$0x2] =	stream.linear.gather [hbm4b:s6+s5], $0x8000, $0x38;
	[tilespmem:$0x18080] =	vst v63  }
.LBB2_43:
0x3be: {  	_ =	swait.ge [sflag:s29], $0x8000  }
0x3bf: {  	s6 =	sld [smem:$0x7D7]  }
0x3c0: {  	[sflag:s29] =	ssyncset.done $0x0  }
0x3c1: {  	[sflag:s29] =	ssyncadd.s32 $0xFFFF8000  }
0x3c2: {  	[hbm4b:s6+s5] =	stream.linear.scatter [tilespmem:s22], [sflag:$0x4], $0x8000, $0x38;
	[tilespmem:$0x18080] =	vst v63  }
0x3c3: {  	s17 =	sld [smem:$0x7EE];
	_ =	swait.ge [sflag:s10], $0x8000  }
0x3c4: {  	s6 =	sld [smem:$0x7F0];
	_ =	sdelay $0x1  }
0x3c5: {  	p0 =	slt.s32 s17, s30  }
0x3c6: {  	p1 =	sgt.s32 @!p0 s6, s3  }
0x3c7: {  	p0 =	por p0, p1  }
.Ltmp30:
0x3c8: {  	_ = 	snop;
	(pc) =	sbr.rel @p0 .LBB2_45-.Ltmp30, $3  }
0x3c9: {  	_ =	sdelay $0x1  }
0x3ca: {  	[sflag:s10] =	ssyncset.done $0x0  }
0x3cb: {  	[sflag:s10] =	ssyncadd.s32 $0xFFFF8000  }
0x3cc: {  	s6 =	sld [smem:$0x7EF];
	_ =	sdelay $0x2  }
0x3cd: {  	s17 =	ssub.s32 s6, s30  }
0x3ce: {  	v4 =	vadd.s32 s17, v0  }
0x3cf: {  	v5 =	vshll.u32 v4, $0x4  }
0x3d0: {  	v4 =	vand.u32 $0x7, v4;
	v5 =	vand.u32 $0xFFFFFF80, v5  }
0x3d1: {  	v4 =	vor.u32 v4, v5  }
0x3d2: {  	v5 =	vperm.xlane v4, v1;
	_ =	sdelay $0x1  }
0x3d3: {  	v5 =	vadd.s32 v2, v5;
	_ =	sdelay $0x3  }
0x3d4: {  	s17 =	simm.s32 $0x10080  }
0x3d5: {  	[tilespmem:s17], [sflag:$0x3] =	stream.indirect_vreg.gather [hbm4b:s1+s5], $0x80, v5, vm1, $0xb8;
	[tilespmem:$0x18080] =	vst v63  }
0x3d6: {  	s17 =	simm.s32 $0x10880  }
0x3d7: {  	[tilespmem:s17], [sflag:$0x3] =	stream.indirect_vreg.gather [hbm4b:s31+s5], $0x80, v5, vm1, $0xb8;
	[tilespmem:$0x18080] =	vst v63  }
0x3d8: {  	s17 =	simm.s32 $0x11080  }
0x3d9: {  	[tilespmem:s17], [sflag:$0x3] =	stream.indirect_vreg.gather [hbm4b:s8+s5], $0x80, v5, vm1, $0xb8;
	[tilespmem:$0x18080] =	vst v63  }
0x3da: {  	s17 =	simm.s32 $0x11880  }
0x3db: {  	[tilespmem:s17], [sflag:$0x3] =	stream.indirect_vreg.gather [hbm4b:s19+s5], $0x80, v5, vm1, $0xb8;
	[tilespmem:$0x18080] =	vst v63  }
0x3dc: {  	s17 =	simm.s32 $0x12080  }
0x3dd: {  	[tilespmem:s17], [sflag:$0x3] =	stream.indirect_vreg.gather [hbm4b:s26+s5], $0x80, v5, vm1, $0xb8;
	[tilespmem:$0x18080] =	vst v63  }
0x3de: {  	v4 =	vperm.xlane v4, v3;
	s17 =	simm.s32 $0x12880  }
0x3df: {  	[tilespmem:s17], [sflag:$0x3] =	stream.indirect_vreg.gather [hbm4b:s13+s5], $0x80, v5, vm1, $0xb8;
	[tilespmem:$0x18080] =	vst v63  }
0x3e0: {  	v4 =	vadd.s32 v2, v4;
	s17 =	simm.s32 $0x13080  }
0x3e1: {  	[tilespmem:s17], [sflag:$0x3] =	stream.indirect_vreg.gather [hbm4b:s4+s5], $0x80, v5, vm1, $0xb8;
	[tilespmem:$0x18080] =	vst v63  }
0x3e2: {  	s17 =	simm.s32 $0x13880  }
0x3e3: {  	[tilespmem:s17], [sflag:$0x3] =	stream.indirect_vreg.gather [hbm4b:s14+s5], $0x80, v5, vm1, $0xb8;
	[tilespmem:$0x18080] =	vst v63  }
0x3e4: {  	s17 =	simm.s32 $0x14080  }
0x3e5: {  	[tilespmem:s17], [sflag:$0x3] =	stream.indirect_vreg.gather [hbm4b:s1+s5], $0x80, v4, vm1, $0xb8;
	[tilespmem:$0x18080] =	vst v63  }
0x3e6: {  	s17 =	simm.s32 $0x14880  }
0x3e7: {  	[tilespmem:s17], [sflag:$0x3] =	stream.indirect_vreg.gather [hbm4b:s31+s5], $0x80, v4, vm1, $0xb8;
	[tilespmem:$0x18080] =	vst v63  }
0x3e8: {  	s17 =	simm.s32 $0x15080  }
0x3e9: {  	[tilespmem:s17], [sflag:$0x3] =	stream.indirect_vreg.gather [hbm4b:s8+s5], $0x80, v4, vm1, $0xb8;
	[tilespmem:$0x18080] =	vst v63  }
0x3ea: {  	s17 =	simm.s32 $0x15880  }
0x3eb: {  	[tilespmem:s17], [sflag:$0x3] =	stream.indirect_vreg.gather [hbm4b:s19+s5], $0x80, v4, vm1, $0xb8;
	[tilespmem:$0x18080] =	vst v63  }
0x3ec: {  	s17 =	simm.s32 $0x16080  }
0x3ed: {  	[tilespmem:s17], [sflag:$0x3] =	stream.indirect_vreg.gather [hbm4b:s26+s5], $0x80, v4, vm1, $0xb8;
	[tilespmem:$0x18080] =	vst v63  }
0x3ee: {  	s17 =	simm.s32 $0x16880  }
0x3ef: {  	[tilespmem:s17], [sflag:$0x3] =	stream.indirect_vreg.gather [hbm4b:s13+s5], $0x80, v4, vm1, $0xb8;
	[tilespmem:$0x18080] =	vst v63  }
.Ltmp31:
0x3f0: {  	_ = 	snop;
	(pc) =	sbr.rel .LBB2_46-.Ltmp31, $4  }
0x3f1: {  	s17 =	simm.s32 $0x17080  }
0x3f2: {  	[tilespmem:s17], [sflag:$0x3] =	stream.indirect_vreg.gather [hbm4b:s4+s5], $0x80, v4, vm1, $0xb8;
	[tilespmem:$0x18080] =	vst v63  }
0x3f3: {  	s17 =	simm.s32 $0x17880  }
0x3f4: {  	[tilespmem:s17], [sflag:$0x3] =	stream.indirect_vreg.gather [hbm4b:s14+s5], $0x80, v4, vm1, $0xb8;
	[tilespmem:$0x18080] =	vst v63  }
.LBB2_45:
0x3f5: {  	s6 =	sld [smem:$0x7DA];
	_ =	sdelay $0x1  }
0x3f6: {  	s17 =	simm.s32 $0x10080  }
0x3f7: {  	[tilespmem:s17], [sflag:$0x3] =	stream.linear.gather [hbm4b:s6+s5], $0x8000, $0x38;
	[tilespmem:$0x18080] =	vst v63  }
.LBB2_46:
0x3f8: {  	_ =	swait.ge [sflag:s12], $0x8000  }
0x3f9: {  	s6 =	sld [smem:$0x7D9]  }
0x3fa: {  	[sflag:s12] =	ssyncset.done $0x0  }
0x3fb: {  	s17 =	simm.s32 $0x8080;
	[sflag:s12] =	ssyncadd.s32 $0xFFFF8000  }
0x3fc: {  	[hbm4b:s6+s5] =	stream.linear.scatter [tilespmem:s17], [sflag:$0x5], $0x8000, $0x38;
	[tilespmem:$0x18080] =	vst v63  }
0x3fd: {  	s17 =	sld [smem:$0x7F0];
	_ =	swait.ge [sflag:s25], $0x8000  }
0x3fe: {  	s6 =	sld [smem:$0x7F4];
	_ =	sdelay $0x1  }
0x3ff: {  	p0 =	slt.s32 s17, s30  }
0x400: {  	p1 =	sgt.s32 @!p0 s6, s3  }
0x401: {  	p0 =	por p0, p1  }
.Ltmp32:
0x402: {  	_ = 	snop;
	(pc) =	sbr.rel @p0 .LBB2_48-.Ltmp32, $3  }
0x403: {  	_ =	sdelay $0x1  }
0x404: {  	[sflag:s25] =	ssyncset.done $0x0  }
0x405: {  	[sflag:s25] =	ssyncadd.s32 $0xFFFF8000  }
0x406: {  	s3 =	sld [smem:$0x7F1];
	_ =	sdelay $0x2  }
0x407: {  	s3 =	ssub.s32 s3, s30  }
0x408: {  	v4 =	vadd.s32 s3, v0  }
0x409: {  	v5 =	vshll.u32 v4, $0x4  }
0x40a: {  	v4 =	vand.u32 $0x7, v4;
	v5 =	vand.u32 $0xFFFFFF80, v5  }
0x40b: {  	v4 =	vor.u32 v4, v5  }
0x40c: {  	v5 =	vperm.xlane v4, v1;
	_ =	sdelay $0x1  }
0x40d: {  	v5 =	vadd.s32 v2, v5;
	_ =	sdelay $0x4  }
0x40e: {  	[tilespmem:s22], [sflag:$0x1] =	stream.indirect_vreg.gather [hbm4b:s1+s5], $0x80, v5, vm1, $0xb8;
	[tilespmem:$0x18080] =	vst v63  }
0x40f: {  	_ = 	snop  }
0x410: {  	[tilespmem:s7], [sflag:$0x1] =	stream.indirect_vreg.gather [hbm4b:s31+s5], $0x80, v5, vm1, $0xb8;
	[tilespmem:$0x18080] =	vst v63  }
0x411: {  	_ = 	snop  }
0x412: {  	[tilespmem:s9], [sflag:$0x1] =	stream.indirect_vreg.gather [hbm4b:s8+s5], $0x80, v5, vm1, $0xb8;
	[tilespmem:$0x18080] =	vst v63  }
0x413: {  	_ = 	snop  }
0x414: {  	[tilespmem:s11], [sflag:$0x1] =	stream.indirect_vreg.gather [hbm4b:s19+s5], $0x80, v5, vm1, $0xb8;
	[tilespmem:$0x18080] =	vst v63  }
0x415: {  	_ = 	snop  }
0x416: {  	[tilespmem:s15], [sflag:$0x1] =	stream.indirect_vreg.gather [hbm4b:s26+s5], $0x80, v5, vm1, $0xb8;
	[tilespmem:$0x18080] =	vst v63  }
0x417: {  	v4 =	vperm.xlane v4, v3  }
0x418: {  	[tilespmem:s18], [sflag:$0x1] =	stream.indirect_vreg.gather [hbm4b:s13+s5], $0x80, v5, vm1, $0xb8;
	[tilespmem:$0x18080] =	vst v63  }
0x419: {  	v4 =	vadd.s32 v2, v4  }
0x41a: {  	[tilespmem:s23], [sflag:$0x1] =	stream.indirect_vreg.gather [hbm4b:s4+s5], $0x80, v5, vm1, $0xb8;
	[tilespmem:$0x18080] =	vst v63  }
0x41b: {  	_ = 	snop  }
0x41c: {  	[tilespmem:s2], [sflag:$0x1] =	stream.indirect_vreg.gather [hbm4b:s14+s5], $0x80, v5, vm1, $0xb8;
	[tilespmem:$0x18080] =	vst v63  }
0x41d: {  	_ = 	snop  }
0x41e: {  	[tilespmem:s21], [sflag:$0x1] =	stream.indirect_vreg.gather [hbm4b:s1+s5], $0x80, v4, vm1, $0xb8;
	[tilespmem:$0x18080] =	vst v63  }
0x41f: {  	s9 =	simm.s32 $0x4880  }
0x420: {  	[tilespmem:s9], [sflag:$0x1] =	stream.indirect_vreg.gather [hbm4b:s31+s5], $0x80, v4, vm1, $0xb8;
	[tilespmem:$0x18080] =	vst v63  }
0x421: {  	s11 =	simm.s32 $0x5080  }
0x422: {  	[tilespmem:s11], [sflag:$0x1] =	stream.indirect_vreg.gather [hbm4b:s8+s5], $0x80, v4, vm1, $0xb8;
	[tilespmem:$0x18080] =	vst v63  }
0x423: {  	s15 =	simm.s32 $0x5880  }
0x424: {  	[tilespmem:s15], [sflag:$0x1] =	stream.indirect_vreg.gather [hbm4b:s19+s5], $0x80, v4, vm1, $0xb8;
	[tilespmem:$0x18080] =	vst v63  }
0x425: {  	s17 =	simm.s32 $0x6080  }
0x426: {  	[tilespmem:s17], [sflag:$0x1] =	stream.indirect_vreg.gather [hbm4b:s26+s5], $0x80, v4, vm1, $0xb8;
	[tilespmem:$0x18080] =	vst v63  }
0x427: {  	s18 =	simm.s32 $0x6880  }
0x428: {  	[tilespmem:s18], [sflag:$0x1] =	stream.indirect_vreg.gather [hbm4b:s13+s5], $0x80, v4, vm1, $0xb8;
	[tilespmem:$0x18080] =	vst v63  }
.Ltmp33:
0x429: {  	_ = 	snop;
	(pc) =	sbr.rel .LBB2_49-.Ltmp33, $4  }
0x42a: {  	s21 =	simm.s32 $0x7080  }
0x42b: {  	[tilespmem:s21], [sflag:$0x1] =	stream.indirect_vreg.gather [hbm4b:s4+s5], $0x80, v4, vm1, $0xb8;
	[tilespmem:$0x18080] =	vst v63  }
0x42c: {  	s23 =	simm.s32 $0x7880  }
0x42d: {  	[tilespmem:s23], [sflag:$0x1] =	stream.indirect_vreg.gather [hbm4b:s14+s5], $0x80, v4, vm1, $0xb8;
	[tilespmem:$0x18080] =	vst v63  }
.LBB2_50:
0x42e: {  	_ =	sfence.sel $0x180000  }
0x42f: {  	[bflag:$0x0] =	sbarrier.arrive $0xFFFF  }
0x430: {  	_ =	strace $0x90000047  }
0x431: {  	s0 =	stileid.u32;
	[bflag:$0x2] =	sbarrier.arrive $0xFFFF  }
0x432: {  	p0 =	sne.s32 s0, $0x0;
	s0 =	rddreg [dreg:$0x4]  }
0x433: {  	s0 =	sadd.s32 @!p0 $0x100000, s0  }
0x434: {  	[sflag:s0] =	ssyncadd.tile.s32 @!p0 $0x1;
	_ =	shalt  }
.Lfunc_end2:
_tile_overlayer_lowered:
.L_overlay_start_2:
0x435: {  	(tag) =	ssettag $0x2  }
0x436: {  	s0 =	rddreg [dreg:$0x0];
	s2 =	stileid.u32  }
0x437: {  	s1 =	rddreg [dreg:$0x1];
	p0 =	sne.s32 s2, $0x0  }
0x438: {  	s3 =	rddreg [dreg:$0x2];
	[bflag:$0x3] =	sbarrier.arrive $0xFFFF;
	s2 =	simm.s32 @!p0 $0x1C07  }
0x439: {  	[timem:s3], [sflag:s2] =	dma.local @!p0 [hbm:s0], s1  }
0x43a: {  	s0 =	simm.s32 @!p0 $0x7  }
0x43b: {  	_ =	swait.ge @!p0 [sflag:s0], s1  }
0x43c: {  	s1 =	ssub.s32 @!p0 $0x0, s1;
	[sflag:s0] =	ssyncset.done @!p0 $0x0  }
0x43d: {  	[sflag:s0] =	ssyncadd.s32 @!p0 s1  }
0x43e: {  	[bflag:$0x3] =	sbarrier.arrive $0xFFFF  }
0x43f: {  	_ =	shalt  }

</sc_bundles>
